<compile_context>
chip_gen: v7x
topology: tpu7x:2x2x1
jax: 0.10.2.dev20260603
libtpu: 0.0.44.dev20260713+nightly
codegen_flags: <defaults>
</compile_context>

<pallas_src>
import functools

import jax
import jax.numpy as jnp
from jax import lax
from jax.experimental import pallas as pl
from jax.experimental.pallas import tpu as pltpu
from jax.experimental.pallas import tpu_sc as plsc

N = 10000
E = 320000
R = 8
D = 128
C = 40

NC, NS, LANES = 2, 16, 16
NW = NC * NS
EPW = E // NW
CHW = 80
EROWS = E // CHW
ROWS_W = EPW // CHW
PB = 25
NR = N * R

MB = 1000
GM = N // MB
KB = 1000



def _wmix_body(comp_ref, basisf_ref, rootf_ref, o_ref):
    o_ref[0:R, :] = jnp.dot(comp_ref[...], basisf_ref[...],
                            preferred_element_type=jnp.float32)
    o_ref[R:R + 1, :] = rootf_ref[...]


def _wmix(comp, basisf, rootf):
    return pl.pallas_call(
        _wmix_body,
        out_shape=jax.ShapeDtypeStruct((R + 1, D * D), jnp.float32),
    )(comp, basisf, rootf)


def _embed_body(x_ref, w_ref, o_ref):
    o_ref[...] = jnp.maximum(
        jnp.dot(x_ref[...], w_ref[...], preferred_element_type=jnp.float32),
        0.0)


EMB_MB = 400


def _embed_mm(x, emb_w):
    return pl.pallas_call(
        _embed_body,
        grid=(N // EMB_MB,),
        in_specs=[pl.BlockSpec((EMB_MB, N), lambda m: (m, 0)),
                  pl.BlockSpec((N, D), lambda m: (0, 0))],
        out_specs=pl.BlockSpec((EMB_MB, D), lambda m: (m, 0)),
        out_shape=jax.ShapeDtypeStruct((N, D), jnp.float32),
    )(x, emb_w)


def _layer_mm_body(h_ref, wf_ref, bias_ref, xw_ref, hr_ref):
    h = h_ref[...]
    for r in range(R):
        xw_ref[r] = jnp.dot(h, wf_ref[r], preferred_element_type=jnp.float32)
    hr_ref[...] = (jnp.dot(h, wf_ref[R], preferred_element_type=jnp.float32)
                   + bias_ref[...])


def _layer_mm(h, wf3, bias2d):
    return pl.pallas_call(
        _layer_mm_body,
        grid=(GM,),
        in_specs=[pl.BlockSpec((MB, D), lambda m: (m, 0)),
                  pl.BlockSpec((R + 1, D, D), lambda m: (0, 0, 0)),
                  pl.BlockSpec((1, D), lambda m: (0, 0))],
        out_specs=[pl.BlockSpec((R, MB, D), lambda m: (0, m, 0)),
                   pl.BlockSpec((MB, D), lambda m: (m, 0))],
        out_shape=[jax.ShapeDtypeStruct((R, N, D), jnp.float32),
                   jax.ShapeDtypeStruct((N, D), jnp.float32)],
    )(h, wf3, bias2d)


def _layer_mm2_body(agg0_ref, agg1_ref, hrp_ref, wf_ref, bias_ref,
                    xw_ref, hr_ref):
    h = jnp.maximum(agg0_ref[...] + agg1_ref[...] + hrp_ref[...], 0.0)
    for r in range(R):
        xw_ref[r] = jnp.dot(h, wf_ref[r], preferred_element_type=jnp.float32)
    hr_ref[...] = (jnp.dot(h, wf_ref[R], preferred_element_type=jnp.float32)
                   + bias_ref[...])


def _layer_mm2(agg_flat, hr_prev, wf3, bias2d):
    return pl.pallas_call(
        _layer_mm2_body,
        grid=(GM,),
        in_specs=[pl.BlockSpec((MB, D), lambda m: (m, 0)),
                  pl.BlockSpec((MB, D), lambda m: (m + GM, 0)),
                  pl.BlockSpec((MB, D), lambda m: (m, 0)),
                  pl.BlockSpec((R + 1, D, D), lambda m: (0, 0, 0)),
                  pl.BlockSpec((1, D), lambda m: (0, 0))],
        out_specs=[pl.BlockSpec((R, MB, D), lambda m: (0, m, 0)),
                   pl.BlockSpec((MB, D), lambda m: (m, 0))],
        out_shape=[jax.ShapeDtypeStruct((R, N, D), jnp.float32),
                   jax.ShapeDtypeStruct((N, D), jnp.float32)],
    )(agg_flat, agg_flat, hr_prev, wf3, bias2d)


def _decode_body(agg0_ref, agg1_ref, hrp_ref, cls_ref, o_ref):
    h = jnp.maximum(agg0_ref[...] + agg1_ref[...] + hrp_ref[...], 0.0)
    o_ref[...] = jnp.dot(h, cls_ref[...], preferred_element_type=jnp.float32)


def _decode(agg_flat, hr_prev, cls_w):
    return pl.pallas_call(
        _decode_body,
        grid=(GM,),
        in_specs=[pl.BlockSpec((MB, D), lambda m: (m, 0)),
                  pl.BlockSpec((MB, D), lambda m: (m + GM, 0)),
                  pl.BlockSpec((MB, D), lambda m: (m, 0)),
                  pl.BlockSpec((D, C), lambda m: (0, 0))],
        out_specs=pl.BlockSpec((MB, C), lambda m: (m, 0)),
        out_shape=jax.ShapeDtypeStruct((N, C), jnp.float32),
    )(agg_flat, agg_flat, hr_prev, cls_w)



@functools.cache
def _mesh():
    return plsc.VectorSubcoreMesh(core_axis_name="c", subcore_axis_name="s",
                                  num_cores=NC, num_subcores=NS)


def _norm_edges(src2, dst2, et2):

    @functools.partial(
        pl.kernel,
        out_type=[jax.ShapeDtypeStruct((EROWS, CHW), jnp.float32),
                  jax.ShapeDtypeStruct((EROWS, CHW), jnp.int32)],
        mesh=_mesh(),
        compiler_params=pltpu.CompilerParams(use_tc_tiling_on_sc=False, needs_layout_passes=False),
        scratch_types=[
            pltpu.VMEM_SHARED((NR,), jnp.float32),
            pltpu.VMEM((NR,), jnp.float32),
            pltpu.VMEM((PB, CHW), jnp.int32),
            pltpu.VMEM((PB, CHW), jnp.int32),
            pltpu.VMEM((PB, CHW), jnp.int32),
            pltpu.VMEM((PB, CHW), jnp.int32),
            pltpu.VMEM((PB, CHW), jnp.float32),
            pltpu.VMEM((PB, CHW), jnp.int32),
            pltpu.VMEM((CHW,), jnp.float32),
            pltpu.VMEM((PB * CHW,), jnp.float32),
        ],
    )
    def k(src_h, dst_h, et_h, norm_h, gidx_h,
          cnt_sh, cnt_v, dst_v, et_v, src_v, keyv_v, norm_v, gidx_v, ones_v,
          zf_v):
        sid = lax.axis_index("s")
        cid = lax.axis_index("c")

        for j in range(CHW // LANES):
            ones_v[pl.ds(j * LANES, LANES)] = jnp.ones((LANES,), jnp.float32)

        zwords = PB * CHW

        def zrow(i, _):
            zf_v[pl.ds(i * LANES, LANES)] = jnp.zeros((LANES,), jnp.float32)
            return 0
        lax.fori_loop(0, zwords // LANES, zrow, 0)
        for t in range(3):
            chunk_id = sid + NS * t

            @pl.when(chunk_id < NR // zwords)
            def _():
                pltpu.sync_copy(zf_v,
                                cnt_sh.at[pl.ds(chunk_id * zwords, zwords)])
        plsc.subcore_barrier()

        rows_all = EROWS // NS

        def count_pass(p, _):
            base = sid * rows_all + p * PB
            pltpu.sync_copy(dst_h.at[pl.ds(base, PB)], dst_v)
            pltpu.sync_copy(et_h.at[pl.ds(base, PB)], et_v)

            def kvrow(i, _2):
                for j in range(CHW // LANES):
                    dd = dst_v[i, pl.ds(j * LANES, LANES)]
                    tt = et_v[i, pl.ds(j * LANES, LANES)]
                    keyv_v[i, pl.ds(j * LANES, LANES)] = dd * R + tt
                return 0
            lax.fori_loop(0, PB, kvrow, 0)

            def scat(i, _2):
                pltpu.sync_copy(ones_v, cnt_sh.at[keyv_v.at[i]], add=True)
                return 0
            lax.fori_loop(0, PB, scat, 0)
            return 0
        lax.fori_loop(0, rows_all // PB, count_pass, 0)
        plsc.subcore_barrier()

        pltpu.sync_copy(cnt_sh, cnt_v)
        wbase = (cid * NS + sid) * ROWS_W

        for p in range(ROWS_W // PB):
            base = wbase + p * PB
            pltpu.sync_copy(dst_h.at[pl.ds(base, PB)], dst_v)
            pltpu.sync_copy(et_h.at[pl.ds(base, PB)], et_v)
            pltpu.sync_copy(src_h.at[pl.ds(base, PB)], src_v)

            def nrow(i, _2):
                for j in range(CHW // LANES):
                    dd = dst_v[i, pl.ds(j * LANES, LANES)]
                    tt = et_v[i, pl.ds(j * LANES, LANES)]
                    ss = src_v[i, pl.ds(j * LANES, LANES)]
                    cnt = plsc.load_gather(cnt_v, [dd * R + tt])
                    norm_v[i, pl.ds(j * LANES, LANES)] = (
                        1.0 / jnp.maximum(cnt, 1.0))
                    gidx_v[i, pl.ds(j * LANES, LANES)] = tt * N + ss
                return 0
            lax.fori_loop(0, PB, nrow, 0)
            pltpu.sync_copy(norm_v, norm_h.at[pl.ds(base, PB)])
            pltpu.sync_copy(gidx_v, gidx_h.at[pl.ds(base, PB)])

    return k(src2, dst2, et2)


_ZROWS = 25


def _edge_scatter(xwf, gidx2, norm2, dst2):

    @functools.partial(
        pl.kernel,
        out_type=jax.ShapeDtypeStruct((NC * N, D), jnp.float32),
        mesh=_mesh(),
        compiler_params=pltpu.CompilerParams(use_tc_tiling_on_sc=False, needs_layout_passes=False),
        scratch_types=[
            pltpu.VMEM_SHARED((N, D), jnp.float32),
            pltpu.VMEM((ROWS_W, CHW), jnp.int32),
            pltpu.VMEM((ROWS_W, CHW), jnp.float32),
            pltpu.VMEM((ROWS_W, CHW), jnp.int32),
            pltpu.VMEM((CHW, D), jnp.float32),
            pltpu.VMEM((_ZROWS, D), jnp.float32),
            pltpu.SemaphoreType.DMA,
        ],
    )
    def k(xw_h, gi_h, no_h, ds_h, out_h,
          agg_sh, gi_v, no_v, ds_v, rows_v, z_v, sem):
        sid = lax.axis_index("s")
        cid = lax.axis_index("c")
        nrows = N // NS

        def zrow(i, _):
            for j in range(D // LANES):
                z_v[i, pl.ds(j * LANES, LANES)] = jnp.zeros((LANES,),
                                                            jnp.float32)
            return 0
        lax.fori_loop(0, _ZROWS, zrow, 0)
        for t in range(nrows // _ZROWS):
            pltpu.sync_copy(
                z_v, agg_sh.at[pl.ds(sid * nrows + t * _ZROWS, _ZROWS)])
        plsc.subcore_barrier()

        w = cid * NS + sid
        pltpu.sync_copy(gi_h.at[pl.ds(w * ROWS_W, ROWS_W)], gi_v)
        pltpu.sync_copy(no_h.at[pl.ds(w * ROWS_W, ROWS_W)], no_v)
        pltpu.sync_copy(ds_h.at[pl.ds(w * ROWS_W, ROWS_W)], ds_v)

        def chunk(i, _):
            pltpu.async_copy(xw_h.at[gi_v.at[i]], rows_v, sem).wait()
            iv = jnp.full((LANES,), i, jnp.int32)

            def srow(e, _2):
                nv = plsc.load_gather(no_v, [iv, jnp.full((LANES,), e,
                                                          jnp.int32)])
                for j in range(D // LANES):
                    rows_v[e, pl.ds(j * LANES, LANES)] = (
                        rows_v[e, pl.ds(j * LANES, LANES)] * nv)
                return 0
            lax.fori_loop(0, CHW, srow, 0)
            pltpu.sync_copy(rows_v, agg_sh.at[ds_v.at[i]], add=True)
            return 0
        lax.fori_loop(0, ROWS_W, chunk, 0)
        plsc.subcore_barrier()
        pltpu.sync_copy(agg_sh.at[pl.ds(sid * nrows, nrows)],
                        out_h.at[pl.ds(cid * N + sid * nrows, nrows)])

    return k(xwf, gidx2, norm2, dst2)



def kernel(x, edge_index, edge_type, emb_w, basis1, comp1, root1, bias1,
           basis2, comp2, root2, bias2, cls_w):
    src2 = edge_index[0].reshape(EROWS, CHW)
    dst2 = edge_index[1].reshape(EROWS, CHW)
    et2 = edge_type.reshape(EROWS, CHW)

    wf1 = _wmix(comp1, basis1.reshape(R, D * D),
                root1.reshape(1, D * D)).reshape(R + 1, D, D)
    wf2 = _wmix(comp2, basis2.reshape(R, D * D),
                root2.reshape(1, D * D)).reshape(R + 1, D, D)

    norm2, gidx2 = _norm_edges(src2, dst2, et2)

    h0 = _embed_mm(x, emb_w)
    xw1, hr1 = _layer_mm(h0, wf1, bias1.reshape(1, D))
    agg1 = _edge_scatter(xw1.reshape(R * N, D), gidx2, norm2, dst2)
    xw2, hr2 = _layer_mm2(agg1, hr1, wf2, bias2.reshape(1, D))
    agg2 = _edge_scatter(xw2.reshape(R * N, D), gidx2, norm2, dst2)
    return _decode(agg2, hr2, cls_w)

# --- scband reference (transcript-rebuilt; emitter-appended) ---
"""Pipeline reference for scband-net-56212531970582 (READ-ONLY COPY).

The authoritative reference and input builder live on the scoring server;
editing this copy changes nothing except your own understanding.
"""

import jax, jax.numpy as jnp
import numpy as np

N = 10000   # num_nodes
E = 320000  # num_edges
R = 8       # num_relations (== num_bases)
IN = 128    # in_dim
H = 128     # hidden_size
EMB = 128   # embedding (output dim of conv2)
C = 40      # num_classes


def setup_inputs(seed: int = 0) -> dict:
    key = jax.random.key(seed)
    ks = jax.random.split(key, 14)
    x = jax.random.normal(ks[0], (N, N), dtype=jnp.float32)
    edge_index = jax.random.randint(ks[1], (2, E), 0, N, dtype=jnp.int32)
    edge_type = jax.random.randint(ks[2], (E,), 0, R, dtype=jnp.int32)
    # learned params
    emb_w = jax.random.normal(ks[3], (N, IN), dtype=jnp.float32)  # self.embedding, .normal_()
    basis1 = jax.random.normal(ks[4], (R, IN, H), dtype=jnp.float32) * 0.05
    comp1 = jax.random.normal(ks[5], (R, R), dtype=jnp.float32) * 0.3
    root1 = jax.random.normal(ks[6], (IN, H), dtype=jnp.float32) * 0.05
    bias1 = jnp.zeros((H,), dtype=jnp.float32)
    basis2 = jax.random.normal(ks[7], (R, H, EMB), dtype=jnp.float32) * 0.05
    comp2 = jax.random.normal(ks[8], (R, R), dtype=jnp.float32) * 0.3
    root2 = jax.random.normal(ks[9], (H, EMB), dtype=jnp.float32) * 0.05
    bias2 = jnp.zeros((EMB,), dtype=jnp.float32)
    cls_w = jax.random.normal(ks[10], (EMB, C), dtype=jnp.float32) * 0.05
    return {
        "x": x, "edge_index": edge_index, "edge_type": edge_type,
        "emb_w": emb_w,
        "basis1": basis1, "comp1": comp1, "root1": root1, "bias1": bias1,
        "basis2": basis2, "comp2": comp2, "root2": root2, "bias2": bias2,
        "cls_w": cls_w,
    }


def _rgcn_layer(h, src, dst, etype, basis, comp, root, bias):
    # basis decomposition: W_r = sum_b comp[r, b] * basis[b]
    W = jnp.einsum('rb,bio->rio', comp, basis)            # [R, in, out]
    xw = jnp.einsum('ni,rio->rno', h, W)                  # [R, N, out]
    msg = xw[etype, src]                                  # gather per edge -> [E, out]
    n = h.shape[0]
    keyv = dst * R + etype                                # (dst, relation) bucket
    cnt = jnp.bincount(keyv, length=n * R).astype(jnp.float32)
    norm = 1.0 / jnp.maximum(cnt[keyv], 1.0)              # 1/c_{i,r} normalization
    agg = jnp.zeros((n * R, W.shape[2]), dtype=jnp.float32).at[keyv].add(msg * norm[:, None])
    agg = agg.reshape(n, R, W.shape[2]).sum(axis=1)
    return agg + h @ root + bias


def reference(x, edge_index, edge_type, emb_w, basis1, comp1, root1, bias1,
              basis2, comp2, root2, bias2, cls_w):
    src = edge_index[0]
    dst = edge_index[1]
    h = jax.nn.relu(x @ emb_w)                                             # matmul(x, self.embedding)
    h = jax.nn.relu(_rgcn_layer(h, src, dst, edge_type, basis1, comp1, root1, bias1))
    h = jax.nn.relu(_rgcn_layer(h, src, dst, edge_type, basis2, comp2, root2, bias2))
    out = h @ cls_w                                                        # multiClassInnerProductDecoder
    return out

if __name__ == "__main__":
    import jax
    _d = setup_inputs()
    print(jax.jit(kernel)(*tuple(_d.values())))

</pallas_src>

<mosaic_0001>
#map = affine_map<(d0, d1) -> (0, 0)>
module attributes {stable_mosaic.version = 14 : i64} {
  func.func @k(%arg0: i32, %arg1: i32, %arg2: memref<80000x128xf32, #tpu.memory_space<hbm>>, %arg3: memref<4000x80xi32, #tpu.memory_space<hbm>>, %arg4: memref<4000x80xf32, #tpu.memory_space<hbm>>, %arg5: memref<4000x80xi32, #tpu.memory_space<hbm>>, %arg6: memref<20000x128xf32, #tpu.memory_space<hbm>>, %arg7: memref<10000x128xf32, #tpu.memory_space<vmem_shared>>, %arg8: memref<125x80xi32, #tpu.memory_space<vmem>>, %arg9: memref<125x80xf32, #tpu.memory_space<vmem>>, %arg10: memref<125x80xi32, #tpu.memory_space<vmem>>, %arg11: memref<80x128xf32, #tpu.memory_space<vmem>>, %arg12: memref<25x128xf32, #tpu.memory_space<vmem>>, %arg13: memref<!tpu.dma_semaphore, #tpu.memory_space<semaphore_mem>>) attributes {dimension_semantics = [#tpu.dimension_semantics<core_parallel>, #tpu.dimension_semantics<subcore_parallel>], iteration_bounds = array<i64: 2, 16>, scalar_prefetch = 0 : i64, scratch_operands = 7 : i64, tpu.core_type = #tpu.core_type<sc_vector_subcore>, window_params = [{transform_indices = #map}, {transform_indices = #map}, {transform_indices = #map}, {transform_indices = #map}, {transform_indices = #map}]} {
    %scan3A = arith.constant 0 : i32
    %scan3A_0 = arith.constant 0 : i32
    %scan3A_1 = arith.constant 25 : i32
    %scan3A_2 = arith.addi %scan3A_0, %scan3A_1 : i32
    %scan3A_3 = arith.constant 1 : i32
    %scan3A_4 = scf.for %scan3A_128 = %scan3A_0 to %scan3A_2 step %scan3A_3 iter_args(%scan3A_129 = %scan3A) -> (i32)  : i32 {
      %broadcast_in_dim3A = arith.constant 0.000000e+00 : f32
      %broadcast_in_dim3A_130 = vector.broadcast %broadcast_in_dim3A : f32 to vector<16xf32>
      %swap3A = arith.index_cast %scan3A_128 : i32 to index
      %swap3A_131 = arith.constant 0 : index
      %swap3A_132 = tpu.vector_load %arg12[%swap3A, %swap3A_131] {strides = array<i32>} : memref<25x128xf32, #tpu.memory_space<vmem>>, vector<16xf32>,
      tpu.vector_store %arg12[%swap3A, %swap3A_131], %broadcast_in_dim3A_130 {strides = array<i32>} : memref<25x128xf32, #tpu.memory_space<vmem>>, vector<16xf32>,
      %broadcast_in_dim3A_133 = arith.constant 0.000000e+00 : f32
      %broadcast_in_dim3A_134 = vector.broadcast %broadcast_in_dim3A_133 : f32 to vector<16xf32>
      %swap3A_135 = arith.index_cast %scan3A_128 : i32 to index
      %swap3A_136 = arith.constant 16 : index
      %swap3A_137 = tpu.vector_load %arg12[%swap3A_135, %swap3A_136] {strides = array<i32>} : memref<25x128xf32, #tpu.memory_space<vmem>>, vector<16xf32>,
      tpu.vector_store %arg12[%swap3A_135, %swap3A_136], %broadcast_in_dim3A_134 {strides = array<i32>} : memref<25x128xf32, #tpu.memory_space<vmem>>, vector<16xf32>,
      %broadcast_in_dim3A_138 = arith.constant 0.000000e+00 : f32
      %broadcast_in_dim3A_139 = vector.broadcast %broadcast_in_dim3A_138 : f32 to vector<16xf32>
      %swap3A_140 = arith.index_cast %scan3A_128 : i32 to index
      %swap3A_141 = arith.constant 32 : index
      %swap3A_142 = tpu.vector_load %arg12[%swap3A_140, %swap3A_141] {strides = array<i32>} : memref<25x128xf32, #tpu.memory_space<vmem>>, vector<16xf32>,
      tpu.vector_store %arg12[%swap3A_140, %swap3A_141], %broadcast_in_dim3A_139 {strides = array<i32>} : memref<25x128xf32, #tpu.memory_space<vmem>>, vector<16xf32>,
      %broadcast_in_dim3A_143 = arith.constant 0.000000e+00 : f32
      %broadcast_in_dim3A_144 = vector.broadcast %broadcast_in_dim3A_143 : f32 to vector<16xf32>
      %swap3A_145 = arith.index_cast %scan3A_128 : i32 to index
      %swap3A_146 = arith.constant 48 : index
      %swap3A_147 = tpu.vector_load %arg12[%swap3A_145, %swap3A_146] {strides = array<i32>} : memref<25x128xf32, #tpu.memory_space<vmem>>, vector<16xf32>,
      tpu.vector_store %arg12[%swap3A_145, %swap3A_146], %broadcast_in_dim3A_144 {strides = array<i32>} : memref<25x128xf32, #tpu.memory_space<vmem>>, vector<16xf32>,
      %broadcast_in_dim3A_148 = arith.constant 0.000000e+00 : f32
      %broadcast_in_dim3A_149 = vector.broadcast %broadcast_in_dim3A_148 : f32 to vector<16xf32>
      %swap3A_150 = arith.index_cast %scan3A_128 : i32 to index
      %swap3A_151 = arith.constant 64 : index
      %swap3A_152 = tpu.vector_load %arg12[%swap3A_150, %swap3A_151] {strides = array<i32>} : memref<25x128xf32, #tpu.memory_space<vmem>>, vector<16xf32>,
      tpu.vector_store %arg12[%swap3A_150, %swap3A_151], %broadcast_in_dim3A_149 {strides = array<i32>} : memref<25x128xf32, #tpu.memory_space<vmem>>, vector<16xf32>,
      %broadcast_in_dim3A_153 = arith.constant 0.000000e+00 : f32
      %broadcast_in_dim3A_154 = vector.broadcast %broadcast_in_dim3A_153 : f32 to vector<16xf32>
      %swap3A_155 = arith.index_cast %scan3A_128 : i32 to index
      %swap3A_156 = arith.constant 80 : index
      %swap3A_157 = tpu.vector_load %arg12[%swap3A_155, %swap3A_156] {strides = array<i32>} : memref<25x128xf32, #tpu.memory_space<vmem>>, vector<16xf32>,
      tpu.vector_store %arg12[%swap3A_155, %swap3A_156], %broadcast_in_dim3A_154 {strides = array<i32>} : memref<25x128xf32, #tpu.memory_space<vmem>>, vector<16xf32>,
      %broadcast_in_dim3A_158 = arith.constant 0.000000e+00 : f32
      %broadcast_in_dim3A_159 = vector.broadcast %broadcast_in_dim3A_158 : f32 to vector<16xf32>
      %swap3A_160 = arith.index_cast %scan3A_128 : i32 to index
      %swap3A_161 = arith.constant 96 : index
      %swap3A_162 = tpu.vector_load %arg12[%swap3A_160, %swap3A_161] {strides = array<i32>} : memref<25x128xf32, #tpu.memory_space<vmem>>, vector<16xf32>,
      tpu.vector_store %arg12[%swap3A_160, %swap3A_161], %broadcast_in_dim3A_159 {strides = array<i32>} : memref<25x128xf32, #tpu.memory_space<vmem>>, vector<16xf32>,
      %broadcast_in_dim3A_163 = arith.constant 0.000000e+00 : f32
      %broadcast_in_dim3A_164 = vector.broadcast %broadcast_in_dim3A_163 : f32 to vector<16xf32>
      %swap3A_165 = arith.index_cast %scan3A_128 : i32 to index
      %swap3A_166 = arith.constant 112 : index
      %swap3A_167 = tpu.vector_load %arg12[%swap3A_165, %swap3A_166] {strides = array<i32>} : memref<25x128xf32, #tpu.memory_space<vmem>>, vector<16xf32>,
      tpu.vector_store %arg12[%swap3A_165, %swap3A_166], %broadcast_in_dim3A_164 {strides = array<i32>} : memref<25x128xf32, #tpu.memory_space<vmem>>, vector<16xf32>,
      %scan3A_168 = arith.constant 0 : i32
      scf.yield %scan3A_168 : i32
    }
    %scan3A_5 = arith.constant 25 : i32
    %mul3A = arith.constant 625 : i32
    %mul3A_6 = arith.muli %arg1, %mul3A : i32
    %add3A = arith.constant 0 : i32
    %add3A_7 = arith.addi %mul3A_6, %add3A : i32
    "tpu.region"() ({
      %run_scoped3A = tpu.sem_alloc : memref<!tpu.dma_semaphore, #tpu.memory_space<semaphore_mem>>
      %dma_start3A = arith.constant 0 : i32
      %dma_start3A_128 = tpu.memref_slice %arg7[%add3A_7, %dma_start3A] : memref<10000x128xf32, #tpu.memory_space<vmem_shared>> -> memref<25x128xf32, #tpu.memory_space<vmem_shared>>
      %dma_start3A_129 = arith.constant 0 : i32
      %dma_start3A_130 = tpu.memref_slice %arg7[%add3A_7, %dma_start3A_129] : memref<10000x128xf32, #tpu.memory_space<vmem_shared>> -> memref<25x128xf32, #tpu.memory_space<vmem_shared>>
      tpu.enqueue_dma source(%arg12 : memref<25x128xf32, #tpu.memory_space<vmem>>) target(%dma_start3A_130 : memref<25x128xf32, #tpu.memory_space<vmem_shared>>) target_semaphore(%run_scoped3A : memref<!tpu.dma_semaphore, #tpu.memory_space<semaphore_mem>>)
      %dma_wait3A = arith.constant 0 : i32
      %dma_wait3A_131 = tpu.memref_slice %arg7[%add3A_7, %dma_wait3A] : memref<10000x128xf32, #tpu.memory_space<vmem_shared>> -> memref<25x128xf32, #tpu.memory_space<vmem_shared>>
      %dma_wait3A_132 = arith.constant 0 : i32
      %dma_wait3A_133 = tpu.memref_slice %arg7[%add3A_7, %dma_wait3A_132] : memref<10000x128xf32, #tpu.memory_space<vmem_shared>> -> memref<25x128xf32, #tpu.memory_space<vmem_shared>>
      tpu.wait_dma2 semaphore(%run_scoped3A : memref<!tpu.dma_semaphore, #tpu.memory_space<semaphore_mem>>) src(%arg12 : memref<25x128xf32, #tpu.memory_space<vmem>>) dst(%dma_wait3A_133 : memref<25x128xf32, #tpu.memory_space<vmem_shared>>)
      tpu.yield
    }) : () -> ()
    %mul3A_8 = arith.constant 625 : i32
    %mul3A_9 = arith.muli %arg1, %mul3A_8 : i32
    %add3A_10 = arith.constant 25 : i32
    %add3A_11 = arith.addi %mul3A_9, %add3A_10 : i32
    "tpu.region"() ({
      %run_scoped3A = tpu.sem_alloc : memref<!tpu.dma_semaphore, #tpu.memory_space<semaphore_mem>>
      %dma_start3A = arith.constant 0 : i32
      %dma_start3A_128 = tpu.memref_slice %arg7[%add3A_11, %dma_start3A] : memref<10000x128xf32, #tpu.memory_space<vmem_shared>> -> memref<25x128xf32, #tpu.memory_space<vmem_shared>>
      %dma_start3A_129 = arith.constant 0 : i32
      %dma_start3A_130 = tpu.memref_slice %arg7[%add3A_11, %dma_start3A_129] : memref<10000x128xf32, #tpu.memory_space<vmem_shared>> -> memref<25x128xf32, #tpu.memory_space<vmem_shared>>
      tpu.enqueue_dma source(%arg12 : memref<25x128xf32, #tpu.memory_space<vmem>>) target(%dma_start3A_130 : memref<25x128xf32, #tpu.memory_space<vmem_shared>>) target_semaphore(%run_scoped3A : memref<!tpu.dma_semaphore, #tpu.memory_space<semaphore_mem>>)
      %dma_wait3A = arith.constant 0 : i32
      %dma_wait3A_131 = tpu.memref_slice %arg7[%add3A_11, %dma_wait3A] : memref<10000x128xf32, #tpu.memory_space<vmem_shared>> -> memref<25x128xf32, #tpu.memory_space<vmem_shared>>
      %dma_wait3A_132 = arith.constant 0 : i32
      %dma_wait3A_133 = tpu.memref_slice %arg7[%add3A_11, %dma_wait3A_132] : memref<10000x128xf32, #tpu.memory_space<vmem_shared>> -> memref<25x128xf32, #tpu.memory_space<vmem_shared>>
      tpu.wait_dma2 semaphore(%run_scoped3A : memref<!tpu.dma_semaphore, #tpu.memory_space<semaphore_mem>>) src(%arg12 : memref<25x128xf32, #tpu.memory_space<vmem>>) dst(%dma_wait3A_133 : memref<25x128xf32, #tpu.memory_space<vmem_shared>>)
      tpu.yield
    }) : () -> ()
    %mul3A_12 = arith.constant 625 : i32
    %mul3A_13 = arith.muli %arg1, %mul3A_12 : i32
    %add3A_14 = arith.constant 50 : i32
    %add3A_15 = arith.addi %mul3A_13, %add3A_14 : i32
    "tpu.region"() ({
      %run_scoped3A = tpu.sem_alloc : memref<!tpu.dma_semaphore, #tpu.memory_space<semaphore_mem>>
      %dma_start3A = arith.constant 0 : i32
      %dma_start3A_128 = tpu.memref_slice %arg7[%add3A_15, %dma_start3A] : memref<10000x128xf32, #tpu.memory_space<vmem_shared>> -> memref<25x128xf32, #tpu.memory_space<vmem_shared>>
      %dma_start3A_129 = arith.constant 0 : i32
      %dma_start3A_130 = tpu.memref_slice %arg7[%add3A_15, %dma_start3A_129] : memref<10000x128xf32, #tpu.memory_space<vmem_shared>> -> memref<25x128xf32, #tpu.memory_space<vmem_shared>>
      tpu.enqueue_dma source(%arg12 : memref<25x128xf32, #tpu.memory_space<vmem>>) target(%dma_start3A_130 : memref<25x128xf32, #tpu.memory_space<vmem_shared>>) target_semaphore(%run_scoped3A : memref<!tpu.dma_semaphore, #tpu.memory_space<semaphore_mem>>)
      %dma_wait3A = arith.constant 0 : i32
      %dma_wait3A_131 = tpu.memref_slice %arg7[%add3A_15, %dma_wait3A] : memref<10000x128xf32, #tpu.memory_space<vmem_shared>> -> memref<25x128xf32, #tpu.memory_space<vmem_shared>>
      %dma_wait3A_132 = arith.constant 0 : i32
      %dma_wait3A_133 = tpu.memref_slice %arg7[%add3A_15, %dma_wait3A_132] : memref<10000x128xf32, #tpu.memory_space<vmem_shared>> -> memref<25x128xf32, #tpu.memory_space<vmem_shared>>
      tpu.wait_dma2 semaphore(%run_scoped3A : memref<!tpu.dma_semaphore, #tpu.memory_space<semaphore_mem>>) src(%arg12 : memref<25x128xf32, #tpu.memory_space<vmem>>) dst(%dma_wait3A_133 : memref<25x128xf32, #tpu.memory_space<vmem_shared>>)
      tpu.yield
    }) : () -> ()
    %mul3A_16 = arith.constant 625 : i32
    %mul3A_17 = arith.muli %arg1, %mul3A_16 : i32
    %add3A_18 = arith.constant 75 : i32
    %add3A_19 = arith.addi %mul3A_17, %add3A_18 : i32
    "tpu.region"() ({
      %run_scoped3A = tpu.sem_alloc : memref<!tpu.dma_semaphore, #tpu.memory_space<semaphore_mem>>
      %dma_start3A = arith.constant 0 : i32
      %dma_start3A_128 = tpu.memref_slice %arg7[%add3A_19, %dma_start3A] : memref<10000x128xf32, #tpu.memory_space<vmem_shared>> -> memref<25x128xf32, #tpu.memory_space<vmem_shared>>
      %dma_start3A_129 = arith.constant 0 : i32
      %dma_start3A_130 = tpu.memref_slice %arg7[%add3A_19, %dma_start3A_129] : memref<10000x128xf32, #tpu.memory_space<vmem_shared>> -> memref<25x128xf32, #tpu.memory_space<vmem_shared>>
      tpu.enqueue_dma source(%arg12 : memref<25x128xf32, #tpu.memory_space<vmem>>) target(%dma_start3A_130 : memref<25x128xf32, #tpu.memory_space<vmem_shared>>) target_semaphore(%run_scoped3A : memref<!tpu.dma_semaphore, #tpu.memory_space<semaphore_mem>>)
      %dma_wait3A = arith.constant 0 : i32
      %dma_wait3A_131 = tpu.memref_slice %arg7[%add3A_19, %dma_wait3A] : memref<10000x128xf32, #tpu.memory_space<vmem_shared>> -> memref<25x128xf32, #tpu.memory_space<vmem_shared>>
      %dma_wait3A_132 = arith.constant 0 : i32
      %dma_wait3A_133 = tpu.memref_slice %arg7[%add3A_19, %dma_wait3A_132] : memref<10000x128xf32, #tpu.memory_space<vmem_shared>> -> memref<25x128xf32, #tpu.memory_space<vmem_shared>>
      tpu.wait_dma2 semaphore(%run_scoped3A : memref<!tpu.dma_semaphore, #tpu.memory_space<semaphore_mem>>) src(%arg12 : memref<25x128xf32, #tpu.memory_space<vmem>>) dst(%dma_wait3A_133 : memref<25x128xf32, #tpu.memory_space<vmem_shared>>)
      tpu.yield
    }) : () -> ()
    %mul3A_20 = arith.constant 625 : i32
    %mul3A_21 = arith.muli %arg1, %mul3A_20 : i32
    %add3A_22 = arith.constant 100 : i32
    %add3A_23 = arith.addi %mul3A_21, %add3A_22 : i32
    "tpu.region"() ({
      %run_scoped3A = tpu.sem_alloc : memref<!tpu.dma_semaphore, #tpu.memory_space<semaphore_mem>>
      %dma_start3A = arith.constant 0 : i32
      %dma_start3A_128 = tpu.memref_slice %arg7[%add3A_23, %dma_start3A] : memref<10000x128xf32, #tpu.memory_space<vmem_shared>> -> memref<25x128xf32, #tpu.memory_space<vmem_shared>>
      %dma_start3A_129 = arith.constant 0 : i32
      %dma_start3A_130 = tpu.memref_slice %arg7[%add3A_23, %dma_start3A_129] : memref<10000x128xf32, #tpu.memory_space<vmem_shared>> -> memref<25x128xf32, #tpu.memory_space<vmem_shared>>
      tpu.enqueue_dma source(%arg12 : memref<25x128xf32, #tpu.memory_space<vmem>>) target(%dma_start3A_130 : memref<25x128xf32, #tpu.memory_space<vmem_shared>>) target_semaphore(%run_scoped3A : memref<!tpu.dma_semaphore, #tpu.memory_space<semaphore_mem>>)
      %dma_wait3A = arith.constant 0 : i32
      %dma_wait3A_131 = tpu.memref_slice %arg7[%add3A_23, %dma_wait3A] : memref<10000x128xf32, #tpu.memory_space<vmem_shared>> -> memref<25x128xf32, #tpu.memory_space<vmem_shared>>
      %dma_wait3A_132 = arith.constant 0 : i32
      %dma_wait3A_133 = tpu.memref_slice %arg7[%add3A_23, %dma_wait3A_132] : memref<10000x128xf32, #tpu.memory_space<vmem_shared>> -> memref<25x128xf32, #tpu.memory_space<vmem_shared>>
      tpu.wait_dma2 semaphore(%run_scoped3A : memref<!tpu.dma_semaphore, #tpu.memory_space<semaphore_mem>>) src(%arg12 : memref<25x128xf32, #tpu.memory_space<vmem>>) dst(%dma_wait3A_133 : memref<25x128xf32, #tpu.memory_space<vmem_shared>>)
      tpu.yield
    }) : () -> ()
    %mul3A_24 = arith.constant 625 : i32
    %mul3A_25 = arith.muli %arg1, %mul3A_24 : i32
    %add3A_26 = arith.constant 125 : i32
    %add3A_27 = arith.addi %mul3A_25, %add3A_26 : i32
    "tpu.region"() ({
      %run_scoped3A = tpu.sem_alloc : memref<!tpu.dma_semaphore, #tpu.memory_space<semaphore_mem>>
      %dma_start3A = arith.constant 0 : i32
      %dma_start3A_128 = tpu.memref_slice %arg7[%add3A_27, %dma_start3A] : memref<10000x128xf32, #tpu.memory_space<vmem_shared>> -> memref<25x128xf32, #tpu.memory_space<vmem_shared>>
      %dma_start3A_129 = arith.constant 0 : i32
      %dma_start3A_130 = tpu.memref_slice %arg7[%add3A_27, %dma_start3A_129] : memref<10000x128xf32, #tpu.memory_space<vmem_shared>> -> memref<25x128xf32, #tpu.memory_space<vmem_shared>>
      tpu.enqueue_dma source(%arg12 : memref<25x128xf32, #tpu.memory_space<vmem>>) target(%dma_start3A_130 : memref<25x128xf32, #tpu.memory_space<vmem_shared>>) target_semaphore(%run_scoped3A : memref<!tpu.dma_semaphore, #tpu.memory_space<semaphore_mem>>)
      %dma_wait3A = arith.constant 0 : i32
      %dma_wait3A_131 = tpu.memref_slice %arg7[%add3A_27, %dma_wait3A] : memref<10000x128xf32, #tpu.memory_space<vmem_shared>> -> memref<25x128xf32, #tpu.memory_space<vmem_shared>>
      %dma_wait3A_132 = arith.constant 0 : i32
      %dma_wait3A_133 = tpu.memref_slice %arg7[%add3A_27, %dma_wait3A_132] : memref<10000x128xf32, #tpu.memory_space<vmem_shared>> -> memref<25x128xf32, #tpu.memory_space<vmem_shared>>
      tpu.wait_dma2 semaphore(%run_scoped3A : memref<!tpu.dma_semaphore, #tpu.memory_space<semaphore_mem>>) src(%arg12 : memref<25x128xf32, #tpu.memory_space<vmem>>) dst(%dma_wait3A_133 : memref<25x128xf32, #tpu.memory_space<vmem_shared>>)
      tpu.yield
    }) : () -> ()
    %mul3A_28 = arith.constant 625 : i32
    %mul3A_29 = arith.muli %arg1, %mul3A_28 : i32
    %add3A_30 = arith.constant 150 : i32
    %add3A_31 = arith.addi %mul3A_29, %add3A_30 : i32
    "tpu.region"() ({
      %run_scoped3A = tpu.sem_alloc : memref<!tpu.dma_semaphore, #tpu.memory_space<semaphore_mem>>
      %dma_start3A = arith.constant 0 : i32
      %dma_start3A_128 = tpu.memref_slice %arg7[%add3A_31, %dma_start3A] : memref<10000x128xf32, #tpu.memory_space<vmem_shared>> -> memref<25x128xf32, #tpu.memory_space<vmem_shared>>
      %dma_start3A_129 = arith.constant 0 : i32
      %dma_start3A_130 = tpu.memref_slice %arg7[%add3A_31, %dma_start3A_129] : memref<10000x128xf32, #tpu.memory_space<vmem_shared>> -> memref<25x128xf32, #tpu.memory_space<vmem_shared>>
      tpu.enqueue_dma source(%arg12 : memref<25x128xf32, #tpu.memory_space<vmem>>) target(%dma_start3A_130 : memref<25x128xf32, #tpu.memory_space<vmem_shared>>) target_semaphore(%run_scoped3A : memref<!tpu.dma_semaphore, #tpu.memory_space<semaphore_mem>>)
      %dma_wait3A = arith.constant 0 : i32
      %dma_wait3A_131 = tpu.memref_slice %arg7[%add3A_31, %dma_wait3A] : memref<10000x128xf32, #tpu.memory_space<vmem_shared>> -> memref<25x128xf32, #tpu.memory_space<vmem_shared>>
      %dma_wait3A_132 = arith.constant 0 : i32
      %dma_wait3A_133 = tpu.memref_slice %arg7[%add3A_31, %dma_wait3A_132] : memref<10000x128xf32, #tpu.memory_space<vmem_shared>> -> memref<25x128xf32, #tpu.memory_space<vmem_shared>>
      tpu.wait_dma2 semaphore(%run_scoped3A : memref<!tpu.dma_semaphore, #tpu.memory_space<semaphore_mem>>) src(%arg12 : memref<25x128xf32, #tpu.memory_space<vmem>>) dst(%dma_wait3A_133 : memref<25x128xf32, #tpu.memory_space<vmem_shared>>)
      tpu.yield
    }) : () -> ()
    %mul3A_32 = arith.constant 625 : i32
    %mul3A_33 = arith.muli %arg1, %mul3A_32 : i32
    %add3A_34 = arith.constant 175 : i32
    %add3A_35 = arith.addi %mul3A_33, %add3A_34 : i32
    "tpu.region"() ({
      %run_scoped3A = tpu.sem_alloc : memref<!tpu.dma_semaphore, #tpu.memory_space<semaphore_mem>>
      %dma_start3A = arith.constant 0 : i32
      %dma_start3A_128 = tpu.memref_slice %arg7[%add3A_35, %dma_start3A] : memref<10000x128xf32, #tpu.memory_space<vmem_shared>> -> memref<25x128xf32, #tpu.memory_space<vmem_shared>>
      %dma_start3A_129 = arith.constant 0 : i32
      %dma_start3A_130 = tpu.memref_slice %arg7[%add3A_35, %dma_start3A_129] : memref<10000x128xf32, #tpu.memory_space<vmem_shared>> -> memref<25x128xf32, #tpu.memory_space<vmem_shared>>
      tpu.enqueue_dma source(%arg12 : memref<25x128xf32, #tpu.memory_space<vmem>>) target(%dma_start3A_130 : memref<25x128xf32, #tpu.memory_space<vmem_shared>>) target_semaphore(%run_scoped3A : memref<!tpu.dma_semaphore, #tpu.memory_space<semaphore_mem>>)
      %dma_wait3A = arith.constant 0 : i32
      %dma_wait3A_131 = tpu.memref_slice %arg7[%add3A_35, %dma_wait3A] : memref<10000x128xf32, #tpu.memory_space<vmem_shared>> -> memref<25x128xf32, #tpu.memory_space<vmem_shared>>
      %dma_wait3A_132 = arith.constant 0 : i32
      %dma_wait3A_133 = tpu.memref_slice %arg7[%add3A_35, %dma_wait3A_132] : memref<10000x128xf32, #tpu.memory_space<vmem_shared>> -> memref<25x128xf32, #tpu.memory_space<vmem_shared>>
      tpu.wait_dma2 semaphore(%run_scoped3A : memref<!tpu.dma_semaphore, #tpu.memory_space<semaphore_mem>>) src(%arg12 : memref<25x128xf32, #tpu.memory_space<vmem>>) dst(%dma_wait3A_133 : memref<25x128xf32, #tpu.memory_space<vmem_shared>>)
      tpu.yield
    }) : () -> ()
    %mul3A_36 = arith.constant 625 : i32
    %mul3A_37 = arith.muli %arg1, %mul3A_36 : i32
    %add3A_38 = arith.constant 200 : i32
    %add3A_39 = arith.addi %mul3A_37, %add3A_38 : i32
    "tpu.region"() ({
      %run_scoped3A = tpu.sem_alloc : memref<!tpu.dma_semaphore, #tpu.memory_space<semaphore_mem>>
      %dma_start3A = arith.constant 0 : i32
      %dma_start3A_128 = tpu.memref_slice %arg7[%add3A_39, %dma_start3A] : memref<10000x128xf32, #tpu.memory_space<vmem_shared>> -> memref<25x128xf32, #tpu.memory_space<vmem_shared>>
      %dma_start3A_129 = arith.constant 0 : i32
      %dma_start3A_130 = tpu.memref_slice %arg7[%add3A_39, %dma_start3A_129] : memref<10000x128xf32, #tpu.memory_space<vmem_shared>> -> memref<25x128xf32, #tpu.memory_space<vmem_shared>>
      tpu.enqueue_dma source(%arg12 : memref<25x128xf32, #tpu.memory_space<vmem>>) target(%dma_start3A_130 : memref<25x128xf32, #tpu.memory_space<vmem_shared>>) target_semaphore(%run_scoped3A : memref<!tpu.dma_semaphore, #tpu.memory_space<semaphore_mem>>)
      %dma_wait3A = arith.constant 0 : i32
      %dma_wait3A_131 = tpu.memref_slice %arg7[%add3A_39, %dma_wait3A] : memref<10000x128xf32, #tpu.memory_space<vmem_shared>> -> memref<25x128xf32, #tpu.memory_space<vmem_shared>>
      %dma_wait3A_132 = arith.constant 0 : i32
      %dma_wait3A_133 = tpu.memref_slice %arg7[%add3A_39, %dma_wait3A_132] : memref<10000x128xf32, #tpu.memory_space<vmem_shared>> -> memref<25x128xf32, #tpu.memory_space<vmem_shared>>
      tpu.wait_dma2 semaphore(%run_scoped3A : memref<!tpu.dma_semaphore, #tpu.memory_space<semaphore_mem>>) src(%arg12 : memref<25x128xf32, #tpu.memory_space<vmem>>) dst(%dma_wait3A_133 : memref<25x128xf32, #tpu.memory_space<vmem_shared>>)
      tpu.yield
    }) : () -> ()
    %mul3A_40 = arith.constant 625 : i32
    %mul3A_41 = arith.muli %arg1, %mul3A_40 : i32
    %add3A_42 = arith.constant 225 : i32
    %add3A_43 = arith.addi %mul3A_41, %add3A_42 : i32
    "tpu.region"() ({
      %run_scoped3A = tpu.sem_alloc : memref<!tpu.dma_semaphore, #tpu.memory_space<semaphore_mem>>
      %dma_start3A = arith.constant 0 : i32
      %dma_start3A_128 = tpu.memref_slice %arg7[%add3A_43, %dma_start3A] : memref<10000x128xf32, #tpu.memory_space<vmem_shared>> -> memref<25x128xf32, #tpu.memory_space<vmem_shared>>
      %dma_start3A_129 = arith.constant 0 : i32
      %dma_start3A_130 = tpu.memref_slice %arg7[%add3A_43, %dma_start3A_129] : memref<10000x128xf32, #tpu.memory_space<vmem_shared>> -> memref<25x128xf32, #tpu.memory_space<vmem_shared>>
      tpu.enqueue_dma source(%arg12 : memref<25x128xf32, #tpu.memory_space<vmem>>) target(%dma_start3A_130 : memref<25x128xf32, #tpu.memory_space<vmem_shared>>) target_semaphore(%run_scoped3A : memref<!tpu.dma_semaphore, #tpu.memory_space<semaphore_mem>>)
      %dma_wait3A = arith.constant 0 : i32
      %dma_wait3A_131 = tpu.memref_slice %arg7[%add3A_43, %dma_wait3A] : memref<10000x128xf32, #tpu.memory_space<vmem_shared>> -> memref<25x128xf32, #tpu.memory_space<vmem_shared>>
      %dma_wait3A_132 = arith.constant 0 : i32
      %dma_wait3A_133 = tpu.memref_slice %arg7[%add3A_43, %dma_wait3A_132] : memref<10000x128xf32, #tpu.memory_space<vmem_shared>> -> memref<25x128xf32, #tpu.memory_space<vmem_shared>>
      tpu.wait_dma2 semaphore(%run_scoped3A : memref<!tpu.dma_semaphore, #tpu.memory_space<semaphore_mem>>) src(%arg12 : memref<25x128xf32, #tpu.memory_space<vmem>>) dst(%dma_wait3A_133 : memref<25x128xf32, #tpu.memory_space<vmem_shared>>)
      tpu.yield
    }) : () -> ()
    %mul3A_44 = arith.constant 625 : i32
    %mul3A_45 = arith.muli %arg1, %mul3A_44 : i32
    %add3A_46 = arith.constant 250 : i32
    %add3A_47 = arith.addi %mul3A_45, %add3A_46 : i32
    "tpu.region"() ({
      %run_scoped3A = tpu.sem_alloc : memref<!tpu.dma_semaphore, #tpu.memory_space<semaphore_mem>>
      %dma_start3A = arith.constant 0 : i32
      %dma_start3A_128 = tpu.memref_slice %arg7[%add3A_47, %dma_start3A] : memref<10000x128xf32, #tpu.memory_space<vmem_shared>> -> memref<25x128xf32, #tpu.memory_space<vmem_shared>>
      %dma_start3A_129 = arith.constant 0 : i32
      %dma_start3A_130 = tpu.memref_slice %arg7[%add3A_47, %dma_start3A_129] : memref<10000x128xf32, #tpu.memory_space<vmem_shared>> -> memref<25x128xf32, #tpu.memory_space<vmem_shared>>
      tpu.enqueue_dma source(%arg12 : memref<25x128xf32, #tpu.memory_space<vmem>>) target(%dma_start3A_130 : memref<25x128xf32, #tpu.memory_space<vmem_shared>>) target_semaphore(%run_scoped3A : memref<!tpu.dma_semaphore, #tpu.memory_space<semaphore_mem>>)
      %dma_wait3A = arith.constant 0 : i32
      %dma_wait3A_131 = tpu.memref_slice %arg7[%add3A_47, %dma_wait3A] : memref<10000x128xf32, #tpu.memory_space<vmem_shared>> -> memref<25x128xf32, #tpu.memory_space<vmem_shared>>
      %dma_wait3A_132 = arith.constant 0 : i32
      %dma_wait3A_133 = tpu.memref_slice %arg7[%add3A_47, %dma_wait3A_132] : memref<10000x128xf32, #tpu.memory_space<vmem_shared>> -> memref<25x128xf32, #tpu.memory_space<vmem_shared>>
      tpu.wait_dma2 semaphore(%run_scoped3A : memref<!tpu.dma_semaphore, #tpu.memory_space<semaphore_mem>>) src(%arg12 : memref<25x128xf32, #tpu.memory_space<vmem>>) dst(%dma_wait3A_133 : memref<25x128xf32, #tpu.memory_space<vmem_shared>>)
      tpu.yield
    }) : () -> ()
    %mul3A_48 = arith.constant 625 : i32
    %mul3A_49 = arith.muli %arg1, %mul3A_48 : i32
    %add3A_50 = arith.constant 275 : i32
    %add3A_51 = arith.addi %mul3A_49, %add3A_50 : i32
    "tpu.region"() ({
      %run_scoped3A = tpu.sem_alloc : memref<!tpu.dma_semaphore, #tpu.memory_space<semaphore_mem>>
      %dma_start3A = arith.constant 0 : i32
      %dma_start3A_128 = tpu.memref_slice %arg7[%add3A_51, %dma_start3A] : memref<10000x128xf32, #tpu.memory_space<vmem_shared>> -> memref<25x128xf32, #tpu.memory_space<vmem_shared>>
      %dma_start3A_129 = arith.constant 0 : i32
      %dma_start3A_130 = tpu.memref_slice %arg7[%add3A_51, %dma_start3A_129] : memref<10000x128xf32, #tpu.memory_space<vmem_shared>> -> memref<25x128xf32, #tpu.memory_space<vmem_shared>>
      tpu.enqueue_dma source(%arg12 : memref<25x128xf32, #tpu.memory_space<vmem>>) target(%dma_start3A_130 : memref<25x128xf32, #tpu.memory_space<vmem_shared>>) target_semaphore(%run_scoped3A : memref<!tpu.dma_semaphore, #tpu.memory_space<semaphore_mem>>)
      %dma_wait3A = arith.constant 0 : i32
      %dma_wait3A_131 = tpu.memref_slice %arg7[%add3A_51, %dma_wait3A] : memref<10000x128xf32, #tpu.memory_space<vmem_shared>> -> memref<25x128xf32, #tpu.memory_space<vmem_shared>>
      %dma_wait3A_132 = arith.constant 0 : i32
      %dma_wait3A_133 = tpu.memref_slice %arg7[%add3A_51, %dma_wait3A_132] : memref<10000x128xf32, #tpu.memory_space<vmem_shared>> -> memref<25x128xf32, #tpu.memory_space<vmem_shared>>
      tpu.wait_dma2 semaphore(%run_scoped3A : memref<!tpu.dma_semaphore, #tpu.memory_space<semaphore_mem>>) src(%arg12 : memref<25x128xf32, #tpu.memory_space<vmem>>) dst(%dma_wait3A_133 : memref<25x128xf32, #tpu.memory_space<vmem_shared>>)
      tpu.yield
    }) : () -> ()
    %mul3A_52 = arith.constant 625 : i32
    %mul3A_53 = arith.muli %arg1, %mul3A_52 : i32
    %add3A_54 = arith.constant 300 : i32
    %add3A_55 = arith.addi %mul3A_53, %add3A_54 : i32
    "tpu.region"() ({
      %run_scoped3A = tpu.sem_alloc : memref<!tpu.dma_semaphore, #tpu.memory_space<semaphore_mem>>
      %dma_start3A = arith.constant 0 : i32
      %dma_start3A_128 = tpu.memref_slice %arg7[%add3A_55, %dma_start3A] : memref<10000x128xf32, #tpu.memory_space<vmem_shared>> -> memref<25x128xf32, #tpu.memory_space<vmem_shared>>
      %dma_start3A_129 = arith.constant 0 : i32
      %dma_start3A_130 = tpu.memref_slice %arg7[%add3A_55, %dma_start3A_129] : memref<10000x128xf32, #tpu.memory_space<vmem_shared>> -> memref<25x128xf32, #tpu.memory_space<vmem_shared>>
      tpu.enqueue_dma source(%arg12 : memref<25x128xf32, #tpu.memory_space<vmem>>) target(%dma_start3A_130 : memref<25x128xf32, #tpu.memory_space<vmem_shared>>) target_semaphore(%run_scoped3A : memref<!tpu.dma_semaphore, #tpu.memory_space<semaphore_mem>>)
      %dma_wait3A = arith.constant 0 : i32
      %dma_wait3A_131 = tpu.memref_slice %arg7[%add3A_55, %dma_wait3A] : memref<10000x128xf32, #tpu.memory_space<vmem_shared>> -> memref<25x128xf32, #tpu.memory_space<vmem_shared>>
      %dma_wait3A_132 = arith.constant 0 : i32
      %dma_wait3A_133 = tpu.memref_slice %arg7[%add3A_55, %dma_wait3A_132] : memref<10000x128xf32, #tpu.memory_space<vmem_shared>> -> memref<25x128xf32, #tpu.memory_space<vmem_shared>>
      tpu.wait_dma2 semaphore(%run_scoped3A : memref<!tpu.dma_semaphore, #tpu.memory_space<semaphore_mem>>) src(%arg12 : memref<25x128xf32, #tpu.memory_space<vmem>>) dst(%dma_wait3A_133 : memref<25x128xf32, #tpu.memory_space<vmem_shared>>)
      tpu.yield
    }) : () -> ()
    %mul3A_56 = arith.constant 625 : i32
    %mul3A_57 = arith.muli %arg1, %mul3A_56 : i32
    %add3A_58 = arith.constant 325 : i32
    %add3A_59 = arith.addi %mul3A_57, %add3A_58 : i32
    "tpu.region"() ({
      %run_scoped3A = tpu.sem_alloc : memref<!tpu.dma_semaphore, #tpu.memory_space<semaphore_mem>>
      %dma_start3A = arith.constant 0 : i32
      %dma_start3A_128 = tpu.memref_slice %arg7[%add3A_59, %dma_start3A] : memref<10000x128xf32, #tpu.memory_space<vmem_shared>> -> memref<25x128xf32, #tpu.memory_space<vmem_shared>>
      %dma_start3A_129 = arith.constant 0 : i32
      %dma_start3A_130 = tpu.memref_slice %arg7[%add3A_59, %dma_start3A_129] : memref<10000x128xf32, #tpu.memory_space<vmem_shared>> -> memref<25x128xf32, #tpu.memory_space<vmem_shared>>
      tpu.enqueue_dma source(%arg12 : memref<25x128xf32, #tpu.memory_space<vmem>>) target(%dma_start3A_130 : memref<25x128xf32, #tpu.memory_space<vmem_shared>>) target_semaphore(%run_scoped3A : memref<!tpu.dma_semaphore, #tpu.memory_space<semaphore_mem>>)
      %dma_wait3A = arith.constant 0 : i32
      %dma_wait3A_131 = tpu.memref_slice %arg7[%add3A_59, %dma_wait3A] : memref<10000x128xf32, #tpu.memory_space<vmem_shared>> -> memref<25x128xf32, #tpu.memory_space<vmem_shared>>
      %dma_wait3A_132 = arith.constant 0 : i32
      %dma_wait3A_133 = tpu.memref_slice %arg7[%add3A_59, %dma_wait3A_132] : memref<10000x128xf32, #tpu.memory_space<vmem_shared>> -> memref<25x128xf32, #tpu.memory_space<vmem_shared>>
      tpu.wait_dma2 semaphore(%run_scoped3A : memref<!tpu.dma_semaphore, #tpu.memory_space<semaphore_mem>>) src(%arg12 : memref<25x128xf32, #tpu.memory_space<vmem>>) dst(%dma_wait3A_133 : memref<25x128xf32, #tpu.memory_space<vmem_shared>>)
      tpu.yield
    }) : () -> ()
    %mul3A_60 = arith.constant 625 : i32
    %mul3A_61 = arith.muli %arg1, %mul3A_60 : i32
    %add3A_62 = arith.constant 350 : i32
    %add3A_63 = arith.addi %mul3A_61, %add3A_62 : i32
    "tpu.region"() ({
      %run_scoped3A = tpu.sem_alloc : memref<!tpu.dma_semaphore, #tpu.memory_space<semaphore_mem>>
      %dma_start3A = arith.constant 0 : i32
      %dma_start3A_128 = tpu.memref_slice %arg7[%add3A_63, %dma_start3A] : memref<10000x128xf32, #tpu.memory_space<vmem_shared>> -> memref<25x128xf32, #tpu.memory_space<vmem_shared>>
      %dma_start3A_129 = arith.constant 0 : i32
      %dma_start3A_130 = tpu.memref_slice %arg7[%add3A_63, %dma_start3A_129] : memref<10000x128xf32, #tpu.memory_space<vmem_shared>> -> memref<25x128xf32, #tpu.memory_space<vmem_shared>>
      tpu.enqueue_dma source(%arg12 : memref<25x128xf32, #tpu.memory_space<vmem>>) target(%dma_start3A_130 : memref<25x128xf32, #tpu.memory_space<vmem_shared>>) target_semaphore(%run_scoped3A : memref<!tpu.dma_semaphore, #tpu.memory_space<semaphore_mem>>)
      %dma_wait3A = arith.constant 0 : i32
      %dma_wait3A_131 = tpu.memref_slice %arg7[%add3A_63, %dma_wait3A] : memref<10000x128xf32, #tpu.memory_space<vmem_shared>> -> memref<25x128xf32, #tpu.memory_space<vmem_shared>>
      %dma_wait3A_132 = arith.constant 0 : i32
      %dma_wait3A_133 = tpu.memref_slice %arg7[%add3A_63, %dma_wait3A_132] : memref<10000x128xf32, #tpu.memory_space<vmem_shared>> -> memref<25x128xf32, #tpu.memory_space<vmem_shared>>
      tpu.wait_dma2 semaphore(%run_scoped3A : memref<!tpu.dma_semaphore, #tpu.memory_space<semaphore_mem>>) src(%arg12 : memref<25x128xf32, #tpu.memory_space<vmem>>) dst(%dma_wait3A_133 : memref<25x128xf32, #tpu.memory_space<vmem_shared>>)
      tpu.yield
    }) : () -> ()
    %mul3A_64 = arith.constant 625 : i32
    %mul3A_65 = arith.muli %arg1, %mul3A_64 : i32
    %add3A_66 = arith.constant 375 : i32
    %add3A_67 = arith.addi %mul3A_65, %add3A_66 : i32
    "tpu.region"() ({
      %run_scoped3A = tpu.sem_alloc : memref<!tpu.dma_semaphore, #tpu.memory_space<semaphore_mem>>
      %dma_start3A = arith.constant 0 : i32
      %dma_start3A_128 = tpu.memref_slice %arg7[%add3A_67, %dma_start3A] : memref<10000x128xf32, #tpu.memory_space<vmem_shared>> -> memref<25x128xf32, #tpu.memory_space<vmem_shared>>
      %dma_start3A_129 = arith.constant 0 : i32
      %dma_start3A_130 = tpu.memref_slice %arg7[%add3A_67, %dma_start3A_129] : memref<10000x128xf32, #tpu.memory_space<vmem_shared>> -> memref<25x128xf32, #tpu.memory_space<vmem_shared>>
      tpu.enqueue_dma source(%arg12 : memref<25x128xf32, #tpu.memory_space<vmem>>) target(%dma_start3A_130 : memref<25x128xf32, #tpu.memory_space<vmem_shared>>) target_semaphore(%run_scoped3A : memref<!tpu.dma_semaphore, #tpu.memory_space<semaphore_mem>>)
      %dma_wait3A = arith.constant 0 : i32
      %dma_wait3A_131 = tpu.memref_slice %arg7[%add3A_67, %dma_wait3A] : memref<10000x128xf32, #tpu.memory_space<vmem_shared>> -> memref<25x128xf32, #tpu.memory_space<vmem_shared>>
      %dma_wait3A_132 = arith.constant 0 : i32
      %dma_wait3A_133 = tpu.memref_slice %arg7[%add3A_67, %dma_wait3A_132] : memref<10000x128xf32, #tpu.memory_space<vmem_shared>> -> memref<25x128xf32, #tpu.memory_space<vmem_shared>>
      tpu.wait_dma2 semaphore(%run_scoped3A : memref<!tpu.dma_semaphore, #tpu.memory_space<semaphore_mem>>) src(%arg12 : memref<25x128xf32, #tpu.memory_space<vmem>>) dst(%dma_wait3A_133 : memref<25x128xf32, #tpu.memory_space<vmem_shared>>)
      tpu.yield
    }) : () -> ()
    %mul3A_68 = arith.constant 625 : i32
    %mul3A_69 = arith.muli %arg1, %mul3A_68 : i32
    %add3A_70 = arith.constant 400 : i32
    %add3A_71 = arith.addi %mul3A_69, %add3A_70 : i32
    "tpu.region"() ({
      %run_scoped3A = tpu.sem_alloc : memref<!tpu.dma_semaphore, #tpu.memory_space<semaphore_mem>>
      %dma_start3A = arith.constant 0 : i32
      %dma_start3A_128 = tpu.memref_slice %arg7[%add3A_71, %dma_start3A] : memref<10000x128xf32, #tpu.memory_space<vmem_shared>> -> memref<25x128xf32, #tpu.memory_space<vmem_shared>>
      %dma_start3A_129 = arith.constant 0 : i32
      %dma_start3A_130 = tpu.memref_slice %arg7[%add3A_71, %dma_start3A_129] : memref<10000x128xf32, #tpu.memory_space<vmem_shared>> -> memref<25x128xf32, #tpu.memory_space<vmem_shared>>
      tpu.enqueue_dma source(%arg12 : memref<25x128xf32, #tpu.memory_space<vmem>>) target(%dma_start3A_130 : memref<25x128xf32, #tpu.memory_space<vmem_shared>>) target_semaphore(%run_scoped3A : memref<!tpu.dma_semaphore, #tpu.memory_space<semaphore_mem>>)
      %dma_wait3A = arith.constant 0 : i32
      %dma_wait3A_131 = tpu.memref_slice %arg7[%add3A_71, %dma_wait3A] : memref<10000x128xf32, #tpu.memory_space<vmem_shared>> -> memref<25x128xf32, #tpu.memory_space<vmem_shared>>
      %dma_wait3A_132 = arith.constant 0 : i32
      %dma_wait3A_133 = tpu.memref_slice %arg7[%add3A_71, %dma_wait3A_132] : memref<10000x128xf32, #tpu.memory_space<vmem_shared>> -> memref<25x128xf32, #tpu.memory_space<vmem_shared>>
      tpu.wait_dma2 semaphore(%run_scoped3A : memref<!tpu.dma_semaphore, #tpu.memory_space<semaphore_mem>>) src(%arg12 : memref<25x128xf32, #tpu.memory_space<vmem>>) dst(%dma_wait3A_133 : memref<25x128xf32, #tpu.memory_space<vmem_shared>>)
      tpu.yield
    }) : () -> ()
    %mul3A_72 = arith.constant 625 : i32
    %mul3A_73 = arith.muli %arg1, %mul3A_72 : i32
    %add3A_74 = arith.constant 425 : i32
    %add3A_75 = arith.addi %mul3A_73, %add3A_74 : i32
    "tpu.region"() ({
      %run_scoped3A = tpu.sem_alloc : memref<!tpu.dma_semaphore, #tpu.memory_space<semaphore_mem>>
      %dma_start3A = arith.constant 0 : i32
      %dma_start3A_128 = tpu.memref_slice %arg7[%add3A_75, %dma_start3A] : memref<10000x128xf32, #tpu.memory_space<vmem_shared>> -> memref<25x128xf32, #tpu.memory_space<vmem_shared>>
      %dma_start3A_129 = arith.constant 0 : i32
      %dma_start3A_130 = tpu.memref_slice %arg7[%add3A_75, %dma_start3A_129] : memref<10000x128xf32, #tpu.memory_space<vmem_shared>> -> memref<25x128xf32, #tpu.memory_space<vmem_shared>>
      tpu.enqueue_dma source(%arg12 : memref<25x128xf32, #tpu.memory_space<vmem>>) target(%dma_start3A_130 : memref<25x128xf32, #tpu.memory_space<vmem_shared>>) target_semaphore(%run_scoped3A : memref<!tpu.dma_semaphore, #tpu.memory_space<semaphore_mem>>)
      %dma_wait3A = arith.constant 0 : i32
      %dma_wait3A_131 = tpu.memref_slice %arg7[%add3A_75, %dma_wait3A] : memref<10000x128xf32, #tpu.memory_space<vmem_shared>> -> memref<25x128xf32, #tpu.memory_space<vmem_shared>>
      %dma_wait3A_132 = arith.constant 0 : i32
      %dma_wait3A_133 = tpu.memref_slice %arg7[%add3A_75, %dma_wait3A_132] : memref<10000x128xf32, #tpu.memory_space<vmem_shared>> -> memref<25x128xf32, #tpu.memory_space<vmem_shared>>
      tpu.wait_dma2 semaphore(%run_scoped3A : memref<!tpu.dma_semaphore, #tpu.memory_space<semaphore_mem>>) src(%arg12 : memref<25x128xf32, #tpu.memory_space<vmem>>) dst(%dma_wait3A_133 : memref<25x128xf32, #tpu.memory_space<vmem_shared>>)
      tpu.yield
    }) : () -> ()
    %mul3A_76 = arith.constant 625 : i32
    %mul3A_77 = arith.muli %arg1, %mul3A_76 : i32
    %add3A_78 = arith.constant 450 : i32
    %add3A_79 = arith.addi %mul3A_77, %add3A_78 : i32
    "tpu.region"() ({
      %run_scoped3A = tpu.sem_alloc : memref<!tpu.dma_semaphore, #tpu.memory_space<semaphore_mem>>
      %dma_start3A = arith.constant 0 : i32
      %dma_start3A_128 = tpu.memref_slice %arg7[%add3A_79, %dma_start3A] : memref<10000x128xf32, #tpu.memory_space<vmem_shared>> -> memref<25x128xf32, #tpu.memory_space<vmem_shared>>
      %dma_start3A_129 = arith.constant 0 : i32
      %dma_start3A_130 = tpu.memref_slice %arg7[%add3A_79, %dma_start3A_129] : memref<10000x128xf32, #tpu.memory_space<vmem_shared>> -> memref<25x128xf32, #tpu.memory_space<vmem_shared>>
      tpu.enqueue_dma source(%arg12 : memref<25x128xf32, #tpu.memory_space<vmem>>) target(%dma_start3A_130 : memref<25x128xf32, #tpu.memory_space<vmem_shared>>) target_semaphore(%run_scoped3A : memref<!tpu.dma_semaphore, #tpu.memory_space<semaphore_mem>>)
      %dma_wait3A = arith.constant 0 : i32
      %dma_wait3A_131 = tpu.memref_slice %arg7[%add3A_79, %dma_wait3A] : memref<10000x128xf32, #tpu.memory_space<vmem_shared>> -> memref<25x128xf32, #tpu.memory_space<vmem_shared>>
      %dma_wait3A_132 = arith.constant 0 : i32
      %dma_wait3A_133 = tpu.memref_slice %arg7[%add3A_79, %dma_wait3A_132] : memref<10000x128xf32, #tpu.memory_space<vmem_shared>> -> memref<25x128xf32, #tpu.memory_space<vmem_shared>>
      tpu.wait_dma2 semaphore(%run_scoped3A : memref<!tpu.dma_semaphore, #tpu.memory_space<semaphore_mem>>) src(%arg12 : memref<25x128xf32, #tpu.memory_space<vmem>>) dst(%dma_wait3A_133 : memref<25x128xf32, #tpu.memory_space<vmem_shared>>)
      tpu.yield
    }) : () -> ()
    %mul3A_80 = arith.constant 625 : i32
    %mul3A_81 = arith.muli %arg1, %mul3A_80 : i32
    %add3A_82 = arith.constant 475 : i32
    %add3A_83 = arith.addi %mul3A_81, %add3A_82 : i32
    "tpu.region"() ({
      %run_scoped3A = tpu.sem_alloc : memref<!tpu.dma_semaphore, #tpu.memory_space<semaphore_mem>>
      %dma_start3A = arith.constant 0 : i32
      %dma_start3A_128 = tpu.memref_slice %arg7[%add3A_83, %dma_start3A] : memref<10000x128xf32, #tpu.memory_space<vmem_shared>> -> memref<25x128xf32, #tpu.memory_space<vmem_shared>>
      %dma_start3A_129 = arith.constant 0 : i32
      %dma_start3A_130 = tpu.memref_slice %arg7[%add3A_83, %dma_start3A_129] : memref<10000x128xf32, #tpu.memory_space<vmem_shared>> -> memref<25x128xf32, #tpu.memory_space<vmem_shared>>
      tpu.enqueue_dma source(%arg12 : memref<25x128xf32, #tpu.memory_space<vmem>>) target(%dma_start3A_130 : memref<25x128xf32, #tpu.memory_space<vmem_shared>>) target_semaphore(%run_scoped3A : memref<!tpu.dma_semaphore, #tpu.memory_space<semaphore_mem>>)
      %dma_wait3A = arith.constant 0 : i32
      %dma_wait3A_131 = tpu.memref_slice %arg7[%add3A_83, %dma_wait3A] : memref<10000x128xf32, #tpu.memory_space<vmem_shared>> -> memref<25x128xf32, #tpu.memory_space<vmem_shared>>
      %dma_wait3A_132 = arith.constant 0 : i32
      %dma_wait3A_133 = tpu.memref_slice %arg7[%add3A_83, %dma_wait3A_132] : memref<10000x128xf32, #tpu.memory_space<vmem_shared>> -> memref<25x128xf32, #tpu.memory_space<vmem_shared>>
      tpu.wait_dma2 semaphore(%run_scoped3A : memref<!tpu.dma_semaphore, #tpu.memory_space<semaphore_mem>>) src(%arg12 : memref<25x128xf32, #tpu.memory_space<vmem>>) dst(%dma_wait3A_133 : memref<25x128xf32, #tpu.memory_space<vmem_shared>>)
      tpu.yield
    }) : () -> ()
    %mul3A_84 = arith.constant 625 : i32
    %mul3A_85 = arith.muli %arg1, %mul3A_84 : i32
    %add3A_86 = arith.constant 500 : i32
    %add3A_87 = arith.addi %mul3A_85, %add3A_86 : i32
    "tpu.region"() ({
      %run_scoped3A = tpu.sem_alloc : memref<!tpu.dma_semaphore, #tpu.memory_space<semaphore_mem>>
      %dma_start3A = arith.constant 0 : i32
      %dma_start3A_128 = tpu.memref_slice %arg7[%add3A_87, %dma_start3A] : memref<10000x128xf32, #tpu.memory_space<vmem_shared>> -> memref<25x128xf32, #tpu.memory_space<vmem_shared>>
      %dma_start3A_129 = arith.constant 0 : i32
      %dma_start3A_130 = tpu.memref_slice %arg7[%add3A_87, %dma_start3A_129] : memref<10000x128xf32, #tpu.memory_space<vmem_shared>> -> memref<25x128xf32, #tpu.memory_space<vmem_shared>>
      tpu.enqueue_dma source(%arg12 : memref<25x128xf32, #tpu.memory_space<vmem>>) target(%dma_start3A_130 : memref<25x128xf32, #tpu.memory_space<vmem_shared>>) target_semaphore(%run_scoped3A : memref<!tpu.dma_semaphore, #tpu.memory_space<semaphore_mem>>)
      %dma_wait3A = arith.constant 0 : i32
      %dma_wait3A_131 = tpu.memref_slice %arg7[%add3A_87, %dma_wait3A] : memref<10000x128xf32, #tpu.memory_space<vmem_shared>> -> memref<25x128xf32, #tpu.memory_space<vmem_shared>>
      %dma_wait3A_132 = arith.constant 0 : i32
      %dma_wait3A_133 = tpu.memref_slice %arg7[%add3A_87, %dma_wait3A_132] : memref<10000x128xf32, #tpu.memory_space<vmem_shared>> -> memref<25x128xf32, #tpu.memory_space<vmem_shared>>
      tpu.wait_dma2 semaphore(%run_scoped3A : memref<!tpu.dma_semaphore, #tpu.memory_space<semaphore_mem>>) src(%arg12 : memref<25x128xf32, #tpu.memory_space<vmem>>) dst(%dma_wait3A_133 : memref<25x128xf32, #tpu.memory_space<vmem_shared>>)
      tpu.yield
    }) : () -> ()
    %mul3A_88 = arith.constant 625 : i32
    %mul3A_89 = arith.muli %arg1, %mul3A_88 : i32
    %add3A_90 = arith.constant 525 : i32
    %add3A_91 = arith.addi %mul3A_89, %add3A_90 : i32
    "tpu.region"() ({
      %run_scoped3A = tpu.sem_alloc : memref<!tpu.dma_semaphore, #tpu.memory_space<semaphore_mem>>
      %dma_start3A = arith.constant 0 : i32
      %dma_start3A_128 = tpu.memref_slice %arg7[%add3A_91, %dma_start3A] : memref<10000x128xf32, #tpu.memory_space<vmem_shared>> -> memref<25x128xf32, #tpu.memory_space<vmem_shared>>
      %dma_start3A_129 = arith.constant 0 : i32
      %dma_start3A_130 = tpu.memref_slice %arg7[%add3A_91, %dma_start3A_129] : memref<10000x128xf32, #tpu.memory_space<vmem_shared>> -> memref<25x128xf32, #tpu.memory_space<vmem_shared>>
      tpu.enqueue_dma source(%arg12 : memref<25x128xf32, #tpu.memory_space<vmem>>) target(%dma_start3A_130 : memref<25x128xf32, #tpu.memory_space<vmem_shared>>) target_semaphore(%run_scoped3A : memref<!tpu.dma_semaphore, #tpu.memory_space<semaphore_mem>>)
      %dma_wait3A = arith.constant 0 : i32
      %dma_wait3A_131 = tpu.memref_slice %arg7[%add3A_91, %dma_wait3A] : memref<10000x128xf32, #tpu.memory_space<vmem_shared>> -> memref<25x128xf32, #tpu.memory_space<vmem_shared>>
      %dma_wait3A_132 = arith.constant 0 : i32
      %dma_wait3A_133 = tpu.memref_slice %arg7[%add3A_91, %dma_wait3A_132] : memref<10000x128xf32, #tpu.memory_space<vmem_shared>> -> memref<25x128xf32, #tpu.memory_space<vmem_shared>>
      tpu.wait_dma2 semaphore(%run_scoped3A : memref<!tpu.dma_semaphore, #tpu.memory_space<semaphore_mem>>) src(%arg12 : memref<25x128xf32, #tpu.memory_space<vmem>>) dst(%dma_wait3A_133 : memref<25x128xf32, #tpu.memory_space<vmem_shared>>)
      tpu.yield
    }) : () -> ()
    %mul3A_92 = arith.constant 625 : i32
    %mul3A_93 = arith.muli %arg1, %mul3A_92 : i32
    %add3A_94 = arith.constant 550 : i32
    %add3A_95 = arith.addi %mul3A_93, %add3A_94 : i32
    "tpu.region"() ({
      %run_scoped3A = tpu.sem_alloc : memref<!tpu.dma_semaphore, #tpu.memory_space<semaphore_mem>>
      %dma_start3A = arith.constant 0 : i32
      %dma_start3A_128 = tpu.memref_slice %arg7[%add3A_95, %dma_start3A] : memref<10000x128xf32, #tpu.memory_space<vmem_shared>> -> memref<25x128xf32, #tpu.memory_space<vmem_shared>>
      %dma_start3A_129 = arith.constant 0 : i32
      %dma_start3A_130 = tpu.memref_slice %arg7[%add3A_95, %dma_start3A_129] : memref<10000x128xf32, #tpu.memory_space<vmem_shared>> -> memref<25x128xf32, #tpu.memory_space<vmem_shared>>
      tpu.enqueue_dma source(%arg12 : memref<25x128xf32, #tpu.memory_space<vmem>>) target(%dma_start3A_130 : memref<25x128xf32, #tpu.memory_space<vmem_shared>>) target_semaphore(%run_scoped3A : memref<!tpu.dma_semaphore, #tpu.memory_space<semaphore_mem>>)
      %dma_wait3A = arith.constant 0 : i32
      %dma_wait3A_131 = tpu.memref_slice %arg7[%add3A_95, %dma_wait3A] : memref<10000x128xf32, #tpu.memory_space<vmem_shared>> -> memref<25x128xf32, #tpu.memory_space<vmem_shared>>
      %dma_wait3A_132 = arith.constant 0 : i32
      %dma_wait3A_133 = tpu.memref_slice %arg7[%add3A_95, %dma_wait3A_132] : memref<10000x128xf32, #tpu.memory_space<vmem_shared>> -> memref<25x128xf32, #tpu.memory_space<vmem_shared>>
      tpu.wait_dma2 semaphore(%run_scoped3A : memref<!tpu.dma_semaphore, #tpu.memory_space<semaphore_mem>>) src(%arg12 : memref<25x128xf32, #tpu.memory_space<vmem>>) dst(%dma_wait3A_133 : memref<25x128xf32, #tpu.memory_space<vmem_shared>>)
      tpu.yield
    }) : () -> ()
    %mul3A_96 = arith.constant 625 : i32
    %mul3A_97 = arith.muli %arg1, %mul3A_96 : i32
    %add3A_98 = arith.constant 575 : i32
    %add3A_99 = arith.addi %mul3A_97, %add3A_98 : i32
    "tpu.region"() ({
      %run_scoped3A = tpu.sem_alloc : memref<!tpu.dma_semaphore, #tpu.memory_space<semaphore_mem>>
      %dma_start3A = arith.constant 0 : i32
      %dma_start3A_128 = tpu.memref_slice %arg7[%add3A_99, %dma_start3A] : memref<10000x128xf32, #tpu.memory_space<vmem_shared>> -> memref<25x128xf32, #tpu.memory_space<vmem_shared>>
      %dma_start3A_129 = arith.constant 0 : i32
      %dma_start3A_130 = tpu.memref_slice %arg7[%add3A_99, %dma_start3A_129] : memref<10000x128xf32, #tpu.memory_space<vmem_shared>> -> memref<25x128xf32, #tpu.memory_space<vmem_shared>>
      tpu.enqueue_dma source(%arg12 : memref<25x128xf32, #tpu.memory_space<vmem>>) target(%dma_start3A_130 : memref<25x128xf32, #tpu.memory_space<vmem_shared>>) target_semaphore(%run_scoped3A : memref<!tpu.dma_semaphore, #tpu.memory_space<semaphore_mem>>)
      %dma_wait3A = arith.constant 0 : i32
      %dma_wait3A_131 = tpu.memref_slice %arg7[%add3A_99, %dma_wait3A] : memref<10000x128xf32, #tpu.memory_space<vmem_shared>> -> memref<25x128xf32, #tpu.memory_space<vmem_shared>>
      %dma_wait3A_132 = arith.constant 0 : i32
      %dma_wait3A_133 = tpu.memref_slice %arg7[%add3A_99, %dma_wait3A_132] : memref<10000x128xf32, #tpu.memory_space<vmem_shared>> -> memref<25x128xf32, #tpu.memory_space<vmem_shared>>
      tpu.wait_dma2 semaphore(%run_scoped3A : memref<!tpu.dma_semaphore, #tpu.memory_space<semaphore_mem>>) src(%arg12 : memref<25x128xf32, #tpu.memory_space<vmem>>) dst(%dma_wait3A_133 : memref<25x128xf32, #tpu.memory_space<vmem_shared>>)
      tpu.yield
    }) : () -> ()
    %mul3A_100 = arith.constant 625 : i32
    %mul3A_101 = arith.muli %arg1, %mul3A_100 : i32
    %add3A_102 = arith.constant 600 : i32
    %add3A_103 = arith.addi %mul3A_101, %add3A_102 : i32
    "tpu.region"() ({
      %run_scoped3A = tpu.sem_alloc : memref<!tpu.dma_semaphore, #tpu.memory_space<semaphore_mem>>
      %dma_start3A = arith.constant 0 : i32
      %dma_start3A_128 = tpu.memref_slice %arg7[%add3A_103, %dma_start3A] : memref<10000x128xf32, #tpu.memory_space<vmem_shared>> -> memref<25x128xf32, #tpu.memory_space<vmem_shared>>
      %dma_start3A_129 = arith.constant 0 : i32
      %dma_start3A_130 = tpu.memref_slice %arg7[%add3A_103, %dma_start3A_129] : memref<10000x128xf32, #tpu.memory_space<vmem_shared>> -> memref<25x128xf32, #tpu.memory_space<vmem_shared>>
      tpu.enqueue_dma source(%arg12 : memref<25x128xf32, #tpu.memory_space<vmem>>) target(%dma_start3A_130 : memref<25x128xf32, #tpu.memory_space<vmem_shared>>) target_semaphore(%run_scoped3A : memref<!tpu.dma_semaphore, #tpu.memory_space<semaphore_mem>>)
      %dma_wait3A = arith.constant 0 : i32
      %dma_wait3A_131 = tpu.memref_slice %arg7[%add3A_103, %dma_wait3A] : memref<10000x128xf32, #tpu.memory_space<vmem_shared>> -> memref<25x128xf32, #tpu.memory_space<vmem_shared>>
      %dma_wait3A_132 = arith.constant 0 : i32
      %dma_wait3A_133 = tpu.memref_slice %arg7[%add3A_103, %dma_wait3A_132] : memref<10000x128xf32, #tpu.memory_space<vmem_shared>> -> memref<25x128xf32, #tpu.memory_space<vmem_shared>>
      tpu.wait_dma2 semaphore(%run_scoped3A : memref<!tpu.dma_semaphore, #tpu.memory_space<semaphore_mem>>) src(%arg12 : memref<25x128xf32, #tpu.memory_space<vmem>>) dst(%dma_wait3A_133 : memref<25x128xf32, #tpu.memory_space<vmem_shared>>)
      tpu.yield
    }) : () -> ()
    %barrier3A = arith.constant 0 : index
    tpu.barrier barrier_id(%barrier3A)
    %mul3A_104 = arith.constant 16 : i32
    %mul3A_105 = arith.muli %arg0, %mul3A_104 : i32
    %add3A_106 = arith.addi %mul3A_105, %arg1 : i32
    %mul3A_107 = arith.constant 125 : i32
    %mul3A_108 = arith.muli %add3A_106, %mul3A_107 : i32
    "tpu.region"() ({
      %run_scoped3A = tpu.sem_alloc : memref<!tpu.dma_semaphore, #tpu.memory_space<semaphore_mem>>
      %dma_start3A = arith.constant 0 : i32
      %dma_start3A_128 = tpu.memref_slice %arg3[%mul3A_108, %dma_start3A] : memref<4000x80xi32, #tpu.memory_space<hbm>> -> memref<125x80xi32, #tpu.memory_space<hbm>>
      %dma_start3A_129 = arith.constant 0 : i32
      %dma_start3A_130 = tpu.memref_slice %arg3[%mul3A_108, %dma_start3A_129] : memref<4000x80xi32, #tpu.memory_space<hbm>> -> memref<125x80xi32, #tpu.memory_space<hbm>>
      tpu.enqueue_dma source(%dma_start3A_130 : memref<125x80xi32, #tpu.memory_space<hbm>>) target(%arg8 : memref<125x80xi32, #tpu.memory_space<vmem>>) target_semaphore(%run_scoped3A : memref<!tpu.dma_semaphore, #tpu.memory_space<semaphore_mem>>)
      %dma_wait3A = arith.constant 0 : i32
      %dma_wait3A_131 = tpu.memref_slice %arg3[%mul3A_108, %dma_wait3A] : memref<4000x80xi32, #tpu.memory_space<hbm>> -> memref<125x80xi32, #tpu.memory_space<hbm>>
      %dma_wait3A_132 = arith.constant 0 : i32
      %dma_wait3A_133 = tpu.memref_slice %arg3[%mul3A_108, %dma_wait3A_132] : memref<4000x80xi32, #tpu.memory_space<hbm>> -> memref<125x80xi32, #tpu.memory_space<hbm>>
      tpu.wait_dma2 semaphore(%run_scoped3A : memref<!tpu.dma_semaphore, #tpu.memory_space<semaphore_mem>>) src(%dma_wait3A_133 : memref<125x80xi32, #tpu.memory_space<hbm>>) dst(%arg8 : memref<125x80xi32, #tpu.memory_space<vmem>>)
      tpu.yield
    }) : () -> ()
    %mul3A_109 = arith.constant 125 : i32
    %mul3A_110 = arith.muli %add3A_106, %mul3A_109 : i32
    "tpu.region"() ({
      %run_scoped3A = tpu.sem_alloc : memref<!tpu.dma_semaphore, #tpu.memory_space<semaphore_mem>>
      %dma_start3A = arith.constant 0 : i32
      %dma_start3A_128 = tpu.memref_slice %arg4[%mul3A_110, %dma_start3A] : memref<4000x80xf32, #tpu.memory_space<hbm>> -> memref<125x80xf32, #tpu.memory_space<hbm>>
      %dma_start3A_129 = arith.constant 0 : i32
      %dma_start3A_130 = tpu.memref_slice %arg4[%mul3A_110, %dma_start3A_129] : memref<4000x80xf32, #tpu.memory_space<hbm>> -> memref<125x80xf32, #tpu.memory_space<hbm>>
      tpu.enqueue_dma source(%dma_start3A_130 : memref<125x80xf32, #tpu.memory_space<hbm>>) target(%arg9 : memref<125x80xf32, #tpu.memory_space<vmem>>) target_semaphore(%run_scoped3A : memref<!tpu.dma_semaphore, #tpu.memory_space<semaphore_mem>>)
      %dma_wait3A = arith.constant 0 : i32
      %dma_wait3A_131 = tpu.memref_slice %arg4[%mul3A_110, %dma_wait3A] : memref<4000x80xf32, #tpu.memory_space<hbm>> -> memref<125x80xf32, #tpu.memory_space<hbm>>
      %dma_wait3A_132 = arith.constant 0 : i32
      %dma_wait3A_133 = tpu.memref_slice %arg4[%mul3A_110, %dma_wait3A_132] : memref<4000x80xf32, #tpu.memory_space<hbm>> -> memref<125x80xf32, #tpu.memory_space<hbm>>
      tpu.wait_dma2 semaphore(%run_scoped3A : memref<!tpu.dma_semaphore, #tpu.memory_space<semaphore_mem>>) src(%dma_wait3A_133 : memref<125x80xf32, #tpu.memory_space<hbm>>) dst(%arg9 : memref<125x80xf32, #tpu.memory_space<vmem>>)
      tpu.yield
    }) : () -> ()
    %mul3A_111 = arith.constant 125 : i32
    %mul3A_112 = arith.muli %add3A_106, %mul3A_111 : i32
    "tpu.region"() ({
      %run_scoped3A = tpu.sem_alloc : memref<!tpu.dma_semaphore, #tpu.memory_space<semaphore_mem>>
      %dma_start3A = arith.constant 0 : i32
      %dma_start3A_128 = tpu.memref_slice %arg5[%mul3A_112, %dma_start3A] : memref<4000x80xi32, #tpu.memory_space<hbm>> -> memref<125x80xi32, #tpu.memory_space<hbm>>
      %dma_start3A_129 = arith.constant 0 : i32
      %dma_start3A_130 = tpu.memref_slice %arg5[%mul3A_112, %dma_start3A_129] : memref<4000x80xi32, #tpu.memory_space<hbm>> -> memref<125x80xi32, #tpu.memory_space<hbm>>
      tpu.enqueue_dma source(%dma_start3A_130 : memref<125x80xi32, #tpu.memory_space<hbm>>) target(%arg10 : memref<125x80xi32, #tpu.memory_space<vmem>>) target_semaphore(%run_scoped3A : memref<!tpu.dma_semaphore, #tpu.memory_space<semaphore_mem>>)
      %dma_wait3A = arith.constant 0 : i32
      %dma_wait3A_131 = tpu.memref_slice %arg5[%mul3A_112, %dma_wait3A] : memref<4000x80xi32, #tpu.memory_space<hbm>> -> memref<125x80xi32, #tpu.memory_space<hbm>>
      %dma_wait3A_132 = arith.constant 0 : i32
      %dma_wait3A_133 = tpu.memref_slice %arg5[%mul3A_112, %dma_wait3A_132] : memref<4000x80xi32, #tpu.memory_space<hbm>> -> memref<125x80xi32, #tpu.memory_space<hbm>>
      tpu.wait_dma2 semaphore(%run_scoped3A : memref<!tpu.dma_semaphore, #tpu.memory_space<semaphore_mem>>) src(%dma_wait3A_133 : memref<125x80xi32, #tpu.memory_space<hbm>>) dst(%arg10 : memref<125x80xi32, #tpu.memory_space<vmem>>)
      tpu.yield
    }) : () -> ()
    %scan3A_113 = arith.constant 0 : i32
    %scan3A_114 = arith.constant 0 : i32
    %scan3A_115 = arith.constant 125 : i32
    %scan3A_116 = arith.addi %scan3A_114, %scan3A_115 : i32
    %scan3A_117 = arith.constant 1 : i32
    %scan3A_118 = scf.for %scan3A_128 = %scan3A_114 to %scan3A_116 step %scan3A_117 iter_args(%scan3A_129 = %scan3A_113) -> (i32)  : i32 {
      %dma_start3A = arith.constant 0 : i32
      %dma_start3A_130 = tpu.memref_slice %arg8[%scan3A_128, %dma_start3A] : memref<125x80xi32, #tpu.memory_space<vmem>> -> memref<1x80xi32, #tpu.memory_space<vmem>>
      %dma_start3A_131 = tpu.memref_squeeze %dma_start3A_130 : memref<1x80xi32, #tpu.memory_space<vmem>> -> memref<80xi32, #tpu.memory_space<vmem>>
      %dma_start3A_132 = arith.constant 0 : i32
      %dma_start3A_133 = arith.constant 0 : i32
      %dma_start3A_134 = tpu.memref_slice %arg2[%dma_start3A_132, %dma_start3A_133] : memref<80000x128xf32, #tpu.memory_space<hbm>> -> memref<80000x128xf32, #tpu.memory_space<hbm>>
      tpu.enqueue_indirect_dma source(%dma_start3A_134 : memref<80000x128xf32, #tpu.memory_space<hbm>>) target(%arg11 : memref<80x128xf32, #tpu.memory_space<vmem>>) offsets(%dma_start3A_131 : memref<80xi32, #tpu.memory_space<vmem>>) semaphore(%arg13 : memref<!tpu.dma_semaphore, #tpu.memory_space<semaphore_mem>>)
      %dma_wait3A = arith.constant 0 : i32
      %dma_wait3A_135 = tpu.memref_slice %arg8[%scan3A_128, %dma_wait3A] : memref<125x80xi32, #tpu.memory_space<vmem>> -> memref<1x80xi32, #tpu.memory_space<vmem>>
      %dma_wait3A_136 = tpu.memref_squeeze %dma_wait3A_135 : memref<1x80xi32, #tpu.memory_space<vmem>> -> memref<80xi32, #tpu.memory_space<vmem>>
      %dma_wait3A_137 = arith.constant 0 : i32
      %dma_wait3A_138 = arith.constant 0 : i32
      %dma_wait3A_139 = tpu.memref_slice %arg2[%dma_wait3A_137, %dma_wait3A_138] : memref<80000x128xf32, #tpu.memory_space<hbm>> -> memref<80000x128xf32, #tpu.memory_space<hbm>>
      tpu.wait_indirect_dma semaphore(%arg13 : memref<!tpu.dma_semaphore, #tpu.memory_space<semaphore_mem>>) src(%dma_wait3A_139 : memref<80000x128xf32, #tpu.memory_space<hbm>>) dst(%arg11 : memref<80x128xf32, #tpu.memory_space<vmem>>)
      %broadcast_in_dim3A = vector.broadcast %scan3A_128 : i32 to vector<16xi32>
      %scan3A_140 = arith.constant 0 : i32
      %scan3A_141 = arith.constant 0 : i32
      %scan3A_142 = arith.constant 80 : i32
      %scan3A_143 = arith.addi %scan3A_141, %scan3A_142 : i32
      %scan3A_144 = arith.constant 1 : i32
      %scan3A_145 = scf.for %scan3A_148 = %scan3A_141 to %scan3A_143 step %scan3A_144 iter_args(%scan3A_149 = %scan3A_140) -> (i32)  : i32 {
        %broadcast_in_dim3A_150 = vector.broadcast %scan3A_148 : i32 to vector<16xi32>
        %gather3A = tpu.vector_load_idx %arg9[%broadcast_in_dim3A, %broadcast_in_dim3A_150] : memref<125x80xf32, #tpu.memory_space<vmem>>[vector<16xi32>, vector<16xi32>], vector<16xf32>,
        %get3A = arith.index_cast %scan3A_148 : i32 to index
        %get3A_151 = arith.constant 0 : index
        %get3A_152 = tpu.vector_load %arg11[%get3A, %get3A_151] {strides = array<i32>} : memref<80x128xf32, #tpu.memory_space<vmem>>, vector<16xf32>,
        %mul3A_153 = arith.mulf %get3A_152, %gather3A : vector<16xf32>
        %swap3A = arith.index_cast %scan3A_148 : i32 to index
        %swap3A_154 = arith.constant 0 : index
        %swap3A_155 = tpu.vector_load %arg11[%swap3A, %swap3A_154] {strides = array<i32>} : memref<80x128xf32, #tpu.memory_space<vmem>>, vector<16xf32>,
        tpu.vector_store %arg11[%swap3A, %swap3A_154], %mul3A_153 {strides = array<i32>} : memref<80x128xf32, #tpu.memory_space<vmem>>, vector<16xf32>,
        %get3A_156 = arith.index_cast %scan3A_148 : i32 to index
        %get3A_157 = arith.constant 16 : index
        %get3A_158 = tpu.vector_load %arg11[%get3A_156, %get3A_157] {strides = array<i32>} : memref<80x128xf32, #tpu.memory_space<vmem>>, vector<16xf32>,
        %mul3A_159 = arith.mulf %get3A_158, %gather3A : vector<16xf32>
        %swap3A_160 = arith.index_cast %scan3A_148 : i32 to index
        %swap3A_161 = arith.constant 16 : index
        %swap3A_162 = tpu.vector_load %arg11[%swap3A_160, %swap3A_161] {strides = array<i32>} : memref<80x128xf32, #tpu.memory_space<vmem>>, vector<16xf32>,
        tpu.vector_store %arg11[%swap3A_160, %swap3A_161], %mul3A_159 {strides = array<i32>} : memref<80x128xf32, #tpu.memory_space<vmem>>, vector<16xf32>,
        %get3A_163 = arith.index_cast %scan3A_148 : i32 to index
        %get3A_164 = arith.constant 32 : index
        %get3A_165 = tpu.vector_load %arg11[%get3A_163, %get3A_164] {strides = array<i32>} : memref<80x128xf32, #tpu.memory_space<vmem>>, vector<16xf32>,
        %mul3A_166 = arith.mulf %get3A_165, %gather3A : vector<16xf32>
        %swap3A_167 = arith.index_cast %scan3A_148 : i32 to index
        %swap3A_168 = arith.constant 32 : index
        %swap3A_169 = tpu.vector_load %arg11[%swap3A_167, %swap3A_168] {strides = array<i32>} : memref<80x128xf32, #tpu.memory_space<vmem>>, vector<16xf32>,
        tpu.vector_store %arg11[%swap3A_167, %swap3A_168], %mul3A_166 {strides = array<i32>} : memref<80x128xf32, #tpu.memory_space<vmem>>, vector<16xf32>,
        %get3A_170 = arith.index_cast %scan3A_148 : i32 to index
        %get3A_171 = arith.constant 48 : index
        %get3A_172 = tpu.vector_load %arg11[%get3A_170, %get3A_171] {strides = array<i32>} : memref<80x128xf32, #tpu.memory_space<vmem>>, vector<16xf32>,
        %mul3A_173 = arith.mulf %get3A_172, %gather3A : vector<16xf32>
        %swap3A_174 = arith.index_cast %scan3A_148 : i32 to index
        %swap3A_175 = arith.constant 48 : index
        %swap3A_176 = tpu.vector_load %arg11[%swap3A_174, %swap3A_175] {strides = array<i32>} : memref<80x128xf32, #tpu.memory_space<vmem>>, vector<16xf32>,
        tpu.vector_store %arg11[%swap3A_174, %swap3A_175], %mul3A_173 {strides = array<i32>} : memref<80x128xf32, #tpu.memory_space<vmem>>, vector<16xf32>,
        %get3A_177 = arith.index_cast %scan3A_148 : i32 to index
        %get3A_178 = arith.constant 64 : index
        %get3A_179 = tpu.vector_load %arg11[%get3A_177, %get3A_178] {strides = array<i32>} : memref<80x128xf32, #tpu.memory_space<vmem>>, vector<16xf32>,
        %mul3A_180 = arith.mulf %get3A_179, %gather3A : vector<16xf32>
        %swap3A_181 = arith.index_cast %scan3A_148 : i32 to index
        %swap3A_182 = arith.constant 64 : index
        %swap3A_183 = tpu.vector_load %arg11[%swap3A_181, %swap3A_182] {strides = array<i32>} : memref<80x128xf32, #tpu.memory_space<vmem>>, vector<16xf32>,
        tpu.vector_store %arg11[%swap3A_181, %swap3A_182], %mul3A_180 {strides = array<i32>} : memref<80x128xf32, #tpu.memory_space<vmem>>, vector<16xf32>,
        %get3A_184 = arith.index_cast %scan3A_148 : i32 to index
        %get3A_185 = arith.constant 80 : index
        %get3A_186 = tpu.vector_load %arg11[%get3A_184, %get3A_185] {strides = array<i32>} : memref<80x128xf32, #tpu.memory_space<vmem>>, vector<16xf32>,
        %mul3A_187 = arith.mulf %get3A_186, %gather3A : vector<16xf32>
        %swap3A_188 = arith.index_cast %scan3A_148 : i32 to index
        %swap3A_189 = arith.constant 80 : index
        %swap3A_190 = tpu.vector_load %arg11[%swap3A_188, %swap3A_189] {strides = array<i32>} : memref<80x128xf32, #tpu.memory_space<vmem>>, vector<16xf32>,
        tpu.vector_store %arg11[%swap3A_188, %swap3A_189], %mul3A_187 {strides = array<i32>} : memref<80x128xf32, #tpu.memory_space<vmem>>, vector<16xf32>,
        %get3A_191 = arith.index_cast %scan3A_148 : i32 to index
        %get3A_192 = arith.constant 96 : index
        %get3A_193 = tpu.vector_load %arg11[%get3A_191, %get3A_192] {strides = array<i32>} : memref<80x128xf32, #tpu.memory_space<vmem>>, vector<16xf32>,
        %mul3A_194 = arith.mulf %get3A_193, %gather3A : vector<16xf32>
        %swap3A_195 = arith.index_cast %scan3A_148 : i32 to index
        %swap3A_196 = arith.constant 96 : index
        %swap3A_197 = tpu.vector_load %arg11[%swap3A_195, %swap3A_196] {strides = array<i32>} : memref<80x128xf32, #tpu.memory_space<vmem>>, vector<16xf32>,
        tpu.vector_store %arg11[%swap3A_195, %swap3A_196], %mul3A_194 {strides = array<i32>} : memref<80x128xf32, #tpu.memory_space<vmem>>, vector<16xf32>,
        %get3A_198 = arith.index_cast %scan3A_148 : i32 to index
        %get3A_199 = arith.constant 112 : index
        %get3A_200 = tpu.vector_load %arg11[%get3A_198, %get3A_199] {strides = array<i32>} : memref<80x128xf32, #tpu.memory_space<vmem>>, vector<16xf32>,
        %mul3A_201 = arith.mulf %get3A_200, %gather3A : vector<16xf32>
        %swap3A_202 = arith.index_cast %scan3A_148 : i32 to index
        %swap3A_203 = arith.constant 112 : index
        %swap3A_204 = tpu.vector_load %arg11[%swap3A_202, %swap3A_203] {strides = array<i32>} : memref<80x128xf32, #tpu.memory_space<vmem>>, vector<16xf32>,
        tpu.vector_store %arg11[%swap3A_202, %swap3A_203], %mul3A_201 {strides = array<i32>} : memref<80x128xf32, #tpu.memory_space<vmem>>, vector<16xf32>,
        %scan3A_205 = arith.constant 0 : i32
        scf.yield %scan3A_205 : i32
      }
      %scan3A_146 = arith.constant 80 : i32
      "tpu.region"() ({
        %run_scoped3A = tpu.sem_alloc : memref<!tpu.dma_semaphore, #tpu.memory_space<semaphore_mem>>
        %dma_start3A_148 = arith.constant 0 : i32
        %dma_start3A_149 = tpu.memref_slice %arg10[%scan3A_128, %dma_start3A_148] : memref<125x80xi32, #tpu.memory_space<vmem>> -> memref<1x80xi32, #tpu.memory_space<vmem>>
        %dma_start3A_150 = tpu.memref_squeeze %dma_start3A_149 : memref<1x80xi32, #tpu.memory_space<vmem>> -> memref<80xi32, #tpu.memory_space<vmem>>
        %dma_start3A_151 = arith.constant 0 : i32
        %dma_start3A_152 = arith.constant 0 : i32
        %dma_start3A_153 = tpu.memref_slice %arg7[%dma_start3A_151, %dma_start3A_152] : memref<10000x128xf32, #tpu.memory_space<vmem_shared>> -> memref<10000x128xf32, #tpu.memory_space<vmem_shared>>
        tpu.enqueue_indirect_dma source(%arg11 : memref<80x128xf32, #tpu.memory_space<vmem>>) target(%dma_start3A_153 : memref<10000x128xf32, #tpu.memory_space<vmem_shared>>) offsets(%dma_start3A_150 : memref<80xi32, #tpu.memory_space<vmem>>) semaphore(%run_scoped3A : memref<!tpu.dma_semaphore, #tpu.memory_space<semaphore_mem>>) {add = true}
        %dma_wait3A_154 = arith.constant 0 : i32
        %dma_wait3A_155 = tpu.memref_slice %arg10[%scan3A_128, %dma_wait3A_154] : memref<125x80xi32, #tpu.memory_space<vmem>> -> memref<1x80xi32, #tpu.memory_space<vmem>>
        %dma_wait3A_156 = tpu.memref_squeeze %dma_wait3A_155 : memref<1x80xi32, #tpu.memory_space<vmem>> -> memref<80xi32, #tpu.memory_space<vmem>>
        %dma_wait3A_157 = arith.constant 0 : i32
        %dma_wait3A_158 = arith.constant 0 : i32
        %dma_wait3A_159 = tpu.memref_slice %arg7[%dma_wait3A_157, %dma_wait3A_158] : memref<10000x128xf32, #tpu.memory_space<vmem_shared>> -> memref<10000x128xf32, #tpu.memory_space<vmem_shared>>
        tpu.wait_indirect_dma semaphore(%run_scoped3A : memref<!tpu.dma_semaphore, #tpu.memory_space<semaphore_mem>>) src(%arg11 : memref<80x128xf32, #tpu.memory_space<vmem>>) dst(%dma_wait3A_159 : memref<10000x128xf32, #tpu.memory_space<vmem_shared>>)
        tpu.yield
      }) : () -> ()
      %scan3A_147 = arith.constant 0 : i32
      scf.yield %scan3A_147 : i32
    }
    %scan3A_119 = arith.constant 125 : i32
    %barrier3A_120 = arith.constant 0 : index
    tpu.barrier barrier_id(%barrier3A_120)
    %mul3A_121 = arith.constant 625 : i32
    %mul3A_122 = arith.muli %arg1, %mul3A_121 : i32
    %mul3A_123 = arith.constant 10000 : i32
    %mul3A_124 = arith.muli %arg0, %mul3A_123 : i32
    %mul3A_125 = arith.constant 625 : i32
    %mul3A_126 = arith.muli %arg1, %mul3A_125 : i32
    %add3A_127 = arith.addi %mul3A_124, %mul3A_126 : i32
    "tpu.region"() ({
      %run_scoped3A = tpu.sem_alloc : memref<!tpu.dma_semaphore, #tpu.memory_space<semaphore_mem>>
      %dma_start3A = arith.constant 0 : i32
      %dma_start3A_128 = tpu.memref_slice %arg6[%add3A_127, %dma_start3A] : memref<20000x128xf32, #tpu.memory_space<hbm>> -> memref<625x128xf32, #tpu.memory_space<hbm>>
      %dma_start3A_129 = arith.constant 0 : i32
      %dma_start3A_130 = tpu.memref_slice %arg7[%mul3A_122, %dma_start3A_129] : memref<10000x128xf32, #tpu.memory_space<vmem_shared>> -> memref<625x128xf32, #tpu.memory_space<vmem_shared>>
      tpu.enqueue_dma source(%dma_start3A_130 : memref<625x128xf32, #tpu.memory_space<vmem_shared>>) target(%dma_start3A_128 : memref<625x128xf32, #tpu.memory_space<hbm>>) target_semaphore(%run_scoped3A : memref<!tpu.dma_semaphore, #tpu.memory_space<semaphore_mem>>)
      %dma_wait3A = arith.constant 0 : i32
      %dma_wait3A_131 = tpu.memref_slice %arg6[%add3A_127, %dma_wait3A] : memref<20000x128xf32, #tpu.memory_space<hbm>> -> memref<625x128xf32, #tpu.memory_space<hbm>>
      %dma_wait3A_132 = arith.constant 0 : i32
      %dma_wait3A_133 = tpu.memref_slice %arg7[%mul3A_122, %dma_wait3A_132] : memref<10000x128xf32, #tpu.memory_space<vmem_shared>> -> memref<625x128xf32, #tpu.memory_space<vmem_shared>>
      tpu.wait_dma2 semaphore(%run_scoped3A : memref<!tpu.dma_semaphore, #tpu.memory_space<semaphore_mem>>) src(%dma_wait3A_133 : memref<625x128xf32, #tpu.memory_space<vmem_shared>>) dst(%dma_wait3A_131 : memref<625x128xf32, #tpu.memory_space<hbm>>)
      tpu.yield
    }) : () -> ()
    return
  }
}

#map = affine_map<(d0, d1) -> (0, 0)>
module attributes {stable_mosaic.version = 14 : i64} {
  func.func @k(%arg0: i32, %arg1: i32, %arg2: memref<80000x128xf32, #tpu.memory_space<hbm>>, %arg3: memref<4000x80xi32, #tpu.memory_space<hbm>>, %arg4: memref<4000x80xf32, #tpu.memory_space<hbm>>, %arg5: memref<4000x80xi32, #tpu.memory_space<hbm>>, %arg6: memref<20000x128xf32, #tpu.memory_space<hbm>>, %arg7: memref<10000x128xf32, #tpu.memory_space<vmem_shared>>, %arg8: memref<125x80xi32, #tpu.memory_space<vmem>>, %arg9: memref<125x80xf32, #tpu.memory_space<vmem>>, %arg10: memref<125x80xi32, #tpu.memory_space<vmem>>, %arg11: memref<80x128xf32, #tpu.memory_space<vmem>>, %arg12: memref<25x128xf32, #tpu.memory_space<vmem>>, %arg13: memref<!tpu.dma_semaphore, #tpu.memory_space<semaphore_mem>>) attributes {dimension_semantics = [#tpu.dimension_semantics<core_parallel>, #tpu.dimension_semantics<subcore_parallel>], iteration_bounds = array<i64: 2, 16>, scalar_prefetch = 0 : i64, scratch_operands = 7 : i64, tpu.core_type = #tpu.core_type<sc_vector_subcore>, window_params = [{transform_indices = #map}, {transform_indices = #map}, {transform_indices = #map}, {transform_indices = #map}, {transform_indices = #map}]} {
    %scan3A = arith.constant 0 : i32
    %scan3A_0 = arith.constant 0 : i32
    %scan3A_1 = arith.constant 25 : i32
    %scan3A_2 = arith.addi %scan3A_0, %scan3A_1 : i32
    %scan3A_3 = arith.constant 1 : i32
    %scan3A_4 = scf.for %scan3A_128 = %scan3A_0 to %scan3A_2 step %scan3A_3 iter_args(%scan3A_129 = %scan3A) -> (i32)  : i32 {
      %broadcast_in_dim3A = arith.constant 0.000000e+00 : f32
      %broadcast_in_dim3A_130 = vector.broadcast %broadcast_in_dim3A : f32 to vector<16xf32>
      %swap3A = arith.index_cast %scan3A_128 : i32 to index
      %swap3A_131 = arith.constant 0 : index
      %swap3A_132 = tpu.vector_load %arg12[%swap3A, %swap3A_131] {strides = array<i32>} : memref<25x128xf32, #tpu.memory_space<vmem>>, vector<16xf32>,
      tpu.vector_store %arg12[%swap3A, %swap3A_131], %broadcast_in_dim3A_130 {strides = array<i32>} : memref<25x128xf32, #tpu.memory_space<vmem>>, vector<16xf32>,
      %broadcast_in_dim3A_133 = arith.constant 0.000000e+00 : f32
      %broadcast_in_dim3A_134 = vector.broadcast %broadcast_in_dim3A_133 : f32 to vector<16xf32>
      %swap3A_135 = arith.index_cast %scan3A_128 : i32 to index
      %swap3A_136 = arith.constant 16 : index
      %swap3A_137 = tpu.vector_load %arg12[%swap3A_135, %swap3A_136] {strides = array<i32>} : memref<25x128xf32, #tpu.memory_space<vmem>>, vector<16xf32>,
      tpu.vector_store %arg12[%swap3A_135, %swap3A_136], %broadcast_in_dim3A_134 {strides = array<i32>} : memref<25x128xf32, #tpu.memory_space<vmem>>, vector<16xf32>,
      %broadcast_in_dim3A_138 = arith.constant 0.000000e+00 : f32
      %broadcast_in_dim3A_139 = vector.broadcast %broadcast_in_dim3A_138 : f32 to vector<16xf32>
      %swap3A_140 = arith.index_cast %scan3A_128 : i32 to index
      %swap3A_141 = arith.constant 32 : index
      %swap3A_142 = tpu.vector_load %arg12[%swap3A_140, %swap3A_141] {strides = array<i32>} : memref<25x128xf32, #tpu.memory_space<vmem>>, vector<16xf32>,
      tpu.vector_store %arg12[%swap3A_140, %swap3A_141], %broadcast_in_dim3A_139 {strides = array<i32>} : memref<25x128xf32, #tpu.memory_space<vmem>>, vector<16xf32>,
      %broadcast_in_dim3A_143 = arith.constant 0.000000e+00 : f32
      %broadcast_in_dim3A_144 = vector.broadcast %broadcast_in_dim3A_143 : f32 to vector<16xf32>
      %swap3A_145 = arith.index_cast %scan3A_128 : i32 to index
      %swap3A_146 = arith.constant 48 : index
      %swap3A_147 = tpu.vector_load %arg12[%swap3A_145, %swap3A_146] {strides = array<i32>} : memref<25x128xf32, #tpu.memory_space<vmem>>, vector<16xf32>,
      tpu.vector_store %arg12[%swap3A_145, %swap3A_146], %broadcast_in_dim3A_144 {strides = array<i32>} : memref<25x128xf32, #tpu.memory_space<vmem>>, vector<16xf32>,
      %broadcast_in_dim3A_148 = arith.constant 0.000000e+00 : f32
      %broadcast_in_dim3A_149 = vector.broadcast %broadcast_in_dim3A_148 : f32 to vector<16xf32>
      %swap3A_150 = arith.index_cast %scan3A_128 : i32 to index
      %swap3A_151 = arith.constant 64 : index
      %swap3A_152 = tpu.vector_load %arg12[%swap3A_150, %swap3A_151] {strides = array<i32>} : memref<25x128xf32, #tpu.memory_space<vmem>>, vector<16xf32>,
      tpu.vector_store %arg12[%swap3A_150, %swap3A_151], %broadcast_in_dim3A_149 {strides = array<i32>} : memref<25x128xf32, #tpu.memory_space<vmem>>, vector<16xf32>,
      %broadcast_in_dim3A_153 = arith.constant 0.000000e+00 : f32
      %broadcast_in_dim3A_154 = vector.broadcast %broadcast_in_dim3A_153 : f32 to vector<16xf32>
      %swap3A_155 = arith.index_cast %scan3A_128 : i32 to index
      %swap3A_156 = arith.constant 80 : index
      %swap3A_157 = tpu.vector_load %arg12[%swap3A_155, %swap3A_156] {strides = array<i32>} : memref<25x128xf32, #tpu.memory_space<vmem>>, vector<16xf32>,
      tpu.vector_store %arg12[%swap3A_155, %swap3A_156], %broadcast_in_dim3A_154 {strides = array<i32>} : memref<25x128xf32, #tpu.memory_space<vmem>>, vector<16xf32>,
      %broadcast_in_dim3A_158 = arith.constant 0.000000e+00 : f32
      %broadcast_in_dim3A_159 = vector.broadcast %broadcast_in_dim3A_158 : f32 to vector<16xf32>
      %swap3A_160 = arith.index_cast %scan3A_128 : i32 to index
      %swap3A_161 = arith.constant 96 : index
      %swap3A_162 = tpu.vector_load %arg12[%swap3A_160, %swap3A_161] {strides = array<i32>} : memref<25x128xf32, #tpu.memory_space<vmem>>, vector<16xf32>,
      tpu.vector_store %arg12[%swap3A_160, %swap3A_161], %broadcast_in_dim3A_159 {strides = array<i32>} : memref<25x128xf32, #tpu.memory_space<vmem>>, vector<16xf32>,
      %broadcast_in_dim3A_163 = arith.constant 0.000000e+00 : f32
      %broadcast_in_dim3A_164 = vector.broadcast %broadcast_in_dim3A_163 : f32 to vector<16xf32>
      %swap3A_165 = arith.index_cast %scan3A_128 : i32 to index
      %swap3A_166 = arith.constant 112 : index
      %swap3A_167 = tpu.vector_load %arg12[%swap3A_165, %swap3A_166] {strides = array<i32>} : memref<25x128xf32, #tpu.memory_space<vmem>>, vector<16xf32>,
      tpu.vector_store %arg12[%swap3A_165, %swap3A_166], %broadcast_in_dim3A_164 {strides = array<i32>} : memref<25x128xf32, #tpu.memory_space<vmem>>, vector<16xf32>,
      %scan3A_168 = arith.constant 0 : i32
      scf.yield %scan3A_168 : i32
    }
    %scan3A_5 = arith.constant 25 : i32
    %mul3A = arith.constant 625 : i32
    %mul3A_6 = arith.muli %arg1, %mul3A : i32
    %add3A = arith.constant 0 : i32
    %add3A_7 = arith.addi %mul3A_6, %add3A : i32
    "tpu.region"() ({
      %run_scoped3A = tpu.sem_alloc : memref<!tpu.dma_semaphore, #tpu.memory_space<semaphore_mem>>
      %dma_start3A = arith.constant 0 : i32
      %dma_start3A_128 = tpu.memref_slice %arg7[%add3A_7, %dma_start3A] : memref<10000x128xf32, #tpu.memory_space<vmem_shared>> -> memref<25x128xf32, #tpu.memory_space<vmem_shared>>
      %dma_start3A_129 = arith.constant 0 : i32
      %dma_start3A_130 = tpu.memref_slice %arg7[%add3A_7, %dma_start3A_129] : memref<10000x128xf32, #tpu.memory_space<vmem_shared>> -> memref<25x128xf32, #tpu.memory_space<vmem_shared>>
      tpu.enqueue_dma source(%arg12 : memref<25x128xf32, #tpu.memory_space<vmem>>) target(%dma_start3A_130 : memref<25x128xf32, #tpu.memory_space<vmem_shared>>) target_semaphore(%run_scoped3A : memref<!tpu.dma_semaphore, #tpu.memory_space<semaphore_mem>>)
      %dma_wait3A = arith.constant 0 : i32
      %dma_wait3A_131 = tpu.memref_slice %arg7[%add3A_7, %dma_wait3A] : memref<10000x128xf32, #tpu.memory_space<vmem_shared>> -> memref<25x128xf32, #tpu.memory_space<vmem_shared>>
      %dma_wait3A_132 = arith.constant 0 : i32
      %dma_wait3A_133 = tpu.memref_slice %arg7[%add3A_7, %dma_wait3A_132] : memref<10000x128xf32, #tpu.memory_space<vmem_shared>> -> memref<25x128xf32, #tpu.memory_space<vmem_shared>>
      tpu.wait_dma2 semaphore(%run_scoped3A : memref<!tpu.dma_semaphore, #tpu.memory_space<semaphore_mem>>) src(%arg12 : memref<25x128xf32, #tpu.memory_space<vmem>>) dst(%dma_wait3A_133 : memref<25x128xf32, #tpu.memory_space<vmem_shared>>)
      tpu.yield
    }) : () -> ()
    %mul3A_8 = arith.constant 625 : i32
    %mul3A_9 = arith.muli %arg1, %mul3A_8 : i32
    %add3A_10 = arith.constant 25 : i32
    %add3A_11 = arith.addi %mul3A_9, %add3A_10 : i32
    "tpu.region"() ({
      %run_scoped3A = tpu.sem_alloc : memref<!tpu.dma_semaphore, #tpu.memory_space<semaphore_mem>>
      %dma_start3A = arith.constant 0 : i32
      %dma_start3A_128 = tpu.memref_slice %arg7[%add3A_11, %dma_start3A] : memref<10000x128xf32, #tpu.memory_space<vmem_shared>> -> memref<25x128xf32, #tpu.memory_space<vmem_shared>>
      %dma_start3A_129 = arith.constant 0 : i32
      %dma_start3A_130 = tpu.memref_slice %arg7[%add3A_11, %dma_start3A_129] : memref<10000x128xf32, #tpu.memory_space<vmem_shared>> -> memref<25x128xf32, #tpu.memory_space<vmem_shared>>
      tpu.enqueue_dma source(%arg12 : memref<25x128xf32, #tpu.memory_space<vmem>>) target(%dma_start3A_130 : memref<25x128xf32, #tpu.memory_space<vmem_shared>>) target_semaphore(%run_scoped3A : memref<!tpu.dma_semaphore, #tpu.memory_space<semaphore_mem>>)
      %dma_wait3A = arith.constant 0 : i32
      %dma_wait3A_131 = tpu.memref_slice %arg7[%add3A_11, %dma_wait3A] : memref<10000x128xf32, #tpu.memory_space<vmem_shared>> -> memref<25x128xf32, #tpu.memory_space<vmem_shared>>
      %dma_wait3A_132 = arith.constant 0 : i32
      %dma_wait3A_133 = tpu.memref_slice %arg7[%add3A_11, %dma_wait3A_132] : memref<10000x128xf32, #tpu.memory_space<vmem_shared>> -> memref<25x128xf32, #tpu.memory_space<vmem_shared>>
      tpu.wait_dma2 semaphore(%run_scoped3A : memref<!tpu.dma_semaphore, #tpu.memory_space<semaphore_mem>>) src(%arg12 : memref<25x128xf32, #tpu.memory_space<vmem>>) dst(%dma_wait3A_133 : memref<25x128xf32, #tpu.memory_space<vmem_shared>>)
      tpu.yield
    }) : () -> ()
    %mul3A_12 = arith.constant 625 : i32
    %mul3A_13 = arith.muli %arg1, %mul3A_12 : i32
    %add3A_14 = arith.constant 50 : i32
    %add3A_15 = arith.addi %mul3A_13, %add3A_14 : i32
    "tpu.region"() ({
      %run_scoped3A = tpu.sem_alloc : memref<!tpu.dma_semaphore, #tpu.memory_space<semaphore_mem>>
      %dma_start3A = arith.constant 0 : i32
      %dma_start3A_128 = tpu.memref_slice %arg7[%add3A_15, %dma_start3A] : memref<10000x128xf32, #tpu.memory_space<vmem_shared>> -> memref<25x128xf32, #tpu.memory_space<vmem_shared>>
      %dma_start3A_129 = arith.constant 0 : i32
      %dma_start3A_130 = tpu.memref_slice %arg7[%add3A_15, %dma_start3A_129] : memref<10000x128xf32, #tpu.memory_space<vmem_shared>> -> memref<25x128xf32, #tpu.memory_space<vmem_shared>>
      tpu.enqueue_dma source(%arg12 : memref<25x128xf32, #tpu.memory_space<vmem>>) target(%dma_start3A_130 : memref<25x128xf32, #tpu.memory_space<vmem_shared>>) target_semaphore(%run_scoped3A : memref<!tpu.dma_semaphore, #tpu.memory_space<semaphore_mem>>)
      %dma_wait3A = arith.constant 0 : i32
      %dma_wait3A_131 = tpu.memref_slice %arg7[%add3A_15, %dma_wait3A] : memref<10000x128xf32, #tpu.memory_space<vmem_shared>> -> memref<25x128xf32, #tpu.memory_space<vmem_shared>>
      %dma_wait3A_132 = arith.constant 0 : i32
      %dma_wait3A_133 = tpu.memref_slice %arg7[%add3A_15, %dma_wait3A_132] : memref<10000x128xf32, #tpu.memory_space<vmem_shared>> -> memref<25x128xf32, #tpu.memory_space<vmem_shared>>
      tpu.wait_dma2 semaphore(%run_scoped3A : memref<!tpu.dma_semaphore, #tpu.memory_space<semaphore_mem>>) src(%arg12 : memref<25x128xf32, #tpu.memory_space<vmem>>) dst(%dma_wait3A_133 : memref<25x128xf32, #tpu.memory_space<vmem_shared>>)
      tpu.yield
    }) : () -> ()
    %mul3A_16 = arith.constant 625 : i32
    %mul3A_17 = arith.muli %arg1, %mul3A_16 : i32
    %add3A_18 = arith.constant 75 : i32
    %add3A_19 = arith.addi %mul3A_17, %add3A_18 : i32
    "tpu.region"() ({
      %run_scoped3A = tpu.sem_alloc : memref<!tpu.dma_semaphore, #tpu.memory_space<semaphore_mem>>
      %dma_start3A = arith.constant 0 : i32
      %dma_start3A_128 = tpu.memref_slice %arg7[%add3A_19, %dma_start3A] : memref<10000x128xf32, #tpu.memory_space<vmem_shared>> -> memref<25x128xf32, #tpu.memory_space<vmem_shared>>
      %dma_start3A_129 = arith.constant 0 : i32
      %dma_start3A_130 = tpu.memref_slice %arg7[%add3A_19, %dma_start3A_129] : memref<10000x128xf32, #tpu.memory_space<vmem_shared>> -> memref<25x128xf32, #tpu.memory_space<vmem_shared>>
      tpu.enqueue_dma source(%arg12 : memref<25x128xf32, #tpu.memory_space<vmem>>) target(%dma_start3A_130 : memref<25x128xf32, #tpu.memory_space<vmem_shared>>) target_semaphore(%run_scoped3A : memref<!tpu.dma_semaphore, #tpu.memory_space<semaphore_mem>>)
      %dma_wait3A = arith.constant 0 : i32
      %dma_wait3A_131 = tpu.memref_slice %arg7[%add3A_19, %dma_wait3A] : memref<10000x128xf32, #tpu.memory_space<vmem_shared>> -> memref<25x128xf32, #tpu.memory_space<vmem_shared>>
      %dma_wait3A_132 = arith.constant 0 : i32
      %dma_wait3A_133 = tpu.memref_slice %arg7[%add3A_19, %dma_wait3A_132] : memref<10000x128xf32, #tpu.memory_space<vmem_shared>> -> memref<25x128xf32, #tpu.memory_space<vmem_shared>>
      tpu.wait_dma2 semaphore(%run_scoped3A : memref<!tpu.dma_semaphore, #tpu.memory_space<semaphore_mem>>) src(%arg12 : memref<25x128xf32, #tpu.memory_space<vmem>>) dst(%dma_wait3A_133 : memref<25x128xf32, #tpu.memory_space<vmem_shared>>)
      tpu.yield
    }) : () -> ()
    %mul3A_20 = arith.constant 625 : i32
    %mul3A_21 = arith.muli %arg1, %mul3A_20 : i32
    %add3A_22 = arith.constant 100 : i32
    %add3A_23 = arith.addi %mul3A_21, %add3A_22 : i32
    "tpu.region"() ({
      %run_scoped3A = tpu.sem_alloc : memref<!tpu.dma_semaphore, #tpu.memory_space<semaphore_mem>>
      %dma_start3A = arith.constant 0 : i32
      %dma_start3A_128 = tpu.memref_slice %arg7[%add3A_23, %dma_start3A] : memref<10000x128xf32, #tpu.memory_space<vmem_shared>> -> memref<25x128xf32, #tpu.memory_space<vmem_shared>>
      %dma_start3A_129 = arith.constant 0 : i32
      %dma_start3A_130 = tpu.memref_slice %arg7[%add3A_23, %dma_start3A_129] : memref<10000x128xf32, #tpu.memory_space<vmem_shared>> -> memref<25x128xf32, #tpu.memory_space<vmem_shared>>
      tpu.enqueue_dma source(%arg12 : memref<25x128xf32, #tpu.memory_space<vmem>>) target(%dma_start3A_130 : memref<25x128xf32, #tpu.memory_space<vmem_shared>>) target_semaphore(%run_scoped3A : memref<!tpu.dma_semaphore, #tpu.memory_space<semaphore_mem>>)
      %dma_wait3A = arith.constant 0 : i32
      %dma_wait3A_131 = tpu.memref_slice %arg7[%add3A_23, %dma_wait3A] : memref<10000x128xf32, #tpu.memory_space<vmem_shared>> -> memref<25x128xf32, #tpu.memory_space<vmem_shared>>
      %dma_wait3A_132 = arith.constant 0 : i32
      %dma_wait3A_133 = tpu.memref_slice %arg7[%add3A_23, %dma_wait3A_132] : memref<10000x128xf32, #tpu.memory_space<vmem_shared>> -> memref<25x128xf32, #tpu.memory_space<vmem_shared>>
      tpu.wait_dma2 semaphore(%run_scoped3A : memref<!tpu.dma_semaphore, #tpu.memory_space<semaphore_mem>>) src(%arg12 : memref<25x128xf32, #tpu.memory_space<vmem>>) dst(%dma_wait3A_133 : memref<25x128xf32, #tpu.memory_space<vmem_shared>>)
      tpu.yield
    }) : () -> ()
    %mul3A_24 = arith.constant 625 : i32
    %mul3A_25 = arith.muli %arg1, %mul3A_24 : i32
    %add3A_26 = arith.constant 125 : i32
    %add3A_27 = arith.addi %mul3A_25, %add3A_26 : i32
    "tpu.region"() ({
      %run_scoped3A = tpu.sem_alloc : memref<!tpu.dma_semaphore, #tpu.memory_space<semaphore_mem>>
      %dma_start3A = arith.constant 0 : i32
      %dma_start3A_128 = tpu.memref_slice %arg7[%add3A_27, %dma_start3A] : memref<10000x128xf32, #tpu.memory_space<vmem_shared>> -> memref<25x128xf32, #tpu.memory_space<vmem_shared>>
      %dma_start3A_129 = arith.constant 0 : i32
      %dma_start3A_130 = tpu.memref_slice %arg7[%add3A_27, %dma_start3A_129] : memref<10000x128xf32, #tpu.memory_space<vmem_shared>> -> memref<25x128xf32, #tpu.memory_space<vmem_shared>>
      tpu.enqueue_dma source(%arg12 : memref<25x128xf32, #tpu.memory_space<vmem>>) target(%dma_start3A_130 : memref<25x128xf32, #tpu.memory_space<vmem_shared>>) target_semaphore(%run_scoped3A : memref<!tpu.dma_semaphore, #tpu.memory_space<semaphore_mem>>)
      %dma_wait3A = arith.constant 0 : i32
      %dma_wait3A_131 = tpu.memref_slice %arg7[%add3A_27, %dma_wait3A] : memref<10000x128xf32, #tpu.memory_space<vmem_shared>> -> memref<25x128xf32, #tpu.memory_space<vmem_shared>>
      %dma_wait3A_132 = arith.constant 0 : i32
      %dma_wait3A_133 = tpu.memref_slice %arg7[%add3A_27, %dma_wait3A_132] : memref<10000x128xf32, #tpu.memory_space<vmem_shared>> -> memref<25x128xf32, #tpu.memory_space<vmem_shared>>
      tpu.wait_dma2 semaphore(%run_scoped3A : memref<!tpu.dma_semaphore, #tpu.memory_space<semaphore_mem>>) src(%arg12 : memref<25x128xf32, #tpu.memory_space<vmem>>) dst(%dma_wait3A_133 : memref<25x128xf32, #tpu.memory_space<vmem_shared>>)
      tpu.yield
    }) : () -> ()
    %mul3A_28 = arith.constant 625 : i32
    %mul3A_29 = arith.muli %arg1, %mul3A_28 : i32
    %add3A_30 = arith.constant 150 : i32
    %add3A_31 = arith.addi %mul3A_29, %add3A_30 : i32
    "tpu.region"() ({
      %run_scoped3A = tpu.sem_alloc : memref<!tpu.dma_semaphore, #tpu.memory_space<semaphore_mem>>
      %dma_start3A = arith.constant 0 : i32
      %dma_start3A_128 = tpu.memref_slice %arg7[%add3A_31, %dma_start3A] : memref<10000x128xf32, #tpu.memory_space<vmem_shared>> -> memref<25x128xf32, #tpu.memory_space<vmem_shared>>
      %dma_start3A_129 = arith.constant 0 : i32
      %dma_start3A_130 = tpu.memref_slice %arg7[%add3A_31, %dma_start3A_129] : memref<10000x128xf32, #tpu.memory_space<vmem_shared>> -> memref<25x128xf32, #tpu.memory_space<vmem_shared>>
      tpu.enqueue_dma source(%arg12 : memref<25x128xf32, #tpu.memory_space<vmem>>) target(%dma_start3A_130 : memref<25x128xf32, #tpu.memory_space<vmem_shared>>) target_semaphore(%run_scoped3A : memref<!tpu.dma_semaphore, #tpu.memory_space<semaphore_mem>>)
      %dma_wait3A = arith.constant 0 : i32
      %dma_wait3A_131 = tpu.memref_slice %arg7[%add3A_31, %dma_wait3A] : memref<10000x128xf32, #tpu.memory_space<vmem_shared>> -> memref<25x128xf32, #tpu.memory_space<vmem_shared>>
      %dma_wait3A_132 = arith.constant 0 : i32
      %dma_wait3A_133 = tpu.memref_slice %arg7[%add3A_31, %dma_wait3A_132] : memref<10000x128xf32, #tpu.memory_space<vmem_shared>> -> memref<25x128xf32, #tpu.memory_space<vmem_shared>>
      tpu.wait_dma2 semaphore(%run_scoped3A : memref<!tpu.dma_semaphore, #tpu.memory_space<semaphore_mem>>) src(%arg12 : memref<25x128xf32, #tpu.memory_space<vmem>>) dst(%dma_wait3A_133 : memref<25x128xf32, #tpu.memory_space<vmem_shared>>)
      tpu.yield
    }) : () -> ()
    %mul3A_32 = arith.constant 625 : i32
    %mul3A_33 = arith.muli %arg1, %mul3A_32 : i32
    %add3A_34 = arith.constant 175 : i32
    %add3A_35 = arith.addi %mul3A_33, %add3A_34 : i32
    "tpu.region"() ({
      %run_scoped3A = tpu.sem_alloc : memref<!tpu.dma_semaphore, #tpu.memory_space<semaphore_mem>>
      %dma_start3A = arith.constant 0 : i32
      %dma_start3A_128 = tpu.memref_slice %arg7[%add3A_35, %dma_start3A] : memref<10000x128xf32, #tpu.memory_space<vmem_shared>> -> memref<25x128xf32, #tpu.memory_space<vmem_shared>>
      %dma_start3A_129 = arith.constant 0 : i32
      %dma_start3A_130 = tpu.memref_slice %arg7[%add3A_35, %dma_start3A_129] : memref<10000x128xf32, #tpu.memory_space<vmem_shared>> -> memref<25x128xf32, #tpu.memory_space<vmem_shared>>
      tpu.enqueue_dma source(%arg12 : memref<25x128xf32, #tpu.memory_space<vmem>>) target(%dma_start3A_130 : memref<25x128xf32, #tpu.memory_space<vmem_shared>>) target_semaphore(%run_scoped3A : memref<!tpu.dma_semaphore, #tpu.memory_space<semaphore_mem>>)
      %dma_wait3A = arith.constant 0 : i32
      %dma_wait3A_131 = tpu.memref_slice %arg7[%add3A_35, %dma_wait3A] : memref<10000x128xf32, #tpu.memory_space<vmem_shared>> -> memref<25x128xf32, #tpu.memory_space<vmem_shared>>
      %dma_wait3A_132 = arith.constant 0 : i32
      %dma_wait3A_133 = tpu.memref_slice %arg7[%add3A_35, %dma_wait3A_132] : memref<10000x128xf32, #tpu.memory_space<vmem_shared>> -> memref<25x128xf32, #tpu.memory_space<vmem_shared>>
      tpu.wait_dma2 semaphore(%run_scoped3A : memref<!tpu.dma_semaphore, #tpu.memory_space<semaphore_mem>>) src(%arg12 : memref<25x128xf32, #tpu.memory_space<vmem>>) dst(%dma_wait3A_133 : memref<25x128xf32, #tpu.memory_space<vmem_shared>>)
      tpu.yield
    }) : () -> ()
    %mul3A_36 = arith.constant 625 : i32
    %mul3A_37 = arith.muli %arg1, %mul3A_36 : i32
    %add3A_38 = arith.constant 200 : i32
    %add3A_39 = arith.addi %mul3A_37, %add3A_38 : i32
    "tpu.region"() ({
      %run_scoped3A = tpu.sem_alloc : memref<!tpu.dma_semaphore, #tpu.memory_space<semaphore_mem>>
      %dma_start3A = arith.constant 0 : i32
      %dma_start3A_128 = tpu.memref_slice %arg7[%add3A_39, %dma_start3A] : memref<10000x128xf32, #tpu.memory_space<vmem_shared>> -> memref<25x128xf32, #tpu.memory_space<vmem_shared>>
      %dma_start3A_129 = arith.constant 0 : i32
      %dma_start3A_130 = tpu.memref_slice %arg7[%add3A_39, %dma_start3A_129] : memref<10000x128xf32, #tpu.memory_space<vmem_shared>> -> memref<25x128xf32, #tpu.memory_space<vmem_shared>>
      tpu.enqueue_dma source(%arg12 : memref<25x128xf32, #tpu.memory_space<vmem>>) target(%dma_start3A_130 : memref<25x128xf32, #tpu.memory_space<vmem_shared>>) target_semaphore(%run_scoped3A : memref<!tpu.dma_semaphore, #tpu.memory_space<semaphore_mem>>)
      %dma_wait3A = arith.constant 0 : i32
      %dma_wait3A_131 = tpu.memref_slice %arg7[%add3A_39, %dma_wait3A] : memref<10000x128xf32, #tpu.memory_space<vmem_shared>> -> memref<25x128xf32, #tpu.memory_space<vmem_shared>>
      %dma_wait3A_132 = arith.constant 0 : i32
      %dma_wait3A_133 = tpu.memref_slice %arg7[%add3A_39, %dma_wait3A_132] : memref<10000x128xf32, #tpu.memory_space<vmem_shared>> -> memref<25x128xf32, #tpu.memory_space<vmem_shared>>
      tpu.wait_dma2 semaphore(%run_scoped3A : memref<!tpu.dma_semaphore, #tpu.memory_space<semaphore_mem>>) src(%arg12 : memref<25x128xf32, #tpu.memory_space<vmem>>) dst(%dma_wait3A_133 : memref<25x128xf32, #tpu.memory_space<vmem_shared>>)
      tpu.yield
    }) : () -> ()
    %mul3A_40 = arith.constant 625 : i32
    %mul3A_41 = arith.muli %arg1, %mul3A_40 : i32
    %add3A_42 = arith.constant 225 : i32
    %add3A_43 = arith.addi %mul3A_41, %add3A_42 : i32
    "tpu.region"() ({
      %run_scoped3A = tpu.sem_alloc : memref<!tpu.dma_semaphore, #tpu.memory_space<semaphore_mem>>
      %dma_start3A = arith.constant 0 : i32
      %dma_start3A_128 = tpu.memref_slice %arg7[%add3A_43, %dma_start3A] : memref<10000x128xf32, #tpu.memory_space<vmem_shared>> -> memref<25x128xf32, #tpu.memory_space<vmem_shared>>
      %dma_start3A_129 = arith.constant 0 : i32
      %dma_start3A_130 = tpu.memref_slice %arg7[%add3A_43, %dma_start3A_129] : memref<10000x128xf32, #tpu.memory_space<vmem_shared>> -> memref<25x128xf32, #tpu.memory_space<vmem_shared>>
      tpu.enqueue_dma source(%arg12 : memref<25x128xf32, #tpu.memory_space<vmem>>) target(%dma_start3A_130 : memref<25x128xf32, #tpu.memory_space<vmem_shared>>) target_semaphore(%run_scoped3A : memref<!tpu.dma_semaphore, #tpu.memory_space<semaphore_mem>>)
      %dma_wait3A = arith.constant 0 : i32
      %dma_wait3A_131 = tpu.memref_slice %arg7[%add3A_43, %dma_wait3A] : memref<10000x128xf32, #tpu.memory_space<vmem_shared>> -> memref<25x128xf32, #tpu.memory_space<vmem_shared>>
      %dma_wait3A_132 = arith.constant 0 : i32
      %dma_wait3A_133 = tpu.memref_slice %arg7[%add3A_43, %dma_wait3A_132] : memref<10000x128xf32, #tpu.memory_space<vmem_shared>> -> memref<25x128xf32, #tpu.memory_space<vmem_shared>>
      tpu.wait_dma2 semaphore(%run_scoped3A : memref<!tpu.dma_semaphore, #tpu.memory_space<semaphore_mem>>) src(%arg12 : memref<25x128xf32, #tpu.memory_space<vmem>>) dst(%dma_wait3A_133 : memref<25x128xf32, #tpu.memory_space<vmem_shared>>)
      tpu.yield
    }) : () -> ()
    %mul3A_44 = arith.constant 625 : i32
    %mul3A_45 = arith.muli %arg1, %mul3A_44 : i32
    %add3A_46 = arith.constant 250 : i32
    %add3A_47 = arith.addi %mul3A_45, %add3A_46 : i32
    "tpu.region"() ({
      %run_scoped3A = tpu.sem_alloc : memref<!tpu.dma_semaphore, #tpu.memory_space<semaphore_mem>>
      %dma_start3A = arith.constant 0 : i32
      %dma_start3A_128 = tpu.memref_slice %arg7[%add3A_47, %dma_start3A] : memref<10000x128xf32, #tpu.memory_space<vmem_shared>> -> memref<25x128xf32, #tpu.memory_space<vmem_shared>>
      %dma_start3A_129 = arith.constant 0 : i32
      %dma_start3A_130 = tpu.memref_slice %arg7[%add3A_47, %dma_start3A_129] : memref<10000x128xf32, #tpu.memory_space<vmem_shared>> -> memref<25x128xf32, #tpu.memory_space<vmem_shared>>
      tpu.enqueue_dma source(%arg12 : memref<25x128xf32, #tpu.memory_space<vmem>>) target(%dma_start3A_130 : memref<25x128xf32, #tpu.memory_space<vmem_shared>>) target_semaphore(%run_scoped3A : memref<!tpu.dma_semaphore, #tpu.memory_space<semaphore_mem>>)
      %dma_wait3A = arith.constant 0 : i32
      %dma_wait3A_131 = tpu.memref_slice %arg7[%add3A_47, %dma_wait3A] : memref<10000x128xf32, #tpu.memory_space<vmem_shared>> -> memref<25x128xf32, #tpu.memory_space<vmem_shared>>
      %dma_wait3A_132 = arith.constant 0 : i32
      %dma_wait3A_133 = tpu.memref_slice %arg7[%add3A_47, %dma_wait3A_132] : memref<10000x128xf32, #tpu.memory_space<vmem_shared>> -> memref<25x128xf32, #tpu.memory_space<vmem_shared>>
      tpu.wait_dma2 semaphore(%run_scoped3A : memref<!tpu.dma_semaphore, #tpu.memory_space<semaphore_mem>>) src(%arg12 : memref<25x128xf32, #tpu.memory_space<vmem>>) dst(%dma_wait3A_133 : memref<25x128xf32, #tpu.memory_space<vmem_shared>>)
      tpu.yield
    }) : () -> ()
    %mul3A_48 = arith.constant 625 : i32
    %mul3A_49 = arith.muli %arg1, %mul3A_48 : i32
    %add3A_50 = arith.constant 275 : i32
    %add3A_51 = arith.addi %mul3A_49, %add3A_50 : i32
    "tpu.region"() ({
      %run_scoped3A = tpu.sem_alloc : memref<!tpu.dma_semaphore, #tpu.memory_space<semaphore_mem>>
      %dma_start3A = arith.constant 0 : i32
      %dma_start3A_128 = tpu.memref_slice %arg7[%add3A_51, %dma_start3A] : memref<10000x128xf32, #tpu.memory_space<vmem_shared>> -> memref<25x128xf32, #tpu.memory_space<vmem_shared>>
      %dma_start3A_129 = arith.constant 0 : i32
      %dma_start3A_130 = tpu.memref_slice %arg7[%add3A_51, %dma_start3A_129] : memref<10000x128xf32, #tpu.memory_space<vmem_shared>> -> memref<25x128xf32, #tpu.memory_space<vmem_shared>>
      tpu.enqueue_dma source(%arg12 : memref<25x128xf32, #tpu.memory_space<vmem>>) target(%dma_start3A_130 : memref<25x128xf32, #tpu.memory_space<vmem_shared>>) target_semaphore(%run_scoped3A : memref<!tpu.dma_semaphore, #tpu.memory_space<semaphore_mem>>)
      %dma_wait3A = arith.constant 0 : i32
      %dma_wait3A_131 = tpu.memref_slice %arg7[%add3A_51, %dma_wait3A] : memref<10000x128xf32, #tpu.memory_space<vmem_shared>> -> memref<25x128xf32, #tpu.memory_space<vmem_shared>>
      %dma_wait3A_132 = arith.constant 0 : i32
      %dma_wait3A_133 = tpu.memref_slice %arg7[%add3A_51, %dma_wait3A_132] : memref<10000x128xf32, #tpu.memory_space<vmem_shared>> -> memref<25x128xf32, #tpu.memory_space<vmem_shared>>
      tpu.wait_dma2 semaphore(%run_scoped3A : memref<!tpu.dma_semaphore, #tpu.memory_space<semaphore_mem>>) src(%arg12 : memref<25x128xf32, #tpu.memory_space<vmem>>) dst(%dma_wait3A_133 : memref<25x128xf32, #tpu.memory_space<vmem_shared>>)
      tpu.yield
    }) : () -> ()
    %mul3A_52 = arith.constant 625 : i32
    %mul3A_53 = arith.muli %arg1, %mul3A_52 : i32
    %add3A_54 = arith.constant 300 : i32
    %add3A_55 = arith.addi %mul3A_53, %add3A_54 : i32
    "tpu.region"() ({
      %run_scoped3A = tpu.sem_alloc : memref<!tpu.dma_semaphore, #tpu.memory_space<semaphore_mem>>
      %dma_start3A = arith.constant 0 : i32
      %dma_start3A_128 = tpu.memref_slice %arg7[%add3A_55, %dma_start3A] : memref<10000x128xf32, #tpu.memory_space<vmem_shared>> -> memref<25x128xf32, #tpu.memory_space<vmem_shared>>
      %dma_start3A_129 = arith.constant 0 : i32
      %dma_start3A_130 = tpu.memref_slice %arg7[%add3A_55, %dma_start3A_129] : memref<10000x128xf32, #tpu.memory_space<vmem_shared>> -> memref<25x128xf32, #tpu.memory_space<vmem_shared>>
      tpu.enqueue_dma source(%arg12 : memref<25x128xf32, #tpu.memory_space<vmem>>) target(%dma_start3A_130 : memref<25x128xf32, #tpu.memory_space<vmem_shared>>) target_semaphore(%run_scoped3A : memref<!tpu.dma_semaphore, #tpu.memory_space<semaphore_mem>>)
      %dma_wait3A = arith.constant 0 : i32
      %dma_wait3A_131 = tpu.memref_slice %arg7[%add3A_55, %dma_wait3A] : memref<10000x128xf32, #tpu.memory_space<vmem_shared>> -> memref<25x128xf32, #tpu.memory_space<vmem_shared>>
      %dma_wait3A_132 = arith.constant 0 : i32
      %dma_wait3A_133 = tpu.memref_slice %arg7[%add3A_55, %dma_wait3A_132] : memref<10000x128xf32, #tpu.memory_space<vmem_shared>> -> memref<25x128xf32, #tpu.memory_space<vmem_shared>>
      tpu.wait_dma2 semaphore(%run_scoped3A : memref<!tpu.dma_semaphore, #tpu.memory_space<semaphore_mem>>) src(%arg12 : memref<25x128xf32, #tpu.memory_space<vmem>>) dst(%dma_wait3A_133 : memref<25x128xf32, #tpu.memory_space<vmem_shared>>)
      tpu.yield
    }) : () -> ()
    %mul3A_56 = arith.constant 625 : i32
    %mul3A_57 = arith.muli %arg1, %mul3A_56 : i32
    %add3A_58 = arith.constant 325 : i32
    %add3A_59 = arith.addi %mul3A_57, %add3A_58 : i32
    "tpu.region"() ({
      %run_scoped3A = tpu.sem_alloc : memref<!tpu.dma_semaphore, #tpu.memory_space<semaphore_mem>>
      %dma_start3A = arith.constant 0 : i32
      %dma_start3A_128 = tpu.memref_slice %arg7[%add3A_59, %dma_start3A] : memref<10000x128xf32, #tpu.memory_space<vmem_shared>> -> memref<25x128xf32, #tpu.memory_space<vmem_shared>>
      %dma_start3A_129 = arith.constant 0 : i32
      %dma_start3A_130 = tpu.memref_slice %arg7[%add3A_59, %dma_start3A_129] : memref<10000x128xf32, #tpu.memory_space<vmem_shared>> -> memref<25x128xf32, #tpu.memory_space<vmem_shared>>
      tpu.enqueue_dma source(%arg12 : memref<25x128xf32, #tpu.memory_space<vmem>>) target(%dma_start3A_130 : memref<25x128xf32, #tpu.memory_space<vmem_shared>>) target_semaphore(%run_scoped3A : memref<!tpu.dma_semaphore, #tpu.memory_space<semaphore_mem>>)
      %dma_wait3A = arith.constant 0 : i32
      %dma_wait3A_131 = tpu.memref_slice %arg7[%add3A_59, %dma_wait3A] : memref<10000x128xf32, #tpu.memory_space<vmem_shared>> -> memref<25x128xf32, #tpu.memory_space<vmem_shared>>
      %dma_wait3A_132 = arith.constant 0 : i32
      %dma_wait3A_133 = tpu.memref_slice %arg7[%add3A_59, %dma_wait3A_132] : memref<10000x128xf32, #tpu.memory_space<vmem_shared>> -> memref<25x128xf32, #tpu.memory_space<vmem_shared>>
      tpu.wait_dma2 semaphore(%run_scoped3A : memref<!tpu.dma_semaphore, #tpu.memory_space<semaphore_mem>>) src(%arg12 : memref<25x128xf32, #tpu.memory_space<vmem>>) dst(%dma_wait3A_133 : memref<25x128xf32, #tpu.memory_space<vmem_shared>>)
      tpu.yield
    }) : () -> ()
    %mul3A_60 = arith.constant 625 : i32
    %mul3A_61 = arith.muli %arg1, %mul3A_60 : i32
    %add3A_62 = arith.constant 350 : i32
    %add3A_63 = arith.addi %mul3A_61, %add3A_62 : i32
    "tpu.region"() ({
      %run_scoped3A = tpu.sem_alloc : memref<!tpu.dma_semaphore, #tpu.memory_space<semaphore_mem>>
      %dma_start3A = arith.constant 0 : i32
      %dma_start3A_128 = tpu.memref_slice %arg7[%add3A_63, %dma_start3A] : memref<10000x128xf32, #tpu.memory_space<vmem_shared>> -> memref<25x128xf32, #tpu.memory_space<vmem_shared>>
      %dma_start3A_129 = arith.constant 0 : i32
      %dma_start3A_130 = tpu.memref_slice %arg7[%add3A_63, %dma_start3A_129] : memref<10000x128xf32, #tpu.memory_space<vmem_shared>> -> memref<25x128xf32, #tpu.memory_space<vmem_shared>>
      tpu.enqueue_dma source(%arg12 : memref<25x128xf32, #tpu.memory_space<vmem>>) target(%dma_start3A_130 : memref<25x128xf32, #tpu.memory_space<vmem_shared>>) target_semaphore(%run_scoped3A : memref<!tpu.dma_semaphore, #tpu.memory_space<semaphore_mem>>)
      %dma_wait3A = arith.constant 0 : i32
      %dma_wait3A_131 = tpu.memref_slice %arg7[%add3A_63, %dma_wait3A] : memref<10000x128xf32, #tpu.memory_space<vmem_shared>> -> memref<25x128xf32, #tpu.memory_space<vmem_shared>>
      %dma_wait3A_132 = arith.constant 0 : i32
      %dma_wait3A_133 = tpu.memref_slice %arg7[%add3A_63, %dma_wait3A_132] : memref<10000x128xf32, #tpu.memory_space<vmem_shared>> -> memref<25x128xf32, #tpu.memory_space<vmem_shared>>
      tpu.wait_dma2 semaphore(%run_scoped3A : memref<!tpu.dma_semaphore, #tpu.memory_space<semaphore_mem>>) src(%arg12 : memref<25x128xf32, #tpu.memory_space<vmem>>) dst(%dma_wait3A_133 : memref<25x128xf32, #tpu.memory_space<vmem_shared>>)
      tpu.yield
    }) : () -> ()
    %mul3A_64 = arith.constant 625 : i32
    %mul3A_65 = arith.muli %arg1, %mul3A_64 : i32
    %add3A_66 = arith.constant 375 : i32
    %add3A_67 = arith.addi %mul3A_65, %add3A_66 : i32
    "tpu.region"() ({
      %run_scoped3A = tpu.sem_alloc : memref<!tpu.dma_semaphore, #tpu.memory_space<semaphore_mem>>
      %dma_start3A = arith.constant 0 : i32
      %dma_start3A_128 = tpu.memref_slice %arg7[%add3A_67, %dma_start3A] : memref<10000x128xf32, #tpu.memory_space<vmem_shared>> -> memref<25x128xf32, #tpu.memory_space<vmem_shared>>
      %dma_start3A_129 = arith.constant 0 : i32
      %dma_start3A_130 = tpu.memref_slice %arg7[%add3A_67, %dma_start3A_129] : memref<10000x128xf32, #tpu.memory_space<vmem_shared>> -> memref<25x128xf32, #tpu.memory_space<vmem_shared>>
      tpu.enqueue_dma source(%arg12 : memref<25x128xf32, #tpu.memory_space<vmem>>) target(%dma_start3A_130 : memref<25x128xf32, #tpu.memory_space<vmem_shared>>) target_semaphore(%run_scoped3A : memref<!tpu.dma_semaphore, #tpu.memory_space<semaphore_mem>>)
      %dma_wait3A = arith.constant 0 : i32
      %dma_wait3A_131 = tpu.memref_slice %arg7[%add3A_67, %dma_wait3A] : memref<10000x128xf32, #tpu.memory_space<vmem_shared>> -> memref<25x128xf32, #tpu.memory_space<vmem_shared>>
      %dma_wait3A_132 = arith.constant 0 : i32
      %dma_wait3A_133 = tpu.memref_slice %arg7[%add3A_67, %dma_wait3A_132] : memref<10000x128xf32, #tpu.memory_space<vmem_shared>> -> memref<25x128xf32, #tpu.memory_space<vmem_shared>>
      tpu.wait_dma2 semaphore(%run_scoped3A : memref<!tpu.dma_semaphore, #tpu.memory_space<semaphore_mem>>) src(%arg12 : memref<25x128xf32, #tpu.memory_space<vmem>>) dst(%dma_wait3A_133 : memref<25x128xf32, #tpu.memory_space<vmem_shared>>)
      tpu.yield
    }) : () -> ()
    %mul3A_68 = arith.constant 625 : i32
    %mul3A_69 = arith.muli %arg1, %mul3A_68 : i32
    %add3A_70 = arith.constant 400 : i32
    %add3A_71 = arith.addi %mul3A_69, %add3A_70 : i32
    "tpu.region"() ({
      %run_scoped3A = tpu.sem_alloc : memref<!tpu.dma_semaphore, #tpu.memory_space<semaphore_mem>>
      %dma_start3A = arith.constant 0 : i32
      %dma_start3A_128 = tpu.memref_slice %arg7[%add3A_71, %dma_start3A] : memref<10000x128xf32, #tpu.memory_space<vmem_shared>> -> memref<25x128xf32, #tpu.memory_space<vmem_shared>>
      %dma_start3A_129 = arith.constant 0 : i32
      %dma_start3A_130 = tpu.memref_slice %arg7[%add3A_71, %dma_start3A_129] : memref<10000x128xf32, #tpu.memory_space<vmem_shared>> -> memref<25x128xf32, #tpu.memory_space<vmem_shared>>
      tpu.enqueue_dma source(%arg12 : memref<25x128xf32, #tpu.memory_space<vmem>>) target(%dma_start3A_130 : memref<25x128xf32, #tpu.memory_space<vmem_shared>>) target_semaphore(%run_scoped3A : memref<!tpu.dma_semaphore, #tpu.memory_space<semaphore_mem>>)
      %dma_wait3A = arith.constant 0 : i32
      %dma_wait3A_131 = tpu.memref_slice %arg7[%add3A_71, %dma_wait3A] : memref<10000x128xf32, #tpu.memory_space<vmem_shared>> -> memref<25x128xf32, #tpu.memory_space<vmem_shared>>
      %dma_wait3A_132 = arith.constant 0 : i32
      %dma_wait3A_133 = tpu.memref_slice %arg7[%add3A_71, %dma_wait3A_132] : memref<10000x128xf32, #tpu.memory_space<vmem_shared>> -> memref<25x128xf32, #tpu.memory_space<vmem_shared>>
      tpu.wait_dma2 semaphore(%run_scoped3A : memref<!tpu.dma_semaphore, #tpu.memory_space<semaphore_mem>>) src(%arg12 : memref<25x128xf32, #tpu.memory_space<vmem>>) dst(%dma_wait3A_133 : memref<25x128xf32, #tpu.memory_space<vmem_shared>>)
      tpu.yield
    }) : () -> ()
    %mul3A_72 = arith.constant 625 : i32
    %mul3A_73 = arith.muli %arg1, %mul3A_72 : i32
    %add3A_74 = arith.constant 425 : i32
    %add3A_75 = arith.addi %mul3A_73, %add3A_74 : i32
    "tpu.region"() ({
      %run_scoped3A = tpu.sem_alloc : memref<!tpu.dma_semaphore, #tpu.memory_space<semaphore_mem>>
      %dma_start3A = arith.constant 0 : i32
      %dma_start3A_128 = tpu.memref_slice %arg7[%add3A_75, %dma_start3A] : memref<10000x128xf32, #tpu.memory_space<vmem_shared>> -> memref<25x128xf32, #tpu.memory_space<vmem_shared>>
      %dma_start3A_129 = arith.constant 0 : i32
      %dma_start3A_130 = tpu.memref_slice %arg7[%add3A_75, %dma_start3A_129] : memref<10000x128xf32, #tpu.memory_space<vmem_shared>> -> memref<25x128xf32, #tpu.memory_space<vmem_shared>>
      tpu.enqueue_dma source(%arg12 : memref<25x128xf32, #tpu.memory_space<vmem>>) target(%dma_start3A_130 : memref<25x128xf32, #tpu.memory_space<vmem_shared>>) target_semaphore(%run_scoped3A : memref<!tpu.dma_semaphore, #tpu.memory_space<semaphore_mem>>)
      %dma_wait3A = arith.constant 0 : i32
      %dma_wait3A_131 = tpu.memref_slice %arg7[%add3A_75, %dma_wait3A] : memref<10000x128xf32, #tpu.memory_space<vmem_shared>> -> memref<25x128xf32, #tpu.memory_space<vmem_shared>>
      %dma_wait3A_132 = arith.constant 0 : i32
      %dma_wait3A_133 = tpu.memref_slice %arg7[%add3A_75, %dma_wait3A_132] : memref<10000x128xf32, #tpu.memory_space<vmem_shared>> -> memref<25x128xf32, #tpu.memory_space<vmem_shared>>
      tpu.wait_dma2 semaphore(%run_scoped3A : memref<!tpu.dma_semaphore, #tpu.memory_space<semaphore_mem>>) src(%arg12 : memref<25x128xf32, #tpu.memory_space<vmem>>) dst(%dma_wait3A_133 : memref<25x128xf32, #tpu.memory_space<vmem_shared>>)
      tpu.yield
    }) : () -> ()
    %mul3A_76 = arith.constant 625 : i32
    %mul3A_77 = arith.muli %arg1, %mul3A_76 : i32
    %add3A_78 = arith.constant 450 : i32
    %add3A_79 = arith.addi %mul3A_77, %add3A_78 : i32
    "tpu.region"() ({
      %run_scoped3A = tpu.sem_alloc : memref<!tpu.dma_semaphore, #tpu.memory_space<semaphore_mem>>
      %dma_start3A = arith.constant 0 : i32
      %dma_start3A_128 = tpu.memref_slice %arg7[%add3A_79, %dma_start3A] : memref<10000x128xf32, #tpu.memory_space<vmem_shared>> -> memref<25x128xf32, #tpu.memory_space<vmem_shared>>
      %dma_start3A_129 = arith.constant 0 : i32
      %dma_start3A_130 = tpu.memref_slice %arg7[%add3A_79, %dma_start3A_129] : memref<10000x128xf32, #tpu.memory_space<vmem_shared>> -> memref<25x128xf32, #tpu.memory_space<vmem_shared>>
      tpu.enqueue_dma source(%arg12 : memref<25x128xf32, #tpu.memory_space<vmem>>) target(%dma_start3A_130 : memref<25x128xf32, #tpu.memory_space<vmem_shared>>) target_semaphore(%run_scoped3A : memref<!tpu.dma_semaphore, #tpu.memory_space<semaphore_mem>>)
      %dma_wait3A = arith.constant 0 : i32
      %dma_wait3A_131 = tpu.memref_slice %arg7[%add3A_79, %dma_wait3A] : memref<10000x128xf32, #tpu.memory_space<vmem_shared>> -> memref<25x128xf32, #tpu.memory_space<vmem_shared>>
      %dma_wait3A_132 = arith.constant 0 : i32
      %dma_wait3A_133 = tpu.memref_slice %arg7[%add3A_79, %dma_wait3A_132] : memref<10000x128xf32, #tpu.memory_space<vmem_shared>> -> memref<25x128xf32, #tpu.memory_space<vmem_shared>>
      tpu.wait_dma2 semaphore(%run_scoped3A : memref<!tpu.dma_semaphore, #tpu.memory_space<semaphore_mem>>) src(%arg12 : memref<25x128xf32, #tpu.memory_space<vmem>>) dst(%dma_wait3A_133 : memref<25x128xf32, #tpu.memory_space<vmem_shared>>)
      tpu.yield
    }) : () -> ()
    %mul3A_80 = arith.constant 625 : i32
    %mul3A_81 = arith.muli %arg1, %mul3A_80 : i32
    %add3A_82 = arith.constant 475 : i32
    %add3A_83 = arith.addi %mul3A_81, %add3A_82 : i32
    "tpu.region"() ({
      %run_scoped3A = tpu.sem_alloc : memref<!tpu.dma_semaphore, #tpu.memory_space<semaphore_mem>>
      %dma_start3A = arith.constant 0 : i32
      %dma_start3A_128 = tpu.memref_slice %arg7[%add3A_83, %dma_start3A] : memref<10000x128xf32, #tpu.memory_space<vmem_shared>> -> memref<25x128xf32, #tpu.memory_space<vmem_shared>>
      %dma_start3A_129 = arith.constant 0 : i32
      %dma_start3A_130 = tpu.memref_slice %arg7[%add3A_83, %dma_start3A_129] : memref<10000x128xf32, #tpu.memory_space<vmem_shared>> -> memref<25x128xf32, #tpu.memory_space<vmem_shared>>
      tpu.enqueue_dma source(%arg12 : memref<25x128xf32, #tpu.memory_space<vmem>>) target(%dma_start3A_130 : memref<25x128xf32, #tpu.memory_space<vmem_shared>>) target_semaphore(%run_scoped3A : memref<!tpu.dma_semaphore, #tpu.memory_space<semaphore_mem>>)
      %dma_wait3A = arith.constant 0 : i32
      %dma_wait3A_131 = tpu.memref_slice %arg7[%add3A_83, %dma_wait3A] : memref<10000x128xf32, #tpu.memory_space<vmem_shared>> -> memref<25x128xf32, #tpu.memory_space<vmem_shared>>
      %dma_wait3A_132 = arith.constant 0 : i32
      %dma_wait3A_133 = tpu.memref_slice %arg7[%add3A_83, %dma_wait3A_132] : memref<10000x128xf32, #tpu.memory_space<vmem_shared>> -> memref<25x128xf32, #tpu.memory_space<vmem_shared>>
      tpu.wait_dma2 semaphore(%run_scoped3A : memref<!tpu.dma_semaphore, #tpu.memory_space<semaphore_mem>>) src(%arg12 : memref<25x128xf32, #tpu.memory_space<vmem>>) dst(%dma_wait3A_133 : memref<25x128xf32, #tpu.memory_space<vmem_shared>>)
      tpu.yield
    }) : () -> ()
    %mul3A_84 = arith.constant 625 : i32
    %mul3A_85 = arith.muli %arg1, %mul3A_84 : i32
    %add3A_86 = arith.constant 500 : i32
    %add3A_87 = arith.addi %mul3A_85, %add3A_86 : i32
    "tpu.region"() ({
      %run_scoped3A = tpu.sem_alloc : memref<!tpu.dma_semaphore, #tpu.memory_space<semaphore_mem>>
      %dma_start3A = arith.constant 0 : i32
      %dma_start3A_128 = tpu.memref_slice %arg7[%add3A_87, %dma_start3A] : memref<10000x128xf32, #tpu.memory_space<vmem_shared>> -> memref<25x128xf32, #tpu.memory_space<vmem_shared>>
      %dma_start3A_129 = arith.constant 0 : i32
      %dma_start3A_130 = tpu.memref_slice %arg7[%add3A_87, %dma_start3A_129] : memref<10000x128xf32, #tpu.memory_space<vmem_shared>> -> memref<25x128xf32, #tpu.memory_space<vmem_shared>>
      tpu.enqueue_dma source(%arg12 : memref<25x128xf32, #tpu.memory_space<vmem>>) target(%dma_start3A_130 : memref<25x128xf32, #tpu.memory_space<vmem_shared>>) target_semaphore(%run_scoped3A : memref<!tpu.dma_semaphore, #tpu.memory_space<semaphore_mem>>)
      %dma_wait3A = arith.constant 0 : i32
      %dma_wait3A_131 = tpu.memref_slice %arg7[%add3A_87, %dma_wait3A] : memref<10000x128xf32, #tpu.memory_space<vmem_shared>> -> memref<25x128xf32, #tpu.memory_space<vmem_shared>>
      %dma_wait3A_132 = arith.constant 0 : i32
      %dma_wait3A_133 = tpu.memref_slice %arg7[%add3A_87, %dma_wait3A_132] : memref<10000x128xf32, #tpu.memory_space<vmem_shared>> -> memref<25x128xf32, #tpu.memory_space<vmem_shared>>
      tpu.wait_dma2 semaphore(%run_scoped3A : memref<!tpu.dma_semaphore, #tpu.memory_space<semaphore_mem>>) src(%arg12 : memref<25x128xf32, #tpu.memory_space<vmem>>) dst(%dma_wait3A_133 : memref<25x128xf32, #tpu.memory_space<vmem_shared>>)
      tpu.yield
    }) : () -> ()
    %mul3A_88 = arith.constant 625 : i32
    %mul3A_89 = arith.muli %arg1, %mul3A_88 : i32
    %add3A_90 = arith.constant 525 : i32
    %add3A_91 = arith.addi %mul3A_89, %add3A_90 : i32
    "tpu.region"() ({
      %run_scoped3A = tpu.sem_alloc : memref<!tpu.dma_semaphore, #tpu.memory_space<semaphore_mem>>
      %dma_start3A = arith.constant 0 : i32
      %dma_start3A_128 = tpu.memref_slice %arg7[%add3A_91, %dma_start3A] : memref<10000x128xf32, #tpu.memory_space<vmem_shared>> -> memref<25x128xf32, #tpu.memory_space<vmem_shared>>
      %dma_start3A_129 = arith.constant 0 : i32
      %dma_start3A_130 = tpu.memref_slice %arg7[%add3A_91, %dma_start3A_129] : memref<10000x128xf32, #tpu.memory_space<vmem_shared>> -> memref<25x128xf32, #tpu.memory_space<vmem_shared>>
      tpu.enqueue_dma source(%arg12 : memref<25x128xf32, #tpu.memory_space<vmem>>) target(%dma_start3A_130 : memref<25x128xf32, #tpu.memory_space<vmem_shared>>) target_semaphore(%run_scoped3A : memref<!tpu.dma_semaphore, #tpu.memory_space<semaphore_mem>>)
      %dma_wait3A = arith.constant 0 : i32
      %dma_wait3A_131 = tpu.memref_slice %arg7[%add3A_91, %dma_wait3A] : memref<10000x128xf32, #tpu.memory_space<vmem_shared>> -> memref<25x128xf32, #tpu.memory_space<vmem_shared>>
      %dma_wait3A_132 = arith.constant 0 : i32
      %dma_wait3A_133 = tpu.memref_slice %arg7[%add3A_91, %dma_wait3A_132] : memref<10000x128xf32, #tpu.memory_space<vmem_shared>> -> memref<25x128xf32, #tpu.memory_space<vmem_shared>>
      tpu.wait_dma2 semaphore(%run_scoped3A : memref<!tpu.dma_semaphore, #tpu.memory_space<semaphore_mem>>) src(%arg12 : memref<25x128xf32, #tpu.memory_space<vmem>>) dst(%dma_wait3A_133 : memref<25x128xf32, #tpu.memory_space<vmem_shared>>)
      tpu.yield
    }) : () -> ()
    %mul3A_92 = arith.constant 625 : i32
    %mul3A_93 = arith.muli %arg1, %mul3A_92 : i32
    %add3A_94 = arith.constant 550 : i32
    %add3A_95 = arith.addi %mul3A_93, %add3A_94 : i32
    "tpu.region"() ({
      %run_scoped3A = tpu.sem_alloc : memref<!tpu.dma_semaphore, #tpu.memory_space<semaphore_mem>>
      %dma_start3A = arith.constant 0 : i32
      %dma_start3A_128 = tpu.memref_slice %arg7[%add3A_95, %dma_start3A] : memref<10000x128xf32, #tpu.memory_space<vmem_shared>> -> memref<25x128xf32, #tpu.memory_space<vmem_shared>>
      %dma_start3A_129 = arith.constant 0 : i32
      %dma_start3A_130 = tpu.memref_slice %arg7[%add3A_95, %dma_start3A_129] : memref<10000x128xf32, #tpu.memory_space<vmem_shared>> -> memref<25x128xf32, #tpu.memory_space<vmem_shared>>
      tpu.enqueue_dma source(%arg12 : memref<25x128xf32, #tpu.memory_space<vmem>>) target(%dma_start3A_130 : memref<25x128xf32, #tpu.memory_space<vmem_shared>>) target_semaphore(%run_scoped3A : memref<!tpu.dma_semaphore, #tpu.memory_space<semaphore_mem>>)
      %dma_wait3A = arith.constant 0 : i32
      %dma_wait3A_131 = tpu.memref_slice %arg7[%add3A_95, %dma_wait3A] : memref<10000x128xf32, #tpu.memory_space<vmem_shared>> -> memref<25x128xf32, #tpu.memory_space<vmem_shared>>
      %dma_wait3A_132 = arith.constant 0 : i32
      %dma_wait3A_133 = tpu.memref_slice %arg7[%add3A_95, %dma_wait3A_132] : memref<10000x128xf32, #tpu.memory_space<vmem_shared>> -> memref<25x128xf32, #tpu.memory_space<vmem_shared>>
      tpu.wait_dma2 semaphore(%run_scoped3A : memref<!tpu.dma_semaphore, #tpu.memory_space<semaphore_mem>>) src(%arg12 : memref<25x128xf32, #tpu.memory_space<vmem>>) dst(%dma_wait3A_133 : memref<25x128xf32, #tpu.memory_space<vmem_shared>>)
      tpu.yield
    }) : () -> ()
    %mul3A_96 = arith.constant 625 : i32
    %mul3A_97 = arith.muli %arg1, %mul3A_96 : i32
    %add3A_98 = arith.constant 575 : i32
    %add3A_99 = arith.addi %mul3A_97, %add3A_98 : i32
    "tpu.region"() ({
      %run_scoped3A = tpu.sem_alloc : memref<!tpu.dma_semaphore, #tpu.memory_space<semaphore_mem>>
      %dma_start3A = arith.constant 0 : i32
      %dma_start3A_128 = tpu.memref_slice %arg7[%add3A_99, %dma_start3A] : memref<10000x128xf32, #tpu.memory_space<vmem_shared>> -> memref<25x128xf32, #tpu.memory_space<vmem_shared>>
      %dma_start3A_129 = arith.constant 0 : i32
      %dma_start3A_130 = tpu.memref_slice %arg7[%add3A_99, %dma_start3A_129] : memref<10000x128xf32, #tpu.memory_space<vmem_shared>> -> memref<25x128xf32, #tpu.memory_space<vmem_shared>>
      tpu.enqueue_dma source(%arg12 : memref<25x128xf32, #tpu.memory_space<vmem>>) target(%dma_start3A_130 : memref<25x128xf32, #tpu.memory_space<vmem_shared>>) target_semaphore(%run_scoped3A : memref<!tpu.dma_semaphore, #tpu.memory_space<semaphore_mem>>)
      %dma_wait3A = arith.constant 0 : i32
      %dma_wait3A_131 = tpu.memref_slice %arg7[%add3A_99, %dma_wait3A] : memref<10000x128xf32, #tpu.memory_space<vmem_shared>> -> memref<25x128xf32, #tpu.memory_space<vmem_shared>>
      %dma_wait3A_132 = arith.constant 0 : i32
      %dma_wait3A_133 = tpu.memref_slice %arg7[%add3A_99, %dma_wait3A_132] : memref<10000x128xf32, #tpu.memory_space<vmem_shared>> -> memref<25x128xf32, #tpu.memory_space<vmem_shared>>
      tpu.wait_dma2 semaphore(%run_scoped3A : memref<!tpu.dma_semaphore, #tpu.memory_space<semaphore_mem>>) src(%arg12 : memref<25x128xf32, #tpu.memory_space<vmem>>) dst(%dma_wait3A_133 : memref<25x128xf32, #tpu.memory_space<vmem_shared>>)
      tpu.yield
    }) : () -> ()
    %mul3A_100 = arith.constant 625 : i32
    %mul3A_101 = arith.muli %arg1, %mul3A_100 : i32
    %add3A_102 = arith.constant 600 : i32
    %add3A_103 = arith.addi %mul3A_101, %add3A_102 : i32
    "tpu.region"() ({
      %run_scoped3A = tpu.sem_alloc : memref<!tpu.dma_semaphore, #tpu.memory_space<semaphore_mem>>
      %dma_start3A = arith.constant 0 : i32
      %dma_start3A_128 = tpu.memref_slice %arg7[%add3A_103, %dma_start3A] : memref<10000x128xf32, #tpu.memory_space<vmem_shared>> -> memref<25x128xf32, #tpu.memory_space<vmem_shared>>
      %dma_start3A_129 = arith.constant 0 : i32
      %dma_start3A_130 = tpu.memref_slice %arg7[%add3A_103, %dma_start3A_129] : memref<10000x128xf32, #tpu.memory_space<vmem_shared>> -> memref<25x128xf32, #tpu.memory_space<vmem_shared>>
      tpu.enqueue_dma source(%arg12 : memref<25x128xf32, #tpu.memory_space<vmem>>) target(%dma_start3A_130 : memref<25x128xf32, #tpu.memory_space<vmem_shared>>) target_semaphore(%run_scoped3A : memref<!tpu.dma_semaphore, #tpu.memory_space<semaphore_mem>>)
      %dma_wait3A = arith.constant 0 : i32
      %dma_wait3A_131 = tpu.memref_slice %arg7[%add3A_103, %dma_wait3A] : memref<10000x128xf32, #tpu.memory_space<vmem_shared>> -> memref<25x128xf32, #tpu.memory_space<vmem_shared>>
      %dma_wait3A_132 = arith.constant 0 : i32
      %dma_wait3A_133 = tpu.memref_slice %arg7[%add3A_103, %dma_wait3A_132] : memref<10000x128xf32, #tpu.memory_space<vmem_shared>> -> memref<25x128xf32, #tpu.memory_space<vmem_shared>>
      tpu.wait_dma2 semaphore(%run_scoped3A : memref<!tpu.dma_semaphore, #tpu.memory_space<semaphore_mem>>) src(%arg12 : memref<25x128xf32, #tpu.memory_space<vmem>>) dst(%dma_wait3A_133 : memref<25x128xf32, #tpu.memory_space<vmem_shared>>)
      tpu.yield
    }) : () -> ()
    %barrier3A = arith.constant 0 : index
    tpu.barrier barrier_id(%barrier3A)
    %mul3A_104 = arith.constant 16 : i32
    %mul3A_105 = arith.muli %arg0, %mul3A_104 : i32
    %add3A_106 = arith.addi %mul3A_105, %arg1 : i32
    %mul3A_107 = arith.constant 125 : i32
    %mul3A_108 = arith.muli %add3A_106, %mul3A_107 : i32
    "tpu.region"() ({
      %run_scoped3A = tpu.sem_alloc : memref<!tpu.dma_semaphore, #tpu.memory_space<semaphore_mem>>
      %dma_start3A = arith.constant 0 : i32
      %dma_start3A_128 = tpu.memref_slice %arg3[%mul3A_108, %dma_start3A] : memref<4000x80xi32, #tpu.memory_space<hbm>> -> memref<125x80xi32, #tpu.memory_space<hbm>>
      %dma_start3A_129 = arith.constant 0 : i32
      %dma_start3A_130 = tpu.memref_slice %arg3[%mul3A_108, %dma_start3A_129] : memref<4000x80xi32, #tpu.memory_space<hbm>> -> memref<125x80xi32, #tpu.memory_space<hbm>>
      tpu.enqueue_dma source(%dma_start3A_130 : memref<125x80xi32, #tpu.memory_space<hbm>>) target(%arg8 : memref<125x80xi32, #tpu.memory_space<vmem>>) target_semaphore(%run_scoped3A : memref<!tpu.dma_semaphore, #tpu.memory_space<semaphore_mem>>)
      %dma_wait3A = arith.constant 0 : i32
      %dma_wait3A_131 = tpu.memref_slice %arg3[%mul3A_108, %dma_wait3A] : memref<4000x80xi32, #tpu.memory_space<hbm>> -> memref<125x80xi32, #tpu.memory_space<hbm>>
      %dma_wait3A_132 = arith.constant 0 : i32
      %dma_wait3A_133 = tpu.memref_slice %arg3[%mul3A_108, %dma_wait3A_132] : memref<4000x80xi32, #tpu.memory_space<hbm>> -> memref<125x80xi32, #tpu.memory_space<hbm>>
      tpu.wait_dma2 semaphore(%run_scoped3A : memref<!tpu.dma_semaphore, #tpu.memory_space<semaphore_mem>>) src(%dma_wait3A_133 : memref<125x80xi32, #tpu.memory_space<hbm>>) dst(%arg8 : memref<125x80xi32, #tpu.memory_space<vmem>>)
      tpu.yield
    }) : () -> ()
    %mul3A_109 = arith.constant 125 : i32
    %mul3A_110 = arith.muli %add3A_106, %mul3A_109 : i32
    "tpu.region"() ({
      %run_scoped3A = tpu.sem_alloc : memref<!tpu.dma_semaphore, #tpu.memory_space<semaphore_mem>>
      %dma_start3A = arith.constant 0 : i32
      %dma_start3A_128 = tpu.memref_slice %arg4[%mul3A_110, %dma_start3A] : memref<4000x80xf32, #tpu.memory_space<hbm>> -> memref<125x80xf32, #tpu.memory_space<hbm>>
      %dma_start3A_129 = arith.constant 0 : i32
      %dma_start3A_130 = tpu.memref_slice %arg4[%mul3A_110, %dma_start3A_129] : memref<4000x80xf32, #tpu.memory_space<hbm>> -> memref<125x80xf32, #tpu.memory_space<hbm>>
      tpu.enqueue_dma source(%dma_start3A_130 : memref<125x80xf32, #tpu.memory_space<hbm>>) target(%arg9 : memref<125x80xf32, #tpu.memory_space<vmem>>) target_semaphore(%run_scoped3A : memref<!tpu.dma_semaphore, #tpu.memory_space<semaphore_mem>>)
      %dma_wait3A = arith.constant 0 : i32
      %dma_wait3A_131 = tpu.memref_slice %arg4[%mul3A_110, %dma_wait3A] : memref<4000x80xf32, #tpu.memory_space<hbm>> -> memref<125x80xf32, #tpu.memory_space<hbm>>
      %dma_wait3A_132 = arith.constant 0 : i32
      %dma_wait3A_133 = tpu.memref_slice %arg4[%mul3A_110, %dma_wait3A_132] : memref<4000x80xf32, #tpu.memory_space<hbm>> -> memref<125x80xf32, #tpu.memory_space<hbm>>
      tpu.wait_dma2 semaphore(%run_scoped3A : memref<!tpu.dma_semaphore, #tpu.memory_space<semaphore_mem>>) src(%dma_wait3A_133 : memref<125x80xf32, #tpu.memory_space<hbm>>) dst(%arg9 : memref<125x80xf32, #tpu.memory_space<vmem>>)
      tpu.yield
    }) : () -> ()
    %mul3A_111 = arith.constant 125 : i32
    %mul3A_112 = arith.muli %add3A_106, %mul3A_111 : i32
    "tpu.region"() ({
      %run_scoped3A = tpu.sem_alloc : memref<!tpu.dma_semaphore, #tpu.memory_space<semaphore_mem>>
      %dma_start3A = arith.constant 0 : i32
      %dma_start3A_128 = tpu.memref_slice %arg5[%mul3A_112, %dma_start3A] : memref<4000x80xi32, #tpu.memory_space<hbm>> -> memref<125x80xi32, #tpu.memory_space<hbm>>
      %dma_start3A_129 = arith.constant 0 : i32
      %dma_start3A_130 = tpu.memref_slice %arg5[%mul3A_112, %dma_start3A_129] : memref<4000x80xi32, #tpu.memory_space<hbm>> -> memref<125x80xi32, #tpu.memory_space<hbm>>
      tpu.enqueue_dma source(%dma_start3A_130 : memref<125x80xi32, #tpu.memory_space<hbm>>) target(%arg10 : memref<125x80xi32, #tpu.memory_space<vmem>>) target_semaphore(%run_scoped3A : memref<!tpu.dma_semaphore, #tpu.memory_space<semaphore_mem>>)
      %dma_wait3A = arith.constant 0 : i32
      %dma_wait3A_131 = tpu.memref_slice %arg5[%mul3A_112, %dma_wait3A] : memref<4000x80xi32, #tpu.memory_space<hbm>> -> memref<125x80xi32, #tpu.memory_space<hbm>>
      %dma_wait3A_132 = arith.constant 0 : i32
      %dma_wait3A_133 = tpu.memref_slice %arg5[%mul3A_112, %dma_wait3A_132] : memref<4000x80xi32, #tpu.memory_space<hbm>> -> memref<125x80xi32, #tpu.memory_space<hbm>>
      tpu.wait_dma2 semaphore(%run_scoped3A : memref<!tpu.dma_semaphore, #tpu.memory_space<semaphore_mem>>) src(%dma_wait3A_133 : memref<125x80xi32, #tpu.memory_space<hbm>>) dst(%arg10 : memref<125x80xi32, #tpu.memory_space<vmem>>)
      tpu.yield
    }) : () -> ()
    %scan3A_113 = arith.constant 0 : i32
    %scan3A_114 = arith.constant 0 : i32
    %scan3A_115 = arith.constant 125 : i32
    %scan3A_116 = arith.addi %scan3A_114, %scan3A_115 : i32
    %scan3A_117 = arith.constant 1 : i32
    %scan3A_118 = scf.for %scan3A_128 = %scan3A_114 to %scan3A_116 step %scan3A_117 iter_args(%scan3A_129 = %scan3A_113) -> (i32)  : i32 {
      %dma_start3A = arith.constant 0 : i32
      %dma_start3A_130 = tpu.memref_slice %arg8[%scan3A_128, %dma_start3A] : memref<125x80xi32, #tpu.memory_space<vmem>> -> memref<1x80xi32, #tpu.memory_space<vmem>>
      %dma_start3A_131 = tpu.memref_squeeze %dma_start3A_130 : memref<1x80xi32, #tpu.memory_space<vmem>> -> memref<80xi32, #tpu.memory_space<vmem>>
      %dma_start3A_132 = arith.constant 0 : i32
      %dma_start3A_133 = arith.constant 0 : i32
      %dma_start3A_134 = tpu.memref_slice %arg2[%dma_start3A_132, %dma_start3A_133] : memref<80000x128xf32, #tpu.memory_space<hbm>> -> memref<80000x128xf32, #tpu.memory_space<hbm>>
      tpu.enqueue_indirect_dma source(%dma_start3A_134 : memref<80000x128xf32, #tpu.memory_space<hbm>>) target(%arg11 : memref<80x128xf32, #tpu.memory_space<vmem>>) offsets(%dma_start3A_131 : memref<80xi32, #tpu.memory_space<vmem>>) semaphore(%arg13 : memref<!tpu.dma_semaphore, #tpu.memory_space<semaphore_mem>>)
      %dma_wait3A = arith.constant 0 : i32
      %dma_wait3A_135 = tpu.memref_slice %arg8[%scan3A_128, %dma_wait3A] : memref<125x80xi32, #tpu.memory_space<vmem>> -> memref<1x80xi32, #tpu.memory_space<vmem>>
      %dma_wait3A_136 = tpu.memref_squeeze %dma_wait3A_135 : memref<1x80xi32, #tpu.memory_space<vmem>> -> memref<80xi32, #tpu.memory_space<vmem>>
      %dma_wait3A_137 = arith.constant 0 : i32
      %dma_wait3A_138 = arith.constant 0 : i32
      %dma_wait3A_139 = tpu.memref_slice %arg2[%dma_wait3A_137, %dma_wait3A_138] : memref<80000x128xf32, #tpu.memory_space<hbm>> -> memref<80000x128xf32, #tpu.memory_space<hbm>>
      tpu.wait_indirect_dma semaphore(%arg13 : memref<!tpu.dma_semaphore, #tpu.memory_space<semaphore_mem>>) src(%dma_wait3A_139 : memref<80000x128xf32, #tpu.memory_space<hbm>>) dst(%arg11 : memref<80x128xf32, #tpu.memory_space<vmem>>)
      %broadcast_in_dim3A = vector.broadcast %scan3A_128 : i32 to vector<16xi32>
      %scan3A_140 = arith.constant 0 : i32
      %scan3A_141 = arith.constant 0 : i32
      %scan3A_142 = arith.constant 80 : i32
      %scan3A_143 = arith.addi %scan3A_141, %scan3A_142 : i32
      %scan3A_144 = arith.constant 1 : i32
      %scan3A_145 = scf.for %scan3A_148 = %scan3A_141 to %scan3A_143 step %scan3A_144 iter_args(%scan3A_149 = %scan3A_140) -> (i32)  : i32 {
        %broadcast_in_dim3A_150 = vector.broadcast %scan3A_148 : i32 to vector<16xi32>
        %gather3A = tpu.vector_load_idx %arg9[%broadcast_in_dim3A, %broadcast_in_dim3A_150] : memref<125x80xf32, #tpu.memory_space<vmem>>[vector<16xi32>, vector<16xi32>], vector<16xf32>,
        %get3A = arith.index_cast %scan3A_148 : i32 to index
        %get3A_151 = arith.constant 0 : index
        %get3A_152 = tpu.vector_load %arg11[%get3A, %get3A_151] {strides = array<i32>} : memref<80x128xf32, #tpu.memory_space<vmem>>, vector<16xf32>,
        %mul3A_153 = arith.mulf %get3A_152, %gather3A : vector<16xf32>
        %swap3A = arith.index_cast %scan3A_148 : i32 to index
        %swap3A_154 = arith.constant 0 : index
        %swap3A_155 = tpu.vector_load %arg11[%swap3A, %swap3A_154] {strides = array<i32>} : memref<80x128xf32, #tpu.memory_space<vmem>>, vector<16xf32>,
        tpu.vector_store %arg11[%swap3A, %swap3A_154], %mul3A_153 {strides = array<i32>} : memref<80x128xf32, #tpu.memory_space<vmem>>, vector<16xf32>,
        %get3A_156 = arith.index_cast %scan3A_148 : i32 to index
        %get3A_157 = arith.constant 16 : index
        %get3A_158 = tpu.vector_load %arg11[%get3A_156, %get3A_157] {strides = array<i32>} : memref<80x128xf32, #tpu.memory_space<vmem>>, vector<16xf32>,
        %mul3A_159 = arith.mulf %get3A_158, %gather3A : vector<16xf32>
        %swap3A_160 = arith.index_cast %scan3A_148 : i32 to index
        %swap3A_161 = arith.constant 16 : index
        %swap3A_162 = tpu.vector_load %arg11[%swap3A_160, %swap3A_161] {strides = array<i32>} : memref<80x128xf32, #tpu.memory_space<vmem>>, vector<16xf32>,
        tpu.vector_store %arg11[%swap3A_160, %swap3A_161], %mul3A_159 {strides = array<i32>} : memref<80x128xf32, #tpu.memory_space<vmem>>, vector<16xf32>,
        %get3A_163 = arith.index_cast %scan3A_148 : i32 to index
        %get3A_164 = arith.constant 32 : index
        %get3A_165 = tpu.vector_load %arg11[%get3A_163, %get3A_164] {strides = array<i32>} : memref<80x128xf32, #tpu.memory_space<vmem>>, vector<16xf32>,
        %mul3A_166 = arith.mulf %get3A_165, %gather3A : vector<16xf32>
        %swap3A_167 = arith.index_cast %scan3A_148 : i32 to index
        %swap3A_168 = arith.constant 32 : index
        %swap3A_169 = tpu.vector_load %arg11[%swap3A_167, %swap3A_168] {strides = array<i32>} : memref<80x128xf32, #tpu.memory_space<vmem>>, vector<16xf32>,
        tpu.vector_store %arg11[%swap3A_167, %swap3A_168], %mul3A_166 {strides = array<i32>} : memref<80x128xf32, #tpu.memory_space<vmem>>, vector<16xf32>,
        %get3A_170 = arith.index_cast %scan3A_148 : i32 to index
        %get3A_171 = arith.constant 48 : index
        %get3A_172 = tpu.vector_load %arg11[%get3A_170, %get3A_171] {strides = array<i32>} : memref<80x128xf32, #tpu.memory_space<vmem>>, vector<16xf32>,
        %mul3A_173 = arith.mulf %get3A_172, %gather3A : vector<16xf32>
        %swap3A_174 = arith.index_cast %scan3A_148 : i32 to index
        %swap3A_175 = arith.constant 48 : index
        %swap3A_176 = tpu.vector_load %arg11[%swap3A_174, %swap3A_175] {strides = array<i32>} : memref<80x128xf32, #tpu.memory_space<vmem>>, vector<16xf32>,
        tpu.vector_store %arg11[%swap3A_174, %swap3A_175], %mul3A_173 {strides = array<i32>} : memref<80x128xf32, #tpu.memory_space<vmem>>, vector<16xf32>,
        %get3A_177 = arith.index_cast %scan3A_148 : i32 to index
        %get3A_178 = arith.constant 64 : index
        %get3A_179 = tpu.vector_load %arg11[%get3A_177, %get3A_178] {strides = array<i32>} : memref<80x128xf32, #tpu.memory_space<vmem>>, vector<16xf32>,
        %mul3A_180 = arith.mulf %get3A_179, %gather3A : vector<16xf32>
        %swap3A_181 = arith.index_cast %scan3A_148 : i32 to index
        %swap3A_182 = arith.constant 64 : index
        %swap3A_183 = tpu.vector_load %arg11[%swap3A_181, %swap3A_182] {strides = array<i32>} : memref<80x128xf32, #tpu.memory_space<vmem>>, vector<16xf32>,
        tpu.vector_store %arg11[%swap3A_181, %swap3A_182], %mul3A_180 {strides = array<i32>} : memref<80x128xf32, #tpu.memory_space<vmem>>, vector<16xf32>,
        %get3A_184 = arith.index_cast %scan3A_148 : i32 to index
        %get3A_185 = arith.constant 80 : index
        %get3A_186 = tpu.vector_load %arg11[%get3A_184, %get3A_185] {strides = array<i32>} : memref<80x128xf32, #tpu.memory_space<vmem>>, vector<16xf32>,
        %mul3A_187 = arith.mulf %get3A_186, %gather3A : vector<16xf32>
        %swap3A_188 = arith.index_cast %scan3A_148 : i32 to index
        %swap3A_189 = arith.constant 80 : index
        %swap3A_190 = tpu.vector_load %arg11[%swap3A_188, %swap3A_189] {strides = array<i32>} : memref<80x128xf32, #tpu.memory_space<vmem>>, vector<16xf32>,
        tpu.vector_store %arg11[%swap3A_188, %swap3A_189], %mul3A_187 {strides = array<i32>} : memref<80x128xf32, #tpu.memory_space<vmem>>, vector<16xf32>,
        %get3A_191 = arith.index_cast %scan3A_148 : i32 to index
        %get3A_192 = arith.constant 96 : index
        %get3A_193 = tpu.vector_load %arg11[%get3A_191, %get3A_192] {strides = array<i32>} : memref<80x128xf32, #tpu.memory_space<vmem>>, vector<16xf32>,
        %mul3A_194 = arith.mulf %get3A_193, %gather3A : vector<16xf32>
        %swap3A_195 = arith.index_cast %scan3A_148 : i32 to index
        %swap3A_196 = arith.constant 96 : index
        %swap3A_197 = tpu.vector_load %arg11[%swap3A_195, %swap3A_196] {strides = array<i32>} : memref<80x128xf32, #tpu.memory_space<vmem>>, vector<16xf32>,
        tpu.vector_store %arg11[%swap3A_195, %swap3A_196], %mul3A_194 {strides = array<i32>} : memref<80x128xf32, #tpu.memory_space<vmem>>, vector<16xf32>,
        %get3A_198 = arith.index_cast %scan3A_148 : i32 to index
        %get3A_199 = arith.constant 112 : index
        %get3A_200 = tpu.vector_load %arg11[%get3A_198, %get3A_199] {strides = array<i32>} : memref<80x128xf32, #tpu.memory_space<vmem>>, vector<16xf32>,
        %mul3A_201 = arith.mulf %get3A_200, %gather3A : vector<16xf32>
        %swap3A_202 = arith.index_cast %scan3A_148 : i32 to index
        %swap3A_203 = arith.constant 112 : index
        %swap3A_204 = tpu.vector_load %arg11[%swap3A_202, %swap3A_203] {strides = array<i32>} : memref<80x128xf32, #tpu.memory_space<vmem>>, vector<16xf32>,
        tpu.vector_store %arg11[%swap3A_202, %swap3A_203], %mul3A_201 {strides = array<i32>} : memref<80x128xf32, #tpu.memory_space<vmem>>, vector<16xf32>,
        %scan3A_205 = arith.constant 0 : i32
        scf.yield %scan3A_205 : i32
      }
      %scan3A_146 = arith.constant 80 : i32
      "tpu.region"() ({
        %run_scoped3A = tpu.sem_alloc : memref<!tpu.dma_semaphore, #tpu.memory_space<semaphore_mem>>
        %dma_start3A_148 = arith.constant 0 : i32
        %dma_start3A_149 = tpu.memref_slice %arg10[%scan3A_128, %dma_start3A_148] : memref<125x80xi32, #tpu.memory_space<vmem>> -> memref<1x80xi32, #tpu.memory_space<vmem>>
        %dma_start3A_150 = tpu.memref_squeeze %dma_start3A_149 : memref<1x80xi32, #tpu.memory_space<vmem>> -> memref<80xi32, #tpu.memory_space<vmem>>
        %dma_start3A_151 = arith.constant 0 : i32
        %dma_start3A_152 = arith.constant 0 : i32
        %dma_start3A_153 = tpu.memref_slice %arg7[%dma_start3A_151, %dma_start3A_152] : memref<10000x128xf32, #tpu.memory_space<vmem_shared>> -> memref<10000x128xf32, #tpu.memory_space<vmem_shared>>
        tpu.enqueue_indirect_dma source(%arg11 : memref<80x128xf32, #tpu.memory_space<vmem>>) target(%dma_start3A_153 : memref<10000x128xf32, #tpu.memory_space<vmem_shared>>) offsets(%dma_start3A_150 : memref<80xi32, #tpu.memory_space<vmem>>) semaphore(%run_scoped3A : memref<!tpu.dma_semaphore, #tpu.memory_space<semaphore_mem>>) {add = true}
        %dma_wait3A_154 = arith.constant 0 : i32
        %dma_wait3A_155 = tpu.memref_slice %arg10[%scan3A_128, %dma_wait3A_154] : memref<125x80xi32, #tpu.memory_space<vmem>> -> memref<1x80xi32, #tpu.memory_space<vmem>>
        %dma_wait3A_156 = tpu.memref_squeeze %dma_wait3A_155 : memref<1x80xi32, #tpu.memory_space<vmem>> -> memref<80xi32, #tpu.memory_space<vmem>>
        %dma_wait3A_157 = arith.constant 0 : i32
        %dma_wait3A_158 = arith.constant 0 : i32
        %dma_wait3A_159 = tpu.memref_slice %arg7[%dma_wait3A_157, %dma_wait3A_158] : memref<10000x128xf32, #tpu.memory_space<vmem_shared>> -> memref<10000x128xf32, #tpu.memory_space<vmem_shared>>
        tpu.wait_indirect_dma semaphore(%run_scoped3A : memref<!tpu.dma_semaphore, #tpu.memory_space<semaphore_mem>>) src(%arg11 : memref<80x128xf32, #tpu.memory_space<vmem>>) dst(%dma_wait3A_159 : memref<10000x128xf32, #tpu.memory_space<vmem_shared>>)
        tpu.yield
      }) : () -> ()
      %scan3A_147 = arith.constant 0 : i32
      scf.yield %scan3A_147 : i32
    }
    %scan3A_119 = arith.constant 125 : i32
    %barrier3A_120 = arith.constant 0 : index
    tpu.barrier barrier_id(%barrier3A_120)
    %mul3A_121 = arith.constant 625 : i32
    %mul3A_122 = arith.muli %arg1, %mul3A_121 : i32
    %mul3A_123 = arith.constant 10000 : i32
    %mul3A_124 = arith.muli %arg0, %mul3A_123 : i32
    %mul3A_125 = arith.constant 625 : i32
    %mul3A_126 = arith.muli %arg1, %mul3A_125 : i32
    %add3A_127 = arith.addi %mul3A_124, %mul3A_126 : i32
    "tpu.region"() ({
      %run_scoped3A = tpu.sem_alloc : memref<!tpu.dma_semaphore, #tpu.memory_space<semaphore_mem>>
      %dma_start3A = arith.constant 0 : i32
      %dma_start3A_128 = tpu.memref_slice %arg6[%add3A_127, %dma_start3A] : memref<20000x128xf32, #tpu.memory_space<hbm>> -> memref<625x128xf32, #tpu.memory_space<hbm>>
      %dma_start3A_129 = arith.constant 0 : i32
      %dma_start3A_130 = tpu.memref_slice %arg7[%mul3A_122, %dma_start3A_129] : memref<10000x128xf32, #tpu.memory_space<vmem_shared>> -> memref<625x128xf32, #tpu.memory_space<vmem_shared>>
      tpu.enqueue_dma source(%dma_start3A_130 : memref<625x128xf32, #tpu.memory_space<vmem_shared>>) target(%dma_start3A_128 : memref<625x128xf32, #tpu.memory_space<hbm>>) target_semaphore(%run_scoped3A : memref<!tpu.dma_semaphore, #tpu.memory_space<semaphore_mem>>)
      %dma_wait3A = arith.constant 0 : i32
      %dma_wait3A_131 = tpu.memref_slice %arg6[%add3A_127, %dma_wait3A] : memref<20000x128xf32, #tpu.memory_space<hbm>> -> memref<625x128xf32, #tpu.memory_space<hbm>>
      %dma_wait3A_132 = arith.constant 0 : i32
      %dma_wait3A_133 = tpu.memref_slice %arg7[%mul3A_122, %dma_wait3A_132] : memref<10000x128xf32, #tpu.memory_space<vmem_shared>> -> memref<625x128xf32, #tpu.memory_space<vmem_shared>>
      tpu.wait_dma2 semaphore(%run_scoped3A : memref<!tpu.dma_semaphore, #tpu.memory_space<semaphore_mem>>) src(%dma_wait3A_133 : memref<625x128xf32, #tpu.memory_space<vmem_shared>>) dst(%dma_wait3A_131 : memref<625x128xf32, #tpu.memory_space<hbm>>)
      tpu.yield
    }) : () -> ()
    return
  }
}

#map = affine_map<(d0, d1) -> (0, 0)>
module attributes {stable_mosaic.version = 14 : i64} {
  func.func @k(%arg0: i32, %arg1: i32, %arg2: memref<4000x80xi32, #tpu.memory_space<hbm>>, %arg3: memref<4000x80xi32, #tpu.memory_space<hbm>>, %arg4: memref<4000x80xi32, #tpu.memory_space<hbm>>, %arg5: memref<4000x80xf32, #tpu.memory_space<hbm>>, %arg6: memref<4000x80xi32, #tpu.memory_space<hbm>>, %arg7: memref<80000xf32, #tpu.memory_space<vmem_shared>>, %arg8: memref<80000xf32, #tpu.memory_space<vmem>>, %arg9: memref<25x80xi32, #tpu.memory_space<vmem>>, %arg10: memref<25x80xi32, #tpu.memory_space<vmem>>, %arg11: memref<25x80xi32, #tpu.memory_space<vmem>>, %arg12: memref<25x80xi32, #tpu.memory_space<vmem>>, %arg13: memref<25x80xf32, #tpu.memory_space<vmem>>, %arg14: memref<25x80xi32, #tpu.memory_space<vmem>>, %arg15: memref<80xf32, #tpu.memory_space<vmem>>, %arg16: memref<2000xf32, #tpu.memory_space<vmem>>) attributes {dimension_semantics = [#tpu.dimension_semantics<core_parallel>, #tpu.dimension_semantics<subcore_parallel>], iteration_bounds = array<i64: 2, 16>, scalar_prefetch = 0 : i64, scratch_operands = 10 : i64, tpu.core_type = #tpu.core_type<sc_vector_subcore>, window_params = [{transform_indices = #map}, {transform_indices = #map}, {transform_indices = #map}, {transform_indices = #map}, {transform_indices = #map}]} {
    %broadcast_in_dim3A = arith.constant 1.000000e+00 : f32
    %broadcast_in_dim3A_0 = vector.broadcast %broadcast_in_dim3A : f32 to vector<16xf32>
    %swap3A = arith.constant 0 : index
    %swap3A_1 = tpu.vector_load %arg15[%swap3A] {strides = array<i32>} : memref<80xf32, #tpu.memory_space<vmem>>, vector<16xf32>,
    tpu.vector_store %arg15[%swap3A], %broadcast_in_dim3A_0 {strides = array<i32>} : memref<80xf32, #tpu.memory_space<vmem>>, vector<16xf32>,
    %broadcast_in_dim3A_2 = arith.constant 1.000000e+00 : f32
    %broadcast_in_dim3A_3 = vector.broadcast %broadcast_in_dim3A_2 : f32 to vector<16xf32>
    %swap3A_4 = arith.constant 16 : index
    %swap3A_5 = tpu.vector_load %arg15[%swap3A_4] {strides = array<i32>} : memref<80xf32, #tpu.memory_space<vmem>>, vector<16xf32>,
    tpu.vector_store %arg15[%swap3A_4], %broadcast_in_dim3A_3 {strides = array<i32>} : memref<80xf32, #tpu.memory_space<vmem>>, vector<16xf32>,
    %broadcast_in_dim3A_6 = arith.constant 1.000000e+00 : f32
    %broadcast_in_dim3A_7 = vector.broadcast %broadcast_in_dim3A_6 : f32 to vector<16xf32>
    %swap3A_8 = arith.constant 32 : index
    %swap3A_9 = tpu.vector_load %arg15[%swap3A_8] {strides = array<i32>} : memref<80xf32, #tpu.memory_space<vmem>>, vector<16xf32>,
    tpu.vector_store %arg15[%swap3A_8], %broadcast_in_dim3A_7 {strides = array<i32>} : memref<80xf32, #tpu.memory_space<vmem>>, vector<16xf32>,
    %broadcast_in_dim3A_10 = arith.constant 1.000000e+00 : f32
    %broadcast_in_dim3A_11 = vector.broadcast %broadcast_in_dim3A_10 : f32 to vector<16xf32>
    %swap3A_12 = arith.constant 48 : index
    %swap3A_13 = tpu.vector_load %arg15[%swap3A_12] {strides = array<i32>} : memref<80xf32, #tpu.memory_space<vmem>>, vector<16xf32>,
    tpu.vector_store %arg15[%swap3A_12], %broadcast_in_dim3A_11 {strides = array<i32>} : memref<80xf32, #tpu.memory_space<vmem>>, vector<16xf32>,
    %broadcast_in_dim3A_14 = arith.constant 1.000000e+00 : f32
    %broadcast_in_dim3A_15 = vector.broadcast %broadcast_in_dim3A_14 : f32 to vector<16xf32>
    %swap3A_16 = arith.constant 64 : index
    %swap3A_17 = tpu.vector_load %arg15[%swap3A_16] {strides = array<i32>} : memref<80xf32, #tpu.memory_space<vmem>>, vector<16xf32>,
    tpu.vector_store %arg15[%swap3A_16], %broadcast_in_dim3A_15 {strides = array<i32>} : memref<80xf32, #tpu.memory_space<vmem>>, vector<16xf32>,
    %scan3A = arith.constant 0 : i32
    %scan3A_18 = arith.constant 0 : i32
    %scan3A_19 = arith.constant 125 : i32
    %scan3A_20 = arith.addi %scan3A_18, %scan3A_19 : i32
    %scan3A_21 = arith.constant 1 : i32
    %scan3A_22 = scf.for %scan3A_98 = %scan3A_18 to %scan3A_20 step %scan3A_21 iter_args(%scan3A_99 = %scan3A) -> (i32)  : i32 {
      %broadcast_in_dim3A_100 = arith.constant 0.000000e+00 : f32
      %broadcast_in_dim3A_101 = vector.broadcast %broadcast_in_dim3A_100 : f32 to vector<16xf32>
      %mul3A_102 = arith.constant 16 : i32
      %mul3A_103 = arith.muli %scan3A_98, %mul3A_102 : i32
      %swap3A_104 = arith.index_cast %mul3A_103 : i32 to index
      %swap3A_105 = tpu.vector_load %arg16[%swap3A_104] {strides = array<i32>} : memref<2000xf32, #tpu.memory_space<vmem>>, vector<16xf32>,
      tpu.vector_store %arg16[%swap3A_104], %broadcast_in_dim3A_101 {strides = array<i32>} : memref<2000xf32, #tpu.memory_space<vmem>>, vector<16xf32>,
      %scan3A_106 = arith.constant 0 : i32
      scf.yield %scan3A_106 : i32
    }
    %scan3A_23 = arith.constant 125 : i32
    %add3A = arith.constant 0 : i32
    %add3A_24 = arith.addi %arg1, %add3A : i32
    %lt3A = arith.constant 40 : i32
    %lt3A_25 = arith.cmpi slt, %add3A_24, %lt3A : i32
    %convert_element_type3A = arith.extui %lt3A_25 : i1 to i32
    %cond3A = arith.constant 0 : i32
    %cond3A_26 = arith.cmpi ne, %convert_element_type3A, %cond3A : i32
    scf.if %cond3A_26 {
      %mul3A_98 = arith.constant 2000 : i32
      %mul3A_99 = arith.muli %add3A_24, %mul3A_98 : i32
      "tpu.region"() ({
        %run_scoped3A = tpu.sem_alloc : memref<!tpu.dma_semaphore, #tpu.memory_space<semaphore_mem>>
        %dma_start3A = tpu.memref_slice %arg7[%mul3A_99] : memref<80000xf32, #tpu.memory_space<vmem_shared>> -> memref<2000xf32, #tpu.memory_space<vmem_shared>>
        %dma_start3A_100 = tpu.memref_slice %arg7[%mul3A_99] : memref<80000xf32, #tpu.memory_space<vmem_shared>> -> memref<2000xf32, #tpu.memory_space<vmem_shared>>
        tpu.enqueue_dma source(%arg16 : memref<2000xf32, #tpu.memory_space<vmem>>) target(%dma_start3A_100 : memref<2000xf32, #tpu.memory_space<vmem_shared>>) target_semaphore(%run_scoped3A : memref<!tpu.dma_semaphore, #tpu.memory_space<semaphore_mem>>)
        %dma_wait3A = tpu.memref_slice %arg7[%mul3A_99] : memref<80000xf32, #tpu.memory_space<vmem_shared>> -> memref<2000xf32, #tpu.memory_space<vmem_shared>>
        %dma_wait3A_101 = tpu.memref_slice %arg7[%mul3A_99] : memref<80000xf32, #tpu.memory_space<vmem_shared>> -> memref<2000xf32, #tpu.memory_space<vmem_shared>>
        tpu.wait_dma2 semaphore(%run_scoped3A : memref<!tpu.dma_semaphore, #tpu.memory_space<semaphore_mem>>) src(%arg16 : memref<2000xf32, #tpu.memory_space<vmem>>) dst(%dma_wait3A_101 : memref<2000xf32, #tpu.memory_space<vmem_shared>>)
        tpu.yield
      }) : () -> ()
    } else {
    }
    %add3A_27 = arith.constant 16 : i32
    %add3A_28 = arith.addi %arg1, %add3A_27 : i32
    %lt3A_29 = arith.constant 40 : i32
    %lt3A_30 = arith.cmpi slt, %add3A_28, %lt3A_29 : i32
    %convert_element_type3A_31 = arith.extui %lt3A_30 : i1 to i32
    %cond3A_32 = arith.constant 0 : i32
    %cond3A_33 = arith.cmpi ne, %convert_element_type3A_31, %cond3A_32 : i32
    scf.if %cond3A_33 {
      %mul3A_98 = arith.constant 2000 : i32
      %mul3A_99 = arith.muli %add3A_28, %mul3A_98 : i32
      "tpu.region"() ({
        %run_scoped3A = tpu.sem_alloc : memref<!tpu.dma_semaphore, #tpu.memory_space<semaphore_mem>>
        %dma_start3A = tpu.memref_slice %arg7[%mul3A_99] : memref<80000xf32, #tpu.memory_space<vmem_shared>> -> memref<2000xf32, #tpu.memory_space<vmem_shared>>
        %dma_start3A_100 = tpu.memref_slice %arg7[%mul3A_99] : memref<80000xf32, #tpu.memory_space<vmem_shared>> -> memref<2000xf32, #tpu.memory_space<vmem_shared>>
        tpu.enqueue_dma source(%arg16 : memref<2000xf32, #tpu.memory_space<vmem>>) target(%dma_start3A_100 : memref<2000xf32, #tpu.memory_space<vmem_shared>>) target_semaphore(%run_scoped3A : memref<!tpu.dma_semaphore, #tpu.memory_space<semaphore_mem>>)
        %dma_wait3A = tpu.memref_slice %arg7[%mul3A_99] : memref<80000xf32, #tpu.memory_space<vmem_shared>> -> memref<2000xf32, #tpu.memory_space<vmem_shared>>
        %dma_wait3A_101 = tpu.memref_slice %arg7[%mul3A_99] : memref<80000xf32, #tpu.memory_space<vmem_shared>> -> memref<2000xf32, #tpu.memory_space<vmem_shared>>
        tpu.wait_dma2 semaphore(%run_scoped3A : memref<!tpu.dma_semaphore, #tpu.memory_space<semaphore_mem>>) src(%arg16 : memref<2000xf32, #tpu.memory_space<vmem>>) dst(%dma_wait3A_101 : memref<2000xf32, #tpu.memory_space<vmem_shared>>)
        tpu.yield
      }) : () -> ()
    } else {
    }
    %add3A_34 = arith.constant 32 : i32
    %add3A_35 = arith.addi %arg1, %add3A_34 : i32
    %lt3A_36 = arith.constant 40 : i32
    %lt3A_37 = arith.cmpi slt, %add3A_35, %lt3A_36 : i32
    %convert_element_type3A_38 = arith.extui %lt3A_37 : i1 to i32
    %cond3A_39 = arith.constant 0 : i32
    %cond3A_40 = arith.cmpi ne, %convert_element_type3A_38, %cond3A_39 : i32
    scf.if %cond3A_40 {
      %mul3A_98 = arith.constant 2000 : i32
      %mul3A_99 = arith.muli %add3A_35, %mul3A_98 : i32
      "tpu.region"() ({
        %run_scoped3A = tpu.sem_alloc : memref<!tpu.dma_semaphore, #tpu.memory_space<semaphore_mem>>
        %dma_start3A = tpu.memref_slice %arg7[%mul3A_99] : memref<80000xf32, #tpu.memory_space<vmem_shared>> -> memref<2000xf32, #tpu.memory_space<vmem_shared>>
        %dma_start3A_100 = tpu.memref_slice %arg7[%mul3A_99] : memref<80000xf32, #tpu.memory_space<vmem_shared>> -> memref<2000xf32, #tpu.memory_space<vmem_shared>>
        tpu.enqueue_dma source(%arg16 : memref<2000xf32, #tpu.memory_space<vmem>>) target(%dma_start3A_100 : memref<2000xf32, #tpu.memory_space<vmem_shared>>) target_semaphore(%run_scoped3A : memref<!tpu.dma_semaphore, #tpu.memory_space<semaphore_mem>>)
        %dma_wait3A = tpu.memref_slice %arg7[%mul3A_99] : memref<80000xf32, #tpu.memory_space<vmem_shared>> -> memref<2000xf32, #tpu.memory_space<vmem_shared>>
        %dma_wait3A_101 = tpu.memref_slice %arg7[%mul3A_99] : memref<80000xf32, #tpu.memory_space<vmem_shared>> -> memref<2000xf32, #tpu.memory_space<vmem_shared>>
        tpu.wait_dma2 semaphore(%run_scoped3A : memref<!tpu.dma_semaphore, #tpu.memory_space<semaphore_mem>>) src(%arg16 : memref<2000xf32, #tpu.memory_space<vmem>>) dst(%dma_wait3A_101 : memref<2000xf32, #tpu.memory_space<vmem_shared>>)
        tpu.yield
      }) : () -> ()
    } else {
    }
    %barrier3A = arith.constant 0 : index
    tpu.barrier barrier_id(%barrier3A)
    %scan3A_41 = arith.constant 0 : i32
    %scan3A_42 = arith.constant 0 : i32
    %scan3A_43 = arith.constant 10 : i32
    %scan3A_44 = arith.addi %scan3A_42, %scan3A_43 : i32
    %scan3A_45 = arith.constant 1 : i32
    %scan3A_46 = scf.for %scan3A_98 = %scan3A_42 to %scan3A_44 step %scan3A_45 iter_args(%scan3A_99 = %scan3A_41) -> (i32)  : i32 {
      %mul3A_100 = arith.constant 250 : i32
      %mul3A_101 = arith.muli %arg1, %mul3A_100 : i32
      %mul3A_102 = arith.constant 25 : i32
      %mul3A_103 = arith.muli %scan3A_98, %mul3A_102 : i32
      %add3A_104 = arith.addi %mul3A_101, %mul3A_103 : i32
      "tpu.region"() ({
        %run_scoped3A = tpu.sem_alloc : memref<!tpu.dma_semaphore, #tpu.memory_space<semaphore_mem>>
        %dma_start3A = arith.constant 0 : i32
        %dma_start3A_120 = tpu.memref_slice %arg3[%add3A_104, %dma_start3A] : memref<4000x80xi32, #tpu.memory_space<hbm>> -> memref<25x80xi32, #tpu.memory_space<hbm>>
        %dma_start3A_121 = arith.constant 0 : i32
        %dma_start3A_122 = tpu.memref_slice %arg3[%add3A_104, %dma_start3A_121] : memref<4000x80xi32, #tpu.memory_space<hbm>> -> memref<25x80xi32, #tpu.memory_space<hbm>>
        tpu.enqueue_dma source(%dma_start3A_122 : memref<25x80xi32, #tpu.memory_space<hbm>>) target(%arg9 : memref<25x80xi32, #tpu.memory_space<vmem>>) target_semaphore(%run_scoped3A : memref<!tpu.dma_semaphore, #tpu.memory_space<semaphore_mem>>)
        %dma_wait3A = arith.constant 0 : i32
        %dma_wait3A_123 = tpu.memref_slice %arg3[%add3A_104, %dma_wait3A] : memref<4000x80xi32, #tpu.memory_space<hbm>> -> memref<25x80xi32, #tpu.memory_space<hbm>>
        %dma_wait3A_124 = arith.constant 0 : i32
        %dma_wait3A_125 = tpu.memref_slice %arg3[%add3A_104, %dma_wait3A_124] : memref<4000x80xi32, #tpu.memory_space<hbm>> -> memref<25x80xi32, #tpu.memory_space<hbm>>
        tpu.wait_dma2 semaphore(%run_scoped3A : memref<!tpu.dma_semaphore, #tpu.memory_space<semaphore_mem>>) src(%dma_wait3A_125 : memref<25x80xi32, #tpu.memory_space<hbm>>) dst(%arg9 : memref<25x80xi32, #tpu.memory_space<vmem>>)
        tpu.yield
      }) : () -> ()
      "tpu.region"() ({
        %run_scoped3A = tpu.sem_alloc : memref<!tpu.dma_semaphore, #tpu.memory_space<semaphore_mem>>
        %dma_start3A = arith.constant 0 : i32
        %dma_start3A_120 = tpu.memref_slice %arg4[%add3A_104, %dma_start3A] : memref<4000x80xi32, #tpu.memory_space<hbm>> -> memref<25x80xi32, #tpu.memory_space<hbm>>
        %dma_start3A_121 = arith.constant 0 : i32
        %dma_start3A_122 = tpu.memref_slice %arg4[%add3A_104, %dma_start3A_121] : memref<4000x80xi32, #tpu.memory_space<hbm>> -> memref<25x80xi32, #tpu.memory_space<hbm>>
        tpu.enqueue_dma source(%dma_start3A_122 : memref<25x80xi32, #tpu.memory_space<hbm>>) target(%arg10 : memref<25x80xi32, #tpu.memory_space<vmem>>) target_semaphore(%run_scoped3A : memref<!tpu.dma_semaphore, #tpu.memory_space<semaphore_mem>>)
        %dma_wait3A = arith.constant 0 : i32
        %dma_wait3A_123 = tpu.memref_slice %arg4[%add3A_104, %dma_wait3A] : memref<4000x80xi32, #tpu.memory_space<hbm>> -> memref<25x80xi32, #tpu.memory_space<hbm>>
        %dma_wait3A_124 = arith.constant 0 : i32
        %dma_wait3A_125 = tpu.memref_slice %arg4[%add3A_104, %dma_wait3A_124] : memref<4000x80xi32, #tpu.memory_space<hbm>> -> memref<25x80xi32, #tpu.memory_space<hbm>>
        tpu.wait_dma2 semaphore(%run_scoped3A : memref<!tpu.dma_semaphore, #tpu.memory_space<semaphore_mem>>) src(%dma_wait3A_125 : memref<25x80xi32, #tpu.memory_space<hbm>>) dst(%arg10 : memref<25x80xi32, #tpu.memory_space<vmem>>)
        tpu.yield
      }) : () -> ()
      %scan3A_105 = arith.constant 0 : i32
      %scan3A_106 = arith.constant 0 : i32
      %scan3A_107 = arith.constant 25 : i32
      %scan3A_108 = arith.addi %scan3A_106, %scan3A_107 : i32
      %scan3A_109 = arith.constant 1 : i32
      %scan3A_110 = scf.for %scan3A_120 = %scan3A_106 to %scan3A_108 step %scan3A_109 iter_args(%scan3A_121 = %scan3A_105) -> (i32)  : i32 {
        %get3A = arith.index_cast %scan3A_120 : i32 to index
        %get3A_122 = arith.constant 0 : index
        %get3A_123 = tpu.vector_load %arg9[%get3A, %get3A_122] {strides = array<i32>} : memref<25x80xi32, #tpu.memory_space<vmem>>, vector<16xi32>,
        %get3A_124 = arith.index_cast %scan3A_120 : i32 to index
        %get3A_125 = arith.constant 0 : index
        %get3A_126 = tpu.vector_load %arg10[%get3A_124, %get3A_125] {strides = array<i32>} : memref<25x80xi32, #tpu.memory_space<vmem>>, vector<16xi32>,
        %mul3A_127 = arith.constant 8 : i32
        %mul3A_128 = vector.broadcast %mul3A_127 : i32 to vector<16xi32>
        %mul3A_129 = arith.muli %get3A_123, %mul3A_128 : vector<16xi32>
        %add3A_130 = arith.addi %mul3A_129, %get3A_126 : vector<16xi32>
        %swap3A_131 = arith.index_cast %scan3A_120 : i32 to index
        %swap3A_132 = arith.constant 0 : index
        %swap3A_133 = tpu.vector_load %arg12[%swap3A_131, %swap3A_132] {strides = array<i32>} : memref<25x80xi32, #tpu.memory_space<vmem>>, vector<16xi32>,
        tpu.vector_store %arg12[%swap3A_131, %swap3A_132], %add3A_130 {strides = array<i32>} : memref<25x80xi32, #tpu.memory_space<vmem>>, vector<16xi32>,
        %get3A_134 = arith.index_cast %scan3A_120 : i32 to index
        %get3A_135 = arith.constant 16 : index
        %get3A_136 = tpu.vector_load %arg9[%get3A_134, %get3A_135] {strides = array<i32>} : memref<25x80xi32, #tpu.memory_space<vmem>>, vector<16xi32>,
        %get3A_137 = arith.index_cast %scan3A_120 : i32 to index
        %get3A_138 = arith.constant 16 : index
        %get3A_139 = tpu.vector_load %arg10[%get3A_137, %get3A_138] {strides = array<i32>} : memref<25x80xi32, #tpu.memory_space<vmem>>, vector<16xi32>,
        %mul3A_140 = arith.constant 8 : i32
        %mul3A_141 = vector.broadcast %mul3A_140 : i32 to vector<16xi32>
        %mul3A_142 = arith.muli %get3A_136, %mul3A_141 : vector<16xi32>
        %add3A_143 = arith.addi %mul3A_142, %get3A_139 : vector<16xi32>
        %swap3A_144 = arith.index_cast %scan3A_120 : i32 to index
        %swap3A_145 = arith.constant 16 : index
        %swap3A_146 = tpu.vector_load %arg12[%swap3A_144, %swap3A_145] {strides = array<i32>} : memref<25x80xi32, #tpu.memory_space<vmem>>, vector<16xi32>,
        tpu.vector_store %arg12[%swap3A_144, %swap3A_145], %add3A_143 {strides = array<i32>} : memref<25x80xi32, #tpu.memory_space<vmem>>, vector<16xi32>,
        %get3A_147 = arith.index_cast %scan3A_120 : i32 to index
        %get3A_148 = arith.constant 32 : index
        %get3A_149 = tpu.vector_load %arg9[%get3A_147, %get3A_148] {strides = array<i32>} : memref<25x80xi32, #tpu.memory_space<vmem>>, vector<16xi32>,
        %get3A_150 = arith.index_cast %scan3A_120 : i32 to index
        %get3A_151 = arith.constant 32 : index
        %get3A_152 = tpu.vector_load %arg10[%get3A_150, %get3A_151] {strides = array<i32>} : memref<25x80xi32, #tpu.memory_space<vmem>>, vector<16xi32>,
        %mul3A_153 = arith.constant 8 : i32
        %mul3A_154 = vector.broadcast %mul3A_153 : i32 to vector<16xi32>
        %mul3A_155 = arith.muli %get3A_149, %mul3A_154 : vector<16xi32>
        %add3A_156 = arith.addi %mul3A_155, %get3A_152 : vector<16xi32>
        %swap3A_157 = arith.index_cast %scan3A_120 : i32 to index
        %swap3A_158 = arith.constant 32 : index
        %swap3A_159 = tpu.vector_load %arg12[%swap3A_157, %swap3A_158] {strides = array<i32>} : memref<25x80xi32, #tpu.memory_space<vmem>>, vector<16xi32>,
        tpu.vector_store %arg12[%swap3A_157, %swap3A_158], %add3A_156 {strides = array<i32>} : memref<25x80xi32, #tpu.memory_space<vmem>>, vector<16xi32>,
        %get3A_160 = arith.index_cast %scan3A_120 : i32 to index
        %get3A_161 = arith.constant 48 : index
        %get3A_162 = tpu.vector_load %arg9[%get3A_160, %get3A_161] {strides = array<i32>} : memref<25x80xi32, #tpu.memory_space<vmem>>, vector<16xi32>,
        %get3A_163 = arith.index_cast %scan3A_120 : i32 to index
        %get3A_164 = arith.constant 48 : index
        %get3A_165 = tpu.vector_load %arg10[%get3A_163, %get3A_164] {strides = array<i32>} : memref<25x80xi32, #tpu.memory_space<vmem>>, vector<16xi32>,
        %mul3A_166 = arith.constant 8 : i32
        %mul3A_167 = vector.broadcast %mul3A_166 : i32 to vector<16xi32>
        %mul3A_168 = arith.muli %get3A_162, %mul3A_167 : vector<16xi32>
        %add3A_169 = arith.addi %mul3A_168, %get3A_165 : vector<16xi32>
        %swap3A_170 = arith.index_cast %scan3A_120 : i32 to index
        %swap3A_171 = arith.constant 48 : index
        %swap3A_172 = tpu.vector_load %arg12[%swap3A_170, %swap3A_171] {strides = array<i32>} : memref<25x80xi32, #tpu.memory_space<vmem>>, vector<16xi32>,
        tpu.vector_store %arg12[%swap3A_170, %swap3A_171], %add3A_169 {strides = array<i32>} : memref<25x80xi32, #tpu.memory_space<vmem>>, vector<16xi32>,
        %get3A_173 = arith.index_cast %scan3A_120 : i32 to index
        %get3A_174 = arith.constant 64 : index
        %get3A_175 = tpu.vector_load %arg9[%get3A_173, %get3A_174] {strides = array<i32>} : memref<25x80xi32, #tpu.memory_space<vmem>>, vector<16xi32>,
        %get3A_176 = arith.index_cast %scan3A_120 : i32 to index
        %get3A_177 = arith.constant 64 : index
        %get3A_178 = tpu.vector_load %arg10[%get3A_176, %get3A_177] {strides = array<i32>} : memref<25x80xi32, #tpu.memory_space<vmem>>, vector<16xi32>,
        %mul3A_179 = arith.constant 8 : i32
        %mul3A_180 = vector.broadcast %mul3A_179 : i32 to vector<16xi32>
        %mul3A_181 = arith.muli %get3A_175, %mul3A_180 : vector<16xi32>
        %add3A_182 = arith.addi %mul3A_181, %get3A_178 : vector<16xi32>
        %swap3A_183 = arith.index_cast %scan3A_120 : i32 to index
        %swap3A_184 = arith.constant 64 : index
        %swap3A_185 = tpu.vector_load %arg12[%swap3A_183, %swap3A_184] {strides = array<i32>} : memref<25x80xi32, #tpu.memory_space<vmem>>, vector<16xi32>,
        tpu.vector_store %arg12[%swap3A_183, %swap3A_184], %add3A_182 {strides = array<i32>} : memref<25x80xi32, #tpu.memory_space<vmem>>, vector<16xi32>,
        %scan3A_186 = arith.constant 0 : i32
        scf.yield %scan3A_186 : i32
      }
      %scan3A_111 = arith.constant 25 : i32
      %scan3A_112 = arith.constant 0 : i32
      %scan3A_113 = arith.constant 0 : i32
      %scan3A_114 = arith.constant 25 : i32
      %scan3A_115 = arith.addi %scan3A_113, %scan3A_114 : i32
      %scan3A_116 = arith.constant 1 : i32
      %scan3A_117 = scf.for %scan3A_120 = %scan3A_113 to %scan3A_115 step %scan3A_116 iter_args(%scan3A_121 = %scan3A_112) -> (i32)  : i32 {
        "tpu.region"() ({
          %run_scoped3A = tpu.sem_alloc : memref<!tpu.dma_semaphore, #tpu.memory_space<semaphore_mem>>
          %dma_start3A = arith.constant 0 : i32
          %dma_start3A_123 = tpu.memref_slice %arg12[%scan3A_120, %dma_start3A] : memref<25x80xi32, #tpu.memory_space<vmem>> -> memref<1x80xi32, #tpu.memory_space<vmem>>
          %dma_start3A_124 = tpu.memref_squeeze %dma_start3A_123 : memref<1x80xi32, #tpu.memory_space<vmem>> -> memref<80xi32, #tpu.memory_space<vmem>>
          %dma_start3A_125 = arith.constant 0 : i32
          %dma_start3A_126 = tpu.memref_slice %arg7[%dma_start3A_125] : memref<80000xf32, #tpu.memory_space<vmem_shared>> -> memref<80000xf32, #tpu.memory_space<vmem_shared>>
          tpu.enqueue_indirect_dma source(%arg15 : memref<80xf32, #tpu.memory_space<vmem>>) target(%dma_start3A_126 : memref<80000xf32, #tpu.memory_space<vmem_shared>>) offsets(%dma_start3A_124 : memref<80xi32, #tpu.memory_space<vmem>>) semaphore(%run_scoped3A : memref<!tpu.dma_semaphore, #tpu.memory_space<semaphore_mem>>) {add = true}
          %dma_wait3A = arith.constant 0 : i32
          %dma_wait3A_127 = tpu.memref_slice %arg12[%scan3A_120, %dma_wait3A] : memref<25x80xi32, #tpu.memory_space<vmem>> -> memref<1x80xi32, #tpu.memory_space<vmem>>
          %dma_wait3A_128 = tpu.memref_squeeze %dma_wait3A_127 : memref<1x80xi32, #tpu.memory_space<vmem>> -> memref<80xi32, #tpu.memory_space<vmem>>
          %dma_wait3A_129 = arith.constant 0 : i32
          %dma_wait3A_130 = tpu.memref_slice %arg7[%dma_wait3A_129] : memref<80000xf32, #tpu.memory_space<vmem_shared>> -> memref<80000xf32, #tpu.memory_space<vmem_shared>>
          tpu.wait_indirect_dma semaphore(%run_scoped3A : memref<!tpu.dma_semaphore, #tpu.memory_space<semaphore_mem>>) src(%arg15 : memref<80xf32, #tpu.memory_space<vmem>>) dst(%dma_wait3A_130 : memref<80000xf32, #tpu.memory_space<vmem_shared>>)
          tpu.yield
        }) : () -> ()
        %scan3A_122 = arith.constant 0 : i32
        scf.yield %scan3A_122 : i32
      }
      %scan3A_118 = arith.constant 25 : i32
      %scan3A_119 = arith.constant 0 : i32
      scf.yield %scan3A_119 : i32
    }
    %scan3A_47 = arith.constant 10 : i32
    %barrier3A_48 = arith.constant 0 : index
    tpu.barrier barrier_id(%barrier3A_48)
    "tpu.region"() ({
      %run_scoped3A = tpu.sem_alloc : memref<!tpu.dma_semaphore, #tpu.memory_space<semaphore_mem>>
      tpu.enqueue_dma source(%arg7 : memref<80000xf32, #tpu.memory_space<vmem_shared>>) target(%arg8 : memref<80000xf32, #tpu.memory_space<vmem>>) target_semaphore(%run_scoped3A : memref<!tpu.dma_semaphore, #tpu.memory_space<semaphore_mem>>)
      tpu.wait_dma2 semaphore(%run_scoped3A : memref<!tpu.dma_semaphore, #tpu.memory_space<semaphore_mem>>) src(%arg7 : memref<80000xf32, #tpu.memory_space<vmem_shared>>) dst(%arg8 : memref<80000xf32, #tpu.memory_space<vmem>>)
      tpu.yield
    }) : () -> ()
    %mul3A = arith.constant 16 : i32
    %mul3A_49 = arith.muli %arg0, %mul3A : i32
    %add3A_50 = arith.addi %mul3A_49, %arg1 : i32
    %mul3A_51 = arith.constant 125 : i32
    %mul3A_52 = arith.muli %add3A_50, %mul3A_51 : i32
    %add3A_53 = arith.constant 0 : i32
    %add3A_54 = arith.addi %mul3A_52, %add3A_53 : i32
    "tpu.region"() ({
      %run_scoped3A = tpu.sem_alloc : memref<!tpu.dma_semaphore, #tpu.memory_space<semaphore_mem>>
      %dma_start3A = arith.constant 0 : i32
      %dma_start3A_98 = tpu.memref_slice %arg3[%add3A_54, %dma_start3A] : memref<4000x80xi32, #tpu.memory_space<hbm>> -> memref<25x80xi32, #tpu.memory_space<hbm>>
      %dma_start3A_99 = arith.constant 0 : i32
      %dma_start3A_100 = tpu.memref_slice %arg3[%add3A_54, %dma_start3A_99] : memref<4000x80xi32, #tpu.memory_space<hbm>> -> memref<25x80xi32, #tpu.memory_space<hbm>>
      tpu.enqueue_dma source(%dma_start3A_100 : memref<25x80xi32, #tpu.memory_space<hbm>>) target(%arg9 : memref<25x80xi32, #tpu.memory_space<vmem>>) target_semaphore(%run_scoped3A : memref<!tpu.dma_semaphore, #tpu.memory_space<semaphore_mem>>)
      %dma_wait3A = arith.constant 0 : i32
      %dma_wait3A_101 = tpu.memref_slice %arg3[%add3A_54, %dma_wait3A] : memref<4000x80xi32, #tpu.memory_space<hbm>> -> memref<25x80xi32, #tpu.memory_space<hbm>>
      %dma_wait3A_102 = arith.constant 0 : i32
      %dma_wait3A_103 = tpu.memref_slice %arg3[%add3A_54, %dma_wait3A_102] : memref<4000x80xi32, #tpu.memory_space<hbm>> -> memref<25x80xi32, #tpu.memory_space<hbm>>
      tpu.wait_dma2 semaphore(%run_scoped3A : memref<!tpu.dma_semaphore, #tpu.memory_space<semaphore_mem>>) src(%dma_wait3A_103 : memref<25x80xi32, #tpu.memory_space<hbm>>) dst(%arg9 : memref<25x80xi32, #tpu.memory_space<vmem>>)
      tpu.yield
    }) : () -> ()
    "tpu.region"() ({
      %run_scoped3A = tpu.sem_alloc : memref<!tpu.dma_semaphore, #tpu.memory_space<semaphore_mem>>
      %dma_start3A = arith.constant 0 : i32
      %dma_start3A_98 = tpu.memref_slice %arg4[%add3A_54, %dma_start3A] : memref<4000x80xi32, #tpu.memory_space<hbm>> -> memref<25x80xi32, #tpu.memory_space<hbm>>
      %dma_start3A_99 = arith.constant 0 : i32
      %dma_start3A_100 = tpu.memref_slice %arg4[%add3A_54, %dma_start3A_99] : memref<4000x80xi32, #tpu.memory_space<hbm>> -> memref<25x80xi32, #tpu.memory_space<hbm>>
      tpu.enqueue_dma source(%dma_start3A_100 : memref<25x80xi32, #tpu.memory_space<hbm>>) target(%arg10 : memref<25x80xi32, #tpu.memory_space<vmem>>) target_semaphore(%run_scoped3A : memref<!tpu.dma_semaphore, #tpu.memory_space<semaphore_mem>>)
      %dma_wait3A = arith.constant 0 : i32
      %dma_wait3A_101 = tpu.memref_slice %arg4[%add3A_54, %dma_wait3A] : memref<4000x80xi32, #tpu.memory_space<hbm>> -> memref<25x80xi32, #tpu.memory_space<hbm>>
      %dma_wait3A_102 = arith.constant 0 : i32
      %dma_wait3A_103 = tpu.memref_slice %arg4[%add3A_54, %dma_wait3A_102] : memref<4000x80xi32, #tpu.memory_space<hbm>> -> memref<25x80xi32, #tpu.memory_space<hbm>>
      tpu.wait_dma2 semaphore(%run_scoped3A : memref<!tpu.dma_semaphore, #tpu.memory_space<semaphore_mem>>) src(%dma_wait3A_103 : memref<25x80xi32, #tpu.memory_space<hbm>>) dst(%arg10 : memref<25x80xi32, #tpu.memory_space<vmem>>)
      tpu.yield
    }) : () -> ()
    "tpu.region"() ({
      %run_scoped3A = tpu.sem_alloc : memref<!tpu.dma_semaphore, #tpu.memory_space<semaphore_mem>>
      %dma_start3A = arith.constant 0 : i32
      %dma_start3A_98 = tpu.memref_slice %arg2[%add3A_54, %dma_start3A] : memref<4000x80xi32, #tpu.memory_space<hbm>> -> memref<25x80xi32, #tpu.memory_space<hbm>>
      %dma_start3A_99 = arith.constant 0 : i32
      %dma_start3A_100 = tpu.memref_slice %arg2[%add3A_54, %dma_start3A_99] : memref<4000x80xi32, #tpu.memory_space<hbm>> -> memref<25x80xi32, #tpu.memory_space<hbm>>
      tpu.enqueue_dma source(%dma_start3A_100 : memref<25x80xi32, #tpu.memory_space<hbm>>) target(%arg11 : memref<25x80xi32, #tpu.memory_space<vmem>>) target_semaphore(%run_scoped3A : memref<!tpu.dma_semaphore, #tpu.memory_space<semaphore_mem>>)
      %dma_wait3A = arith.constant 0 : i32
      %dma_wait3A_101 = tpu.memref_slice %arg2[%add3A_54, %dma_wait3A] : memref<4000x80xi32, #tpu.memory_space<hbm>> -> memref<25x80xi32, #tpu.memory_space<hbm>>
      %dma_wait3A_102 = arith.constant 0 : i32
      %dma_wait3A_103 = tpu.memref_slice %arg2[%add3A_54, %dma_wait3A_102] : memref<4000x80xi32, #tpu.memory_space<hbm>> -> memref<25x80xi32, #tpu.memory_space<hbm>>
      tpu.wait_dma2 semaphore(%run_scoped3A : memref<!tpu.dma_semaphore, #tpu.memory_space<semaphore_mem>>) src(%dma_wait3A_103 : memref<25x80xi32, #tpu.memory_space<hbm>>) dst(%arg11 : memref<25x80xi32, #tpu.memory_space<vmem>>)
      tpu.yield
    }) : () -> ()
    %scan3A_55 = arith.constant 0 : i32
    %scan3A_56 = arith.constant 0 : i32
    %scan3A_57 = arith.constant 25 : i32
    %scan3A_58 = arith.addi %scan3A_56, %scan3A_57 : i32
    %scan3A_59 = arith.constant 1 : i32
    %scan3A_60 = scf.for %scan3A_98 = %scan3A_56 to %scan3A_58 step %scan3A_59 iter_args(%scan3A_99 = %scan3A_55) -> (i32)  : i32 {
      %get3A = arith.index_cast %scan3A_98 : i32 to index
      %get3A_100 = arith.constant 0 : index
      %get3A_101 = tpu.vector_load %arg9[%get3A, %get3A_100] {strides = array<i32>} : memref<25x80xi32, #tpu.memory_space<vmem>>, vector<16xi32>,
      %get3A_102 = arith.index_cast %scan3A_98 : i32 to index
      %get3A_103 = arith.constant 0 : index
      %get3A_104 = tpu.vector_load %arg10[%get3A_102, %get3A_103] {strides = array<i32>} : memref<25x80xi32, #tpu.memory_space<vmem>>, vector<16xi32>,
      %get3A_105 = arith.index_cast %scan3A_98 : i32 to index
      %get3A_106 = arith.constant 0 : index
      %get3A_107 = tpu.vector_load %arg11[%get3A_105, %get3A_106] {strides = array<i32>} : memref<25x80xi32, #tpu.memory_space<vmem>>, vector<16xi32>,
      %mul3A_108 = arith.constant 8 : i32
      %mul3A_109 = vector.broadcast %mul3A_108 : i32 to vector<16xi32>
      %mul3A_110 = arith.muli %get3A_101, %mul3A_109 : vector<16xi32>
      %add3A_111 = arith.addi %mul3A_110, %get3A_104 : vector<16xi32>
      %gather3A = tpu.vector_load_idx %arg8[%add3A_111] : memref<80000xf32, #tpu.memory_space<vmem>>[vector<16xi32>], vector<16xf32>,
      %max3A = arith.constant 1.000000e+00 : f32
      %max3A_112 = vector.broadcast %max3A : f32 to vector<16xf32>
      %max3A_113 = arith.maximumf %gather3A, %max3A_112 : vector<16xf32>
      %div3A = arith.constant 1.000000e+00 : f32
      %div3A_114 = vector.broadcast %div3A : f32 to vector<16xf32>
      %div3A_115 = arith.divf %div3A_114, %max3A_113 : vector<16xf32>
      %swap3A_116 = arith.index_cast %scan3A_98 : i32 to index
      %swap3A_117 = arith.constant 0 : index
      %swap3A_118 = tpu.vector_load %arg13[%swap3A_116, %swap3A_117] {strides = array<i32>} : memref<25x80xf32, #tpu.memory_space<vmem>>, vector<16xf32>,
      tpu.vector_store %arg13[%swap3A_116, %swap3A_117], %div3A_115 {strides = array<i32>} : memref<25x80xf32, #tpu.memory_space<vmem>>, vector<16xf32>,
      %mul3A_119 = arith.constant 10000 : i32
      %mul3A_120 = vector.broadcast %mul3A_119 : i32 to vector<16xi32>
      %mul3A_121 = arith.muli %get3A_104, %mul3A_120 : vector<16xi32>
      %add3A_122 = arith.addi %mul3A_121, %get3A_107 : vector<16xi32>
      %swap3A_123 = arith.index_cast %scan3A_98 : i32 to index
      %swap3A_124 = arith.constant 0 : index
      %swap3A_125 = tpu.vector_load %arg14[%swap3A_123, %swap3A_124] {strides = array<i32>} : memref<25x80xi32, #tpu.memory_space<vmem>>, vector<16xi32>,
      tpu.vector_store %arg14[%swap3A_123, %swap3A_124], %add3A_122 {strides = array<i32>} : memref<25x80xi32, #tpu.memory_space<vmem>>, vector<16xi32>,
      %get3A_126 = arith.index_cast %scan3A_98 : i32 to index
      %get3A_127 = arith.constant 16 : index
      %get3A_128 = tpu.vector_load %arg9[%get3A_126, %get3A_127] {strides = array<i32>} : memref<25x80xi32, #tpu.memory_space<vmem>>, vector<16xi32>,
      %get3A_129 = arith.index_cast %scan3A_98 : i32 to index
      %get3A_130 = arith.constant 16 : index
      %get3A_131 = tpu.vector_load %arg10[%get3A_129, %get3A_130] {strides = array<i32>} : memref<25x80xi32, #tpu.memory_space<vmem>>, vector<16xi32>,
      %get3A_132 = arith.index_cast %scan3A_98 : i32 to index
      %get3A_133 = arith.constant 16 : index
      %get3A_134 = tpu.vector_load %arg11[%get3A_132, %get3A_133] {strides = array<i32>} : memref<25x80xi32, #tpu.memory_space<vmem>>, vector<16xi32>,
      %mul3A_135 = arith.constant 8 : i32
      %mul3A_136 = vector.broadcast %mul3A_135 : i32 to vector<16xi32>
      %mul3A_137 = arith.muli %get3A_128, %mul3A_136 : vector<16xi32>
      %add3A_138 = arith.addi %mul3A_137, %get3A_131 : vector<16xi32>
      %gather3A_139 = tpu.vector_load_idx %arg8[%add3A_138] : memref<80000xf32, #tpu.memory_space<vmem>>[vector<16xi32>], vector<16xf32>,
      %max3A_140 = arith.constant 1.000000e+00 : f32
      %max3A_141 = vector.broadcast %max3A_140 : f32 to vector<16xf32>
      %max3A_142 = arith.maximumf %gather3A_139, %max3A_141 : vector<16xf32>
      %div3A_143 = arith.constant 1.000000e+00 : f32
      %div3A_144 = vector.broadcast %div3A_143 : f32 to vector<16xf32>
      %div3A_145 = arith.divf %div3A_144, %max3A_142 : vector<16xf32>
      %swap3A_146 = arith.index_cast %scan3A_98 : i32 to index
      %swap3A_147 = arith.constant 16 : index
      %swap3A_148 = tpu.vector_load %arg13[%swap3A_146, %swap3A_147] {strides = array<i32>} : memref<25x80xf32, #tpu.memory_space<vmem>>, vector<16xf32>,
      tpu.vector_store %arg13[%swap3A_146, %swap3A_147], %div3A_145 {strides = array<i32>} : memref<25x80xf32, #tpu.memory_space<vmem>>, vector<16xf32>,
      %mul3A_149 = arith.constant 10000 : i32
      %mul3A_150 = vector.broadcast %mul3A_149 : i32 to vector<16xi32>
      %mul3A_151 = arith.muli %get3A_131, %mul3A_150 : vector<16xi32>
      %add3A_152 = arith.addi %mul3A_151, %get3A_134 : vector<16xi32>
      %swap3A_153 = arith.index_cast %scan3A_98 : i32 to index
      %swap3A_154 = arith.constant 16 : index
      %swap3A_155 = tpu.vector_load %arg14[%swap3A_153, %swap3A_154] {strides = array<i32>} : memref<25x80xi32, #tpu.memory_space<vmem>>, vector<16xi32>,
      tpu.vector_store %arg14[%swap3A_153, %swap3A_154], %add3A_152 {strides = array<i32>} : memref<25x80xi32, #tpu.memory_space<vmem>>, vector<16xi32>,
      %get3A_156 = arith.index_cast %scan3A_98 : i32 to index
      %get3A_157 = arith.constant 32 : index
      %get3A_158 = tpu.vector_load %arg9[%get3A_156, %get3A_157] {strides = array<i32>} : memref<25x80xi32, #tpu.memory_space<vmem>>, vector<16xi32>,
      %get3A_159 = arith.index_cast %scan3A_98 : i32 to index
      %get3A_160 = arith.constant 32 : index
      %get3A_161 = tpu.vector_load %arg10[%get3A_159, %get3A_160] {strides = array<i32>} : memref<25x80xi32, #tpu.memory_space<vmem>>, vector<16xi32>,
      %get3A_162 = arith.index_cast %scan3A_98 : i32 to index
      %get3A_163 = arith.constant 32 : index
      %get3A_164 = tpu.vector_load %arg11[%get3A_162, %get3A_163] {strides = array<i32>} : memref<25x80xi32, #tpu.memory_space<vmem>>, vector<16xi32>,
      %mul3A_165 = arith.constant 8 : i32
      %mul3A_166 = vector.broadcast %mul3A_165 : i32 to vector<16xi32>
      %mul3A_167 = arith.muli %get3A_158, %mul3A_166 : vector<16xi32>
      %add3A_168 = arith.addi %mul3A_167, %get3A_161 : vector<16xi32>
      %gather3A_169 = tpu.vector_load_idx %arg8[%add3A_168] : memref<80000xf32, #tpu.memory_space<vmem>>[vector<16xi32>], vector<16xf32>,
      %max3A_170 = arith.constant 1.000000e+00 : f32
      %max3A_171 = vector.broadcast %max3A_170 : f32 to vector<16xf32>
      %max3A_172 = arith.maximumf %gather3A_169, %max3A_171 : vector<16xf32>
      %div3A_173 = arith.constant 1.000000e+00 : f32
      %div3A_174 = vector.broadcast %div3A_173 : f32 to vector<16xf32>
      %div3A_175 = arith.divf %div3A_174, %max3A_172 : vector<16xf32>
      %swap3A_176 = arith.index_cast %scan3A_98 : i32 to index
      %swap3A_177 = arith.constant 32 : index
      %swap3A_178 = tpu.vector_load %arg13[%swap3A_176, %swap3A_177] {strides = array<i32>} : memref<25x80xf32, #tpu.memory_space<vmem>>, vector<16xf32>,
      tpu.vector_store %arg13[%swap3A_176, %swap3A_177], %div3A_175 {strides = array<i32>} : memref<25x80xf32, #tpu.memory_space<vmem>>, vector<16xf32>,
      %mul3A_179 = arith.constant 10000 : i32
      %mul3A_180 = vector.broadcast %mul3A_179 : i32 to vector<16xi32>
      %mul3A_181 = arith.muli %get3A_161, %mul3A_180 : vector<16xi32>
      %add3A_182 = arith.addi %mul3A_181, %get3A_164 : vector<16xi32>
      %swap3A_183 = arith.index_cast %scan3A_98 : i32 to index
      %swap3A_184 = arith.constant 32 : index
      %swap3A_185 = tpu.vector_load %arg14[%swap3A_183, %swap3A_184] {strides = array<i32>} : memref<25x80xi32, #tpu.memory_space<vmem>>, vector<16xi32>,
      tpu.vector_store %arg14[%swap3A_183, %swap3A_184], %add3A_182 {strides = array<i32>} : memref<25x80xi32, #tpu.memory_space<vmem>>, vector<16xi32>,
      %get3A_186 = arith.index_cast %scan3A_98 : i32 to index
      %get3A_187 = arith.constant 48 : index
      %get3A_188 = tpu.vector_load %arg9[%get3A_186, %get3A_187] {strides = array<i32>} : memref<25x80xi32, #tpu.memory_space<vmem>>, vector<16xi32>,
      %get3A_189 = arith.index_cast %scan3A_98 : i32 to index
      %get3A_190 = arith.constant 48 : index
      %get3A_191 = tpu.vector_load %arg10[%get3A_189, %get3A_190] {strides = array<i32>} : memref<25x80xi32, #tpu.memory_space<vmem>>, vector<16xi32>,
      %get3A_192 = arith.index_cast %scan3A_98 : i32 to index
      %get3A_193 = arith.constant 48 : index
      %get3A_194 = tpu.vector_load %arg11[%get3A_192, %get3A_193] {strides = array<i32>} : memref<25x80xi32, #tpu.memory_space<vmem>>, vector<16xi32>,
      %mul3A_195 = arith.constant 8 : i32
      %mul3A_196 = vector.broadcast %mul3A_195 : i32 to vector<16xi32>
      %mul3A_197 = arith.muli %get3A_188, %mul3A_196 : vector<16xi32>
      %add3A_198 = arith.addi %mul3A_197, %get3A_191 : vector<16xi32>
      %gather3A_199 = tpu.vector_load_idx %arg8[%add3A_198] : memref<80000xf32, #tpu.memory_space<vmem>>[vector<16xi32>], vector<16xf32>,
      %max3A_200 = arith.constant 1.000000e+00 : f32
      %max3A_201 = vector.broadcast %max3A_200 : f32 to vector<16xf32>
      %max3A_202 = arith.maximumf %gather3A_199, %max3A_201 : vector<16xf32>
      %div3A_203 = arith.constant 1.000000e+00 : f32
      %div3A_204 = vector.broadcast %div3A_203 : f32 to vector<16xf32>
      %div3A_205 = arith.divf %div3A_204, %max3A_202 : vector<16xf32>
      %swap3A_206 = arith.index_cast %scan3A_98 : i32 to index
      %swap3A_207 = arith.constant 48 : index
      %swap3A_208 = tpu.vector_load %arg13[%swap3A_206, %swap3A_207] {strides = array<i32>} : memref<25x80xf32, #tpu.memory_space<vmem>>, vector<16xf32>,
      tpu.vector_store %arg13[%swap3A_206, %swap3A_207], %div3A_205 {strides = array<i32>} : memref<25x80xf32, #tpu.memory_space<vmem>>, vector<16xf32>,
      %mul3A_209 = arith.constant 10000 : i32
      %mul3A_210 = vector.broadcast %mul3A_209 : i32 to vector<16xi32>
      %mul3A_211 = arith.muli %get3A_191, %mul3A_210 : vector<16xi32>
      %add3A_212 = arith.addi %mul3A_211, %get3A_194 : vector<16xi32>
      %swap3A_213 = arith.index_cast %scan3A_98 : i32 to index
      %swap3A_214 = arith.constant 48 : index
      %swap3A_215 = tpu.vector_load %arg14[%swap3A_213, %swap3A_214] {strides = array<i32>} : memref<25x80xi32, #tpu.memory_space<vmem>>, vector<16xi32>,
      tpu.vector_store %arg14[%swap3A_213, %swap3A_214], %add3A_212 {strides = array<i32>} : memref<25x80xi32, #tpu.memory_space<vmem>>, vector<16xi32>,
      %get3A_216 = arith.index_cast %scan3A_98 : i32 to index
      %get3A_217 = arith.constant 64 : index
      %get3A_218 = tpu.vector_load %arg9[%get3A_216, %get3A_217] {strides = array<i32>} : memref<25x80xi32, #tpu.memory_space<vmem>>, vector<16xi32>,
      %get3A_219 = arith.index_cast %scan3A_98 : i32 to index
      %get3A_220 = arith.constant 64 : index
      %get3A_221 = tpu.vector_load %arg10[%get3A_219, %get3A_220] {strides = array<i32>} : memref<25x80xi32, #tpu.memory_space<vmem>>, vector<16xi32>,
      %get3A_222 = arith.index_cast %scan3A_98 : i32 to index
      %get3A_223 = arith.constant 64 : index
      %get3A_224 = tpu.vector_load %arg11[%get3A_222, %get3A_223] {strides = array<i32>} : memref<25x80xi32, #tpu.memory_space<vmem>>, vector<16xi32>,
      %mul3A_225 = arith.constant 8 : i32
      %mul3A_226 = vector.broadcast %mul3A_225 : i32 to vector<16xi32>
      %mul3A_227 = arith.muli %get3A_218, %mul3A_226 : vector<16xi32>
      %add3A_228 = arith.addi %mul3A_227, %get3A_221 : vector<16xi32>
      %gather3A_229 = tpu.vector_load_idx %arg8[%add3A_228] : memref<80000xf32, #tpu.memory_space<vmem>>[vector<16xi32>], vector<16xf32>,
      %max3A_230 = arith.constant 1.000000e+00 : f32
      %max3A_231 = vector.broadcast %max3A_230 : f32 to vector<16xf32>
      %max3A_232 = arith.maximumf %gather3A_229, %max3A_231 : vector<16xf32>
      %div3A_233 = arith.constant 1.000000e+00 : f32
      %div3A_234 = vector.broadcast %div3A_233 : f32 to vector<16xf32>
      %div3A_235 = arith.divf %div3A_234, %max3A_232 : vector<16xf32>
      %swap3A_236 = arith.index_cast %scan3A_98 : i32 to index
      %swap3A_237 = arith.constant 64 : index
      %swap3A_238 = tpu.vector_load %arg13[%swap3A_236, %swap3A_237] {strides = array<i32>} : memref<25x80xf32, #tpu.memory_space<vmem>>, vector<16xf32>,
      tpu.vector_store %arg13[%swap3A_236, %swap3A_237], %div3A_235 {strides = array<i32>} : memref<25x80xf32, #tpu.memory_space<vmem>>, vector<16xf32>,
      %mul3A_239 = arith.constant 10000 : i32
      %mul3A_240 = vector.broadcast %mul3A_239 : i32 to vector<16xi32>
      %mul3A_241 = arith.muli %get3A_221, %mul3A_240 : vector<16xi32>
      %add3A_242 = arith.addi %mul3A_241, %get3A_224 : vector<16xi32>
      %swap3A_243 = arith.index_cast %scan3A_98 : i32 to index
      %swap3A_244 = arith.constant 64 : index
      %swap3A_245 = tpu.vector_load %arg14[%swap3A_243, %swap3A_244] {strides = array<i32>} : memref<25x80xi32, #tpu.memory_space<vmem>>, vector<16xi32>,
      tpu.vector_store %arg14[%swap3A_243, %swap3A_244], %add3A_242 {strides = array<i32>} : memref<25x80xi32, #tpu.memory_space<vmem>>, vector<16xi32>,
      %scan3A_246 = arith.constant 0 : i32
      scf.yield %scan3A_246 : i32
    }
    %scan3A_61 = arith.constant 25 : i32
    "tpu.region"() ({
      %run_scoped3A = tpu.sem_alloc : memref<!tpu.dma_semaphore, #tpu.memory_space<semaphore_mem>>
      %dma_start3A = arith.constant 0 : i32
      %dma_start3A_98 = tpu.memref_slice %arg5[%add3A_54, %dma_start3A] : memref<4000x80xf32, #tpu.memory_space<hbm>> -> memref<25x80xf32, #tpu.memory_space<hbm>>
      %dma_start3A_99 = arith.constant 0 : i32
      %dma_start3A_100 = tpu.memref_slice %arg5[%add3A_54, %dma_start3A_99] : memref<4000x80xf32, #tpu.memory_space<hbm>> -> memref<25x80xf32, #tpu.memory_space<hbm>>
      tpu.enqueue_dma source(%arg13 : memref<25x80xf32, #tpu.memory_space<vmem>>) target(%dma_start3A_100 : memref<25x80xf32, #tpu.memory_space<hbm>>) target_semaphore(%run_scoped3A : memref<!tpu.dma_semaphore, #tpu.memory_space<semaphore_mem>>)
      %dma_wait3A = arith.constant 0 : i32
      %dma_wait3A_101 = tpu.memref_slice %arg5[%add3A_54, %dma_wait3A] : memref<4000x80xf32, #tpu.memory_space<hbm>> -> memref<25x80xf32, #tpu.memory_space<hbm>>
      %dma_wait3A_102 = arith.constant 0 : i32
      %dma_wait3A_103 = tpu.memref_slice %arg5[%add3A_54, %dma_wait3A_102] : memref<4000x80xf32, #tpu.memory_space<hbm>> -> memref<25x80xf32, #tpu.memory_space<hbm>>
      tpu.wait_dma2 semaphore(%run_scoped3A : memref<!tpu.dma_semaphore, #tpu.memory_space<semaphore_mem>>) src(%arg13 : memref<25x80xf32, #tpu.memory_space<vmem>>) dst(%dma_wait3A_103 : memref<25x80xf32, #tpu.memory_space<hbm>>)
      tpu.yield
    }) : () -> ()
    "tpu.region"() ({
      %run_scoped3A = tpu.sem_alloc : memref<!tpu.dma_semaphore, #tpu.memory_space<semaphore_mem>>
      %dma_start3A = arith.constant 0 : i32
      %dma_start3A_98 = tpu.memref_slice %arg6[%add3A_54, %dma_start3A] : memref<4000x80xi32, #tpu.memory_space<hbm>> -> memref<25x80xi32, #tpu.memory_space<hbm>>
      %dma_start3A_99 = arith.constant 0 : i32
      %dma_start3A_100 = tpu.memref_slice %arg6[%add3A_54, %dma_start3A_99] : memref<4000x80xi32, #tpu.memory_space<hbm>> -> memref<25x80xi32, #tpu.memory_space<hbm>>
      tpu.enqueue_dma source(%arg14 : memref<25x80xi32, #tpu.memory_space<vmem>>) target(%dma_start3A_100 : memref<25x80xi32, #tpu.memory_space<hbm>>) target_semaphore(%run_scoped3A : memref<!tpu.dma_semaphore, #tpu.memory_space<semaphore_mem>>)
      %dma_wait3A = arith.constant 0 : i32
      %dma_wait3A_101 = tpu.memref_slice %arg6[%add3A_54, %dma_wait3A] : memref<4000x80xi32, #tpu.memory_space<hbm>> -> memref<25x80xi32, #tpu.memory_space<hbm>>
      %dma_wait3A_102 = arith.constant 0 : i32
      %dma_wait3A_103 = tpu.memref_slice %arg6[%add3A_54, %dma_wait3A_102] : memref<4000x80xi32, #tpu.memory_space<hbm>> -> memref<25x80xi32, #tpu.memory_space<hbm>>
      tpu.wait_dma2 semaphore(%run_scoped3A : memref<!tpu.dma_semaphore, #tpu.memory_space<semaphore_mem>>) src(%arg14 : memref<25x80xi32, #tpu.memory_space<vmem>>) dst(%dma_wait3A_103 : memref<25x80xi32, #tpu.memory_space<hbm>>)
      tpu.yield
    }) : () -> ()
    %add3A_62 = arith.constant 25 : i32
    %add3A_63 = arith.addi %mul3A_52, %add3A_62 : i32
    "tpu.region"() ({
      %run_scoped3A = tpu.sem_alloc : memref<!tpu.dma_semaphore, #tpu.memory_space<semaphore_mem>>
      %dma_start3A = arith.constant 0 : i32
      %dma_start3A_98 = tpu.memref_slice %arg3[%add3A_63, %dma_start3A] : memref<4000x80xi32, #tpu.memory_space<hbm>> -> memref<25x80xi32, #tpu.memory_space<hbm>>
      %dma_start3A_99 = arith.constant 0 : i32
      %dma_start3A_100 = tpu.memref_slice %arg3[%add3A_63, %dma_start3A_99] : memref<4000x80xi32, #tpu.memory_space<hbm>> -> memref<25x80xi32, #tpu.memory_space<hbm>>
      tpu.enqueue_dma source(%dma_start3A_100 : memref<25x80xi32, #tpu.memory_space<hbm>>) target(%arg9 : memref<25x80xi32, #tpu.memory_space<vmem>>) target_semaphore(%run_scoped3A : memref<!tpu.dma_semaphore, #tpu.memory_space<semaphore_mem>>)
      %dma_wait3A = arith.constant 0 : i32
      %dma_wait3A_101 = tpu.memref_slice %arg3[%add3A_63, %dma_wait3A] : memref<4000x80xi32, #tpu.memory_space<hbm>> -> memref<25x80xi32, #tpu.memory_space<hbm>>
      %dma_wait3A_102 = arith.constant 0 : i32
      %dma_wait3A_103 = tpu.memref_slice %arg3[%add3A_63, %dma_wait3A_102] : memref<4000x80xi32, #tpu.memory_space<hbm>> -> memref<25x80xi32, #tpu.memory_space<hbm>>
      tpu.wait_dma2 semaphore(%run_scoped3A : memref<!tpu.dma_semaphore, #tpu.memory_space<semaphore_mem>>) src(%dma_wait3A_103 : memref<25x80xi32, #tpu.memory_space<hbm>>) dst(%arg9 : memref<25x80xi32, #tpu.memory_space<vmem>>)
      tpu.yield
    }) : () -> ()
    "tpu.region"() ({
      %run_scoped3A = tpu.sem_alloc : memref<!tpu.dma_semaphore, #tpu.memory_space<semaphore_mem>>
      %dma_start3A = arith.constant 0 : i32
      %dma_start3A_98 = tpu.memref_slice %arg4[%add3A_63, %dma_start3A] : memref<4000x80xi32, #tpu.memory_space<hbm>> -> memref<25x80xi32, #tpu.memory_space<hbm>>
      %dma_start3A_99 = arith.constant 0 : i32
      %dma_start3A_100 = tpu.memref_slice %arg4[%add3A_63, %dma_start3A_99] : memref<4000x80xi32, #tpu.memory_space<hbm>> -> memref<25x80xi32, #tpu.memory_space<hbm>>
      tpu.enqueue_dma source(%dma_start3A_100 : memref<25x80xi32, #tpu.memory_space<hbm>>) target(%arg10 : memref<25x80xi32, #tpu.memory_space<vmem>>) target_semaphore(%run_scoped3A : memref<!tpu.dma_semaphore, #tpu.memory_space<semaphore_mem>>)
      %dma_wait3A = arith.constant 0 : i32
      %dma_wait3A_101 = tpu.memref_slice %arg4[%add3A_63, %dma_wait3A] : memref<4000x80xi32, #tpu.memory_space<hbm>> -> memref<25x80xi32, #tpu.memory_space<hbm>>
      %dma_wait3A_102 = arith.constant 0 : i32
      %dma_wait3A_103 = tpu.memref_slice %arg4[%add3A_63, %dma_wait3A_102] : memref<4000x80xi32, #tpu.memory_space<hbm>> -> memref<25x80xi32, #tpu.memory_space<hbm>>
      tpu.wait_dma2 semaphore(%run_scoped3A : memref<!tpu.dma_semaphore, #tpu.memory_space<semaphore_mem>>) src(%dma_wait3A_103 : memref<25x80xi32, #tpu.memory_space<hbm>>) dst(%arg10 : memref<25x80xi32, #tpu.memory_space<vmem>>)
      tpu.yield
    }) : () -> ()
    "tpu.region"() ({
      %run_scoped3A = tpu.sem_alloc : memref<!tpu.dma_semaphore, #tpu.memory_space<semaphore_mem>>
      %dma_start3A = arith.constant 0 : i32
      %dma_start3A_98 = tpu.memref_slice %arg2[%add3A_63, %dma_start3A] : memref<4000x80xi32, #tpu.memory_space<hbm>> -> memref<25x80xi32, #tpu.memory_space<hbm>>
      %dma_start3A_99 = arith.constant 0 : i32
      %dma_start3A_100 = tpu.memref_slice %arg2[%add3A_63, %dma_start3A_99] : memref<4000x80xi32, #tpu.memory_space<hbm>> -> memref<25x80xi32, #tpu.memory_space<hbm>>
      tpu.enqueue_dma source(%dma_start3A_100 : memref<25x80xi32, #tpu.memory_space<hbm>>) target(%arg11 : memref<25x80xi32, #tpu.memory_space<vmem>>) target_semaphore(%run_scoped3A : memref<!tpu.dma_semaphore, #tpu.memory_space<semaphore_mem>>)
      %dma_wait3A = arith.constant 0 : i32
      %dma_wait3A_101 = tpu.memref_slice %arg2[%add3A_63, %dma_wait3A] : memref<4000x80xi32, #tpu.memory_space<hbm>> -> memref<25x80xi32, #tpu.memory_space<hbm>>
      %dma_wait3A_102 = arith.constant 0 : i32
      %dma_wait3A_103 = tpu.memref_slice %arg2[%add3A_63, %dma_wait3A_102] : memref<4000x80xi32, #tpu.memory_space<hbm>> -> memref<25x80xi32, #tpu.memory_space<hbm>>
      tpu.wait_dma2 semaphore(%run_scoped3A : memref<!tpu.dma_semaphore, #tpu.memory_space<semaphore_mem>>) src(%dma_wait3A_103 : memref<25x80xi32, #tpu.memory_space<hbm>>) dst(%arg11 : memref<25x80xi32, #tpu.memory_space<vmem>>)
      tpu.yield
    }) : () -> ()
    %scan3A_64 = arith.constant 0 : i32
    %scan3A_65 = arith.constant 0 : i32
    %scan3A_66 = arith.constant 25 : i32
    %scan3A_67 = arith.addi %scan3A_65, %scan3A_66 : i32
    %scan3A_68 = arith.constant 1 : i32
    %scan3A_69 = scf.for %scan3A_98 = %scan3A_65 to %scan3A_67 step %scan3A_68 iter_args(%scan3A_99 = %scan3A_64) -> (i32)  : i32 {
      %get3A = arith.index_cast %scan3A_98 : i32 to index
      %get3A_100 = arith.constant 0 : index
      %get3A_101 = tpu.vector_load %arg9[%get3A, %get3A_100] {strides = array<i32>} : memref<25x80xi32, #tpu.memory_space<vmem>>, vector<16xi32>,
      %get3A_102 = arith.index_cast %scan3A_98 : i32 to index
      %get3A_103 = arith.constant 0 : index
      %get3A_104 = tpu.vector_load %arg10[%get3A_102, %get3A_103] {strides = array<i32>} : memref<25x80xi32, #tpu.memory_space<vmem>>, vector<16xi32>,
      %get3A_105 = arith.index_cast %scan3A_98 : i32 to index
      %get3A_106 = arith.constant 0 : index
      %get3A_107 = tpu.vector_load %arg11[%get3A_105, %get3A_106] {strides = array<i32>} : memref<25x80xi32, #tpu.memory_space<vmem>>, vector<16xi32>,
      %mul3A_108 = arith.constant 8 : i32
      %mul3A_109 = vector.broadcast %mul3A_108 : i32 to vector<16xi32>
      %mul3A_110 = arith.muli %get3A_101, %mul3A_109 : vector<16xi32>
      %add3A_111 = arith.addi %mul3A_110, %get3A_104 : vector<16xi32>
      %gather3A = tpu.vector_load_idx %arg8[%add3A_111] : memref<80000xf32, #tpu.memory_space<vmem>>[vector<16xi32>], vector<16xf32>,
      %max3A = arith.constant 1.000000e+00 : f32
      %max3A_112 = vector.broadcast %max3A : f32 to vector<16xf32>
      %max3A_113 = arith.maximumf %gather3A, %max3A_112 : vector<16xf32>
      %div3A = arith.constant 1.000000e+00 : f32
      %div3A_114 = vector.broadcast %div3A : f32 to vector<16xf32>
      %div3A_115 = arith.divf %div3A_114, %max3A_113 : vector<16xf32>
      %swap3A_116 = arith.index_cast %scan3A_98 : i32 to index
      %swap3A_117 = arith.constant 0 : index
      %swap3A_118 = tpu.vector_load %arg13[%swap3A_116, %swap3A_117] {strides = array<i32>} : memref<25x80xf32, #tpu.memory_space<vmem>>, vector<16xf32>,
      tpu.vector_store %arg13[%swap3A_116, %swap3A_117], %div3A_115 {strides = array<i32>} : memref<25x80xf32, #tpu.memory_space<vmem>>, vector<16xf32>,
      %mul3A_119 = arith.constant 10000 : i32
      %mul3A_120 = vector.broadcast %mul3A_119 : i32 to vector<16xi32>
      %mul3A_121 = arith.muli %get3A_104, %mul3A_120 : vector<16xi32>
      %add3A_122 = arith.addi %mul3A_121, %get3A_107 : vector<16xi32>
      %swap3A_123 = arith.index_cast %scan3A_98 : i32 to index
      %swap3A_124 = arith.constant 0 : index
      %swap3A_125 = tpu.vector_load %arg14[%swap3A_123, %swap3A_124] {strides = array<i32>} : memref<25x80xi32, #tpu.memory_space<vmem>>, vector<16xi32>,
      tpu.vector_store %arg14[%swap3A_123, %swap3A_124], %add3A_122 {strides = array<i32>} : memref<25x80xi32, #tpu.memory_space<vmem>>, vector<16xi32>,
      %get3A_126 = arith.index_cast %scan3A_98 : i32 to index
      %get3A_127 = arith.constant 16 : index
      %get3A_128 = tpu.vector_load %arg9[%get3A_126, %get3A_127] {strides = array<i32>} : memref<25x80xi32, #tpu.memory_space<vmem>>, vector<16xi32>,
      %get3A_129 = arith.index_cast %scan3A_98 : i32 to index
      %get3A_130 = arith.constant 16 : index
      %get3A_131 = tpu.vector_load %arg10[%get3A_129, %get3A_130] {strides = array<i32>} : memref<25x80xi32, #tpu.memory_space<vmem>>, vector<16xi32>,
      %get3A_132 = arith.index_cast %scan3A_98 : i32 to index
      %get3A_133 = arith.constant 16 : index
      %get3A_134 = tpu.vector_load %arg11[%get3A_132, %get3A_133] {strides = array<i32>} : memref<25x80xi32, #tpu.memory_space<vmem>>, vector<16xi32>,
      %mul3A_135 = arith.constant 8 : i32
      %mul3A_136 = vector.broadcast %mul3A_135 : i32 to vector<16xi32>
      %mul3A_137 = arith.muli %get3A_128, %mul3A_136 : vector<16xi32>
      %add3A_138 = arith.addi %mul3A_137, %get3A_131 : vector<16xi32>
      %gather3A_139 = tpu.vector_load_idx %arg8[%add3A_138] : memref<80000xf32, #tpu.memory_space<vmem>>[vector<16xi32>], vector<16xf32>,
      %max3A_140 = arith.constant 1.000000e+00 : f32
      %max3A_141 = vector.broadcast %max3A_140 : f32 to vector<16xf32>
      %max3A_142 = arith.maximumf %gather3A_139, %max3A_141 : vector<16xf32>
      %div3A_143 = arith.constant 1.000000e+00 : f32
      %div3A_144 = vector.broadcast %div3A_143 : f32 to vector<16xf32>
      %div3A_145 = arith.divf %div3A_144, %max3A_142 : vector<16xf32>
      %swap3A_146 = arith.index_cast %scan3A_98 : i32 to index
      %swap3A_147 = arith.constant 16 : index
      %swap3A_148 = tpu.vector_load %arg13[%swap3A_146, %swap3A_147] {strides = array<i32>} : memref<25x80xf32, #tpu.memory_space<vmem>>, vector<16xf32>,
      tpu.vector_store %arg13[%swap3A_146, %swap3A_147], %div3A_145 {strides = array<i32>} : memref<25x80xf32, #tpu.memory_space<vmem>>, vector<16xf32>,
      %mul3A_149 = arith.constant 10000 : i32
      %mul3A_150 = vector.broadcast %mul3A_149 : i32 to vector<16xi32>
      %mul3A_151 = arith.muli %get3A_131, %mul3A_150 : vector<16xi32>
      %add3A_152 = arith.addi %mul3A_151, %get3A_134 : vector<16xi32>
      %swap3A_153 = arith.index_cast %scan3A_98 : i32 to index
      %swap3A_154 = arith.constant 16 : index
      %swap3A_155 = tpu.vector_load %arg14[%swap3A_153, %swap3A_154] {strides = array<i32>} : memref<25x80xi32, #tpu.memory_space<vmem>>, vector<16xi32>,
      tpu.vector_store %arg14[%swap3A_153, %swap3A_154], %add3A_152 {strides = array<i32>} : memref<25x80xi32, #tpu.memory_space<vmem>>, vector<16xi32>,
      %get3A_156 = arith.index_cast %scan3A_98 : i32 to index
      %get3A_157 = arith.constant 32 : index
      %get3A_158 = tpu.vector_load %arg9[%get3A_156, %get3A_157] {strides = array<i32>} : memref<25x80xi32, #tpu.memory_space<vmem>>, vector<16xi32>,
      %get3A_159 = arith.index_cast %scan3A_98 : i32 to index
      %get3A_160 = arith.constant 32 : index
      %get3A_161 = tpu.vector_load %arg10[%get3A_159, %get3A_160] {strides = array<i32>} : memref<25x80xi32, #tpu.memory_space<vmem>>, vector<16xi32>,
      %get3A_162 = arith.index_cast %scan3A_98 : i32 to index
      %get3A_163 = arith.constant 32 : index
      %get3A_164 = tpu.vector_load %arg11[%get3A_162, %get3A_163] {strides = array<i32>} : memref<25x80xi32, #tpu.memory_space<vmem>>, vector<16xi32>,
      %mul3A_165 = arith.constant 8 : i32
      %mul3A_166 = vector.broadcast %mul3A_165 : i32 to vector<16xi32>
      %mul3A_167 = arith.muli %get3A_158, %mul3A_166 : vector<16xi32>
      %add3A_168 = arith.addi %mul3A_167, %get3A_161 : vector<16xi32>
      %gather3A_169 = tpu.vector_load_idx %arg8[%add3A_168] : memref<80000xf32, #tpu.memory_space<vmem>>[vector<16xi32>], vector<16xf32>,
      %max3A_170 = arith.constant 1.000000e+00 : f32
      %max3A_171 = vector.broadcast %max3A_170 : f32 to vector<16xf32>
      %max3A_172 = arith.maximumf %gather3A_169, %max3A_171 : vector<16xf32>
      %div3A_173 = arith.constant 1.000000e+00 : f32
      %div3A_174 = vector.broadcast %div3A_173 : f32 to vector<16xf32>
      %div3A_175 = arith.divf %div3A_174, %max3A_172 : vector<16xf32>
      %swap3A_176 = arith.index_cast %scan3A_98 : i32 to index
      %swap3A_177 = arith.constant 32 : index
      %swap3A_178 = tpu.vector_load %arg13[%swap3A_176, %swap3A_177] {strides = array<i32>} : memref<25x80xf32, #tpu.memory_space<vmem>>, vector<16xf32>,
      tpu.vector_store %arg13[%swap3A_176, %swap3A_177], %div3A_175 {strides = array<i32>} : memref<25x80xf32, #tpu.memory_space<vmem>>, vector<16xf32>,
      %mul3A_179 = arith.constant 10000 : i32
      %mul3A_180 = vector.broadcast %mul3A_179 : i32 to vector<16xi32>
      %mul3A_181 = arith.muli %get3A_161, %mul3A_180 : vector<16xi32>
      %add3A_182 = arith.addi %mul3A_181, %get3A_164 : vector<16xi32>
      %swap3A_183 = arith.index_cast %scan3A_98 : i32 to index
      %swap3A_184 = arith.constant 32 : index
      %swap3A_185 = tpu.vector_load %arg14[%swap3A_183, %swap3A_184] {strides = array<i32>} : memref<25x80xi32, #tpu.memory_space<vmem>>, vector<16xi32>,
      tpu.vector_store %arg14[%swap3A_183, %swap3A_184], %add3A_182 {strides = array<i32>} : memref<25x80xi32, #tpu.memory_space<vmem>>, vector<16xi32>,
      %get3A_186 = arith.index_cast %scan3A_98 : i32 to index
      %get3A_187 = arith.constant 48 : index
      %get3A_188 = tpu.vector_load %arg9[%get3A_186, %get3A_187] {strides = array<i32>} : memref<25x80xi32, #tpu.memory_space<vmem>>, vector<16xi32>,
      %get3A_189 = arith.index_cast %scan3A_98 : i32 to index
      %get3A_190 = arith.constant 48 : index
      %get3A_191 = tpu.vector_load %arg10[%get3A_189, %get3A_190] {strides = array<i32>} : memref<25x80xi32, #tpu.memory_space<vmem>>, vector<16xi32>,
      %get3A_192 = arith.index_cast %scan3A_98 : i32 to index
      %get3A_193 = arith.constant 48 : index
      %get3A_194 = tpu.vector_load %arg11[%get3A_192, %get3A_193] {strides = array<i32>} : memref<25x80xi32, #tpu.memory_space<vmem>>, vector<16xi32>,
      %mul3A_195 = arith.constant 8 : i32
      %mul3A_196 = vector.broadcast %mul3A_195 : i32 to vector<16xi32>
      %mul3A_197 = arith.muli %get3A_188, %mul3A_196 : vector<16xi32>
      %add3A_198 = arith.addi %mul3A_197, %get3A_191 : vector<16xi32>
      %gather3A_199 = tpu.vector_load_idx %arg8[%add3A_198] : memref<80000xf32, #tpu.memory_space<vmem>>[vector<16xi32>], vector<16xf32>,
      %max3A_200 = arith.constant 1.000000e+00 : f32
      %max3A_201 = vector.broadcast %max3A_200 : f32 to vector<16xf32>
      %max3A_202 = arith.maximumf %gather3A_199, %max3A_201 : vector<16xf32>
      %div3A_203 = arith.constant 1.000000e+00 : f32
      %div3A_204 = vector.broadcast %div3A_203 : f32 to vector<16xf32>
      %div3A_205 = arith.divf %div3A_204, %max3A_202 : vector<16xf32>
      %swap3A_206 = arith.index_cast %scan3A_98 : i32 to index
      %swap3A_207 = arith.constant 48 : index
      %swap3A_208 = tpu.vector_load %arg13[%swap3A_206, %swap3A_207] {strides = array<i32>} : memref<25x80xf32, #tpu.memory_space<vmem>>, vector<16xf32>,
      tpu.vector_store %arg13[%swap3A_206, %swap3A_207], %div3A_205 {strides = array<i32>} : memref<25x80xf32, #tpu.memory_space<vmem>>, vector<16xf32>,
      %mul3A_209 = arith.constant 10000 : i32
      %mul3A_210 = vector.broadcast %mul3A_209 : i32 to vector<16xi32>
      %mul3A_211 = arith.muli %get3A_191, %mul3A_210 : vector<16xi32>
      %add3A_212 = arith.addi %mul3A_211, %get3A_194 : vector<16xi32>
      %swap3A_213 = arith.index_cast %scan3A_98 : i32 to index
      %swap3A_214 = arith.constant 48 : index
      %swap3A_215 = tpu.vector_load %arg14[%swap3A_213, %swap3A_214] {strides = array<i32>} : memref<25x80xi32, #tpu.memory_space<vmem>>, vector<16xi32>,
      tpu.vector_store %arg14[%swap3A_213, %swap3A_214], %add3A_212 {strides = array<i32>} : memref<25x80xi32, #tpu.memory_space<vmem>>, vector<16xi32>,
      %get3A_216 = arith.index_cast %scan3A_98 : i32 to index
      %get3A_217 = arith.constant 64 : index
      %get3A_218 = tpu.vector_load %arg9[%get3A_216, %get3A_217] {strides = array<i32>} : memref<25x80xi32, #tpu.memory_space<vmem>>, vector<16xi32>,
      %get3A_219 = arith.index_cast %scan3A_98 : i32 to index
      %get3A_220 = arith.constant 64 : index
      %get3A_221 = tpu.vector_load %arg10[%get3A_219, %get3A_220] {strides = array<i32>} : memref<25x80xi32, #tpu.memory_space<vmem>>, vector<16xi32>,
      %get3A_222 = arith.index_cast %scan3A_98 : i32 to index
      %get3A_223 = arith.constant 64 : index
      %get3A_224 = tpu.vector_load %arg11[%get3A_222, %get3A_223] {strides = array<i32>} : memref<25x80xi32, #tpu.memory_space<vmem>>, vector<16xi32>,
      %mul3A_225 = arith.constant 8 : i32
      %mul3A_226 = vector.broadcast %mul3A_225 : i32 to vector<16xi32>
      %mul3A_227 = arith.muli %get3A_218, %mul3A_226 : vector<16xi32>
      %add3A_228 = arith.addi %mul3A_227, %get3A_221 : vector<16xi32>
      %gather3A_229 = tpu.vector_load_idx %arg8[%add3A_228] : memref<80000xf32, #tpu.memory_space<vmem>>[vector<16xi32>], vector<16xf32>,
      %max3A_230 = arith.constant 1.000000e+00 : f32
      %max3A_231 = vector.broadcast %max3A_230 : f32 to vector<16xf32>
      %max3A_232 = arith.maximumf %gather3A_229, %max3A_231 : vector<16xf32>
      %div3A_233 = arith.constant 1.000000e+00 : f32
      %div3A_234 = vector.broadcast %div3A_233 : f32 to vector<16xf32>
      %div3A_235 = arith.divf %div3A_234, %max3A_232 : vector<16xf32>
      %swap3A_236 = arith.index_cast %scan3A_98 : i32 to index
      %swap3A_237 = arith.constant 64 : index
      %swap3A_238 = tpu.vector_load %arg13[%swap3A_236, %swap3A_237] {strides = array<i32>} : memref<25x80xf32, #tpu.memory_space<vmem>>, vector<16xf32>,
      tpu.vector_store %arg13[%swap3A_236, %swap3A_237], %div3A_235 {strides = array<i32>} : memref<25x80xf32, #tpu.memory_space<vmem>>, vector<16xf32>,
      %mul3A_239 = arith.constant 10000 : i32
      %mul3A_240 = vector.broadcast %mul3A_239 : i32 to vector<16xi32>
      %mul3A_241 = arith.muli %get3A_221, %mul3A_240 : vector<16xi32>
      %add3A_242 = arith.addi %mul3A_241, %get3A_224 : vector<16xi32>
      %swap3A_243 = arith.index_cast %scan3A_98 : i32 to index
      %swap3A_244 = arith.constant 64 : index
      %swap3A_245 = tpu.vector_load %arg14[%swap3A_243, %swap3A_244] {strides = array<i32>} : memref<25x80xi32, #tpu.memory_space<vmem>>, vector<16xi32>,
      tpu.vector_store %arg14[%swap3A_243, %swap3A_244], %add3A_242 {strides = array<i32>} : memref<25x80xi32, #tpu.memory_space<vmem>>, vector<16xi32>,
      %scan3A_246 = arith.constant 0 : i32
      scf.yield %scan3A_246 : i32
    }
    %scan3A_70 = arith.constant 25 : i32
    "tpu.region"() ({
      %run_scoped3A = tpu.sem_alloc : memref<!tpu.dma_semaphore, #tpu.memory_space<semaphore_mem>>
      %dma_start3A = arith.constant 0 : i32
      %dma_start3A_98 = tpu.memref_slice %arg5[%add3A_63, %dma_start3A] : memref<4000x80xf32, #tpu.memory_space<hbm>> -> memref<25x80xf32, #tpu.memory_space<hbm>>
      %dma_start3A_99 = arith.constant 0 : i32
      %dma_start3A_100 = tpu.memref_slice %arg5[%add3A_63, %dma_start3A_99] : memref<4000x80xf32, #tpu.memory_space<hbm>> -> memref<25x80xf32, #tpu.memory_space<hbm>>
      tpu.enqueue_dma source(%arg13 : memref<25x80xf32, #tpu.memory_space<vmem>>) target(%dma_start3A_100 : memref<25x80xf32, #tpu.memory_space<hbm>>) target_semaphore(%run_scoped3A : memref<!tpu.dma_semaphore, #tpu.memory_space<semaphore_mem>>)
      %dma_wait3A = arith.constant 0 : i32
      %dma_wait3A_101 = tpu.memref_slice %arg5[%add3A_63, %dma_wait3A] : memref<4000x80xf32, #tpu.memory_space<hbm>> -> memref<25x80xf32, #tpu.memory_space<hbm>>
      %dma_wait3A_102 = arith.constant 0 : i32
      %dma_wait3A_103 = tpu.memref_slice %arg5[%add3A_63, %dma_wait3A_102] : memref<4000x80xf32, #tpu.memory_space<hbm>> -> memref<25x80xf32, #tpu.memory_space<hbm>>
      tpu.wait_dma2 semaphore(%run_scoped3A : memref<!tpu.dma_semaphore, #tpu.memory_space<semaphore_mem>>) src(%arg13 : memref<25x80xf32, #tpu.memory_space<vmem>>) dst(%dma_wait3A_103 : memref<25x80xf32, #tpu.memory_space<hbm>>)
      tpu.yield
    }) : () -> ()
    "tpu.region"() ({
      %run_scoped3A = tpu.sem_alloc : memref<!tpu.dma_semaphore, #tpu.memory_space<semaphore_mem>>
      %dma_start3A = arith.constant 0 : i32
      %dma_start3A_98 = tpu.memref_slice %arg6[%add3A_63, %dma_start3A] : memref<4000x80xi32, #tpu.memory_space<hbm>> -> memref<25x80xi32, #tpu.memory_space<hbm>>
      %dma_start3A_99 = arith.constant 0 : i32
      %dma_start3A_100 = tpu.memref_slice %arg6[%add3A_63, %dma_start3A_99] : memref<4000x80xi32, #tpu.memory_space<hbm>> -> memref<25x80xi32, #tpu.memory_space<hbm>>
      tpu.enqueue_dma source(%arg14 : memref<25x80xi32, #tpu.memory_space<vmem>>) target(%dma_start3A_100 : memref<25x80xi32, #tpu.memory_space<hbm>>) target_semaphore(%run_scoped3A : memref<!tpu.dma_semaphore, #tpu.memory_space<semaphore_mem>>)
      %dma_wait3A = arith.constant 0 : i32
      %dma_wait3A_101 = tpu.memref_slice %arg6[%add3A_63, %dma_wait3A] : memref<4000x80xi32, #tpu.memory_space<hbm>> -> memref<25x80xi32, #tpu.memory_space<hbm>>
      %dma_wait3A_102 = arith.constant 0 : i32
      %dma_wait3A_103 = tpu.memref_slice %arg6[%add3A_63, %dma_wait3A_102] : memref<4000x80xi32, #tpu.memory_space<hbm>> -> memref<25x80xi32, #tpu.memory_space<hbm>>
      tpu.wait_dma2 semaphore(%run_scoped3A : memref<!tpu.dma_semaphore, #tpu.memory_space<semaphore_mem>>) src(%arg14 : memref<25x80xi32, #tpu.memory_space<vmem>>) dst(%dma_wait3A_103 : memref<25x80xi32, #tpu.memory_space<hbm>>)
      tpu.yield
    }) : () -> ()
    %add3A_71 = arith.constant 50 : i32
    %add3A_72 = arith.addi %mul3A_52, %add3A_71 : i32
    "tpu.region"() ({
      %run_scoped3A = tpu.sem_alloc : memref<!tpu.dma_semaphore, #tpu.memory_space<semaphore_mem>>
      %dma_start3A = arith.constant 0 : i32
      %dma_start3A_98 = tpu.memref_slice %arg3[%add3A_72, %dma_start3A] : memref<4000x80xi32, #tpu.memory_space<hbm>> -> memref<25x80xi32, #tpu.memory_space<hbm>>
      %dma_start3A_99 = arith.constant 0 : i32
      %dma_start3A_100 = tpu.memref_slice %arg3[%add3A_72, %dma_start3A_99] : memref<4000x80xi32, #tpu.memory_space<hbm>> -> memref<25x80xi32, #tpu.memory_space<hbm>>
      tpu.enqueue_dma source(%dma_start3A_100 : memref<25x80xi32, #tpu.memory_space<hbm>>) target(%arg9 : memref<25x80xi32, #tpu.memory_space<vmem>>) target_semaphore(%run_scoped3A : memref<!tpu.dma_semaphore, #tpu.memory_space<semaphore_mem>>)
      %dma_wait3A = arith.constant 0 : i32
      %dma_wait3A_101 = tpu.memref_slice %arg3[%add3A_72, %dma_wait3A] : memref<4000x80xi32, #tpu.memory_space<hbm>> -> memref<25x80xi32, #tpu.memory_space<hbm>>
      %dma_wait3A_102 = arith.constant 0 : i32
      %dma_wait3A_103 = tpu.memref_slice %arg3[%add3A_72, %dma_wait3A_102] : memref<4000x80xi32, #tpu.memory_space<hbm>> -> memref<25x80xi32, #tpu.memory_space<hbm>>
      tpu.wait_dma2 semaphore(%run_scoped3A : memref<!tpu.dma_semaphore, #tpu.memory_space<semaphore_mem>>) src(%dma_wait3A_103 : memref<25x80xi32, #tpu.memory_space<hbm>>) dst(%arg9 : memref<25x80xi32, #tpu.memory_space<vmem>>)
      tpu.yield
    }) : () -> ()
    "tpu.region"() ({
      %run_scoped3A = tpu.sem_alloc : memref<!tpu.dma_semaphore, #tpu.memory_space<semaphore_mem>>
      %dma_start3A = arith.constant 0 : i32
      %dma_start3A_98 = tpu.memref_slice %arg4[%add3A_72, %dma_start3A] : memref<4000x80xi32, #tpu.memory_space<hbm>> -> memref<25x80xi32, #tpu.memory_space<hbm>>
      %dma_start3A_99 = arith.constant 0 : i32
      %dma_start3A_100 = tpu.memref_slice %arg4[%add3A_72, %dma_start3A_99] : memref<4000x80xi32, #tpu.memory_space<hbm>> -> memref<25x80xi32, #tpu.memory_space<hbm>>
      tpu.enqueue_dma source(%dma_start3A_100 : memref<25x80xi32, #tpu.memory_space<hbm>>) target(%arg10 : memref<25x80xi32, #tpu.memory_space<vmem>>) target_semaphore(%run_scoped3A : memref<!tpu.dma_semaphore, #tpu.memory_space<semaphore_mem>>)
      %dma_wait3A = arith.constant 0 : i32
      %dma_wait3A_101 = tpu.memref_slice %arg4[%add3A_72, %dma_wait3A] : memref<4000x80xi32, #tpu.memory_space<hbm>> -> memref<25x80xi32, #tpu.memory_space<hbm>>
      %dma_wait3A_102 = arith.constant 0 : i32
      %dma_wait3A_103 = tpu.memref_slice %arg4[%add3A_72, %dma_wait3A_102] : memref<4000x80xi32, #tpu.memory_space<hbm>> -> memref<25x80xi32, #tpu.memory_space<hbm>>
      tpu.wait_dma2 semaphore(%run_scoped3A : memref<!tpu.dma_semaphore, #tpu.memory_space<semaphore_mem>>) src(%dma_wait3A_103 : memref<25x80xi32, #tpu.memory_space<hbm>>) dst(%arg10 : memref<25x80xi32, #tpu.memory_space<vmem>>)
      tpu.yield
    }) : () -> ()
    "tpu.region"() ({
      %run_scoped3A = tpu.sem_alloc : memref<!tpu.dma_semaphore, #tpu.memory_space<semaphore_mem>>
      %dma_start3A = arith.constant 0 : i32
      %dma_start3A_98 = tpu.memref_slice %arg2[%add3A_72, %dma_start3A] : memref<4000x80xi32, #tpu.memory_space<hbm>> -> memref<25x80xi32, #tpu.memory_space<hbm>>
      %dma_start3A_99 = arith.constant 0 : i32
      %dma_start3A_100 = tpu.memref_slice %arg2[%add3A_72, %dma_start3A_99] : memref<4000x80xi32, #tpu.memory_space<hbm>> -> memref<25x80xi32, #tpu.memory_space<hbm>>
      tpu.enqueue_dma source(%dma_start3A_100 : memref<25x80xi32, #tpu.memory_space<hbm>>) target(%arg11 : memref<25x80xi32, #tpu.memory_space<vmem>>) target_semaphore(%run_scoped3A : memref<!tpu.dma_semaphore, #tpu.memory_space<semaphore_mem>>)
      %dma_wait3A = arith.constant 0 : i32
      %dma_wait3A_101 = tpu.memref_slice %arg2[%add3A_72, %dma_wait3A] : memref<4000x80xi32, #tpu.memory_space<hbm>> -> memref<25x80xi32, #tpu.memory_space<hbm>>
      %dma_wait3A_102 = arith.constant 0 : i32
      %dma_wait3A_103 = tpu.memref_slice %arg2[%add3A_72, %dma_wait3A_102] : memref<4000x80xi32, #tpu.memory_space<hbm>> -> memref<25x80xi32, #tpu.memory_space<hbm>>
      tpu.wait_dma2 semaphore(%run_scoped3A : memref<!tpu.dma_semaphore, #tpu.memory_space<semaphore_mem>>) src(%dma_wait3A_103 : memref<25x80xi32, #tpu.memory_space<hbm>>) dst(%arg11 : memref<25x80xi32, #tpu.memory_space<vmem>>)
      tpu.yield
    }) : () -> ()
    %scan3A_73 = arith.constant 0 : i32
    %scan3A_74 = arith.constant 0 : i32
    %scan3A_75 = arith.constant 25 : i32
    %scan3A_76 = arith.addi %scan3A_74, %scan3A_75 : i32
    %scan3A_77 = arith.constant 1 : i32
    %scan3A_78 = scf.for %scan3A_98 = %scan3A_74 to %scan3A_76 step %scan3A_77 iter_args(%scan3A_99 = %scan3A_73) -> (i32)  : i32 {
      %get3A = arith.index_cast %scan3A_98 : i32 to index
      %get3A_100 = arith.constant 0 : index
      %get3A_101 = tpu.vector_load %arg9[%get3A, %get3A_100] {strides = array<i32>} : memref<25x80xi32, #tpu.memory_space<vmem>>, vector<16xi32>,
      %get3A_102 = arith.index_cast %scan3A_98 : i32 to index
      %get3A_103 = arith.constant 0 : index
      %get3A_104 = tpu.vector_load %arg10[%get3A_102, %get3A_103] {strides = array<i32>} : memref<25x80xi32, #tpu.memory_space<vmem>>, vector<16xi32>,
      %get3A_105 = arith.index_cast %scan3A_98 : i32 to index
      %get3A_106 = arith.constant 0 : index
      %get3A_107 = tpu.vector_load %arg11[%get3A_105, %get3A_106] {strides = array<i32>} : memref<25x80xi32, #tpu.memory_space<vmem>>, vector<16xi32>,
      %mul3A_108 = arith.constant 8 : i32
      %mul3A_109 = vector.broadcast %mul3A_108 : i32 to vector<16xi32>
      %mul3A_110 = arith.muli %get3A_101, %mul3A_109 : vector<16xi32>
      %add3A_111 = arith.addi %mul3A_110, %get3A_104 : vector<16xi32>
      %gather3A = tpu.vector_load_idx %arg8[%add3A_111] : memref<80000xf32, #tpu.memory_space<vmem>>[vector<16xi32>], vector<16xf32>,
      %max3A = arith.constant 1.000000e+00 : f32
      %max3A_112 = vector.broadcast %max3A : f32 to vector<16xf32>
      %max3A_113 = arith.maximumf %gather3A, %max3A_112 : vector<16xf32>
      %div3A = arith.constant 1.000000e+00 : f32
      %div3A_114 = vector.broadcast %div3A : f32 to vector<16xf32>
      %div3A_115 = arith.divf %div3A_114, %max3A_113 : vector<16xf32>
      %swap3A_116 = arith.index_cast %scan3A_98 : i32 to index
      %swap3A_117 = arith.constant 0 : index
      %swap3A_118 = tpu.vector_load %arg13[%swap3A_116, %swap3A_117] {strides = array<i32>} : memref<25x80xf32, #tpu.memory_space<vmem>>, vector<16xf32>,
      tpu.vector_store %arg13[%swap3A_116, %swap3A_117], %div3A_115 {strides = array<i32>} : memref<25x80xf32, #tpu.memory_space<vmem>>, vector<16xf32>,
      %mul3A_119 = arith.constant 10000 : i32
      %mul3A_120 = vector.broadcast %mul3A_119 : i32 to vector<16xi32>
      %mul3A_121 = arith.muli %get3A_104, %mul3A_120 : vector<16xi32>
      %add3A_122 = arith.addi %mul3A_121, %get3A_107 : vector<16xi32>
      %swap3A_123 = arith.index_cast %scan3A_98 : i32 to index
      %swap3A_124 = arith.constant 0 : index
      %swap3A_125 = tpu.vector_load %arg14[%swap3A_123, %swap3A_124] {strides = array<i32>} : memref<25x80xi32, #tpu.memory_space<vmem>>, vector<16xi32>,
      tpu.vector_store %arg14[%swap3A_123, %swap3A_124], %add3A_122 {strides = array<i32>} : memref<25x80xi32, #tpu.memory_space<vmem>>, vector<16xi32>,
      %get3A_126 = arith.index_cast %scan3A_98 : i32 to index
      %get3A_127 = arith.constant 16 : index
      %get3A_128 = tpu.vector_load %arg9[%get3A_126, %get3A_127] {strides = array<i32>} : memref<25x80xi32, #tpu.memory_space<vmem>>, vector<16xi32>,
      %get3A_129 = arith.index_cast %scan3A_98 : i32 to index
      %get3A_130 = arith.constant 16 : index
      %get3A_131 = tpu.vector_load %arg10[%get3A_129, %get3A_130] {strides = array<i32>} : memref<25x80xi32, #tpu.memory_space<vmem>>, vector<16xi32>,
      %get3A_132 = arith.index_cast %scan3A_98 : i32 to index
      %get3A_133 = arith.constant 16 : index
      %get3A_134 = tpu.vector_load %arg11[%get3A_132, %get3A_133] {strides = array<i32>} : memref<25x80xi32, #tpu.memory_space<vmem>>, vector<16xi32>,
      %mul3A_135 = arith.constant 8 : i32
      %mul3A_136 = vector.broadcast %mul3A_135 : i32 to vector<16xi32>
      %mul3A_137 = arith.muli %get3A_128, %mul3A_136 : vector<16xi32>
      %add3A_138 = arith.addi %mul3A_137, %get3A_131 : vector<16xi32>
      %gather3A_139 = tpu.vector_load_idx %arg8[%add3A_138] : memref<80000xf32, #tpu.memory_space<vmem>>[vector<16xi32>], vector<16xf32>,
      %max3A_140 = arith.constant 1.000000e+00 : f32
      %max3A_141 = vector.broadcast %max3A_140 : f32 to vector<16xf32>
      %max3A_142 = arith.maximumf %gather3A_139, %max3A_141 : vector<16xf32>
      %div3A_143 = arith.constant 1.000000e+00 : f32
      %div3A_144 = vector.broadcast %div3A_143 : f32 to vector<16xf32>
      %div3A_145 = arith.divf %div3A_144, %max3A_142 : vector<16xf32>
      %swap3A_146 = arith.index_cast %scan3A_98 : i32 to index
      %swap3A_147 = arith.constant 16 : index
      %swap3A_148 = tpu.vector_load %arg13[%swap3A_146, %swap3A_147] {strides = array<i32>} : memref<25x80xf32, #tpu.memory_space<vmem>>, vector<16xf32>,
      tpu.vector_store %arg13[%swap3A_146, %swap3A_147], %div3A_145 {strides = array<i32>} : memref<25x80xf32, #tpu.memory_space<vmem>>, vector<16xf32>,
      %mul3A_149 = arith.constant 10000 : i32
      %mul3A_150 = vector.broadcast %mul3A_149 : i32 to vector<16xi32>
      %mul3A_151 = arith.muli %get3A_131, %mul3A_150 : vector<16xi32>
      %add3A_152 = arith.addi %mul3A_151, %get3A_134 : vector<16xi32>
      %swap3A_153 = arith.index_cast %scan3A_98 : i32 to index
      %swap3A_154 = arith.constant 16 : index
      %swap3A_155 = tpu.vector_load %arg14[%swap3A_153, %swap3A_154] {strides = array<i32>} : memref<25x80xi32, #tpu.memory_space<vmem>>, vector<16xi32>,
      tpu.vector_store %arg14[%swap3A_153, %swap3A_154], %add3A_152 {strides = array<i32>} : memref<25x80xi32, #tpu.memory_space<vmem>>, vector<16xi32>,
      %get3A_156 = arith.index_cast %scan3A_98 : i32 to index
      %get3A_157 = arith.constant 32 : index
      %get3A_158 = tpu.vector_load %arg9[%get3A_156, %get3A_157] {strides = array<i32>} : memref<25x80xi32, #tpu.memory_space<vmem>>, vector<16xi32>,
      %get3A_159 = arith.index_cast %scan3A_98 : i32 to index
      %get3A_160 = arith.constant 32 : index
      %get3A_161 = tpu.vector_load %arg10[%get3A_159, %get3A_160] {strides = array<i32>} : memref<25x80xi32, #tpu.memory_space<vmem>>, vector<16xi32>,
      %get3A_162 = arith.index_cast %scan3A_98 : i32 to index
      %get3A_163 = arith.constant 32 : index
      %get3A_164 = tpu.vector_load %arg11[%get3A_162, %get3A_163] {strides = array<i32>} : memref<25x80xi32, #tpu.memory_space<vmem>>, vector<16xi32>,
      %mul3A_165 = arith.constant 8 : i32
      %mul3A_166 = vector.broadcast %mul3A_165 : i32 to vector<16xi32>
      %mul3A_167 = arith.muli %get3A_158, %mul3A_166 : vector<16xi32>
      %add3A_168 = arith.addi %mul3A_167, %get3A_161 : vector<16xi32>
      %gather3A_169 = tpu.vector_load_idx %arg8[%add3A_168] : memref<80000xf32, #tpu.memory_space<vmem>>[vector<16xi32>], vector<16xf32>,
      %max3A_170 = arith.constant 1.000000e+00 : f32
      %max3A_171 = vector.broadcast %max3A_170 : f32 to vector<16xf32>
      %max3A_172 = arith.maximumf %gather3A_169, %max3A_171 : vector<16xf32>
      %div3A_173 = arith.constant 1.000000e+00 : f32
      %div3A_174 = vector.broadcast %div3A_173 : f32 to vector<16xf32>
      %div3A_175 = arith.divf %div3A_174, %max3A_172 : vector<16xf32>
      %swap3A_176 = arith.index_cast %scan3A_98 : i32 to index
      %swap3A_177 = arith.constant 32 : index
      %swap3A_178 = tpu.vector_load %arg13[%swap3A_176, %swap3A_177] {strides = array<i32>} : memref<25x80xf32, #tpu.memory_space<vmem>>, vector<16xf32>,
      tpu.vector_store %arg13[%swap3A_176, %swap3A_177], %div3A_175 {strides = array<i32>} : memref<25x80xf32, #tpu.memory_space<vmem>>, vector<16xf32>,
      %mul3A_179 = arith.constant 10000 : i32
      %mul3A_180 = vector.broadcast %mul3A_179 : i32 to vector<16xi32>
      %mul3A_181 = arith.muli %get3A_161, %mul3A_180 : vector<16xi32>
      %add3A_182 = arith.addi %mul3A_181, %get3A_164 : vector<16xi32>
      %swap3A_183 = arith.index_cast %scan3A_98 : i32 to index
      %swap3A_184 = arith.constant 32 : index
      %swap3A_185 = tpu.vector_load %arg14[%swap3A_183, %swap3A_184] {strides = array<i32>} : memref<25x80xi32, #tpu.memory_space<vmem>>, vector<16xi32>,
      tpu.vector_store %arg14[%swap3A_183, %swap3A_184], %add3A_182 {strides = array<i32>} : memref<25x80xi32, #tpu.memory_space<vmem>>, vector<16xi32>,
      %get3A_186 = arith.index_cast %scan3A_98 : i32 to index
      %get3A_187 = arith.constant 48 : index
      %get3A_188 = tpu.vector_load %arg9[%get3A_186, %get3A_187] {strides = array<i32>} : memref<25x80xi32, #tpu.memory_space<vmem>>, vector<16xi32>,
      %get3A_189 = arith.index_cast %scan3A_98 : i32 to index
      %get3A_190 = arith.constant 48 : index
      %get3A_191 = tpu.vector_load %arg10[%get3A_189, %get3A_190] {strides = array<i32>} : memref<25x80xi32, #tpu.memory_space<vmem>>, vector<16xi32>,
      %get3A_192 = arith.index_cast %scan3A_98 : i32 to index
      %get3A_193 = arith.constant 48 : index
      %get3A_194 = tpu.vector_load %arg11[%get3A_192, %get3A_193] {strides = array<i32>} : memref<25x80xi32, #tpu.memory_space<vmem>>, vector<16xi32>,
      %mul3A_195 = arith.constant 8 : i32
      %mul3A_196 = vector.broadcast %mul3A_195 : i32 to vector<16xi32>
      %mul3A_197 = arith.muli %get3A_188, %mul3A_196 : vector<16xi32>
      %add3A_198 = arith.addi %mul3A_197, %get3A_191 : vector<16xi32>
      %gather3A_199 = tpu.vector_load_idx %arg8[%add3A_198] : memref<80000xf32, #tpu.memory_space<vmem>>[vector<16xi32>], vector<16xf32>,
      %max3A_200 = arith.constant 1.000000e+00 : f32
      %max3A_201 = vector.broadcast %max3A_200 : f32 to vector<16xf32>
      %max3A_202 = arith.maximumf %gather3A_199, %max3A_201 : vector<16xf32>
      %div3A_203 = arith.constant 1.000000e+00 : f32
      %div3A_204 = vector.broadcast %div3A_203 : f32 to vector<16xf32>
      %div3A_205 = arith.divf %div3A_204, %max3A_202 : vector<16xf32>
      %swap3A_206 = arith.index_cast %scan3A_98 : i32 to index
      %swap3A_207 = arith.constant 48 : index
      %swap3A_208 = tpu.vector_load %arg13[%swap3A_206, %swap3A_207] {strides = array<i32>} : memref<25x80xf32, #tpu.memory_space<vmem>>, vector<16xf32>,
      tpu.vector_store %arg13[%swap3A_206, %swap3A_207], %div3A_205 {strides = array<i32>} : memref<25x80xf32, #tpu.memory_space<vmem>>, vector<16xf32>,
      %mul3A_209 = arith.constant 10000 : i32
      %mul3A_210 = vector.broadcast %mul3A_209 : i32 to vector<16xi32>
      %mul3A_211 = arith.muli %get3A_191, %mul3A_210 : vector<16xi32>
      %add3A_212 = arith.addi %mul3A_211, %get3A_194 : vector<16xi32>
      %swap3A_213 = arith.index_cast %scan3A_98 : i32 to index
      %swap3A_214 = arith.constant 48 : index
      %swap3A_215 = tpu.vector_load %arg14[%swap3A_213, %swap3A_214] {strides = array<i32>} : memref<25x80xi32, #tpu.memory_space<vmem>>, vector<16xi32>,
      tpu.vector_store %arg14[%swap3A_213, %swap3A_214], %add3A_212 {strides = array<i32>} : memref<25x80xi32, #tpu.memory_space<vmem>>, vector<16xi32>,
      %get3A_216 = arith.index_cast %scan3A_98 : i32 to index
      %get3A_217 = arith.constant 64 : index
      %get3A_218 = tpu.vector_load %arg9[%get3A_216, %get3A_217] {strides = array<i32>} : memref<25x80xi32, #tpu.memory_space<vmem>>, vector<16xi32>,
      %get3A_219 = arith.index_cast %scan3A_98 : i32 to index
      %get3A_220 = arith.constant 64 : index
      %get3A_221 = tpu.vector_load %arg10[%get3A_219, %get3A_220] {strides = array<i32>} : memref<25x80xi32, #tpu.memory_space<vmem>>, vector<16xi32>,
      %get3A_222 = arith.index_cast %scan3A_98 : i32 to index
      %get3A_223 = arith.constant 64 : index
      %get3A_224 = tpu.vector_load %arg11[%get3A_222, %get3A_223] {strides = array<i32>} : memref<25x80xi32, #tpu.memory_space<vmem>>, vector<16xi32>,
      %mul3A_225 = arith.constant 8 : i32
      %mul3A_226 = vector.broadcast %mul3A_225 : i32 to vector<16xi32>
      %mul3A_227 = arith.muli %get3A_218, %mul3A_226 : vector<16xi32>
      %add3A_228 = arith.addi %mul3A_227, %get3A_221 : vector<16xi32>
      %gather3A_229 = tpu.vector_load_idx %arg8[%add3A_228] : memref<80000xf32, #tpu.memory_space<vmem>>[vector<16xi32>], vector<16xf32>,
      %max3A_230 = arith.constant 1.000000e+00 : f32
      %max3A_231 = vector.broadcast %max3A_230 : f32 to vector<16xf32>
      %max3A_232 = arith.maximumf %gather3A_229, %max3A_231 : vector<16xf32>
      %div3A_233 = arith.constant 1.000000e+00 : f32
      %div3A_234 = vector.broadcast %div3A_233 : f32 to vector<16xf32>
      %div3A_235 = arith.divf %div3A_234, %max3A_232 : vector<16xf32>
      %swap3A_236 = arith.index_cast %scan3A_98 : i32 to index
      %swap3A_237 = arith.constant 64 : index
      %swap3A_238 = tpu.vector_load %arg13[%swap3A_236, %swap3A_237] {strides = array<i32>} : memref<25x80xf32, #tpu.memory_space<vmem>>, vector<16xf32>,
      tpu.vector_store %arg13[%swap3A_236, %swap3A_237], %div3A_235 {strides = array<i32>} : memref<25x80xf32, #tpu.memory_space<vmem>>, vector<16xf32>,
      %mul3A_239 = arith.constant 10000 : i32
      %mul3A_240 = vector.broadcast %mul3A_239 : i32 to vector<16xi32>
      %mul3A_241 = arith.muli %get3A_221, %mul3A_240 : vector<16xi32>
      %add3A_242 = arith.addi %mul3A_241, %get3A_224 : vector<16xi32>
      %swap3A_243 = arith.index_cast %scan3A_98 : i32 to index
      %swap3A_244 = arith.constant 64 : index
      %swap3A_245 = tpu.vector_load %arg14[%swap3A_243, %swap3A_244] {strides = array<i32>} : memref<25x80xi32, #tpu.memory_space<vmem>>, vector<16xi32>,
      tpu.vector_store %arg14[%swap3A_243, %swap3A_244], %add3A_242 {strides = array<i32>} : memref<25x80xi32, #tpu.memory_space<vmem>>, vector<16xi32>,
      %scan3A_246 = arith.constant 0 : i32
      scf.yield %scan3A_246 : i32
    }
    %scan3A_79 = arith.constant 25 : i32
    "tpu.region"() ({
      %run_scoped3A = tpu.sem_alloc : memref<!tpu.dma_semaphore, #tpu.memory_space<semaphore_mem>>
      %dma_start3A = arith.constant 0 : i32
      %dma_start3A_98 = tpu.memref_slice %arg5[%add3A_72, %dma_start3A] : memref<4000x80xf32, #tpu.memory_space<hbm>> -> memref<25x80xf32, #tpu.memory_space<hbm>>
      %dma_start3A_99 = arith.constant 0 : i32
      %dma_start3A_100 = tpu.memref_slice %arg5[%add3A_72, %dma_start3A_99] : memref<4000x80xf32, #tpu.memory_space<hbm>> -> memref<25x80xf32, #tpu.memory_space<hbm>>
      tpu.enqueue_dma source(%arg13 : memref<25x80xf32, #tpu.memory_space<vmem>>) target(%dma_start3A_100 : memref<25x80xf32, #tpu.memory_space<hbm>>) target_semaphore(%run_scoped3A : memref<!tpu.dma_semaphore, #tpu.memory_space<semaphore_mem>>)
      %dma_wait3A = arith.constant 0 : i32
      %dma_wait3A_101 = tpu.memref_slice %arg5[%add3A_72, %dma_wait3A] : memref<4000x80xf32, #tpu.memory_space<hbm>> -> memref<25x80xf32, #tpu.memory_space<hbm>>
      %dma_wait3A_102 = arith.constant 0 : i32
      %dma_wait3A_103 = tpu.memref_slice %arg5[%add3A_72, %dma_wait3A_102] : memref<4000x80xf32, #tpu.memory_space<hbm>> -> memref<25x80xf32, #tpu.memory_space<hbm>>
      tpu.wait_dma2 semaphore(%run_scoped3A : memref<!tpu.dma_semaphore, #tpu.memory_space<semaphore_mem>>) src(%arg13 : memref<25x80xf32, #tpu.memory_space<vmem>>) dst(%dma_wait3A_103 : memref<25x80xf32, #tpu.memory_space<hbm>>)
      tpu.yield
    }) : () -> ()
    "tpu.region"() ({
      %run_scoped3A = tpu.sem_alloc : memref<!tpu.dma_semaphore, #tpu.memory_space<semaphore_mem>>
      %dma_start3A = arith.constant 0 : i32
      %dma_start3A_98 = tpu.memref_slice %arg6[%add3A_72, %dma_start3A] : memref<4000x80xi32, #tpu.memory_space<hbm>> -> memref<25x80xi32, #tpu.memory_space<hbm>>
      %dma_start3A_99 = arith.constant 0 : i32
      %dma_start3A_100 = tpu.memref_slice %arg6[%add3A_72, %dma_start3A_99] : memref<4000x80xi32, #tpu.memory_space<hbm>> -> memref<25x80xi32, #tpu.memory_space<hbm>>
      tpu.enqueue_dma source(%arg14 : memref<25x80xi32, #tpu.memory_space<vmem>>) target(%dma_start3A_100 : memref<25x80xi32, #tpu.memory_space<hbm>>) target_semaphore(%run_scoped3A : memref<!tpu.dma_semaphore, #tpu.memory_space<semaphore_mem>>)
      %dma_wait3A = arith.constant 0 : i32
      %dma_wait3A_101 = tpu.memref_slice %arg6[%add3A_72, %dma_wait3A] : memref<4000x80xi32, #tpu.memory_space<hbm>> -> memref<25x80xi32, #tpu.memory_space<hbm>>
      %dma_wait3A_102 = arith.constant 0 : i32
      %dma_wait3A_103 = tpu.memref_slice %arg6[%add3A_72, %dma_wait3A_102] : memref<4000x80xi32, #tpu.memory_space<hbm>> -> memref<25x80xi32, #tpu.memory_space<hbm>>
      tpu.wait_dma2 semaphore(%run_scoped3A : memref<!tpu.dma_semaphore, #tpu.memory_space<semaphore_mem>>) src(%arg14 : memref<25x80xi32, #tpu.memory_space<vmem>>) dst(%dma_wait3A_103 : memref<25x80xi32, #tpu.memory_space<hbm>>)
      tpu.yield
    }) : () -> ()
    %add3A_80 = arith.constant 75 : i32
    %add3A_81 = arith.addi %mul3A_52, %add3A_80 : i32
    "tpu.region"() ({
      %run_scoped3A = tpu.sem_alloc : memref<!tpu.dma_semaphore, #tpu.memory_space<semaphore_mem>>
      %dma_start3A = arith.constant 0 : i32
      %dma_start3A_98 = tpu.memref_slice %arg3[%add3A_81, %dma_start3A] : memref<4000x80xi32, #tpu.memory_space<hbm>> -> memref<25x80xi32, #tpu.memory_space<hbm>>
      %dma_start3A_99 = arith.constant 0 : i32
      %dma_start3A_100 = tpu.memref_slice %arg3[%add3A_81, %dma_start3A_99] : memref<4000x80xi32, #tpu.memory_space<hbm>> -> memref<25x80xi32, #tpu.memory_space<hbm>>
      tpu.enqueue_dma source(%dma_start3A_100 : memref<25x80xi32, #tpu.memory_space<hbm>>) target(%arg9 : memref<25x80xi32, #tpu.memory_space<vmem>>) target_semaphore(%run_scoped3A : memref<!tpu.dma_semaphore, #tpu.memory_space<semaphore_mem>>)
      %dma_wait3A = arith.constant 0 : i32
      %dma_wait3A_101 = tpu.memref_slice %arg3[%add3A_81, %dma_wait3A] : memref<4000x80xi32, #tpu.memory_space<hbm>> -> memref<25x80xi32, #tpu.memory_space<hbm>>
      %dma_wait3A_102 = arith.constant 0 : i32
      %dma_wait3A_103 = tpu.memref_slice %arg3[%add3A_81, %dma_wait3A_102] : memref<4000x80xi32, #tpu.memory_space<hbm>> -> memref<25x80xi32, #tpu.memory_space<hbm>>
      tpu.wait_dma2 semaphore(%run_scoped3A : memref<!tpu.dma_semaphore, #tpu.memory_space<semaphore_mem>>) src(%dma_wait3A_103 : memref<25x80xi32, #tpu.memory_space<hbm>>) dst(%arg9 : memref<25x80xi32, #tpu.memory_space<vmem>>)
      tpu.yield
    }) : () -> ()
    "tpu.region"() ({
      %run_scoped3A = tpu.sem_alloc : memref<!tpu.dma_semaphore, #tpu.memory_space<semaphore_mem>>
      %dma_start3A = arith.constant 0 : i32
      %dma_start3A_98 = tpu.memref_slice %arg4[%add3A_81, %dma_start3A] : memref<4000x80xi32, #tpu.memory_space<hbm>> -> memref<25x80xi32, #tpu.memory_space<hbm>>
      %dma_start3A_99 = arith.constant 0 : i32
      %dma_start3A_100 = tpu.memref_slice %arg4[%add3A_81, %dma_start3A_99] : memref<4000x80xi32, #tpu.memory_space<hbm>> -> memref<25x80xi32, #tpu.memory_space<hbm>>
      tpu.enqueue_dma source(%dma_start3A_100 : memref<25x80xi32, #tpu.memory_space<hbm>>) target(%arg10 : memref<25x80xi32, #tpu.memory_space<vmem>>) target_semaphore(%run_scoped3A : memref<!tpu.dma_semaphore, #tpu.memory_space<semaphore_mem>>)
      %dma_wait3A = arith.constant 0 : i32
      %dma_wait3A_101 = tpu.memref_slice %arg4[%add3A_81, %dma_wait3A] : memref<4000x80xi32, #tpu.memory_space<hbm>> -> memref<25x80xi32, #tpu.memory_space<hbm>>
      %dma_wait3A_102 = arith.constant 0 : i32
      %dma_wait3A_103 = tpu.memref_slice %arg4[%add3A_81, %dma_wait3A_102] : memref<4000x80xi32, #tpu.memory_space<hbm>> -> memref<25x80xi32, #tpu.memory_space<hbm>>
      tpu.wait_dma2 semaphore(%run_scoped3A : memref<!tpu.dma_semaphore, #tpu.memory_space<semaphore_mem>>) src(%dma_wait3A_103 : memref<25x80xi32, #tpu.memory_space<hbm>>) dst(%arg10 : memref<25x80xi32, #tpu.memory_space<vmem>>)
      tpu.yield
    }) : () -> ()
    "tpu.region"() ({
      %run_scoped3A = tpu.sem_alloc : memref<!tpu.dma_semaphore, #tpu.memory_space<semaphore_mem>>
      %dma_start3A = arith.constant 0 : i32
      %dma_start3A_98 = tpu.memref_slice %arg2[%add3A_81, %dma_start3A] : memref<4000x80xi32, #tpu.memory_space<hbm>> -> memref<25x80xi32, #tpu.memory_space<hbm>>
      %dma_start3A_99 = arith.constant 0 : i32
      %dma_start3A_100 = tpu.memref_slice %arg2[%add3A_81, %dma_start3A_99] : memref<4000x80xi32, #tpu.memory_space<hbm>> -> memref<25x80xi32, #tpu.memory_space<hbm>>
      tpu.enqueue_dma source(%dma_start3A_100 : memref<25x80xi32, #tpu.memory_space<hbm>>) target(%arg11 : memref<25x80xi32, #tpu.memory_space<vmem>>) target_semaphore(%run_scoped3A : memref<!tpu.dma_semaphore, #tpu.memory_space<semaphore_mem>>)
      %dma_wait3A = arith.constant 0 : i32
      %dma_wait3A_101 = tpu.memref_slice %arg2[%add3A_81, %dma_wait3A] : memref<4000x80xi32, #tpu.memory_space<hbm>> -> memref<25x80xi32, #tpu.memory_space<hbm>>
      %dma_wait3A_102 = arith.constant 0 : i32
      %dma_wait3A_103 = tpu.memref_slice %arg2[%add3A_81, %dma_wait3A_102] : memref<4000x80xi32, #tpu.memory_space<hbm>> -> memref<25x80xi32, #tpu.memory_space<hbm>>
      tpu.wait_dma2 semaphore(%run_scoped3A : memref<!tpu.dma_semaphore, #tpu.memory_space<semaphore_mem>>) src(%dma_wait3A_103 : memref<25x80xi32, #tpu.memory_space<hbm>>) dst(%arg11 : memref<25x80xi32, #tpu.memory_space<vmem>>)
      tpu.yield
    }) : () -> ()
    %scan3A_82 = arith.constant 0 : i32
    %scan3A_83 = arith.constant 0 : i32
    %scan3A_84 = arith.constant 25 : i32
    %scan3A_85 = arith.addi %scan3A_83, %scan3A_84 : i32
    %scan3A_86 = arith.constant 1 : i32
    %scan3A_87 = scf.for %scan3A_98 = %scan3A_83 to %scan3A_85 step %scan3A_86 iter_args(%scan3A_99 = %scan3A_82) -> (i32)  : i32 {
      %get3A = arith.index_cast %scan3A_98 : i32 to index
      %get3A_100 = arith.constant 0 : index
      %get3A_101 = tpu.vector_load %arg9[%get3A, %get3A_100] {strides = array<i32>} : memref<25x80xi32, #tpu.memory_space<vmem>>, vector<16xi32>,
      %get3A_102 = arith.index_cast %scan3A_98 : i32 to index
      %get3A_103 = arith.constant 0 : index
      %get3A_104 = tpu.vector_load %arg10[%get3A_102, %get3A_103] {strides = array<i32>} : memref<25x80xi32, #tpu.memory_space<vmem>>, vector<16xi32>,
      %get3A_105 = arith.index_cast %scan3A_98 : i32 to index
      %get3A_106 = arith.constant 0 : index
      %get3A_107 = tpu.vector_load %arg11[%get3A_105, %get3A_106] {strides = array<i32>} : memref<25x80xi32, #tpu.memory_space<vmem>>, vector<16xi32>,
      %mul3A_108 = arith.constant 8 : i32
      %mul3A_109 = vector.broadcast %mul3A_108 : i32 to vector<16xi32>
      %mul3A_110 = arith.muli %get3A_101, %mul3A_109 : vector<16xi32>
      %add3A_111 = arith.addi %mul3A_110, %get3A_104 : vector<16xi32>
      %gather3A = tpu.vector_load_idx %arg8[%add3A_111] : memref<80000xf32, #tpu.memory_space<vmem>>[vector<16xi32>], vector<16xf32>,
      %max3A = arith.constant 1.000000e+00 : f32
      %max3A_112 = vector.broadcast %max3A : f32 to vector<16xf32>
      %max3A_113 = arith.maximumf %gather3A, %max3A_112 : vector<16xf32>
      %div3A = arith.constant 1.000000e+00 : f32
      %div3A_114 = vector.broadcast %div3A : f32 to vector<16xf32>
      %div3A_115 = arith.divf %div3A_114, %max3A_113 : vector<16xf32>
      %swap3A_116 = arith.index_cast %scan3A_98 : i32 to index
      %swap3A_117 = arith.constant 0 : index
      %swap3A_118 = tpu.vector_load %arg13[%swap3A_116, %swap3A_117] {strides = array<i32>} : memref<25x80xf32, #tpu.memory_space<vmem>>, vector<16xf32>,
      tpu.vector_store %arg13[%swap3A_116, %swap3A_117], %div3A_115 {strides = array<i32>} : memref<25x80xf32, #tpu.memory_space<vmem>>, vector<16xf32>,
      %mul3A_119 = arith.constant 10000 : i32
      %mul3A_120 = vector.broadcast %mul3A_119 : i32 to vector<16xi32>
      %mul3A_121 = arith.muli %get3A_104, %mul3A_120 : vector<16xi32>
      %add3A_122 = arith.addi %mul3A_121, %get3A_107 : vector<16xi32>
      %swap3A_123 = arith.index_cast %scan3A_98 : i32 to index
      %swap3A_124 = arith.constant 0 : index
      %swap3A_125 = tpu.vector_load %arg14[%swap3A_123, %swap3A_124] {strides = array<i32>} : memref<25x80xi32, #tpu.memory_space<vmem>>, vector<16xi32>,
      tpu.vector_store %arg14[%swap3A_123, %swap3A_124], %add3A_122 {strides = array<i32>} : memref<25x80xi32, #tpu.memory_space<vmem>>, vector<16xi32>,
      %get3A_126 = arith.index_cast %scan3A_98 : i32 to index
      %get3A_127 = arith.constant 16 : index
      %get3A_128 = tpu.vector_load %arg9[%get3A_126, %get3A_127] {strides = array<i32>} : memref<25x80xi32, #tpu.memory_space<vmem>>, vector<16xi32>,
      %get3A_129 = arith.index_cast %scan3A_98 : i32 to index
      %get3A_130 = arith.constant 16 : index
      %get3A_131 = tpu.vector_load %arg10[%get3A_129, %get3A_130] {strides = array<i32>} : memref<25x80xi32, #tpu.memory_space<vmem>>, vector<16xi32>,
      %get3A_132 = arith.index_cast %scan3A_98 : i32 to index
      %get3A_133 = arith.constant 16 : index
      %get3A_134 = tpu.vector_load %arg11[%get3A_132, %get3A_133] {strides = array<i32>} : memref<25x80xi32, #tpu.memory_space<vmem>>, vector<16xi32>,
      %mul3A_135 = arith.constant 8 : i32
      %mul3A_136 = vector.broadcast %mul3A_135 : i32 to vector<16xi32>
      %mul3A_137 = arith.muli %get3A_128, %mul3A_136 : vector<16xi32>
      %add3A_138 = arith.addi %mul3A_137, %get3A_131 : vector<16xi32>
      %gather3A_139 = tpu.vector_load_idx %arg8[%add3A_138] : memref<80000xf32, #tpu.memory_space<vmem>>[vector<16xi32>], vector<16xf32>,
      %max3A_140 = arith.constant 1.000000e+00 : f32
      %max3A_141 = vector.broadcast %max3A_140 : f32 to vector<16xf32>
      %max3A_142 = arith.maximumf %gather3A_139, %max3A_141 : vector<16xf32>
      %div3A_143 = arith.constant 1.000000e+00 : f32
      %div3A_144 = vector.broadcast %div3A_143 : f32 to vector<16xf32>
      %div3A_145 = arith.divf %div3A_144, %max3A_142 : vector<16xf32>
      %swap3A_146 = arith.index_cast %scan3A_98 : i32 to index
      %swap3A_147 = arith.constant 16 : index
      %swap3A_148 = tpu.vector_load %arg13[%swap3A_146, %swap3A_147] {strides = array<i32>} : memref<25x80xf32, #tpu.memory_space<vmem>>, vector<16xf32>,
      tpu.vector_store %arg13[%swap3A_146, %swap3A_147], %div3A_145 {strides = array<i32>} : memref<25x80xf32, #tpu.memory_space<vmem>>, vector<16xf32>,
      %mul3A_149 = arith.constant 10000 : i32
      %mul3A_150 = vector.broadcast %mul3A_149 : i32 to vector<16xi32>
      %mul3A_151 = arith.muli %get3A_131, %mul3A_150 : vector<16xi32>
      %add3A_152 = arith.addi %mul3A_151, %get3A_134 : vector<16xi32>
      %swap3A_153 = arith.index_cast %scan3A_98 : i32 to index
      %swap3A_154 = arith.constant 16 : index
      %swap3A_155 = tpu.vector_load %arg14[%swap3A_153, %swap3A_154] {strides = array<i32>} : memref<25x80xi32, #tpu.memory_space<vmem>>, vector<16xi32>,
      tpu.vector_store %arg14[%swap3A_153, %swap3A_154], %add3A_152 {strides = array<i32>} : memref<25x80xi32, #tpu.memory_space<vmem>>, vector<16xi32>,
      %get3A_156 = arith.index_cast %scan3A_98 : i32 to index
      %get3A_157 = arith.constant 32 : index
      %get3A_158 = tpu.vector_load %arg9[%get3A_156, %get3A_157] {strides = array<i32>} : memref<25x80xi32, #tpu.memory_space<vmem>>, vector<16xi32>,
      %get3A_159 = arith.index_cast %scan3A_98 : i32 to index
      %get3A_160 = arith.constant 32 : index
      %get3A_161 = tpu.vector_load %arg10[%get3A_159, %get3A_160] {strides = array<i32>} : memref<25x80xi32, #tpu.memory_space<vmem>>, vector<16xi32>,
      %get3A_162 = arith.index_cast %scan3A_98 : i32 to index
      %get3A_163 = arith.constant 32 : index
      %get3A_164 = tpu.vector_load %arg11[%get3A_162, %get3A_163] {strides = array<i32>} : memref<25x80xi32, #tpu.memory_space<vmem>>, vector<16xi32>,
      %mul3A_165 = arith.constant 8 : i32
      %mul3A_166 = vector.broadcast %mul3A_165 : i32 to vector<16xi32>
      %mul3A_167 = arith.muli %get3A_158, %mul3A_166 : vector<16xi32>
      %add3A_168 = arith.addi %mul3A_167, %get3A_161 : vector<16xi32>
      %gather3A_169 = tpu.vector_load_idx %arg8[%add3A_168] : memref<80000xf32, #tpu.memory_space<vmem>>[vector<16xi32>], vector<16xf32>,
      %max3A_170 = arith.constant 1.000000e+00 : f32
      %max3A_171 = vector.broadcast %max3A_170 : f32 to vector<16xf32>
      %max3A_172 = arith.maximumf %gather3A_169, %max3A_171 : vector<16xf32>
      %div3A_173 = arith.constant 1.000000e+00 : f32
      %div3A_174 = vector.broadcast %div3A_173 : f32 to vector<16xf32>
      %div3A_175 = arith.divf %div3A_174, %max3A_172 : vector<16xf32>
      %swap3A_176 = arith.index_cast %scan3A_98 : i32 to index
      %swap3A_177 = arith.constant 32 : index
      %swap3A_178 = tpu.vector_load %arg13[%swap3A_176, %swap3A_177] {strides = array<i32>} : memref<25x80xf32, #tpu.memory_space<vmem>>, vector<16xf32>,
      tpu.vector_store %arg13[%swap3A_176, %swap3A_177], %div3A_175 {strides = array<i32>} : memref<25x80xf32, #tpu.memory_space<vmem>>, vector<16xf32>,
      %mul3A_179 = arith.constant 10000 : i32
      %mul3A_180 = vector.broadcast %mul3A_179 : i32 to vector<16xi32>
      %mul3A_181 = arith.muli %get3A_161, %mul3A_180 : vector<16xi32>
      %add3A_182 = arith.addi %mul3A_181, %get3A_164 : vector<16xi32>
      %swap3A_183 = arith.index_cast %scan3A_98 : i32 to index
      %swap3A_184 = arith.constant 32 : index
      %swap3A_185 = tpu.vector_load %arg14[%swap3A_183, %swap3A_184] {strides = array<i32>} : memref<25x80xi32, #tpu.memory_space<vmem>>, vector<16xi32>,
      tpu.vector_store %arg14[%swap3A_183, %swap3A_184], %add3A_182 {strides = array<i32>} : memref<25x80xi32, #tpu.memory_space<vmem>>, vector<16xi32>,
      %get3A_186 = arith.index_cast %scan3A_98 : i32 to index
      %get3A_187 = arith.constant 48 : index
      %get3A_188 = tpu.vector_load %arg9[%get3A_186, %get3A_187] {strides = array<i32>} : memref<25x80xi32, #tpu.memory_space<vmem>>, vector<16xi32>,
      %get3A_189 = arith.index_cast %scan3A_98 : i32 to index
      %get3A_190 = arith.constant 48 : index
      %get3A_191 = tpu.vector_load %arg10[%get3A_189, %get3A_190] {strides = array<i32>} : memref<25x80xi32, #tpu.memory_space<vmem>>, vector<16xi32>,
      %get3A_192 = arith.index_cast %scan3A_98 : i32 to index
      %get3A_193 = arith.constant 48 : index
      %get3A_194 = tpu.vector_load %arg11[%get3A_192, %get3A_193] {strides = array<i32>} : memref<25x80xi32, #tpu.memory_space<vmem>>, vector<16xi32>,
      %mul3A_195 = arith.constant 8 : i32
      %mul3A_196 = vector.broadcast %mul3A_195 : i32 to vector<16xi32>
      %mul3A_197 = arith.muli %get3A_188, %mul3A_196 : vector<16xi32>
      %add3A_198 = arith.addi %mul3A_197, %get3A_191 : vector<16xi32>
      %gather3A_199 = tpu.vector_load_idx %arg8[%add3A_198] : memref<80000xf32, #tpu.memory_space<vmem>>[vector<16xi32>], vector<16xf32>,
      %max3A_200 = arith.constant 1.000000e+00 : f32
      %max3A_201 = vector.broadcast %max3A_200 : f32 to vector<16xf32>
      %max3A_202 = arith.maximumf %gather3A_199, %max3A_201 : vector<16xf32>
      %div3A_203 = arith.constant 1.000000e+00 : f32
      %div3A_204 = vector.broadcast %div3A_203 : f32 to vector<16xf32>
      %div3A_205 = arith.divf %div3A_204, %max3A_202 : vector<16xf32>
      %swap3A_206 = arith.index_cast %scan3A_98 : i32 to index
      %swap3A_207 = arith.constant 48 : index
      %swap3A_208 = tpu.vector_load %arg13[%swap3A_206, %swap3A_207] {strides = array<i32>} : memref<25x80xf32, #tpu.memory_space<vmem>>, vector<16xf32>,
      tpu.vector_store %arg13[%swap3A_206, %swap3A_207], %div3A_205 {strides = array<i32>} : memref<25x80xf32, #tpu.memory_space<vmem>>, vector<16xf32>,
      %mul3A_209 = arith.constant 10000 : i32
      %mul3A_210 = vector.broadcast %mul3A_209 : i32 to vector<16xi32>
      %mul3A_211 = arith.muli %get3A_191, %mul3A_210 : vector<16xi32>
      %add3A_212 = arith.addi %mul3A_211, %get3A_194 : vector<16xi32>
      %swap3A_213 = arith.index_cast %scan3A_98 : i32 to index
      %swap3A_214 = arith.constant 48 : index
      %swap3A_215 = tpu.vector_load %arg14[%swap3A_213, %swap3A_214] {strides = array<i32>} : memref<25x80xi32, #tpu.memory_space<vmem>>, vector<16xi32>,
      tpu.vector_store %arg14[%swap3A_213, %swap3A_214], %add3A_212 {strides = array<i32>} : memref<25x80xi32, #tpu.memory_space<vmem>>, vector<16xi32>,
      %get3A_216 = arith.index_cast %scan3A_98 : i32 to index
      %get3A_217 = arith.constant 64 : index
      %get3A_218 = tpu.vector_load %arg9[%get3A_216, %get3A_217] {strides = array<i32>} : memref<25x80xi32, #tpu.memory_space<vmem>>, vector<16xi32>,
      %get3A_219 = arith.index_cast %scan3A_98 : i32 to index
      %get3A_220 = arith.constant 64 : index
      %get3A_221 = tpu.vector_load %arg10[%get3A_219, %get3A_220] {strides = array<i32>} : memref<25x80xi32, #tpu.memory_space<vmem>>, vector<16xi32>,
      %get3A_222 = arith.index_cast %scan3A_98 : i32 to index
      %get3A_223 = arith.constant 64 : index
      %get3A_224 = tpu.vector_load %arg11[%get3A_222, %get3A_223] {strides = array<i32>} : memref<25x80xi32, #tpu.memory_space<vmem>>, vector<16xi32>,
      %mul3A_225 = arith.constant 8 : i32
      %mul3A_226 = vector.broadcast %mul3A_225 : i32 to vector<16xi32>
      %mul3A_227 = arith.muli %get3A_218, %mul3A_226 : vector<16xi32>
      %add3A_228 = arith.addi %mul3A_227, %get3A_221 : vector<16xi32>
      %gather3A_229 = tpu.vector_load_idx %arg8[%add3A_228] : memref<80000xf32, #tpu.memory_space<vmem>>[vector<16xi32>], vector<16xf32>,
      %max3A_230 = arith.constant 1.000000e+00 : f32
      %max3A_231 = vector.broadcast %max3A_230 : f32 to vector<16xf32>
      %max3A_232 = arith.maximumf %gather3A_229, %max3A_231 : vector<16xf32>
      %div3A_233 = arith.constant 1.000000e+00 : f32
      %div3A_234 = vector.broadcast %div3A_233 : f32 to vector<16xf32>
      %div3A_235 = arith.divf %div3A_234, %max3A_232 : vector<16xf32>
      %swap3A_236 = arith.index_cast %scan3A_98 : i32 to index
      %swap3A_237 = arith.constant 64 : index
      %swap3A_238 = tpu.vector_load %arg13[%swap3A_236, %swap3A_237] {strides = array<i32>} : memref<25x80xf32, #tpu.memory_space<vmem>>, vector<16xf32>,
      tpu.vector_store %arg13[%swap3A_236, %swap3A_237], %div3A_235 {strides = array<i32>} : memref<25x80xf32, #tpu.memory_space<vmem>>, vector<16xf32>,
      %mul3A_239 = arith.constant 10000 : i32
      %mul3A_240 = vector.broadcast %mul3A_239 : i32 to vector<16xi32>
      %mul3A_241 = arith.muli %get3A_221, %mul3A_240 : vector<16xi32>
      %add3A_242 = arith.addi %mul3A_241, %get3A_224 : vector<16xi32>
      %swap3A_243 = arith.index_cast %scan3A_98 : i32 to index
      %swap3A_244 = arith.constant 64 : index
      %swap3A_245 = tpu.vector_load %arg14[%swap3A_243, %swap3A_244] {strides = array<i32>} : memref<25x80xi32, #tpu.memory_space<vmem>>, vector<16xi32>,
      tpu.vector_store %arg14[%swap3A_243, %swap3A_244], %add3A_242 {strides = array<i32>} : memref<25x80xi32, #tpu.memory_space<vmem>>, vector<16xi32>,
      %scan3A_246 = arith.constant 0 : i32
      scf.yield %scan3A_246 : i32
    }
    %scan3A_88 = arith.constant 25 : i32
    "tpu.region"() ({
      %run_scoped3A = tpu.sem_alloc : memref<!tpu.dma_semaphore, #tpu.memory_space<semaphore_mem>>
      %dma_start3A = arith.constant 0 : i32
      %dma_start3A_98 = tpu.memref_slice %arg5[%add3A_81, %dma_start3A] : memref<4000x80xf32, #tpu.memory_space<hbm>> -> memref<25x80xf32, #tpu.memory_space<hbm>>
      %dma_start3A_99 = arith.constant 0 : i32
      %dma_start3A_100 = tpu.memref_slice %arg5[%add3A_81, %dma_start3A_99] : memref<4000x80xf32, #tpu.memory_space<hbm>> -> memref<25x80xf32, #tpu.memory_space<hbm>>
      tpu.enqueue_dma source(%arg13 : memref<25x80xf32, #tpu.memory_space<vmem>>) target(%dma_start3A_100 : memref<25x80xf32, #tpu.memory_space<hbm>>) target_semaphore(%run_scoped3A : memref<!tpu.dma_semaphore, #tpu.memory_space<semaphore_mem>>)
      %dma_wait3A = arith.constant 0 : i32
      %dma_wait3A_101 = tpu.memref_slice %arg5[%add3A_81, %dma_wait3A] : memref<4000x80xf32, #tpu.memory_space<hbm>> -> memref<25x80xf32, #tpu.memory_space<hbm>>
      %dma_wait3A_102 = arith.constant 0 : i32
      %dma_wait3A_103 = tpu.memref_slice %arg5[%add3A_81, %dma_wait3A_102] : memref<4000x80xf32, #tpu.memory_space<hbm>> -> memref<25x80xf32, #tpu.memory_space<hbm>>
      tpu.wait_dma2 semaphore(%run_scoped3A : memref<!tpu.dma_semaphore, #tpu.memory_space<semaphore_mem>>) src(%arg13 : memref<25x80xf32, #tpu.memory_space<vmem>>) dst(%dma_wait3A_103 : memref<25x80xf32, #tpu.memory_space<hbm>>)
      tpu.yield
    }) : () -> ()
    "tpu.region"() ({
      %run_scoped3A = tpu.sem_alloc : memref<!tpu.dma_semaphore, #tpu.memory_space<semaphore_mem>>
      %dma_start3A = arith.constant 0 : i32
      %dma_start3A_98 = tpu.memref_slice %arg6[%add3A_81, %dma_start3A] : memref<4000x80xi32, #tpu.memory_space<hbm>> -> memref<25x80xi32, #tpu.memory_space<hbm>>
      %dma_start3A_99 = arith.constant 0 : i32
      %dma_start3A_100 = tpu.memref_slice %arg6[%add3A_81, %dma_start3A_99] : memref<4000x80xi32, #tpu.memory_space<hbm>> -> memref<25x80xi32, #tpu.memory_space<hbm>>
      tpu.enqueue_dma source(%arg14 : memref<25x80xi32, #tpu.memory_space<vmem>>) target(%dma_start3A_100 : memref<25x80xi32, #tpu.memory_space<hbm>>) target_semaphore(%run_scoped3A : memref<!tpu.dma_semaphore, #tpu.memory_space<semaphore_mem>>)
      %dma_wait3A = arith.constant 0 : i32
      %dma_wait3A_101 = tpu.memref_slice %arg6[%add3A_81, %dma_wait3A] : memref<4000x80xi32, #tpu.memory_space<hbm>> -> memref<25x80xi32, #tpu.memory_space<hbm>>
      %dma_wait3A_102 = arith.constant 0 : i32
      %dma_wait3A_103 = tpu.memref_slice %arg6[%add3A_81, %dma_wait3A_102] : memref<4000x80xi32, #tpu.memory_space<hbm>> -> memref<25x80xi32, #tpu.memory_space<hbm>>
      tpu.wait_dma2 semaphore(%run_scoped3A : memref<!tpu.dma_semaphore, #tpu.memory_space<semaphore_mem>>) src(%arg14 : memref<25x80xi32, #tpu.memory_space<vmem>>) dst(%dma_wait3A_103 : memref<25x80xi32, #tpu.memory_space<hbm>>)
      tpu.yield
    }) : () -> ()
    %add3A_89 = arith.constant 100 : i32
    %add3A_90 = arith.addi %mul3A_52, %add3A_89 : i32
    "tpu.region"() ({
      %run_scoped3A = tpu.sem_alloc : memref<!tpu.dma_semaphore, #tpu.memory_space<semaphore_mem>>
      %dma_start3A = arith.constant 0 : i32
      %dma_start3A_98 = tpu.memref_slice %arg3[%add3A_90, %dma_start3A] : memref<4000x80xi32, #tpu.memory_space<hbm>> -> memref<25x80xi32, #tpu.memory_space<hbm>>
      %dma_start3A_99 = arith.constant 0 : i32
      %dma_start3A_100 = tpu.memref_slice %arg3[%add3A_90, %dma_start3A_99] : memref<4000x80xi32, #tpu.memory_space<hbm>> -> memref<25x80xi32, #tpu.memory_space<hbm>>
      tpu.enqueue_dma source(%dma_start3A_100 : memref<25x80xi32, #tpu.memory_space<hbm>>) target(%arg9 : memref<25x80xi32, #tpu.memory_space<vmem>>) target_semaphore(%run_scoped3A : memref<!tpu.dma_semaphore, #tpu.memory_space<semaphore_mem>>)
      %dma_wait3A = arith.constant 0 : i32
      %dma_wait3A_101 = tpu.memref_slice %arg3[%add3A_90, %dma_wait3A] : memref<4000x80xi32, #tpu.memory_space<hbm>> -> memref<25x80xi32, #tpu.memory_space<hbm>>
      %dma_wait3A_102 = arith.constant 0 : i32
      %dma_wait3A_103 = tpu.memref_slice %arg3[%add3A_90, %dma_wait3A_102] : memref<4000x80xi32, #tpu.memory_space<hbm>> -> memref<25x80xi32, #tpu.memory_space<hbm>>
      tpu.wait_dma2 semaphore(%run_scoped3A : memref<!tpu.dma_semaphore, #tpu.memory_space<semaphore_mem>>) src(%dma_wait3A_103 : memref<25x80xi32, #tpu.memory_space<hbm>>) dst(%arg9 : memref<25x80xi32, #tpu.memory_space<vmem>>)
      tpu.yield
    }) : () -> ()
    "tpu.region"() ({
      %run_scoped3A = tpu.sem_alloc : memref<!tpu.dma_semaphore, #tpu.memory_space<semaphore_mem>>
      %dma_start3A = arith.constant 0 : i32
      %dma_start3A_98 = tpu.memref_slice %arg4[%add3A_90, %dma_start3A] : memref<4000x80xi32, #tpu.memory_space<hbm>> -> memref<25x80xi32, #tpu.memory_space<hbm>>
      %dma_start3A_99 = arith.constant 0 : i32
      %dma_start3A_100 = tpu.memref_slice %arg4[%add3A_90, %dma_start3A_99] : memref<4000x80xi32, #tpu.memory_space<hbm>> -> memref<25x80xi32, #tpu.memory_space<hbm>>
      tpu.enqueue_dma source(%dma_start3A_100 : memref<25x80xi32, #tpu.memory_space<hbm>>) target(%arg10 : memref<25x80xi32, #tpu.memory_space<vmem>>) target_semaphore(%run_scoped3A : memref<!tpu.dma_semaphore, #tpu.memory_space<semaphore_mem>>)
      %dma_wait3A = arith.constant 0 : i32
      %dma_wait3A_101 = tpu.memref_slice %arg4[%add3A_90, %dma_wait3A] : memref<4000x80xi32, #tpu.memory_space<hbm>> -> memref<25x80xi32, #tpu.memory_space<hbm>>
      %dma_wait3A_102 = arith.constant 0 : i32
      %dma_wait3A_103 = tpu.memref_slice %arg4[%add3A_90, %dma_wait3A_102] : memref<4000x80xi32, #tpu.memory_space<hbm>> -> memref<25x80xi32, #tpu.memory_space<hbm>>
      tpu.wait_dma2 semaphore(%run_scoped3A : memref<!tpu.dma_semaphore, #tpu.memory_space<semaphore_mem>>) src(%dma_wait3A_103 : memref<25x80xi32, #tpu.memory_space<hbm>>) dst(%arg10 : memref<25x80xi32, #tpu.memory_space<vmem>>)
      tpu.yield
    }) : () -> ()
    "tpu.region"() ({
      %run_scoped3A = tpu.sem_alloc : memref<!tpu.dma_semaphore, #tpu.memory_space<semaphore_mem>>
      %dma_start3A = arith.constant 0 : i32
      %dma_start3A_98 = tpu.memref_slice %arg2[%add3A_90, %dma_start3A] : memref<4000x80xi32, #tpu.memory_space<hbm>> -> memref<25x80xi32, #tpu.memory_space<hbm>>
      %dma_start3A_99 = arith.constant 0 : i32
      %dma_start3A_100 = tpu.memref_slice %arg2[%add3A_90, %dma_start3A_99] : memref<4000x80xi32, #tpu.memory_space<hbm>> -> memref<25x80xi32, #tpu.memory_space<hbm>>
      tpu.enqueue_dma source(%dma_start3A_100 : memref<25x80xi32, #tpu.memory_space<hbm>>) target(%arg11 : memref<25x80xi32, #tpu.memory_space<vmem>>) target_semaphore(%run_scoped3A : memref<!tpu.dma_semaphore, #tpu.memory_space<semaphore_mem>>)
      %dma_wait3A = arith.constant 0 : i32
      %dma_wait3A_101 = tpu.memref_slice %arg2[%add3A_90, %dma_wait3A] : memref<4000x80xi32, #tpu.memory_space<hbm>> -> memref<25x80xi32, #tpu.memory_space<hbm>>
      %dma_wait3A_102 = arith.constant 0 : i32
      %dma_wait3A_103 = tpu.memref_slice %arg2[%add3A_90, %dma_wait3A_102] : memref<4000x80xi32, #tpu.memory_space<hbm>> -> memref<25x80xi32, #tpu.memory_space<hbm>>
      tpu.wait_dma2 semaphore(%run_scoped3A : memref<!tpu.dma_semaphore, #tpu.memory_space<semaphore_mem>>) src(%dma_wait3A_103 : memref<25x80xi32, #tpu.memory_space<hbm>>) dst(%arg11 : memref<25x80xi32, #tpu.memory_space<vmem>>)
      tpu.yield
    }) : () -> ()
    %scan3A_91 = arith.constant 0 : i32
    %scan3A_92 = arith.constant 0 : i32
    %scan3A_93 = arith.constant 25 : i32
    %scan3A_94 = arith.addi %scan3A_92, %scan3A_93 : i32
    %scan3A_95 = arith.constant 1 : i32
    %scan3A_96 = scf.for %scan3A_98 = %scan3A_92 to %scan3A_94 step %scan3A_95 iter_args(%scan3A_99 = %scan3A_91) -> (i32)  : i32 {
      %get3A = arith.index_cast %scan3A_98 : i32 to index
      %get3A_100 = arith.constant 0 : index
      %get3A_101 = tpu.vector_load %arg9[%get3A, %get3A_100] {strides = array<i32>} : memref<25x80xi32, #tpu.memory_space<vmem>>, vector<16xi32>,
      %get3A_102 = arith.index_cast %scan3A_98 : i32 to index
      %get3A_103 = arith.constant 0 : index
      %get3A_104 = tpu.vector_load %arg10[%get3A_102, %get3A_103] {strides = array<i32>} : memref<25x80xi32, #tpu.memory_space<vmem>>, vector<16xi32>,
      %get3A_105 = arith.index_cast %scan3A_98 : i32 to index
      %get3A_106 = arith.constant 0 : index
      %get3A_107 = tpu.vector_load %arg11[%get3A_105, %get3A_106] {strides = array<i32>} : memref<25x80xi32, #tpu.memory_space<vmem>>, vector<16xi32>,
      %mul3A_108 = arith.constant 8 : i32
      %mul3A_109 = vector.broadcast %mul3A_108 : i32 to vector<16xi32>
      %mul3A_110 = arith.muli %get3A_101, %mul3A_109 : vector<16xi32>
      %add3A_111 = arith.addi %mul3A_110, %get3A_104 : vector<16xi32>
      %gather3A = tpu.vector_load_idx %arg8[%add3A_111] : memref<80000xf32, #tpu.memory_space<vmem>>[vector<16xi32>], vector<16xf32>,
      %max3A = arith.constant 1.000000e+00 : f32
      %max3A_112 = vector.broadcast %max3A : f32 to vector<16xf32>
      %max3A_113 = arith.maximumf %gather3A, %max3A_112 : vector<16xf32>
      %div3A = arith.constant 1.000000e+00 : f32
      %div3A_114 = vector.broadcast %div3A : f32 to vector<16xf32>
      %div3A_115 = arith.divf %div3A_114, %max3A_113 : vector<16xf32>
      %swap3A_116 = arith.index_cast %scan3A_98 : i32 to index
      %swap3A_117 = arith.constant 0 : index
      %swap3A_118 = tpu.vector_load %arg13[%swap3A_116, %swap3A_117] {strides = array<i32>} : memref<25x80xf32, #tpu.memory_space<vmem>>, vector<16xf32>,
      tpu.vector_store %arg13[%swap3A_116, %swap3A_117], %div3A_115 {strides = array<i32>} : memref<25x80xf32, #tpu.memory_space<vmem>>, vector<16xf32>,
      %mul3A_119 = arith.constant 10000 : i32
      %mul3A_120 = vector.broadcast %mul3A_119 : i32 to vector<16xi32>
      %mul3A_121 = arith.muli %get3A_104, %mul3A_120 : vector<16xi32>
      %add3A_122 = arith.addi %mul3A_121, %get3A_107 : vector<16xi32>
      %swap3A_123 = arith.index_cast %scan3A_98 : i32 to index
      %swap3A_124 = arith.constant 0 : index
      %swap3A_125 = tpu.vector_load %arg14[%swap3A_123, %swap3A_124] {strides = array<i32>} : memref<25x80xi32, #tpu.memory_space<vmem>>, vector<16xi32>,
      tpu.vector_store %arg14[%swap3A_123, %swap3A_124], %add3A_122 {strides = array<i32>} : memref<25x80xi32, #tpu.memory_space<vmem>>, vector<16xi32>,
      %get3A_126 = arith.index_cast %scan3A_98 : i32 to index
      %get3A_127 = arith.constant 16 : index
      %get3A_128 = tpu.vector_load %arg9[%get3A_126, %get3A_127] {strides = array<i32>} : memref<25x80xi32, #tpu.memory_space<vmem>>, vector<16xi32>,
      %get3A_129 = arith.index_cast %scan3A_98 : i32 to index
      %get3A_130 = arith.constant 16 : index
      %get3A_131 = tpu.vector_load %arg10[%get3A_129, %get3A_130] {strides = array<i32>} : memref<25x80xi32, #tpu.memory_space<vmem>>, vector<16xi32>,
      %get3A_132 = arith.index_cast %scan3A_98 : i32 to index
      %get3A_133 = arith.constant 16 : index
      %get3A_134 = tpu.vector_load %arg11[%get3A_132, %get3A_133] {strides = array<i32>} : memref<25x80xi32, #tpu.memory_space<vmem>>, vector<16xi32>,
      %mul3A_135 = arith.constant 8 : i32
      %mul3A_136 = vector.broadcast %mul3A_135 : i32 to vector<16xi32>
      %mul3A_137 = arith.muli %get3A_128, %mul3A_136 : vector<16xi32>
      %add3A_138 = arith.addi %mul3A_137, %get3A_131 : vector<16xi32>
      %gather3A_139 = tpu.vector_load_idx %arg8[%add3A_138] : memref<80000xf32, #tpu.memory_space<vmem>>[vector<16xi32>], vector<16xf32>,
      %max3A_140 = arith.constant 1.000000e+00 : f32
      %max3A_141 = vector.broadcast %max3A_140 : f32 to vector<16xf32>
      %max3A_142 = arith.maximumf %gather3A_139, %max3A_141 : vector<16xf32>
      %div3A_143 = arith.constant 1.000000e+00 : f32
      %div3A_144 = vector.broadcast %div3A_143 : f32 to vector<16xf32>
      %div3A_145 = arith.divf %div3A_144, %max3A_142 : vector<16xf32>
      %swap3A_146 = arith.index_cast %scan3A_98 : i32 to index
      %swap3A_147 = arith.constant 16 : index
      %swap3A_148 = tpu.vector_load %arg13[%swap3A_146, %swap3A_147] {strides = array<i32>} : memref<25x80xf32, #tpu.memory_space<vmem>>, vector<16xf32>,
      tpu.vector_store %arg13[%swap3A_146, %swap3A_147], %div3A_145 {strides = array<i32>} : memref<25x80xf32, #tpu.memory_space<vmem>>, vector<16xf32>,
      %mul3A_149 = arith.constant 10000 : i32
      %mul3A_150 = vector.broadcast %mul3A_149 : i32 to vector<16xi32>
      %mul3A_151 = arith.muli %get3A_131, %mul3A_150 : vector<16xi32>
      %add3A_152 = arith.addi %mul3A_151, %get3A_134 : vector<16xi32>
      %swap3A_153 = arith.index_cast %scan3A_98 : i32 to index
      %swap3A_154 = arith.constant 16 : index
      %swap3A_155 = tpu.vector_load %arg14[%swap3A_153, %swap3A_154] {strides = array<i32>} : memref<25x80xi32, #tpu.memory_space<vmem>>, vector<16xi32>,
      tpu.vector_store %arg14[%swap3A_153, %swap3A_154], %add3A_152 {strides = array<i32>} : memref<25x80xi32, #tpu.memory_space<vmem>>, vector<16xi32>,
      %get3A_156 = arith.index_cast %scan3A_98 : i32 to index
      %get3A_157 = arith.constant 32 : index
      %get3A_158 = tpu.vector_load %arg9[%get3A_156, %get3A_157] {strides = array<i32>} : memref<25x80xi32, #tpu.memory_space<vmem>>, vector<16xi32>,
      %get3A_159 = arith.index_cast %scan3A_98 : i32 to index
      %get3A_160 = arith.constant 32 : index
      %get3A_161 = tpu.vector_load %arg10[%get3A_159, %get3A_160] {strides = array<i32>} : memref<25x80xi32, #tpu.memory_space<vmem>>, vector<16xi32>,
      %get3A_162 = arith.index_cast %scan3A_98 : i32 to index
      %get3A_163 = arith.constant 32 : index
      %get3A_164 = tpu.vector_load %arg11[%get3A_162, %get3A_163] {strides = array<i32>} : memref<25x80xi32, #tpu.memory_space<vmem>>, vector<16xi32>,
      %mul3A_165 = arith.constant 8 : i32
      %mul3A_166 = vector.broadcast %mul3A_165 : i32 to vector<16xi32>
      %mul3A_167 = arith.muli %get3A_158, %mul3A_166 : vector<16xi32>
      %add3A_168 = arith.addi %mul3A_167, %get3A_161 : vector<16xi32>
      %gather3A_169 = tpu.vector_load_idx %arg8[%add3A_168] : memref<80000xf32, #tpu.memory_space<vmem>>[vector<16xi32>], vector<16xf32>,
      %max3A_170 = arith.constant 1.000000e+00 : f32
      %max3A_171 = vector.broadcast %max3A_170 : f32 to vector<16xf32>
      %max3A_172 = arith.maximumf %gather3A_169, %max3A_171 : vector<16xf32>
      %div3A_173 = arith.constant 1.000000e+00 : f32
      %div3A_174 = vector.broadcast %div3A_173 : f32 to vector<16xf32>
      %div3A_175 = arith.divf %div3A_174, %max3A_172 : vector<16xf32>
      %swap3A_176 = arith.index_cast %scan3A_98 : i32 to index
      %swap3A_177 = arith.constant 32 : index
      %swap3A_178 = tpu.vector_load %arg13[%swap3A_176, %swap3A_177] {strides = array<i32>} : memref<25x80xf32, #tpu.memory_space<vmem>>, vector<16xf32>,
      tpu.vector_store %arg13[%swap3A_176, %swap3A_177], %div3A_175 {strides = array<i32>} : memref<25x80xf32, #tpu.memory_space<vmem>>, vector<16xf32>,
      %mul3A_179 = arith.constant 10000 : i32
      %mul3A_180 = vector.broadcast %mul3A_179 : i32 to vector<16xi32>
      %mul3A_181 = arith.muli %get3A_161, %mul3A_180 : vector<16xi32>
      %add3A_182 = arith.addi %mul3A_181, %get3A_164 : vector<16xi32>
      %swap3A_183 = arith.index_cast %scan3A_98 : i32 to index
      %swap3A_184 = arith.constant 32 : index
      %swap3A_185 = tpu.vector_load %arg14[%swap3A_183, %swap3A_184] {strides = array<i32>} : memref<25x80xi32, #tpu.memory_space<vmem>>, vector<16xi32>,
      tpu.vector_store %arg14[%swap3A_183, %swap3A_184], %add3A_182 {strides = array<i32>} : memref<25x80xi32, #tpu.memory_space<vmem>>, vector<16xi32>,
      %get3A_186 = arith.index_cast %scan3A_98 : i32 to index
      %get3A_187 = arith.constant 48 : index
      %get3A_188 = tpu.vector_load %arg9[%get3A_186, %get3A_187] {strides = array<i32>} : memref<25x80xi32, #tpu.memory_space<vmem>>, vector<16xi32>,
      %get3A_189 = arith.index_cast %scan3A_98 : i32 to index
      %get3A_190 = arith.constant 48 : index
      %get3A_191 = tpu.vector_load %arg10[%get3A_189, %get3A_190] {strides = array<i32>} : memref<25x80xi32, #tpu.memory_space<vmem>>, vector<16xi32>,
      %get3A_192 = arith.index_cast %scan3A_98 : i32 to index
      %get3A_193 = arith.constant 48 : index
      %get3A_194 = tpu.vector_load %arg11[%get3A_192, %get3A_193] {strides = array<i32>} : memref<25x80xi32, #tpu.memory_space<vmem>>, vector<16xi32>,
      %mul3A_195 = arith.constant 8 : i32
      %mul3A_196 = vector.broadcast %mul3A_195 : i32 to vector<16xi32>
      %mul3A_197 = arith.muli %get3A_188, %mul3A_196 : vector<16xi32>
      %add3A_198 = arith.addi %mul3A_197, %get3A_191 : vector<16xi32>
      %gather3A_199 = tpu.vector_load_idx %arg8[%add3A_198] : memref<80000xf32, #tpu.memory_space<vmem>>[vector<16xi32>], vector<16xf32>,
      %max3A_200 = arith.constant 1.000000e+00 : f32
      %max3A_201 = vector.broadcast %max3A_200 : f32 to vector<16xf32>
      %max3A_202 = arith.maximumf %gather3A_199, %max3A_201 : vector<16xf32>
      %div3A_203 = arith.constant 1.000000e+00 : f32
      %div3A_204 = vector.broadcast %div3A_203 : f32 to vector<16xf32>
      %div3A_205 = arith.divf %div3A_204, %max3A_202 : vector<16xf32>
      %swap3A_206 = arith.index_cast %scan3A_98 : i32 to index
      %swap3A_207 = arith.constant 48 : index
      %swap3A_208 = tpu.vector_load %arg13[%swap3A_206, %swap3A_207] {strides = array<i32>} : memref<25x80xf32, #tpu.memory_space<vmem>>, vector<16xf32>,
      tpu.vector_store %arg13[%swap3A_206, %swap3A_207], %div3A_205 {strides = array<i32>} : memref<25x80xf32, #tpu.memory_space<vmem>>, vector<16xf32>,
      %mul3A_209 = arith.constant 10000 : i32
      %mul3A_210 = vector.broadcast %mul3A_209 : i32 to vector<16xi32>
      %mul3A_211 = arith.muli %get3A_191, %mul3A_210 : vector<16xi32>
      %add3A_212 = arith.addi %mul3A_211, %get3A_194 : vector<16xi32>
      %swap3A_213 = arith.index_cast %scan3A_98 : i32 to index
      %swap3A_214 = arith.constant 48 : index
      %swap3A_215 = tpu.vector_load %arg14[%swap3A_213, %swap3A_214] {strides = array<i32>} : memref<25x80xi32, #tpu.memory_space<vmem>>, vector<16xi32>,
      tpu.vector_store %arg14[%swap3A_213, %swap3A_214], %add3A_212 {strides = array<i32>} : memref<25x80xi32, #tpu.memory_space<vmem>>, vector<16xi32>,
      %get3A_216 = arith.index_cast %scan3A_98 : i32 to index
      %get3A_217 = arith.constant 64 : index
      %get3A_218 = tpu.vector_load %arg9[%get3A_216, %get3A_217] {strides = array<i32>} : memref<25x80xi32, #tpu.memory_space<vmem>>, vector<16xi32>,
      %get3A_219 = arith.index_cast %scan3A_98 : i32 to index
      %get3A_220 = arith.constant 64 : index
      %get3A_221 = tpu.vector_load %arg10[%get3A_219, %get3A_220] {strides = array<i32>} : memref<25x80xi32, #tpu.memory_space<vmem>>, vector<16xi32>,
      %get3A_222 = arith.index_cast %scan3A_98 : i32 to index
      %get3A_223 = arith.constant 64 : index
      %get3A_224 = tpu.vector_load %arg11[%get3A_222, %get3A_223] {strides = array<i32>} : memref<25x80xi32, #tpu.memory_space<vmem>>, vector<16xi32>,
      %mul3A_225 = arith.constant 8 : i32
      %mul3A_226 = vector.broadcast %mul3A_225 : i32 to vector<16xi32>
      %mul3A_227 = arith.muli %get3A_218, %mul3A_226 : vector<16xi32>
      %add3A_228 = arith.addi %mul3A_227, %get3A_221 : vector<16xi32>
      %gather3A_229 = tpu.vector_load_idx %arg8[%add3A_228] : memref<80000xf32, #tpu.memory_space<vmem>>[vector<16xi32>], vector<16xf32>,
      %max3A_230 = arith.constant 1.000000e+00 : f32
      %max3A_231 = vector.broadcast %max3A_230 : f32 to vector<16xf32>
      %max3A_232 = arith.maximumf %gather3A_229, %max3A_231 : vector<16xf32>
      %div3A_233 = arith.constant 1.000000e+00 : f32
      %div3A_234 = vector.broadcast %div3A_233 : f32 to vector<16xf32>
      %div3A_235 = arith.divf %div3A_234, %max3A_232 : vector<16xf32>
      %swap3A_236 = arith.index_cast %scan3A_98 : i32 to index
      %swap3A_237 = arith.constant 64 : index
      %swap3A_238 = tpu.vector_load %arg13[%swap3A_236, %swap3A_237] {strides = array<i32>} : memref<25x80xf32, #tpu.memory_space<vmem>>, vector<16xf32>,
      tpu.vector_store %arg13[%swap3A_236, %swap3A_237], %div3A_235 {strides = array<i32>} : memref<25x80xf32, #tpu.memory_space<vmem>>, vector<16xf32>,
      %mul3A_239 = arith.constant 10000 : i32
      %mul3A_240 = vector.broadcast %mul3A_239 : i32 to vector<16xi32>
      %mul3A_241 = arith.muli %get3A_221, %mul3A_240 : vector<16xi32>
      %add3A_242 = arith.addi %mul3A_241, %get3A_224 : vector<16xi32>
      %swap3A_243 = arith.index_cast %scan3A_98 : i32 to index
      %swap3A_244 = arith.constant 64 : index
      %swap3A_245 = tpu.vector_load %arg14[%swap3A_243, %swap3A_244] {strides = array<i32>} : memref<25x80xi32, #tpu.memory_space<vmem>>, vector<16xi32>,
      tpu.vector_store %arg14[%swap3A_243, %swap3A_244], %add3A_242 {strides = array<i32>} : memref<25x80xi32, #tpu.memory_space<vmem>>, vector<16xi32>,
      %scan3A_246 = arith.constant 0 : i32
      scf.yield %scan3A_246 : i32
    }
    %scan3A_97 = arith.constant 25 : i32
    "tpu.region"() ({
      %run_scoped3A = tpu.sem_alloc : memref<!tpu.dma_semaphore, #tpu.memory_space<semaphore_mem>>
      %dma_start3A = arith.constant 0 : i32
      %dma_start3A_98 = tpu.memref_slice %arg5[%add3A_90, %dma_start3A] : memref<4000x80xf32, #tpu.memory_space<hbm>> -> memref<25x80xf32, #tpu.memory_space<hbm>>
      %dma_start3A_99 = arith.constant 0 : i32
      %dma_start3A_100 = tpu.memref_slice %arg5[%add3A_90, %dma_start3A_99] : memref<4000x80xf32, #tpu.memory_space<hbm>> -> memref<25x80xf32, #tpu.memory_space<hbm>>
      tpu.enqueue_dma source(%arg13 : memref<25x80xf32, #tpu.memory_space<vmem>>) target(%dma_start3A_100 : memref<25x80xf32, #tpu.memory_space<hbm>>) target_semaphore(%run_scoped3A : memref<!tpu.dma_semaphore, #tpu.memory_space<semaphore_mem>>)
      %dma_wait3A = arith.constant 0 : i32
      %dma_wait3A_101 = tpu.memref_slice %arg5[%add3A_90, %dma_wait3A] : memref<4000x80xf32, #tpu.memory_space<hbm>> -> memref<25x80xf32, #tpu.memory_space<hbm>>
      %dma_wait3A_102 = arith.constant 0 : i32
      %dma_wait3A_103 = tpu.memref_slice %arg5[%add3A_90, %dma_wait3A_102] : memref<4000x80xf32, #tpu.memory_space<hbm>> -> memref<25x80xf32, #tpu.memory_space<hbm>>
      tpu.wait_dma2 semaphore(%run_scoped3A : memref<!tpu.dma_semaphore, #tpu.memory_space<semaphore_mem>>) src(%arg13 : memref<25x80xf32, #tpu.memory_space<vmem>>) dst(%dma_wait3A_103 : memref<25x80xf32, #tpu.memory_space<hbm>>)
      tpu.yield
    }) : () -> ()
    "tpu.region"() ({
      %run_scoped3A = tpu.sem_alloc : memref<!tpu.dma_semaphore, #tpu.memory_space<semaphore_mem>>
      %dma_start3A = arith.constant 0 : i32
      %dma_start3A_98 = tpu.memref_slice %arg6[%add3A_90, %dma_start3A] : memref<4000x80xi32, #tpu.memory_space<hbm>> -> memref<25x80xi32, #tpu.memory_space<hbm>>
      %dma_start3A_99 = arith.constant 0 : i32
      %dma_start3A_100 = tpu.memref_slice %arg6[%add3A_90, %dma_start3A_99] : memref<4000x80xi32, #tpu.memory_space<hbm>> -> memref<25x80xi32, #tpu.memory_space<hbm>>
      tpu.enqueue_dma source(%arg14 : memref<25x80xi32, #tpu.memory_space<vmem>>) target(%dma_start3A_100 : memref<25x80xi32, #tpu.memory_space<hbm>>) target_semaphore(%run_scoped3A : memref<!tpu.dma_semaphore, #tpu.memory_space<semaphore_mem>>)
      %dma_wait3A = arith.constant 0 : i32
      %dma_wait3A_101 = tpu.memref_slice %arg6[%add3A_90, %dma_wait3A] : memref<4000x80xi32, #tpu.memory_space<hbm>> -> memref<25x80xi32, #tpu.memory_space<hbm>>
      %dma_wait3A_102 = arith.constant 0 : i32
      %dma_wait3A_103 = tpu.memref_slice %arg6[%add3A_90, %dma_wait3A_102] : memref<4000x80xi32, #tpu.memory_space<hbm>> -> memref<25x80xi32, #tpu.memory_space<hbm>>
      tpu.wait_dma2 semaphore(%run_scoped3A : memref<!tpu.dma_semaphore, #tpu.memory_space<semaphore_mem>>) src(%arg14 : memref<25x80xi32, #tpu.memory_space<vmem>>) dst(%dma_wait3A_103 : memref<25x80xi32, #tpu.memory_space<hbm>>)
      tpu.yield
    }) : () -> ()
    return
  }
}

module attributes {stable_mosaic.version = 14 : i64} {
  func.func @_wmix_body(%arg0: memref<8x8xf32, #tpu.memory_space<vmem>>, %arg1: memref<8x16384xf32, #tpu.memory_space<vmem>>, %arg2: memref<1x16384xf32, #tpu.memory_space<vmem>>, %arg3: memref<9x16384xf32, #tpu.memory_space<vmem>>) attributes {dimension_semantics = [], scalar_prefetch = 0 : i64, scratch_operands = 0 : i64, tpu.core_type = #tpu.core_type<tc>} {
    %get3A = arith.constant 0 : index
    %get3A_0 = arith.constant 0 : index
    %get3A_1 = vector.load %arg0[%get3A, %get3A_0] : memref<8x8xf32, #tpu.memory_space<vmem>>, vector<8x8xf32>
    %get3A_2 = arith.constant 0 : index
    %get3A_3 = arith.constant 0 : index
    %get3A_4 = vector.load %arg1[%get3A_2, %get3A_3] : memref<8x16384xf32, #tpu.memory_space<vmem>>, vector<8x16384xf32>
    %dot_general3A = arith.constant dense<0.000000e+00> : vector<8x16384xf32>
    %dot_general3A_5 = tpu.matmul %get3A_1, %get3A_4, %dot_general3A {dimension_numbers = #tpu.dot_dimension_numbers<[1], [0], [0], [1], [0, 0, 1, 1], [], []>, transpose_lhs_hint = false} : vector<8x8xf32>, vector<8x16384xf32>, vector<8x16384xf32> -> vector<8x16384xf32>
    %swap3A = arith.constant 0 : index
    %swap3A_6 = arith.constant 0 : index
    %swap3A_7 = vector.load %arg3[%swap3A, %swap3A_6] : memref<9x16384xf32, #tpu.memory_space<vmem>>, vector<8x16384xf32>
    tpu.vector_store %arg3[%swap3A, %swap3A_6], %dot_general3A_5 {strides = array<i32>} : memref<9x16384xf32, #tpu.memory_space<vmem>>, vector<8x16384xf32>,
    %get3A_8 = arith.constant 0 : index
    %get3A_9 = arith.constant 0 : index
    %get3A_10 = vector.load %arg2[%get3A_8, %get3A_9] : memref<1x16384xf32, #tpu.memory_space<vmem>>, vector<1x16384xf32>
    %swap3A_11 = arith.constant 8 : index
    %swap3A_12 = arith.constant 0 : index
    %swap3A_13 = vector.load %arg3[%swap3A_11, %swap3A_12] : memref<9x16384xf32, #tpu.memory_space<vmem>>, vector<1x16384xf32>
    tpu.vector_store %arg3[%swap3A_11, %swap3A_12], %get3A_10 {strides = array<i32>} : memref<9x16384xf32, #tpu.memory_space<vmem>>, vector<1x16384xf32>,
    return
  }
}

module attributes {stable_mosaic.version = 14 : i64} {
  func.func @_embed_body(%arg0: i32, %arg1: memref<400x10000xf32, #tpu.memory_space<vmem>>, %arg2: memref<10000x128xf32, #tpu.memory_space<vmem>>, %arg3: memref<400x128xf32, #tpu.memory_space<vmem>>) attributes {dimension_semantics = [#tpu.dimension_semantics<arbitrary>], iteration_bounds = array<i64: 25>, scalar_prefetch = 0 : i64, scratch_operands = 0 : i64, tpu.core_type = #tpu.core_type<tc>, window_params = [{transform_indices = @transform_0, window_bounds = array<i64: 400, 10000>}, {pipeline_mode = #tpu.pipeline_mode<synchronous>, transform_indices = @transform_1, window_bounds = array<i64: 10000, 128>}, {transform_indices = @transform_2, window_bounds = array<i64: 400, 128>}]} {
    %get3A = arith.constant 0 : index
    %get3A_0 = arith.constant 0 : index
    %get3A_1 = vector.load %arg1[%get3A, %get3A_0] : memref<400x10000xf32, #tpu.memory_space<vmem>>, vector<400x10000xf32>
    %get3A_2 = arith.constant 0 : index
    %get3A_3 = arith.constant 0 : index
    %get3A_4 = vector.load %arg2[%get3A_2, %get3A_3] : memref<10000x128xf32, #tpu.memory_space<vmem>>, vector<10000x128xf32>
    %dot_general3A = arith.constant dense<0.000000e+00> : vector<400x128xf32>
    %dot_general3A_5 = tpu.matmul %get3A_1, %get3A_4, %dot_general3A {dimension_numbers = #tpu.dot_dimension_numbers<[1], [0], [0], [1], [0, 0, 1, 1], [], []>, transpose_lhs_hint = false} : vector<400x10000xf32>, vector<10000x128xf32>, vector<400x128xf32> -> vector<400x128xf32>
    %max3A = arith.constant 0.000000e+00 : f32
    %max3A_6 = vector.broadcast %max3A : f32 to vector<400x128xf32>
    %max3A_7 = arith.maximumf %dot_general3A_5, %max3A_6 : vector<400x128xf32>
    %swap3A = arith.constant 0 : index
    %swap3A_8 = arith.constant 0 : index
    %swap3A_9 = vector.load %arg3[%swap3A, %swap3A_8] : memref<400x128xf32, #tpu.memory_space<vmem>>, vector<400x128xf32>
    tpu.vector_store %arg3[%swap3A, %swap3A_8], %max3A_7 {strides = array<i32>} : memref<400x128xf32, #tpu.memory_space<vmem>>, vector<400x128xf32>,
    return
  }
  func.func @transform_0(%arg0: i32) -> (i32, i32) {
    %c0_i32 = arith.constant 0 : i32
    %c0_i32_0 = arith.constant 0 : i32
    return %arg0, %c0_i32 : i32, i32
  }
  func.func @transform_1(%arg0: i32) -> (i32, i32) {
    %c0_i32 = arith.constant 0 : i32
    %c0_i32_0 = arith.constant 0 : i32
    %c0_i32_1 = arith.constant 0 : i32
    return %c0_i32, %c0_i32_0 : i32, i32
  }
  func.func @transform_2(%arg0: i32) -> (i32, i32) {
    %c0_i32 = arith.constant 0 : i32
    %c0_i32_0 = arith.constant 0 : i32
    return %arg0, %c0_i32 : i32, i32
  }
}

module attributes {stable_mosaic.version = 14 : i64} {
  func.func @_layer_mm_body(%arg0: i32, %arg1: memref<1000x128xf32, #tpu.memory_space<vmem>>, %arg2: memref<9x128x128xf32, #tpu.memory_space<vmem>>, %arg3: memref<1x128xf32, #tpu.memory_space<vmem>>, %arg4: memref<8x1000x128xf32, #tpu.memory_space<vmem>>, %arg5: memref<1000x128xf32, #tpu.memory_space<vmem>>) attributes {dimension_semantics = [#tpu.dimension_semantics<arbitrary>], iteration_bounds = array<i64: 10>, scalar_prefetch = 0 : i64, scratch_operands = 0 : i64, tpu.core_type = #tpu.core_type<tc>, window_params = [{transform_indices = @transform_0, window_bounds = array<i64: 1000, 128>}, {pipeline_mode = #tpu.pipeline_mode<synchronous>, transform_indices = @transform_1, window_bounds = array<i64: 9, 128, 128>}, {pipeline_mode = #tpu.pipeline_mode<synchronous>, transform_indices = @transform_2, window_bounds = array<i64: 1, 128>}, {transform_indices = @transform_3, window_bounds = array<i64: 8, 1000, 128>}, {transform_indices = @transform_4, window_bounds = array<i64: 1000, 128>}]} {
    %get3A = arith.constant 0 : index
    %get3A_0 = arith.constant 0 : index
    %get3A_1 = vector.load %arg1[%get3A, %get3A_0] : memref<1000x128xf32, #tpu.memory_space<vmem>>, vector<1000x128xf32>
    %get3A_2 = arith.constant 0 : index
    %get3A_3 = arith.constant 0 : index
    %get3A_4 = arith.constant 0 : index
    %get3A_5 = vector.load %arg2[%get3A_2, %get3A_3, %get3A_4] : memref<9x128x128xf32, #tpu.memory_space<vmem>>, vector<1x128x128xf32>
    %get3A_6 = vector.shape_cast %get3A_5 : vector<1x128x128xf32> to vector<128x128xf32>
    %dot_general3A = arith.constant dense<0.000000e+00> : vector<1000x128xf32>
    %dot_general3A_7 = tpu.matmul %get3A_1, %get3A_6, %dot_general3A {dimension_numbers = #tpu.dot_dimension_numbers<[1], [0], [0], [1], [0, 0, 1, 1], [], []>, transpose_lhs_hint = false} : vector<1000x128xf32>, vector<128x128xf32>, vector<1000x128xf32> -> vector<1000x128xf32>
    %swap3A = arith.constant 0 : index
    %swap3A_8 = arith.constant 0 : index
    %swap3A_9 = arith.constant 0 : index
    %swap3A_10 = vector.load %arg4[%swap3A, %swap3A_8, %swap3A_9] : memref<8x1000x128xf32, #tpu.memory_space<vmem>>, vector<1x1000x128xf32>
    %swap3A_11 = vector.shape_cast %swap3A_10 : vector<1x1000x128xf32> to vector<1000x128xf32>
    %swap3A_12 = vector.shape_cast %dot_general3A_7 : vector<1000x128xf32> to vector<1x1000x128xf32>
    tpu.vector_store %arg4[%swap3A, %swap3A_8, %swap3A_9], %swap3A_12 {strides = array<i32>} : memref<8x1000x128xf32, #tpu.memory_space<vmem>>, vector<1x1000x128xf32>,
    %get3A_13 = arith.constant 1 : index
    %get3A_14 = arith.constant 0 : index
    %get3A_15 = arith.constant 0 : index
    %get3A_16 = vector.load %arg2[%get3A_13, %get3A_14, %get3A_15] : memref<9x128x128xf32, #tpu.memory_space<vmem>>, vector<1x128x128xf32>
    %get3A_17 = vector.shape_cast %get3A_16 : vector<1x128x128xf32> to vector<128x128xf32>
    %dot_general3A_18 = arith.constant dense<0.000000e+00> : vector<1000x128xf32>
    %dot_general3A_19 = tpu.matmul %get3A_1, %get3A_17, %dot_general3A_18 {dimension_numbers = #tpu.dot_dimension_numbers<[1], [0], [0], [1], [0, 0, 1, 1], [], []>, transpose_lhs_hint = false} : vector<1000x128xf32>, vector<128x128xf32>, vector<1000x128xf32> -> vector<1000x128xf32>
    %swap3A_20 = arith.constant 1 : index
    %swap3A_21 = arith.constant 0 : index
    %swap3A_22 = arith.constant 0 : index
    %swap3A_23 = vector.load %arg4[%swap3A_20, %swap3A_21, %swap3A_22] : memref<8x1000x128xf32, #tpu.memory_space<vmem>>, vector<1x1000x128xf32>
    %swap3A_24 = vector.shape_cast %swap3A_23 : vector<1x1000x128xf32> to vector<1000x128xf32>
    %swap3A_25 = vector.shape_cast %dot_general3A_19 : vector<1000x128xf32> to vector<1x1000x128xf32>
    tpu.vector_store %arg4[%swap3A_20, %swap3A_21, %swap3A_22], %swap3A_25 {strides = array<i32>} : memref<8x1000x128xf32, #tpu.memory_space<vmem>>, vector<1x1000x128xf32>,
    %get3A_26 = arith.constant 2 : index
    %get3A_27 = arith.constant 0 : index
    %get3A_28 = arith.constant 0 : index
    %get3A_29 = vector.load %arg2[%get3A_26, %get3A_27, %get3A_28] : memref<9x128x128xf32, #tpu.memory_space<vmem>>, vector<1x128x128xf32>
    %get3A_30 = vector.shape_cast %get3A_29 : vector<1x128x128xf32> to vector<128x128xf32>
    %dot_general3A_31 = arith.constant dense<0.000000e+00> : vector<1000x128xf32>
    %dot_general3A_32 = tpu.matmul %get3A_1, %get3A_30, %dot_general3A_31 {dimension_numbers = #tpu.dot_dimension_numbers<[1], [0], [0], [1], [0, 0, 1, 1], [], []>, transpose_lhs_hint = false} : vector<1000x128xf32>, vector<128x128xf32>, vector<1000x128xf32> -> vector<1000x128xf32>
    %swap3A_33 = arith.constant 2 : index
    %swap3A_34 = arith.constant 0 : index
    %swap3A_35 = arith.constant 0 : index
    %swap3A_36 = vector.load %arg4[%swap3A_33, %swap3A_34, %swap3A_35] : memref<8x1000x128xf32, #tpu.memory_space<vmem>>, vector<1x1000x128xf32>
    %swap3A_37 = vector.shape_cast %swap3A_36 : vector<1x1000x128xf32> to vector<1000x128xf32>
    %swap3A_38 = vector.shape_cast %dot_general3A_32 : vector<1000x128xf32> to vector<1x1000x128xf32>
    tpu.vector_store %arg4[%swap3A_33, %swap3A_34, %swap3A_35], %swap3A_38 {strides = array<i32>} : memref<8x1000x128xf32, #tpu.memory_space<vmem>>, vector<1x1000x128xf32>,
    %get3A_39 = arith.constant 3 : index
    %get3A_40 = arith.constant 0 : index
    %get3A_41 = arith.constant 0 : index
    %get3A_42 = vector.load %arg2[%get3A_39, %get3A_40, %get3A_41] : memref<9x128x128xf32, #tpu.memory_space<vmem>>, vector<1x128x128xf32>
    %get3A_43 = vector.shape_cast %get3A_42 : vector<1x128x128xf32> to vector<128x128xf32>
    %dot_general3A_44 = arith.constant dense<0.000000e+00> : vector<1000x128xf32>
    %dot_general3A_45 = tpu.matmul %get3A_1, %get3A_43, %dot_general3A_44 {dimension_numbers = #tpu.dot_dimension_numbers<[1], [0], [0], [1], [0, 0, 1, 1], [], []>, transpose_lhs_hint = false} : vector<1000x128xf32>, vector<128x128xf32>, vector<1000x128xf32> -> vector<1000x128xf32>
    %swap3A_46 = arith.constant 3 : index
    %swap3A_47 = arith.constant 0 : index
    %swap3A_48 = arith.constant 0 : index
    %swap3A_49 = vector.load %arg4[%swap3A_46, %swap3A_47, %swap3A_48] : memref<8x1000x128xf32, #tpu.memory_space<vmem>>, vector<1x1000x128xf32>
    %swap3A_50 = vector.shape_cast %swap3A_49 : vector<1x1000x128xf32> to vector<1000x128xf32>
    %swap3A_51 = vector.shape_cast %dot_general3A_45 : vector<1000x128xf32> to vector<1x1000x128xf32>
    tpu.vector_store %arg4[%swap3A_46, %swap3A_47, %swap3A_48], %swap3A_51 {strides = array<i32>} : memref<8x1000x128xf32, #tpu.memory_space<vmem>>, vector<1x1000x128xf32>,
    %get3A_52 = arith.constant 4 : index
    %get3A_53 = arith.constant 0 : index
    %get3A_54 = arith.constant 0 : index
    %get3A_55 = vector.load %arg2[%get3A_52, %get3A_53, %get3A_54] : memref<9x128x128xf32, #tpu.memory_space<vmem>>, vector<1x128x128xf32>
    %get3A_56 = vector.shape_cast %get3A_55 : vector<1x128x128xf32> to vector<128x128xf32>
    %dot_general3A_57 = arith.constant dense<0.000000e+00> : vector<1000x128xf32>
    %dot_general3A_58 = tpu.matmul %get3A_1, %get3A_56, %dot_general3A_57 {dimension_numbers = #tpu.dot_dimension_numbers<[1], [0], [0], [1], [0, 0, 1, 1], [], []>, transpose_lhs_hint = false} : vector<1000x128xf32>, vector<128x128xf32>, vector<1000x128xf32> -> vector<1000x128xf32>
    %swap3A_59 = arith.constant 4 : index
    %swap3A_60 = arith.constant 0 : index
    %swap3A_61 = arith.constant 0 : index
    %swap3A_62 = vector.load %arg4[%swap3A_59, %swap3A_60, %swap3A_61] : memref<8x1000x128xf32, #tpu.memory_space<vmem>>, vector<1x1000x128xf32>
    %swap3A_63 = vector.shape_cast %swap3A_62 : vector<1x1000x128xf32> to vector<1000x128xf32>
    %swap3A_64 = vector.shape_cast %dot_general3A_58 : vector<1000x128xf32> to vector<1x1000x128xf32>
    tpu.vector_store %arg4[%swap3A_59, %swap3A_60, %swap3A_61], %swap3A_64 {strides = array<i32>} : memref<8x1000x128xf32, #tpu.memory_space<vmem>>, vector<1x1000x128xf32>,
    %get3A_65 = arith.constant 5 : index
    %get3A_66 = arith.constant 0 : index
    %get3A_67 = arith.constant 0 : index
    %get3A_68 = vector.load %arg2[%get3A_65, %get3A_66, %get3A_67] : memref<9x128x128xf32, #tpu.memory_space<vmem>>, vector<1x128x128xf32>
    %get3A_69 = vector.shape_cast %get3A_68 : vector<1x128x128xf32> to vector<128x128xf32>
    %dot_general3A_70 = arith.constant dense<0.000000e+00> : vector<1000x128xf32>
    %dot_general3A_71 = tpu.matmul %get3A_1, %get3A_69, %dot_general3A_70 {dimension_numbers = #tpu.dot_dimension_numbers<[1], [0], [0], [1], [0, 0, 1, 1], [], []>, transpose_lhs_hint = false} : vector<1000x128xf32>, vector<128x128xf32>, vector<1000x128xf32> -> vector<1000x128xf32>
    %swap3A_72 = arith.constant 5 : index
    %swap3A_73 = arith.constant 0 : index
    %swap3A_74 = arith.constant 0 : index
    %swap3A_75 = vector.load %arg4[%swap3A_72, %swap3A_73, %swap3A_74] : memref<8x1000x128xf32, #tpu.memory_space<vmem>>, vector<1x1000x128xf32>
    %swap3A_76 = vector.shape_cast %swap3A_75 : vector<1x1000x128xf32> to vector<1000x128xf32>
    %swap3A_77 = vector.shape_cast %dot_general3A_71 : vector<1000x128xf32> to vector<1x1000x128xf32>
    tpu.vector_store %arg4[%swap3A_72, %swap3A_73, %swap3A_74], %swap3A_77 {strides = array<i32>} : memref<8x1000x128xf32, #tpu.memory_space<vmem>>, vector<1x1000x128xf32>,
    %get3A_78 = arith.constant 6 : index
    %get3A_79 = arith.constant 0 : index
    %get3A_80 = arith.constant 0 : index
    %get3A_81 = vector.load %arg2[%get3A_78, %get3A_79, %get3A_80] : memref<9x128x128xf32, #tpu.memory_space<vmem>>, vector<1x128x128xf32>
    %get3A_82 = vector.shape_cast %get3A_81 : vector<1x128x128xf32> to vector<128x128xf32>
    %dot_general3A_83 = arith.constant dense<0.000000e+00> : vector<1000x128xf32>
    %dot_general3A_84 = tpu.matmul %get3A_1, %get3A_82, %dot_general3A_83 {dimension_numbers = #tpu.dot_dimension_numbers<[1], [0], [0], [1], [0, 0, 1, 1], [], []>, transpose_lhs_hint = false} : vector<1000x128xf32>, vector<128x128xf32>, vector<1000x128xf32> -> vector<1000x128xf32>
    %swap3A_85 = arith.constant 6 : index
    %swap3A_86 = arith.constant 0 : index
    %swap3A_87 = arith.constant 0 : index
    %swap3A_88 = vector.load %arg4[%swap3A_85, %swap3A_86, %swap3A_87] : memref<8x1000x128xf32, #tpu.memory_space<vmem>>, vector<1x1000x128xf32>
    %swap3A_89 = vector.shape_cast %swap3A_88 : vector<1x1000x128xf32> to vector<1000x128xf32>
    %swap3A_90 = vector.shape_cast %dot_general3A_84 : vector<1000x128xf32> to vector<1x1000x128xf32>
    tpu.vector_store %arg4[%swap3A_85, %swap3A_86, %swap3A_87], %swap3A_90 {strides = array<i32>} : memref<8x1000x128xf32, #tpu.memory_space<vmem>>, vector<1x1000x128xf32>,
    %get3A_91 = arith.constant 7 : index
    %get3A_92 = arith.constant 0 : index
    %get3A_93 = arith.constant 0 : index
    %get3A_94 = vector.load %arg2[%get3A_91, %get3A_92, %get3A_93] : memref<9x128x128xf32, #tpu.memory_space<vmem>>, vector<1x128x128xf32>
    %get3A_95 = vector.shape_cast %get3A_94 : vector<1x128x128xf32> to vector<128x128xf32>
    %dot_general3A_96 = arith.constant dense<0.000000e+00> : vector<1000x128xf32>
    %dot_general3A_97 = tpu.matmul %get3A_1, %get3A_95, %dot_general3A_96 {dimension_numbers = #tpu.dot_dimension_numbers<[1], [0], [0], [1], [0, 0, 1, 1], [], []>, transpose_lhs_hint = false} : vector<1000x128xf32>, vector<128x128xf32>, vector<1000x128xf32> -> vector<1000x128xf32>
    %swap3A_98 = arith.constant 7 : index
    %swap3A_99 = arith.constant 0 : index
    %swap3A_100 = arith.constant 0 : index
    %swap3A_101 = vector.load %arg4[%swap3A_98, %swap3A_99, %swap3A_100] : memref<8x1000x128xf32, #tpu.memory_space<vmem>>, vector<1x1000x128xf32>
    %swap3A_102 = vector.shape_cast %swap3A_101 : vector<1x1000x128xf32> to vector<1000x128xf32>
    %swap3A_103 = vector.shape_cast %dot_general3A_97 : vector<1000x128xf32> to vector<1x1000x128xf32>
    tpu.vector_store %arg4[%swap3A_98, %swap3A_99, %swap3A_100], %swap3A_103 {strides = array<i32>} : memref<8x1000x128xf32, #tpu.memory_space<vmem>>, vector<1x1000x128xf32>,
    %get3A_104 = arith.constant 8 : index
    %get3A_105 = arith.constant 0 : index
    %get3A_106 = arith.constant 0 : index
    %get3A_107 = vector.load %arg2[%get3A_104, %get3A_105, %get3A_106] : memref<9x128x128xf32, #tpu.memory_space<vmem>>, vector<1x128x128xf32>
    %get3A_108 = vector.shape_cast %get3A_107 : vector<1x128x128xf32> to vector<128x128xf32>
    %dot_general3A_109 = arith.constant dense<0.000000e+00> : vector<1000x128xf32>
    %dot_general3A_110 = tpu.matmul %get3A_1, %get3A_108, %dot_general3A_109 {dimension_numbers = #tpu.dot_dimension_numbers<[1], [0], [0], [1], [0, 0, 1, 1], [], []>, transpose_lhs_hint = false} : vector<1000x128xf32>, vector<128x128xf32>, vector<1000x128xf32> -> vector<1000x128xf32>
    %get3A_111 = arith.constant 0 : index
    %get3A_112 = arith.constant 0 : index
    %get3A_113 = vector.load %arg3[%get3A_111, %get3A_112] : memref<1x128xf32, #tpu.memory_space<vmem>>, vector<1x128xf32>
    %add3A = vector.broadcast %get3A_113 : vector<1x128xf32> to vector<1000x128xf32>
    %add3A_114 = arith.addf %dot_general3A_110, %add3A : vector<1000x128xf32>
    %swap3A_115 = arith.constant 0 : index
    %swap3A_116 = arith.constant 0 : index
    %swap3A_117 = vector.load %arg5[%swap3A_115, %swap3A_116] : memref<1000x128xf32, #tpu.memory_space<vmem>>, vector<1000x128xf32>
    tpu.vector_store %arg5[%swap3A_115, %swap3A_116], %add3A_114 {strides = array<i32>} : memref<1000x128xf32, #tpu.memory_space<vmem>>, vector<1000x128xf32>,
    return
  }
  func.func @transform_0(%arg0: i32) -> (i32, i32) {
    %c0_i32 = arith.constant 0 : i32
    %c0_i32_0 = arith.constant 0 : i32
    return %arg0, %c0_i32 : i32, i32
  }
  func.func @transform_1(%arg0: i32) -> (i32, i32, i32) {
    %c0_i32 = arith.constant 0 : i32
    %c0_i32_0 = arith.constant 0 : i32
    %c0_i32_1 = arith.constant 0 : i32
    %c0_i32_2 = arith.constant 0 : i32
    return %c0_i32, %c0_i32_0, %c0_i32_1 : i32, i32, i32
  }
  func.func @transform_2(%arg0: i32) -> (i32, i32) {
    %c0_i32 = arith.constant 0 : i32
    %c0_i32_0 = arith.constant 0 : i32
    %c0_i32_1 = arith.constant 0 : i32
    return %c0_i32, %c0_i32_0 : i32, i32
  }
  func.func @transform_3(%arg0: i32) -> (i32, i32, i32) {
    %c0_i32 = arith.constant 0 : i32
    %c0_i32_0 = arith.constant 0 : i32
    %c0_i32_1 = arith.constant 0 : i32
    return %c0_i32, %arg0, %c0_i32_0 : i32, i32, i32
  }
  func.func @transform_4(%arg0: i32) -> (i32, i32) {
    %c0_i32 = arith.constant 0 : i32
    %c0_i32_0 = arith.constant 0 : i32
    return %arg0, %c0_i32 : i32, i32
  }
}

module attributes {stable_mosaic.version = 14 : i64} {
  func.func @_layer_mm2_body(%arg0: i32, %arg1: memref<1000x128xf32, #tpu.memory_space<vmem>>, %arg2: memref<1000x128xf32, #tpu.memory_space<vmem>>, %arg3: memref<1000x128xf32, #tpu.memory_space<vmem>>, %arg4: memref<9x128x128xf32, #tpu.memory_space<vmem>>, %arg5: memref<1x128xf32, #tpu.memory_space<vmem>>, %arg6: memref<8x1000x128xf32, #tpu.memory_space<vmem>>, %arg7: memref<1000x128xf32, #tpu.memory_space<vmem>>) attributes {dimension_semantics = [#tpu.dimension_semantics<arbitrary>], iteration_bounds = array<i64: 10>, scalar_prefetch = 0 : i64, scratch_operands = 0 : i64, tpu.core_type = #tpu.core_type<tc>, window_params = [{transform_indices = @transform_0, window_bounds = array<i64: 1000, 128>}, {transform_indices = @transform_1, window_bounds = array<i64: 1000, 128>}, {transform_indices = @transform_2, window_bounds = array<i64: 1000, 128>}, {pipeline_mode = #tpu.pipeline_mode<synchronous>, transform_indices = @transform_3, window_bounds = array<i64: 9, 128, 128>}, {pipeline_mode = #tpu.pipeline_mode<synchronous>, transform_indices = @transform_4, window_bounds = array<i64: 1, 128>}, {transform_indices = @transform_5, window_bounds = array<i64: 8, 1000, 128>}, {transform_indices = @transform_6, window_bounds = array<i64: 1000, 128>}]} {
    %get3A = arith.constant 0 : index
    %get3A_0 = arith.constant 0 : index
    %get3A_1 = vector.load %arg1[%get3A, %get3A_0] : memref<1000x128xf32, #tpu.memory_space<vmem>>, vector<1000x128xf32>
    %get3A_2 = arith.constant 0 : index
    %get3A_3 = arith.constant 0 : index
    %get3A_4 = vector.load %arg2[%get3A_2, %get3A_3] : memref<1000x128xf32, #tpu.memory_space<vmem>>, vector<1000x128xf32>
    %add3A = arith.addf %get3A_1, %get3A_4 : vector<1000x128xf32>
    %get3A_5 = arith.constant 0 : index
    %get3A_6 = arith.constant 0 : index
    %get3A_7 = vector.load %arg3[%get3A_5, %get3A_6] : memref<1000x128xf32, #tpu.memory_space<vmem>>, vector<1000x128xf32>
    %add3A_8 = arith.addf %add3A, %get3A_7 : vector<1000x128xf32>
    %max3A = arith.constant 0.000000e+00 : f32
    %max3A_9 = vector.broadcast %max3A : f32 to vector<1000x128xf32>
    %max3A_10 = arith.maximumf %add3A_8, %max3A_9 : vector<1000x128xf32>
    %get3A_11 = arith.constant 0 : index
    %get3A_12 = arith.constant 0 : index
    %get3A_13 = arith.constant 0 : index
    %get3A_14 = vector.load %arg4[%get3A_11, %get3A_12, %get3A_13] : memref<9x128x128xf32, #tpu.memory_space<vmem>>, vector<1x128x128xf32>
    %get3A_15 = vector.shape_cast %get3A_14 : vector<1x128x128xf32> to vector<128x128xf32>
    %dot_general3A = arith.constant dense<0.000000e+00> : vector<1000x128xf32>
    %dot_general3A_16 = tpu.matmul %max3A_10, %get3A_15, %dot_general3A {dimension_numbers = #tpu.dot_dimension_numbers<[1], [0], [0], [1], [0, 0, 1, 1], [], []>, transpose_lhs_hint = false} : vector<1000x128xf32>, vector<128x128xf32>, vector<1000x128xf32> -> vector<1000x128xf32>
    %swap3A = arith.constant 0 : index
    %swap3A_17 = arith.constant 0 : index
    %swap3A_18 = arith.constant 0 : index
    %swap3A_19 = vector.load %arg6[%swap3A, %swap3A_17, %swap3A_18] : memref<8x1000x128xf32, #tpu.memory_space<vmem>>, vector<1x1000x128xf32>
    %swap3A_20 = vector.shape_cast %swap3A_19 : vector<1x1000x128xf32> to vector<1000x128xf32>
    %swap3A_21 = vector.shape_cast %dot_general3A_16 : vector<1000x128xf32> to vector<1x1000x128xf32>
    tpu.vector_store %arg6[%swap3A, %swap3A_17, %swap3A_18], %swap3A_21 {strides = array<i32>} : memref<8x1000x128xf32, #tpu.memory_space<vmem>>, vector<1x1000x128xf32>,
    %get3A_22 = arith.constant 1 : index
    %get3A_23 = arith.constant 0 : index
    %get3A_24 = arith.constant 0 : index
    %get3A_25 = vector.load %arg4[%get3A_22, %get3A_23, %get3A_24] : memref<9x128x128xf32, #tpu.memory_space<vmem>>, vector<1x128x128xf32>
    %get3A_26 = vector.shape_cast %get3A_25 : vector<1x128x128xf32> to vector<128x128xf32>
    %dot_general3A_27 = arith.constant dense<0.000000e+00> : vector<1000x128xf32>
    %dot_general3A_28 = tpu.matmul %max3A_10, %get3A_26, %dot_general3A_27 {dimension_numbers = #tpu.dot_dimension_numbers<[1], [0], [0], [1], [0, 0, 1, 1], [], []>, transpose_lhs_hint = false} : vector<1000x128xf32>, vector<128x128xf32>, vector<1000x128xf32> -> vector<1000x128xf32>
    %swap3A_29 = arith.constant 1 : index
    %swap3A_30 = arith.constant 0 : index
    %swap3A_31 = arith.constant 0 : index
    %swap3A_32 = vector.load %arg6[%swap3A_29, %swap3A_30, %swap3A_31] : memref<8x1000x128xf32, #tpu.memory_space<vmem>>, vector<1x1000x128xf32>
    %swap3A_33 = vector.shape_cast %swap3A_32 : vector<1x1000x128xf32> to vector<1000x128xf32>
    %swap3A_34 = vector.shape_cast %dot_general3A_28 : vector<1000x128xf32> to vector<1x1000x128xf32>
    tpu.vector_store %arg6[%swap3A_29, %swap3A_30, %swap3A_31], %swap3A_34 {strides = array<i32>} : memref<8x1000x128xf32, #tpu.memory_space<vmem>>, vector<1x1000x128xf32>,
    %get3A_35 = arith.constant 2 : index
    %get3A_36 = arith.constant 0 : index
    %get3A_37 = arith.constant 0 : index
    %get3A_38 = vector.load %arg4[%get3A_35, %get3A_36, %get3A_37] : memref<9x128x128xf32, #tpu.memory_space<vmem>>, vector<1x128x128xf32>
    %get3A_39 = vector.shape_cast %get3A_38 : vector<1x128x128xf32> to vector<128x128xf32>
    %dot_general3A_40 = arith.constant dense<0.000000e+00> : vector<1000x128xf32>
    %dot_general3A_41 = tpu.matmul %max3A_10, %get3A_39, %dot_general3A_40 {dimension_numbers = #tpu.dot_dimension_numbers<[1], [0], [0], [1], [0, 0, 1, 1], [], []>, transpose_lhs_hint = false} : vector<1000x128xf32>, vector<128x128xf32>, vector<1000x128xf32> -> vector<1000x128xf32>
    %swap3A_42 = arith.constant 2 : index
    %swap3A_43 = arith.constant 0 : index
    %swap3A_44 = arith.constant 0 : index
    %swap3A_45 = vector.load %arg6[%swap3A_42, %swap3A_43, %swap3A_44] : memref<8x1000x128xf32, #tpu.memory_space<vmem>>, vector<1x1000x128xf32>
    %swap3A_46 = vector.shape_cast %swap3A_45 : vector<1x1000x128xf32> to vector<1000x128xf32>
    %swap3A_47 = vector.shape_cast %dot_general3A_41 : vector<1000x128xf32> to vector<1x1000x128xf32>
    tpu.vector_store %arg6[%swap3A_42, %swap3A_43, %swap3A_44], %swap3A_47 {strides = array<i32>} : memref<8x1000x128xf32, #tpu.memory_space<vmem>>, vector<1x1000x128xf32>,
    %get3A_48 = arith.constant 3 : index
    %get3A_49 = arith.constant 0 : index
    %get3A_50 = arith.constant 0 : index
    %get3A_51 = vector.load %arg4[%get3A_48, %get3A_49, %get3A_50] : memref<9x128x128xf32, #tpu.memory_space<vmem>>, vector<1x128x128xf32>
    %get3A_52 = vector.shape_cast %get3A_51 : vector<1x128x128xf32> to vector<128x128xf32>
    %dot_general3A_53 = arith.constant dense<0.000000e+00> : vector<1000x128xf32>
    %dot_general3A_54 = tpu.matmul %max3A_10, %get3A_52, %dot_general3A_53 {dimension_numbers = #tpu.dot_dimension_numbers<[1], [0], [0], [1], [0, 0, 1, 1], [], []>, transpose_lhs_hint = false} : vector<1000x128xf32>, vector<128x128xf32>, vector<1000x128xf32> -> vector<1000x128xf32>
    %swap3A_55 = arith.constant 3 : index
    %swap3A_56 = arith.constant 0 : index
    %swap3A_57 = arith.constant 0 : index
    %swap3A_58 = vector.load %arg6[%swap3A_55, %swap3A_56, %swap3A_57] : memref<8x1000x128xf32, #tpu.memory_space<vmem>>, vector<1x1000x128xf32>
    %swap3A_59 = vector.shape_cast %swap3A_58 : vector<1x1000x128xf32> to vector<1000x128xf32>
    %swap3A_60 = vector.shape_cast %dot_general3A_54 : vector<1000x128xf32> to vector<1x1000x128xf32>
    tpu.vector_store %arg6[%swap3A_55, %swap3A_56, %swap3A_57], %swap3A_60 {strides = array<i32>} : memref<8x1000x128xf32, #tpu.memory_space<vmem>>, vector<1x1000x128xf32>,
    %get3A_61 = arith.constant 4 : index
    %get3A_62 = arith.constant 0 : index
    %get3A_63 = arith.constant 0 : index
    %get3A_64 = vector.load %arg4[%get3A_61, %get3A_62, %get3A_63] : memref<9x128x128xf32, #tpu.memory_space<vmem>>, vector<1x128x128xf32>
    %get3A_65 = vector.shape_cast %get3A_64 : vector<1x128x128xf32> to vector<128x128xf32>
    %dot_general3A_66 = arith.constant dense<0.000000e+00> : vector<1000x128xf32>
    %dot_general3A_67 = tpu.matmul %max3A_10, %get3A_65, %dot_general3A_66 {dimension_numbers = #tpu.dot_dimension_numbers<[1], [0], [0], [1], [0, 0, 1, 1], [], []>, transpose_lhs_hint = false} : vector<1000x128xf32>, vector<128x128xf32>, vector<1000x128xf32> -> vector<1000x128xf32>
    %swap3A_68 = arith.constant 4 : index
    %swap3A_69 = arith.constant 0 : index
    %swap3A_70 = arith.constant 0 : index
    %swap3A_71 = vector.load %arg6[%swap3A_68, %swap3A_69, %swap3A_70] : memref<8x1000x128xf32, #tpu.memory_space<vmem>>, vector<1x1000x128xf32>
    %swap3A_72 = vector.shape_cast %swap3A_71 : vector<1x1000x128xf32> to vector<1000x128xf32>
    %swap3A_73 = vector.shape_cast %dot_general3A_67 : vector<1000x128xf32> to vector<1x1000x128xf32>
    tpu.vector_store %arg6[%swap3A_68, %swap3A_69, %swap3A_70], %swap3A_73 {strides = array<i32>} : memref<8x1000x128xf32, #tpu.memory_space<vmem>>, vector<1x1000x128xf32>,
    %get3A_74 = arith.constant 5 : index
    %get3A_75 = arith.constant 0 : index
    %get3A_76 = arith.constant 0 : index
    %get3A_77 = vector.load %arg4[%get3A_74, %get3A_75, %get3A_76] : memref<9x128x128xf32, #tpu.memory_space<vmem>>, vector<1x128x128xf32>
    %get3A_78 = vector.shape_cast %get3A_77 : vector<1x128x128xf32> to vector<128x128xf32>
    %dot_general3A_79 = arith.constant dense<0.000000e+00> : vector<1000x128xf32>
    %dot_general3A_80 = tpu.matmul %max3A_10, %get3A_78, %dot_general3A_79 {dimension_numbers = #tpu.dot_dimension_numbers<[1], [0], [0], [1], [0, 0, 1, 1], [], []>, transpose_lhs_hint = false} : vector<1000x128xf32>, vector<128x128xf32>, vector<1000x128xf32> -> vector<1000x128xf32>
    %swap3A_81 = arith.constant 5 : index
    %swap3A_82 = arith.constant 0 : index
    %swap3A_83 = arith.constant 0 : index
    %swap3A_84 = vector.load %arg6[%swap3A_81, %swap3A_82, %swap3A_83] : memref<8x1000x128xf32, #tpu.memory_space<vmem>>, vector<1x1000x128xf32>
    %swap3A_85 = vector.shape_cast %swap3A_84 : vector<1x1000x128xf32> to vector<1000x128xf32>
    %swap3A_86 = vector.shape_cast %dot_general3A_80 : vector<1000x128xf32> to vector<1x1000x128xf32>
    tpu.vector_store %arg6[%swap3A_81, %swap3A_82, %swap3A_83], %swap3A_86 {strides = array<i32>} : memref<8x1000x128xf32, #tpu.memory_space<vmem>>, vector<1x1000x128xf32>,
    %get3A_87 = arith.constant 6 : index
    %get3A_88 = arith.constant 0 : index
    %get3A_89 = arith.constant 0 : index
    %get3A_90 = vector.load %arg4[%get3A_87, %get3A_88, %get3A_89] : memref<9x128x128xf32, #tpu.memory_space<vmem>>, vector<1x128x128xf32>
    %get3A_91 = vector.shape_cast %get3A_90 : vector<1x128x128xf32> to vector<128x128xf32>
    %dot_general3A_92 = arith.constant dense<0.000000e+00> : vector<1000x128xf32>
    %dot_general3A_93 = tpu.matmul %max3A_10, %get3A_91, %dot_general3A_92 {dimension_numbers = #tpu.dot_dimension_numbers<[1], [0], [0], [1], [0, 0, 1, 1], [], []>, transpose_lhs_hint = false} : vector<1000x128xf32>, vector<128x128xf32>, vector<1000x128xf32> -> vector<1000x128xf32>
    %swap3A_94 = arith.constant 6 : index
    %swap3A_95 = arith.constant 0 : index
    %swap3A_96 = arith.constant 0 : index
    %swap3A_97 = vector.load %arg6[%swap3A_94, %swap3A_95, %swap3A_96] : memref<8x1000x128xf32, #tpu.memory_space<vmem>>, vector<1x1000x128xf32>
    %swap3A_98 = vector.shape_cast %swap3A_97 : vector<1x1000x128xf32> to vector<1000x128xf32>
    %swap3A_99 = vector.shape_cast %dot_general3A_93 : vector<1000x128xf32> to vector<1x1000x128xf32>
    tpu.vector_store %arg6[%swap3A_94, %swap3A_95, %swap3A_96], %swap3A_99 {strides = array<i32>} : memref<8x1000x128xf32, #tpu.memory_space<vmem>>, vector<1x1000x128xf32>,
    %get3A_100 = arith.constant 7 : index
    %get3A_101 = arith.constant 0 : index
    %get3A_102 = arith.constant 0 : index
    %get3A_103 = vector.load %arg4[%get3A_100, %get3A_101, %get3A_102] : memref<9x128x128xf32, #tpu.memory_space<vmem>>, vector<1x128x128xf32>
    %get3A_104 = vector.shape_cast %get3A_103 : vector<1x128x128xf32> to vector<128x128xf32>
    %dot_general3A_105 = arith.constant dense<0.000000e+00> : vector<1000x128xf32>
    %dot_general3A_106 = tpu.matmul %max3A_10, %get3A_104, %dot_general3A_105 {dimension_numbers = #tpu.dot_dimension_numbers<[1], [0], [0], [1], [0, 0, 1, 1], [], []>, transpose_lhs_hint = false} : vector<1000x128xf32>, vector<128x128xf32>, vector<1000x128xf32> -> vector<1000x128xf32>
    %swap3A_107 = arith.constant 7 : index
    %swap3A_108 = arith.constant 0 : index
    %swap3A_109 = arith.constant 0 : index
    %swap3A_110 = vector.load %arg6[%swap3A_107, %swap3A_108, %swap3A_109] : memref<8x1000x128xf32, #tpu.memory_space<vmem>>, vector<1x1000x128xf32>
    %swap3A_111 = vector.shape_cast %swap3A_110 : vector<1x1000x128xf32> to vector<1000x128xf32>
    %swap3A_112 = vector.shape_cast %dot_general3A_106 : vector<1000x128xf32> to vector<1x1000x128xf32>
    tpu.vector_store %arg6[%swap3A_107, %swap3A_108, %swap3A_109], %swap3A_112 {strides = array<i32>} : memref<8x1000x128xf32, #tpu.memory_space<vmem>>, vector<1x1000x128xf32>,
    %get3A_113 = arith.constant 8 : index
    %get3A_114 = arith.constant 0 : index
    %get3A_115 = arith.constant 0 : index
    %get3A_116 = vector.load %arg4[%get3A_113, %get3A_114, %get3A_115] : memref<9x128x128xf32, #tpu.memory_space<vmem>>, vector<1x128x128xf32>
    %get3A_117 = vector.shape_cast %get3A_116 : vector<1x128x128xf32> to vector<128x128xf32>
    %dot_general3A_118 = arith.constant dense<0.000000e+00> : vector<1000x128xf32>
    %dot_general3A_119 = tpu.matmul %max3A_10, %get3A_117, %dot_general3A_118 {dimension_numbers = #tpu.dot_dimension_numbers<[1], [0], [0], [1], [0, 0, 1, 1], [], []>, transpose_lhs_hint = false} : vector<1000x128xf32>, vector<128x128xf32>, vector<1000x128xf32> -> vector<1000x128xf32>
    %get3A_120 = arith.constant 0 : index
    %get3A_121 = arith.constant 0 : index
    %get3A_122 = vector.load %arg5[%get3A_120, %get3A_121] : memref<1x128xf32, #tpu.memory_space<vmem>>, vector<1x128xf32>
    %add3A_123 = vector.broadcast %get3A_122 : vector<1x128xf32> to vector<1000x128xf32>
    %add3A_124 = arith.addf %dot_general3A_119, %add3A_123 : vector<1000x128xf32>
    %swap3A_125 = arith.constant 0 : index
    %swap3A_126 = arith.constant 0 : index
    %swap3A_127 = vector.load %arg7[%swap3A_125, %swap3A_126] : memref<1000x128xf32, #tpu.memory_space<vmem>>, vector<1000x128xf32>
    tpu.vector_store %arg7[%swap3A_125, %swap3A_126], %add3A_124 {strides = array<i32>} : memref<1000x128xf32, #tpu.memory_space<vmem>>, vector<1000x128xf32>,
    return
  }
  func.func @transform_0(%arg0: i32) -> (i32, i32) {
    %c0_i32 = arith.constant 0 : i32
    %c0_i32_0 = arith.constant 0 : i32
    return %arg0, %c0_i32 : i32, i32
  }
  func.func @transform_1(%arg0: i32) -> (i32, i32) {
    %add3A = arith.constant 10 : i32
    %add3A_0 = arith.addi %arg0, %add3A : i32
    %c0_i32 = arith.constant 0 : i32
    %c0_i32_1 = arith.constant 0 : i32
    return %add3A_0, %c0_i32 : i32, i32
  }
  func.func @transform_2(%arg0: i32) -> (i32, i32) {
    %c0_i32 = arith.constant 0 : i32
    %c0_i32_0 = arith.constant 0 : i32
    return %arg0, %c0_i32 : i32, i32
  }
  func.func @transform_3(%arg0: i32) -> (i32, i32, i32) {
    %c0_i32 = arith.constant 0 : i32
    %c0_i32_0 = arith.constant 0 : i32
    %c0_i32_1 = arith.constant 0 : i32
    %c0_i32_2 = arith.constant 0 : i32
    return %c0_i32, %c0_i32_0, %c0_i32_1 : i32, i32, i32
  }
  func.func @transform_4(%arg0: i32) -> (i32, i32) {
    %c0_i32 = arith.constant 0 : i32
    %c0_i32_0 = arith.constant 0 : i32
    %c0_i32_1 = arith.constant 0 : i32
    return %c0_i32, %c0_i32_0 : i32, i32
  }
  func.func @transform_5(%arg0: i32) -> (i32, i32, i32) {
    %c0_i32 = arith.constant 0 : i32
    %c0_i32_0 = arith.constant 0 : i32
    %c0_i32_1 = arith.constant 0 : i32
    return %c0_i32, %arg0, %c0_i32_0 : i32, i32, i32
  }
  func.func @transform_6(%arg0: i32) -> (i32, i32) {
    %c0_i32 = arith.constant 0 : i32
    %c0_i32_0 = arith.constant 0 : i32
    return %arg0, %c0_i32 : i32, i32
  }
}

module attributes {stable_mosaic.version = 14 : i64} {
  func.func @_decode_body(%arg0: i32, %arg1: memref<1000x128xf32, #tpu.memory_space<vmem>>, %arg2: memref<1000x128xf32, #tpu.memory_space<vmem>>, %arg3: memref<1000x128xf32, #tpu.memory_space<vmem>>, %arg4: memref<128x40xf32, #tpu.memory_space<vmem>>, %arg5: memref<1000x40xf32, #tpu.memory_space<vmem>>) attributes {dimension_semantics = [#tpu.dimension_semantics<arbitrary>], iteration_bounds = array<i64: 10>, scalar_prefetch = 0 : i64, scratch_operands = 0 : i64, tpu.core_type = #tpu.core_type<tc>, window_params = [{transform_indices = @transform_0, window_bounds = array<i64: 1000, 128>}, {transform_indices = @transform_1, window_bounds = array<i64: 1000, 128>}, {transform_indices = @transform_2, window_bounds = array<i64: 1000, 128>}, {pipeline_mode = #tpu.pipeline_mode<synchronous>, transform_indices = @transform_3, window_bounds = array<i64: 128, 40>}, {transform_indices = @transform_4, window_bounds = array<i64: 1000, 40>}]} {
    %get3A = arith.constant 0 : index
    %get3A_0 = arith.constant 0 : index
    %get3A_1 = vector.load %arg1[%get3A, %get3A_0] : memref<1000x128xf32, #tpu.memory_space<vmem>>, vector<1000x128xf32>
    %get3A_2 = arith.constant 0 : index
    %get3A_3 = arith.constant 0 : index
    %get3A_4 = vector.load %arg2[%get3A_2, %get3A_3] : memref<1000x128xf32, #tpu.memory_space<vmem>>, vector<1000x128xf32>
    %add3A = arith.addf %get3A_1, %get3A_4 : vector<1000x128xf32>
    %get3A_5 = arith.constant 0 : index
    %get3A_6 = arith.constant 0 : index
    %get3A_7 = vector.load %arg3[%get3A_5, %get3A_6] : memref<1000x128xf32, #tpu.memory_space<vmem>>, vector<1000x128xf32>
    %add3A_8 = arith.addf %add3A, %get3A_7 : vector<1000x128xf32>
    %max3A = arith.constant 0.000000e+00 : f32
    %max3A_9 = vector.broadcast %max3A : f32 to vector<1000x128xf32>
    %max3A_10 = arith.maximumf %add3A_8, %max3A_9 : vector<1000x128xf32>
    %get3A_11 = arith.constant 0 : index
    %get3A_12 = arith.constant 0 : index
    %get3A_13 = vector.load %arg4[%get3A_11, %get3A_12] : memref<128x40xf32, #tpu.memory_space<vmem>>, vector<128x40xf32>
    %dot_general3A = arith.constant dense<0.000000e+00> : vector<1000x40xf32>
    %dot_general3A_14 = tpu.matmul %max3A_10, %get3A_13, %dot_general3A {dimension_numbers = #tpu.dot_dimension_numbers<[1], [0], [0], [1], [0, 0, 1, 1], [], []>, transpose_lhs_hint = false} : vector<1000x128xf32>, vector<128x40xf32>, vector<1000x40xf32> -> vector<1000x40xf32>
    %swap3A = arith.constant 0 : index
    %swap3A_15 = arith.constant 0 : index
    %swap3A_16 = vector.load %arg5[%swap3A, %swap3A_15] : memref<1000x40xf32, #tpu.memory_space<vmem>>, vector<1000x40xf32>
    tpu.vector_store %arg5[%swap3A, %swap3A_15], %dot_general3A_14 {strides = array<i32>} : memref<1000x40xf32, #tpu.memory_space<vmem>>, vector<1000x40xf32>,
    return
  }
  func.func @transform_0(%arg0: i32) -> (i32, i32) {
    %c0_i32 = arith.constant 0 : i32
    %c0_i32_0 = arith.constant 0 : i32
    return %arg0, %c0_i32 : i32, i32
  }
  func.func @transform_1(%arg0: i32) -> (i32, i32) {
    %add3A = arith.constant 10 : i32
    %add3A_0 = arith.addi %arg0, %add3A : i32
    %c0_i32 = arith.constant 0 : i32
    %c0_i32_1 = arith.constant 0 : i32
    return %add3A_0, %c0_i32 : i32, i32
  }
  func.func @transform_2(%arg0: i32) -> (i32, i32) {
    %c0_i32 = arith.constant 0 : i32
    %c0_i32_0 = arith.constant 0 : i32
    return %arg0, %c0_i32 : i32, i32
  }
  func.func @transform_3(%arg0: i32) -> (i32, i32) {
    %c0_i32 = arith.constant 0 : i32
    %c0_i32_0 = arith.constant 0 : i32
    %c0_i32_1 = arith.constant 0 : i32
    return %c0_i32, %c0_i32_0 : i32, i32
  }
  func.func @transform_4(%arg0: i32) -> (i32, i32) {
    %c0_i32 = arith.constant 0 : i32
    %c0_i32_0 = arith.constant 0 : i32
    return %arg0, %c0_i32 : i32, i32
  }
}

</mosaic_0001>

<sc_bundles>
// kernel: kernel.11.cloned.1.call-start
scs
__scs_entry_jumppad:
0x0: {  	(pc) =	sbr.rel $0x88, $3  }
0x1: {  	(tag) =	ssettag $0x0;
	lr =	simm.s32 $0x1  }
0x2: {  	[smem:$0x3F94] =	sst lr;
	_ =	strace $0xD0000000  }
0x3: {  	_ = 	snop  }
0x4: {  	_ = 	snop  }
0x5: {  	_ = 	snop  }
0x6: {  	_ = 	snop  }
0x7: {  	_ = 	snop  }
__scs_overlays_trampoline_lowered:
0x8: {  	[smem:$0x3FA3] =	sst s0  }
0x9: {  	[smem:$0x3FA4] =	sst s1  }
0xa: {  	[smem:$0x3FA5] =	sst s2  }
0xb: {  	[smem:$0x3FA6] =	sst s3  }
0xc: {  	[smem:$0x3FA7] =	sst s4  }
0xd: {  	[smem:$0x3FA8] =	sst s5  }
0xe: {  	[smem:$0x3FA9] =	sst s6  }
0xf: {  	[smem:$0x3FAA] =	sst s7  }
0x10: {  	[smem:$0x3FAB] =	sst s8  }
0x11: {  	[smem:$0x3FAC] =	sst s9;
	s0 =	simm.s32 @!p0 $0x0  }
0x12: {  	s1 =	sld [smem:$0x3F92];
	s0 =	simm.s32 @p0 $0x1  }
0x13: {  	[smem:$0x3FAD] =	sst s0;
	s0 =	simm.s32 @!p1 $0x0  }
0x14: {  	s2 =	sld [smem:$0x3F91];
	s0 =	simm.s32 @p1 $0x1  }
0x15: {  	[smem:$0x3FAE] =	sst s0;
	s0 =	simm.s32 @!p2 $0x0  }
0x16: {  	s3 =	sld [smem:$0x3FDB];
	s0 =	simm.s32 @p2 $0x1  }
0x17: {  	s4 =	simm.s32 $0x1BF5;
	[smem:$0x3FB0] =	sst s0  }
0x18: {  	s0 =	sld [smem:$0x3F93];
	_ =	swait.ge [sflag:s4], $0x0  }
0x19: {  	s7 =	sld [smem:$0x3F94]  }
0x1a: {  	s8 =	sadd.s32 $0xFFFFE003, lr  }
0x1b: {  	s9 =	sadd.s32 $0xFFFFFEF7, lr;
	s5 =	simm.s32 $0xFFFFFFFF;
	p2 =	slt.u32 s8, $0xFFFFF086  }
0x1c: {  	p1 =	slt.u32 s9, $0xF7A;
	s5 =	simm.s32 @!p2 $0x0  }
0x1d: {  	s5 =	simm.s32 @p1 $0x1;
	p0 =	seq.s32 s7, s2  }
0x1e: {  	s7 =	smul.u32 @!p0 $0xF7A, s2;
	p2 =	seq.s32 @!p0 s5, $0x0  }
0x1f: {  	s9 =	smul.u32 $0xF7A, s1;
	s8 =	simm.s32 @!p0 $0x1BF5;
	p2 =	por !p2, p0  }
0x20: {  	[sflag:s8] =	ssyncset.s32 @!p0 $0xFFFFF086;
	s6 =	sadd.s32 @!p0 s3, s7;
	s7 =	simm.s32 @!p0 $0x108  }
0x21: {  	s3 =	sadd.s32 s3, s9;
	s6 =	sadd.s32 @!p0 $0x88, s6;
	s7 =	simm.s32 @p2 $0x1082  }
0x22: {  	[simem:s7], [sflag:s8] =	dma.local @!p0 [hbm:s6], $0xF7A  }
0x23: {  	s9 =	sor.u32 $0xD0000000, s2;
	s6 =	simm.s32 $0x108;
	_ =	swait.ge @!p0 [sflag:s8], $0x0  }
0x24: {  	s3 =	sadd.s32 $0x88, s3;
	s6 =	simm.s32 @!p1 $0x1082;
	[sflag:s4] =	ssyncset.s32 $0xFFFFF086  }
0x25: {  	[simem:s6], [sflag:s4] =	dma.local [hbm:s3], $0xF7A  }
0x26: {  	[smem:$0x3F94] =	sst s1;
	(tag) =	ssettag s2;
	_ =	strace s9  }
0x27: {  	s1 =	sld [smem:$0x3FA4]  }
0x28: {  	s2 =	sld [smem:$0x3FA5]  }
0x29: {  	s4 =	sld [smem:$0x3FA7]  }
0x2a: {  	p0 =	seq.s32 s5, $0x0;
	s5 =	sld [smem:$0x3FA8]  }
0x2b: {  	s6 =	sld [smem:$0x3FA9]  }
0x2c: {  	s7 =	sld [smem:$0x3FAA]  }
0x2d: {  	s3 =	simm.s32 $0x108;
	s8 =	sld [smem:$0x3FAB]  }
0x2e: {  	s3 =	simm.s32 @!p0 $0x1082;
	s9 =	sld [smem:$0x3FAC]  }
0x2f: {  	lr =	sadd.s32 s0, s3;
	s0 =	sld [smem:$0x3FA3]  }
0x30: {  	s3 =	sld [smem:$0x3FA6]  }
0x31: {  	[smem:$0x3FAF] =	sst s10  }
0x32: {  	s10 =	sld [smem:$0x3FAD];
	_ =	sdelay $0x3  }
0x33: {  	p0 =	seq.s32 s10, $0x1;
	s10 =	sld [smem:$0x3FAF];
	_ =	sdelay $0x3  }
0x34: {  	[smem:$0x3FAF] =	sst s10  }
0x35: {  	s10 =	sld [smem:$0x3FAE];
	_ =	sdelay $0x3  }
0x36: {  	p1 =	seq.s32 s10, $0x1;
	s10 =	sld [smem:$0x3FAF];
	_ =	sdelay $0x3  }
0x37: {  	[smem:$0x3FAF] =	sst s10  }
0x38: {  	s10 =	sld [smem:$0x3FB0]  }
0x39: {  	_ = 	snop;
	(pc) =	sbr.ind lr, $3  }
0x3a: {  	_ = 	snop  }
0x3b: {  	_ = 	snop  }
0x3c: {  	p2 =	seq.s32 s10, $0x1;
	s10 =	sld [smem:$0x3FAF]  }
0x3d: {  	_ =	shalt  }
0x3e: {  	_ =	shalt  }
0x3f: {  	_ =	shalt  }
0x40: {  	_ =	shalt  }
0x41: {  	_ =	shalt  }
0x42: {  	_ =	shalt  }
0x43: {  	_ =	shalt  }
0x44: {  	_ =	shalt  }
0x45: {  	_ =	shalt  }
0x46: {  	_ =	shalt  }
0x47: {  	_ =	shalt  }
0x48: {  	_ =	shalt  }
0x49: {  	_ =	shalt  }
0x4a: {  	_ =	shalt  }
0x4b: {  	_ =	shalt  }
0x4c: {  	_ =	shalt  }
0x4d: {  	_ =	shalt  }
0x4e: {  	_ =	shalt  }
0x4f: {  	_ =	shalt  }
0x50: {  	_ =	shalt  }
0x51: {  	_ =	shalt  }
0x52: {  	_ =	shalt  }
0x53: {  	_ =	shalt  }
0x54: {  	_ =	shalt  }
0x55: {  	_ =	shalt  }
0x56: {  	_ =	shalt  }
0x57: {  	_ =	shalt  }
0x58: {  	_ =	shalt  }
0x59: {  	_ =	shalt  }
0x5a: {  	_ =	shalt  }
0x5b: {  	_ =	shalt  }
0x5c: {  	_ =	shalt  }
0x5d: {  	_ =	shalt  }
0x5e: {  	_ =	shalt  }
0x5f: {  	_ =	shalt  }
0x60: {  	_ =	shalt  }
0x61: {  	_ =	shalt  }
0x62: {  	_ =	shalt  }
0x63: {  	_ =	shalt  }
0x64: {  	_ =	shalt  }
0x65: {  	_ =	shalt  }
0x66: {  	_ =	shalt  }
0x67: {  	_ =	shalt  }
0x68: {  	_ =	shalt  }
0x69: {  	_ =	shalt  }
0x6a: {  	_ =	shalt  }
0x6b: {  	_ =	shalt  }
0x6c: {  	_ =	shalt  }
0x6d: {  	_ =	shalt  }
0x6e: {  	_ =	shalt  }
0x6f: {  	_ =	shalt  }
0x70: {  	_ =	shalt  }
0x71: {  	_ =	shalt  }
0x72: {  	_ =	shalt  }
0x73: {  	_ =	shalt  }
0x74: {  	_ =	shalt  }
0x75: {  	_ =	shalt  }
0x76: {  	_ =	shalt  }
0x77: {  	_ =	shalt  }
0x78: {  	_ =	shalt  }
0x79: {  	_ =	shalt  }
0x7a: {  	_ =	shalt  }
0x7b: {  	_ =	shalt  }
0x7c: {  	_ =	shalt  }
0x7d: {  	_ =	shalt  }
0x7e: {  	_ =	shalt  }
0x7f: {  	_ =	shalt  }
0x80: {  	_ =	shalt  }
0x81: {  	_ =	shalt  }
0x82: {  	_ =	shalt  }
0x83: {  	_ =	shalt  }
0x84: {  	_ =	shalt  }
0x85: {  	_ =	shalt  }
0x86: {  	_ =	shalt  }
0x87: {  	_ =	shalt  }
.Lfunc_end0:
.L_simem_size_0:
called_computation_lowered:
.L_overlay_start_0:
0x88: {  	s2 =	sld [smem:$0x3FD9]  }
0x89: {  	s3 =	sld [smem:$0x3FFE];
	_ =	sdelay $0x1  }
0x8a: {  	s1 =	srdreg.scid  }
0x8b: {  	s0 =	sand.u32 $0x1, s1  }
0x8c: {  	s17 =	sshll.u32 s0, $0xA;
	s2 =	sadd.s32 s3, s2  }
0x8d: {  	s2 =	sadd.s32 s2, s17  }
0x8e: {  	[smem:$0x3FBB] =	sst s2  }
0x8f: {  	_ = 	snop  }
0x90: {  	s2 =	sld [smem:$0x3FC7]  }
0x91: {  	s18 =	sld [smem:$0x3FD0];
	(tm) =	ssettm $0x1  }
0x92: {  	s4 =	sld [smem:$0x3FFB];
	_ =	sdelay $0x3  }
0x93: {  	_ =	strace s4  }
0x94: {  	s4 =	sld [smem:$0x3FFC];
	_ =	sdelay $0x3  }
0x95: {  	_ =	strace s4  }
0x96: {  	s4 =	sld [smem:$0x3FFD];
	_ =	sdelay $0x3  }
0x97: {  	_ =	strace s4  }
0x98: {  	_ =	strace $0x8FFFFFFF  }
0x99: {  	s19 =	sld [smem:$0x3FDB];
	_ =	sdelay $0x1  }
0x9a: {  	s5 =	simm.s32 $_scs_section_size  }
0x9b: {  	s6 =	simm.s32 $_size__tile_overlayer_lowered;
	s7 =	simm.s32 $_tile_overlayer_lowered  }
0x9c: {  	s22 =	simm.s32 $0x1BFF;
	s21 =	sshll.u32 s7, $0x1;
	s4 =	sadd.s32 s5, s19  }
0x9d: {  	s8 =	simm.s32 $0x0;
	s20 =	sshll.u32 s6, $0x1;
	s6 =	sadd.s32 s21, s4  }
0x9e: {  	[timem:s8], [sflag:s22] =	dma.local [hbm:s6], s20  }
0x9f: {  	_ =	swait.ge [sflag:s22], s20  }
0xa0: {  	s5 =	ssub.s32 $0x0, s20;
	[sflag:s22] =	ssyncset.done $0x0  }
0xa1: {  	[sflag:s22] =	ssyncadd.s32 s5;
	_ =	sdelay $0x1  }
0xa2: {  	s23 =	simm.s32 $0x1B8B  }
0xa3: {  	_ =	swait.ge [sflag:s23], $0x1  }
0xa4: {  	[sflag:s23] =	ssyncset.done $0x0  }
0xa5: {  	s25 =	simm.s32 $0x1B8E;
	s24 =	sld [smem:$0x3FFE];
	[sflag:s23] =	ssyncadd.s32 $0xFFFFFFFF  }
0xa6: {  	s26 =	simm.s32 $execute0_lowered;
	[smem:$0x3FD2] =	sst s25  }
0xa7: {  	s6 =	sshll.u32 s26, $0x1;
	_ =	strace $0x80000046;
	[dreg:$0x1] =	wrdreg $0xFFFFFFFF  }
0xa8: {  	s28 =	simm.s32 $_size_execute0_lowered;
	s4 =	sadd.s32 s4, s6;
	[dreg:$0x0] =	wrdreg $0x0  }
0xa9: {  	s6 =	sshll.u32 s28, $0x1;
	[dreg:$0x2] =	wrdreg s4  }
0xaa: {  	[dreg:$0x3] =	wrdreg s6  }
0xab: {  	[dreg:$0x4] =	wrdreg $0xC0  }
0xac: {  	_ =	task [dreg:s8], $0x5FFFF  }
0xad: {  	[dreg:$0x1] =	wrdreg $0xFFFFFFFF  }
0xae: {  	[dreg:$0x0] =	wrdreg $0x60  }
0xaf: {  	[dreg:$0x2] =	wrdreg s24  }
0xb0: {  	[dreg:$0x3] =	wrdreg s18  }
0xb1: {  	[dreg:$0x4] =	wrdreg s2  }
0xb2: {  	[dreg:$0x5] =	wrdreg $0x0  }
0xb3: {  	[dreg:$0x6] =	wrdreg $0x9  }
0xb4: {  	_ =	task.clear_ibuf [dreg:s8], $0x7FFFF;
	_ =	strace $0x90000046  }
0xb5: {  	s29 =	simm.s32 $0x9;
	_ =	strace $0x80000048  }
0xb6: {  	_ =	swait.ge [sflag:s29], $0x1  }
0xb7: {  	[sflag:s29] =	ssyncadd.s32 $0xFFFFFFFF  }
0xb8: {  	_ =	strace $0x90000048  }
0xb9: {  	_ =	sfence  }
0xba: {  	s30 =	sld [smem:$0x0];
	_ =	sdelay $0x2  }
0xbb: {  	s31 =	sshll.u32 s1, $0xD;
	s1 =	sshrl.u32 s1, $0x2  }
0xbc: {  	s3 =	sand.u32 $0x4000, s31;
	s1 =	sadd.s32 s1, s30  }
0xbd: {  	s0 =	sor.u32 s3, s0;
	s1 =	sshll.u32 s1, $0x11  }
0xbe: {  	s0 =	sor.u32 s1, s0  }
0xbf: {  	s0 =	sadd.s32 $0x8F2B, s0  }
0xc0: {  	[sflag:s0] =	ssyncadd.remote.s32 $0x1  }
0xc1: {  	_ =	sfence.sel $0xFFFF  }
0xc2: {  	[dreg:$0x0] =	wrdreg $0xFFFFFFFF;
	(pc) =	sbr.abs _section_cstart, $3  }
0xc3: {  	[dreg:$0x1] =	wrdreg $0xFFFFFFFF  }
0xc4: {  	_ =	task.clear_ibuf [dreg:s8], $0x2FFFF;
	_ =	strace $0x9FFFFFFF  }
0xc5: {  	(tm) =	ssettm $0x7FFFFFFF  }
tec
execute0_lowered:
.L_overlay_start_1:
0x0: {  	(tag) =	ssettag $0x1  }
0x1: {  	s0 =	rddreg [dreg:$0x0]  }
0x2: {  	s1 =	rddreg [dreg:$0x1]  }
0x3: {  	s2 =	rddreg [dreg:$0x2];
	s4 =	simm.s32 $0x0;
	s24 =	srdreg.scid  }
0x4: {  	[smem:$0x7FF] =	sst s4;
	s4 =	sand.u32 $0x1, s24  }
0x5: {  	s3 =	rddreg [dreg:$0x3];
	s12 =	stileid.u32;
	s6 =	sshll.u32 s4, $0x4  }
0x6: {  	s5 =	sadd.s32 $0x2A00, s0;
	s8 =	smul.u32 $0x1F40, s12;
	s6 =	sor.u32 s12, s6  }
0x7: {  	s7 =	sadd.s32 $0xC800, s0;
	s4 =	ssub.s32 $0x2, s4;
	s9 =	smul.u32 $0x4E2, s6  }
0x8: {  	s0 =	sadd.s32 $0x16600, s0;
	_ =	strace $0x80000047;
	s10 =	sshrl.u32 s4, $0x1  }
0x9: {  	s8 =	sshrl.u32 s8, $0x2;
	s11 =	smul.u32 $0x2710, s6;
	s25 =	sadd.s32 s1, s9  }
0xa: {  	s4 =	ssub.s32 s4, s10;
	s26 =	sadd.s32 s2, s9;
	[dreg:$0x5] =	wrdreg s25  }
0xb: {  	s6 =	sadd.s32 s8, s3;
	s10 =	sadd.s32 s5, s9;
	[dreg:$0x6] =	wrdreg s26  }
0xc: {  	s8 =	sshrl.u32 s11, $0x3;
	s11 =	sadd.s32 s7, s9;
	[dreg:$0x7] =	wrdreg s10  }
0xd: {  	p0 =	sgt.u32 s12, $0x7;
	s9 =	sadd.s32 s0, s9;
	[dreg:$0x8] =	wrdreg s11  }
0xe: {  	[dreg:$0x9] =	wrdreg s9;
	s13 =	sadd.s32 $0xFA, s8;
	s18 =	sadd.s32 $0x1F4, s8  }
0xf: {  	s23 =	sadd.s32 $0x2EE, s8;
	s8 =	sadd.s32 $0x3E8, s8;
	s14 =	sadd.s32 s1, s13  }
0x10: {  	s10 =	simm.s32 $0x1;
	s15 =	sadd.s32 s2, s13;
	[dreg:$0xa] =	wrdreg s14  }
0x11: {  	s11 =	simm.s32 $0x14C08;
	s16 =	sadd.s32 s5, s13;
	[dreg:$0xb] =	wrdreg s15  }
0x12: {  	s17 =	sadd.s32 s7, s13;
	s9 =	sadd.s32 s0, s13;
	[dreg:$0xc] =	wrdreg s16  }
0x13: {  	s19 =	sadd.s32 s1, s18;
	s20 =	sadd.s32 s2, s18;
	[dreg:$0xd] =	wrdreg s17  }
0x14: {  	s21 =	sadd.s32 s5, s18;
	s22 =	sadd.s32 s7, s18;
	[dreg:$0xe] =	wrdreg s9  }
0x15: {  	s25 =	sadd.s32 s1, s23;
	s26 =	sadd.s32 s2, s23;
	[dreg:$0xf] =	wrdreg s19  }
0x16: {  	s24 =	sadd.s32 s5, s23;
	s28 =	sadd.s32 s5, s8;
	[dreg:$0x10] =	wrdreg s20  }
0x17: {  	s29 =	sadd.s32 s7, s8;
	s30 =	sadd.s32 s0, s8;
	[dreg:$0x11] =	wrdreg s21  }
0x18: {  	s31 =	sadd.s32 s1, s8;
	s5 =	smax.u32 s4, $0x1;
	[dreg:$0x12] =	wrdreg s22  }
0x19: {  	s4 =	sadd.s32 $0x7D00, s6;
	s13 =	simm.s32 $0x17AE8;
	[dreg:$0x14] =	wrdreg s25  }
0x1a: {  	s9 =	sadd.s32 s0, s18;
	[dreg:$0x15] =	wrdreg s26;
	s25 =	sadd.s32 s7, s23  }
0x1b: {  	s26 =	sadd.s32 s0, s23;
	s0 =	sadd.s32 s2, s8;
	s7 =	sadd.s32 $0xFA00, s6  }
0x1c: {  	s8 =	smul.u32 $0xFA, s12;
	s12 =	simm.s32 $0x153D8;
	s14 =	simm.s32 $0x1388  }
0x1d: {  	s15 =	simm.s32 $0x15BA8;
	s16 =	simm.s32 $0x16B48;
	s17 =	simm.s32 $0x17318  }
0x1e: {  	v0 =	vimm.f32 $1.000000000e+00;
	v1 =	vimm.f32 $0.0e+00;
	s18 =	simm.s32 $0x0;
	[dreg:$0x13] =	wrdreg s9;
	s9 =	simm.s32 $0x50  }
.LBB2_1:
0x1f: {  	[tilespmem:$0x17AE8] =	vst v0  }
0x20: {  	[tilespmem:$0x17AF8] =	vst v0  }
0x21: {  	[tilespmem:$0x17B08] =	vst v0  }
0x22: {  	[tilespmem:$0x17B18] =	vst v0  }
0x23: {  	[tilespmem:$0x17B28] =	vst v0;
	s19 =	simm.s32 $0x40;
	s20 =	simm.s32 $0x0  }
.LBB2_2:
0x24: {  	p1 =	sne.s32 s19, $0x1F00;
	[tilespmem:s20+$0x17B38] =	vst v1;
	s20 =	smov.u32 s19;
	s19 =	sadd.s32 $0x40, s19  }
.Ltmp0:
0x25: {  	(pc) =	sbr.rel @p1 .LBB2_2-.Ltmp0, $2  }
0x26: {  	_ =	sdelay $0x2  }
0x27: {  	s20 =	sshra.s32 s20, $0x2  }
0x28: {  	[tilespmem:s20+$0x17B38] =	vst v1;
	s19 =	simm.s32 $0x17B38  }
0x29: {  	[spmem:s6] =	stream.linear.scatter [tilespmem:s19], [sflag:$0x1], $0x7D0, $0x38;
	[tilespmem:$0x18308] =	vst v63  }
0x2a: {  	_ =	swait.ge [sflag:s10], $0x7D0  }
0x2b: {  	[sflag:s10] =	ssyncset.done $0x0  }
0x2c: {  	[sflag:s10] =	ssyncadd.s32 $0xFFFFF830  }
0x2d: {  	[spmem:s4] =	stream.linear.scatter [tilespmem:s19], [sflag:$0x1], $0x7D0, $0x38;
	[tilespmem:$0x18308] =	vst v63  }
0x2e: {  	_ =	swait.ge [sflag:s10], $0x7D0  }
0x2f: {  	[sflag:s10] =	ssyncset.done $0x0  }
0x30: {  	s19 =	simm.s32 @!p0 $0x17B38;
	[sflag:s10] =	ssyncadd.s32 $0xFFFFF830  }
0x31: {  	[spmem:s7] =	stream.linear.scatter @!p0 [tilespmem:s19], [sflag:$0x1], $0x7D0, $0x38;
	[tilespmem:$0x18308] =	vst v63  }
0x32: {  	s19 =	simm.s32 @!p0 $0x1  }
0x33: {  	_ =	swait.ge @!p0 [sflag:s19], $0x7D0  }
0x34: {  	[sflag:s19] =	ssyncset.done @!p0 $0x0  }
0x35: {  	[sflag:s19] =	ssyncadd.s32 @!p0 $0xFFFFF830  }
0x36: {  	s20 =	simm.s32 $0x0;
	s19 =	simm.s32 $0x0;
	[bflag:$0x0] =	sbarrier.arrive $0xFFFF  }
.LBB2_4:
0x37: {  	s21 =	smul.u32 $0x19, s20;
	_ =	sdelay $0x1  }
0x38: {  	s21 =	sadd.s32 s8, s21  }
0x39: {  	s21 =	smul.u32 $0xA, s21;
	_ =	sdelay $0x1  }
0x3a: {  	s22 =	sadd.s32 s1, s21  }
0x3b: {  	[tilespmem:s11], [sflag:$0x1] =	stream.linear.gather [hbm4b:s22+s19], $0x7D0, $0x38;
	[tilespmem:$0x18308] =	vst v63  }
0x3c: {  	_ =	swait.ge [sflag:s10], $0x7D0  }
0x3d: {  	[sflag:s10] =	ssyncset.done $0x0  }
0x3e: {  	s21 =	sadd.s32 s2, s21;
	[sflag:s10] =	ssyncadd.s32 $0xFFFFF830  }
0x3f: {  	[tilespmem:s12], [sflag:$0x1] =	stream.linear.gather [hbm4b:s21+s19], $0x7D0, $0x38;
	[tilespmem:$0x18308] =	vst v63  }
0x40: {  	_ =	swait.ge [sflag:s10], $0x7D0  }
0x41: {  	[sflag:s10] =	ssyncset.done $0x0  }
0x42: {  	s21 =	simm.s32 $0x0;
	[sflag:s10] =	ssyncadd.s32 $0xFFFFF830  }
0x43: {  	v3 =	vld [tilespmem:s21+$0x14C48]  }
0x44: {  	v4 =	vld [tilespmem:s21+$0x15418]  }
0x45: {  	v6 =	vld [tilespmem:s21+$0x14C08]  }
0x46: {  	v7 =	vld [tilespmem:s21+$0x14C18]  }
0x47: {  	v8 =	vld [tilespmem:s21+$0x14C28]  }
0x48: {  	v2 =	vld [tilespmem:s21+$0x14C38]  }
0x49: {  	v5 =	vld [tilespmem:s21+$0x153D8];
	v3 =	vshll.u32 v3, $0x3  }
0x4a: {  	v3 =	vadd.s32 v4, v3;
	v4 =	vld [tilespmem:s21+$0x153E8]  }
0x4b: {  	[tilespmem:s21+$0x163B8] =	vst v3;
	v3 =	vld [tilespmem:s21+$0x153F8]  }
0x4c: {  	s23 =	simm.s32 $0x280;
	s22 =	simm.s32 $0x50;
	v9 =	vshll.u32 v6, $0x3;
	v7 =	vshll.u32 v7, $0x3;
	v8 =	vshll.u32 v8, $0x3;
	v6 =	vld [tilespmem:s21+$0x15408]  }
.LBB2_5:
0x4d: {  	p1 =	sne.s32 s23, $0x1E00;
	v10 =	vld [tilespmem:s22+$0x14C48];
	v2 =	vshll.u32 v2, $0x3  }
0x4e: {  	v11 =	vld [tilespmem:s22+$0x15418];
	v5 =	vadd.s32 v5, v9  }
0x4f: {  	v9 =	vld [tilespmem:s22+$0x14C08];
	[tilespmem:s21+$0x16378] =	vst v5;
	v4 =	vadd.s32 v4, v7  }
0x50: {  	v7 =	vld [tilespmem:s22+$0x14C18];
	[tilespmem:s21+$0x16388] =	vst v4;
	v3 =	vadd.s32 v3, v8  }
0x51: {  	v8 =	vld [tilespmem:s22+$0x14C28];
	[tilespmem:s21+$0x16398] =	vst v3;
	v3 =	vadd.s32 v6, v2  }
.Ltmp1:
0x52: {  	v2 =	vld [tilespmem:s22+$0x14C38];
	v4 =	vshll.u32 v10, $0x3;
	[tilespmem:s21+$0x163A8] =	vst v3;
	s21 =	smov.u32 s22;
	(pc) =	sbr.rel @p1 .LBB2_5-.Ltmp1, $4  }
0x53: {  	v5 =	vld [tilespmem:s21+$0x153D8];
	v3 =	vadd.s32 v11, v4  }
0x54: {  	v9 =	vshll.u32 v9, $0x3;
	v4 =	vld [tilespmem:s21+$0x153E8];
	[tilespmem:s21+$0x163B8] =	vst v3  }
0x55: {  	v7 =	vshll.u32 v7, $0x3;
	v3 =	vld [tilespmem:s21+$0x153F8]  }
0x56: {  	s22 =	sshra.s32 s23, $0x2;
	s23 =	sadd.s32 $0x140, s23;
	v8 =	vshll.u32 v8, $0x3;
	v6 =	vld [tilespmem:s21+$0x15408]  }
0x57: {  	v10 =	vld [tilespmem:s22+$0x14C48]  }
0x58: {  	v11 =	vld [tilespmem:s22+$0x15418];
	v5 =	vadd.s32 v5, v9  }
0x59: {  	v60 =	vld [tilespmem:s22+$0x14C08];
	[tilespmem:s21+$0x16378] =	vst v5;
	v4 =	vadd.s32 v4, v7  }
0x5a: {  	v2 =	vshll.u32 v2, $0x3;
	v5 =	vld [tilespmem:s22+$0x14C18];
	[tilespmem:s21+$0x16388] =	vst v4;
	v3 =	vadd.s32 v3, v8  }
0x5b: {  	v4 =	vld [tilespmem:s22+$0x14C28];
	[tilespmem:s21+$0x16398] =	vst v3;
	v2 =	vadd.s32 v6, v2  }
0x5c: {  	v3 =	vld [tilespmem:s22+$0x14C38];
	[tilespmem:s21+$0x163A8] =	vst v2  }
0x5d: {  	v2 =	vshll.u32 v10, $0x3;
	v61 =	vld [tilespmem:s22+$0x153D8]  }
0x5e: {  	v2 =	vadd.s32 v11, v2;
	v62 =	vld [tilespmem:s22+$0x153E8]  }
0x5f: {  	[tilespmem:s22+$0x163B8] =	vst v2;
	v2 =	vld [tilespmem:s22+$0x153F8]  }
0x60: {  	v63 =	vld [tilespmem:s22+$0x15408]  }
0x61: {  	v9 =	vshll.u32 v60, $0x3  }
0x62: {  	v5 =	vshll.u32 v5, $0x3;
	v6 =	vadd.s32 v61, v9  }
0x63: {  	v4 =	vshll.u32 v4, $0x3;
	v5 =	vadd.s32 v62, v5;
	[tilespmem:s22+$0x16378] =	vst v6  }
0x64: {  	v3 =	vshll.u32 v3, $0x3;
	[tilespmem:s22+$0x16388] =	vst v5;
	v2 =	vadd.s32 v2, v4  }
0x65: {  	[tilespmem:s22+$0x16398] =	vst v2;
	v2 =	vadd.s32 v63, v3  }
0x66: {  	s23 =	simm.s32 $0x16378;
	[tilespmem:s22+$0x163A8] =	vst v2  }
0x67: {  	[spmem:s3] =	stream.indirect.scatter.add.f32 [tilespmem:s13], [sflag:$0x1], $0x1, s23, s9, $0xb8;
	[tilespmem:$0x18308] =	vst v63  }
0x68: {  	s21 =	simm.s32 $0x140;
	_ =	swait.ge [sflag:s10], $0x50  }
.LBB2_7:
0x69: {  	s22 =	sshra.s32 s21, $0x2;
	[sflag:s10] =	ssyncset.done $0x0;
	p1 =	sne.s32 s21, $0x1E00  }
.Ltmp2:
0x6a: {  	s22 =	sadd.s32 $0x16378, s22;
	[sflag:s10] =	ssyncadd.s32 $0xFFFFFFB0;
	(pc) =	sbr.rel @p1 .LBB2_7-.Ltmp2, $3  }
0x6b: {  	[spmem:s3] =	stream.indirect.scatter.add.f32 [tilespmem:s13], [sflag:$0x1], $0x1, s22, s9, $0xb8;
	[tilespmem:$0x18308] =	vst v63  }
0x6c: {  	s21 =	sadd.s32 $0x140, s21;
	_ =	sdelay $0x1  }
0x6d: {  	_ =	swait.ge [sflag:s10], $0x50  }
0x6e: {  	s20 =	sadd.s32 $0x1, s20  }
0x6f: {  	p1 =	sne.s32 s20, $0xA  }
.Ltmp3:
0x70: {  	_ = 	snop;
	(pc) =	sbr.rel @p1 .LBB2_4-.Ltmp3, $3  }
0x71: {  	_ =	sdelay $0x1  }
0x72: {  	[sflag:s10] =	ssyncset.done $0x0  }
0x73: {  	[sflag:s10] =	ssyncadd.s32 $0xFFFFFFB0  }
0x74: {  	[bflag:$0x0] =	sbarrier.arrive $0xFFFF  }
0x75: {  	[tilespmem:s14], [sflag:$0x1] =	stream.linear.gather [spmem:s3], $0x13880, $0x38;
	[tilespmem:$0x18308] =	vst v63  }
0x76: {  	_ =	swait.ge [sflag:s10], $0x13880  }
0x77: {  	[sflag:s10] =	ssyncset.done $0x0  }
0x78: {  	s19 =	simm.s32 $0x0;
	s20 =	rddreg [dreg:$0x5];
	[sflag:s10] =	ssyncadd.s32 $0xFFFEC780  }
0x79: {  	[tilespmem:s11], [sflag:$0x1] =	stream.linear.gather [hbm4b:s20+s19], $0x7D0, $0x38;
	[tilespmem:$0x18308] =	vst v63  }
0x7a: {  	_ =	swait.ge [sflag:s10], $0x7D0  }
0x7b: {  	[sflag:s10] =	ssyncset.done $0x0  }
0x7c: {  	s22 =	rddreg [dreg:$0x6];
	[sflag:s10] =	ssyncadd.s32 $0xFFFFF830  }
0x7d: {  	[tilespmem:s12], [sflag:$0x1] =	stream.linear.gather [hbm4b:s22+s19], $0x7D0, $0x38;
	[tilespmem:$0x18308] =	vst v63  }
0x7e: {  	_ =	swait.ge [sflag:s10], $0x7D0  }
0x7f: {  	[sflag:s10] =	ssyncset.done $0x0  }
0x80: {  	s23 =	rddreg [dreg:$0x7];
	[sflag:s10] =	ssyncadd.s32 $0xFFFFF830  }
0x81: {  	[tilespmem:s15], [sflag:$0x1] =	stream.linear.gather [hbm4b:s23+s19], $0x7D0, $0x38;
	[tilespmem:$0x18308] =	vst v63  }
0x82: {  	_ =	swait.ge [sflag:s10], $0x7D0  }
0x83: {  	[sflag:s10] =	ssyncset.done $0x0  }
0x84: {  	s19 =	simm.s32 $0x0;
	[sflag:s10] =	ssyncadd.s32 $0xFFFFF830  }
0x85: {  	v2 =	vld [tilespmem:s19+$0x14C08]  }
0x86: {  	v3 =	vld [tilespmem:s19+$0x153D8];
	_ =	sdelay $0x3  }
0x87: {  	v2 =	vshll.u32 v2, $0x3  }
0x88: {  	v2 =	vadd.s32 v2, v3;
	_ =	sdelay $0x3  }
0x89: {  	v4 =	vld [tilespmem:s19+$0x15BA8]  }
0x8a: {  	v2 =	vld.idx.msk [tilespmem:v2+s14+$0x0], $0xffff;
	_ =	sdelay $0x2  }
0x8b: {  	v3 =	vmul.u32 $0x2710, v3;
	_ =	sdelay $0x1  }
0x8c: {  	v3 =	vadd.s32 v4, v3;
	v2 =	vmax.f32 v2, $1.000000000e+00  }
0x8d: {  	[tilespmem:s19+$0x17318] =	vst v3;
	v3 =	vld [tilespmem:s19+$0x14C18];
	(erf) = vrcp.f32 v2  }
0x8e: {  	v2 =	vld [tilespmem:s19+$0x153E8];
	_ =	sdelay $0x3  }
0x8f: {  	v3 =	vshll.u32 v3, $0x3  }
0x90: {  	v3 =	vadd.s32 v3, v2;
	_ =	sdelay $0x2  }
0x91: {  	v5 =	vpop (erf)  }
0x92: {  	v58 =	vld [tilespmem:s19+$0x15BB8];
	[tilespmem:s19+$0x16B48] =	vst v5  }
0x93: {  	v3 =	vld.idx.msk [tilespmem:v3+s14+$0x0], $0xffff;
	_ =	sdelay $0x1  }
0x94: {  	v2 =	vmul.u32 $0x2710, v2;
	_ =	sdelay $0x1  }
0x95: {  	v2 =	vadd.s32 v58, v2  }
0x96: {  	[tilespmem:s19+$0x17328] =	vst v2;
	v2 =	vmax.f32 v3, $1.000000000e+00  }
0x97: {  	v3 =	vld [tilespmem:s19+$0x14C28];
	(erf) = vrcp.f32 v2  }
0x98: {  	v2 =	vld [tilespmem:s19+$0x153F8];
	_ =	sdelay $0x3  }
0x99: {  	v3 =	vshll.u32 v3, $0x3  }
0x9a: {  	v3 =	vadd.s32 v3, v2;
	_ =	sdelay $0x2  }
0x9b: {  	v59 =	vpop (erf)  }
0x9c: {  	[tilespmem:s19+$0x16B58] =	vst v59  }
0x9d: {  	v3 =	vld.idx.msk [tilespmem:v3+s14+$0x0], $0xffff;
	_ =	sdelay $0x4  }
0x9e: {  	v60 =	vld [tilespmem:s19+$0x14C38];
	v3 =	vmax.f32 v3, $1.000000000e+00  }
0x9f: {  	v61 =	vld [tilespmem:s19+$0x15BC8];
	(erf) = vrcp.f32 v3  }
0xa0: {  	v3 =	vld [tilespmem:s19+$0x15408];
	_ =	sdelay $0x2  }
0xa1: {  	v2 =	vmul.u32 $0x2710, v2  }
0xa2: {  	v4 =	vshll.u32 v60, $0x3  }
0xa3: {  	v2 =	vadd.s32 v61, v2;
	v4 =	vadd.s32 v4, v3;
	_ =	sdelay $0x2  }
0xa4: {  	[tilespmem:s19+$0x17338] =	vst v2;
	v2 =	vpop (erf)  }
0xa5: {  	[tilespmem:s19+$0x16B68] =	vst v2  }
0xa6: {  	v2 =	vld.idx.msk [tilespmem:v4+s14+$0x0], $0xffff;
	_ =	sdelay $0x4  }
0xa7: {  	v62 =	vld [tilespmem:s19+$0x14C48];
	v2 =	vmax.f32 v2, $1.000000000e+00  }
0xa8: {  	v63 =	vld [tilespmem:s19+$0x15BD8];
	(erf) = vrcp.f32 v2  }
0xa9: {  	v2 =	vld [tilespmem:s19+$0x15418];
	_ =	sdelay $0x2  }
0xaa: {  	v3 =	vmul.u32 $0x2710, v3  }
0xab: {  	v4 =	vshll.u32 v62, $0x3  }
0xac: {  	v3 =	vadd.s32 v63, v3;
	v4 =	vadd.s32 v4, v2;
	_ =	sdelay $0x2  }
0xad: {  	[tilespmem:s19+$0x17348] =	vst v3;
	v3 =	vpop (erf)  }
0xae: {  	v6 =	vld [tilespmem:s19+$0x15BE8];
	[tilespmem:s19+$0x16B78] =	vst v3  }
0xaf: {  	v3 =	vld.idx.msk [tilespmem:v4+s14+$0x0], $0xffff;
	_ =	sdelay $0x1  }
0xb0: {  	v2 =	vmul.u32 $0x2710, v2;
	_ =	sdelay $0x1  }
0xb1: {  	v2 =	vadd.s32 v6, v2  }
0xb2: {  	s21 =	simm.s32 $0x50;
	s20 =	simm.s32 $0x280;
	[tilespmem:s19+$0x17358] =	vst v2;
	v2 =	vmax.f32 v3, $1.000000000e+00  }
.LBB2_10:
0xb3: {  	p1 =	sne.s32 s20, $0x1E00;
	v3 =	vld [tilespmem:s21+$0x14C08];
	(erf) = vrcp.f32 v2  }
0xb4: {  	v2 =	vld [tilespmem:s21+$0x153D8];
	_ =	sdelay $0x3  }
0xb5: {  	v4 =	vld [tilespmem:s21+$0x15BA8];
	v3 =	vshll.u32 v3, $0x3  }
0xb6: {  	v3 =	vadd.s32 v3, v2;
	_ =	sdelay $0x1  }
0xb7: {  	v2 =	vmul.u32 $0x2710, v2  }
0xb8: {  	v5 =	vpop (erf)  }
0xb9: {  	v2 =	vadd.s32 v4, v2;
	[tilespmem:s19+$0x16B88] =	vst v5;
	s19 =	smov.u32 s21  }
0xba: {  	v3 =	vld.idx.msk [tilespmem:v3+s14+$0x0], $0xffff;
	[tilespmem:s19+$0x17318] =	vst v2;
	_ =	sdelay $0x5  }
0xbb: {  	v2 =	vmax.f32 v3, $1.000000000e+00  }
0xbc: {  	v3 =	vld [tilespmem:s19+$0x14C18];
	(erf) = vrcp.f32 v2  }
0xbd: {  	v2 =	vld [tilespmem:s19+$0x153E8];
	_ =	sdelay $0x3  }
0xbe: {  	v4 =	vld [tilespmem:s19+$0x15BB8];
	v3 =	vshll.u32 v3, $0x3  }
0xbf: {  	v3 =	vadd.s32 v3, v2;
	_ =	sdelay $0x1  }
0xc0: {  	v2 =	vmul.u32 $0x2710, v2  }
0xc1: {  	v5 =	vpop (erf)  }
0xc2: {  	[tilespmem:s19+$0x16B48] =	vst v5;
	v2 =	vadd.s32 v4, v2  }
0xc3: {  	v3 =	vld.idx.msk [tilespmem:v3+s14+$0x0], $0xffff;
	[tilespmem:s19+$0x17328] =	vst v2;
	_ =	sdelay $0x5  }
0xc4: {  	v2 =	vmax.f32 v3, $1.000000000e+00  }
0xc5: {  	v3 =	vld [tilespmem:s19+$0x14C28];
	(erf) = vrcp.f32 v2  }
0xc6: {  	v2 =	vld [tilespmem:s19+$0x153F8];
	_ =	sdelay $0x3  }
0xc7: {  	v3 =	vshll.u32 v3, $0x3  }
0xc8: {  	v3 =	vadd.s32 v3, v2;
	_ =	sdelay $0x2  }
0xc9: {  	v4 =	vpop (erf)  }
0xca: {  	[tilespmem:s19+$0x16B58] =	vst v4  }
0xcb: {  	v3 =	vld.idx.msk [tilespmem:v3+s14+$0x0], $0xffff;
	_ =	sdelay $0x5  }
0xcc: {  	v3 =	vmax.f32 v3, $1.000000000e+00  }
0xcd: {  	v4 =	vld [tilespmem:s19+$0x14C38];
	(erf) = vrcp.f32 v3  }
0xce: {  	v3 =	vld [tilespmem:s19+$0x15408];
	_ =	sdelay $0x1  }
0xcf: {  	v5 =	vld [tilespmem:s19+$0x15BC8];
	_ =	sdelay $0x1  }
0xd0: {  	v4 =	vshll.u32 v4, $0x3  }
0xd1: {  	v6 =	vmul.u32 $0x2710, v2;
	v4 =	vadd.s32 v4, v3;
	_ =	sdelay $0x1  }
0xd2: {  	v5 =	vadd.s32 v5, v6  }
0xd3: {  	[tilespmem:s19+$0x17338] =	vst v5;
	v2 =	vpop (erf)  }
0xd4: {  	[tilespmem:s19+$0x16B68] =	vst v2  }
0xd5: {  	v2 =	vld.idx.msk [tilespmem:v4+s14+$0x0], $0xffff;
	_ =	sdelay $0x5  }
0xd6: {  	v2 =	vmax.f32 v2, $1.000000000e+00  }
0xd7: {  	v4 =	vld [tilespmem:s19+$0x14C48];
	(erf) = vrcp.f32 v2  }
0xd8: {  	v2 =	vld [tilespmem:s19+$0x15418];
	_ =	sdelay $0x1  }
0xd9: {  	v5 =	vld [tilespmem:s19+$0x15BD8];
	_ =	sdelay $0x1  }
0xda: {  	v6 =	vld [tilespmem:s19+$0x15BE8];
	v4 =	vshll.u32 v4, $0x3  }
0xdb: {  	v7 =	vmul.u32 $0x2710, v3;
	v4 =	vadd.s32 v4, v2;
	_ =	sdelay $0x1  }
0xdc: {  	v2 =	vmul.u32 $0x2710, v2;
	v5 =	vadd.s32 v5, v7  }
0xdd: {  	[tilespmem:s19+$0x17348] =	vst v5;
	v3 =	vpop (erf)  }
0xde: {  	[tilespmem:s19+$0x16B78] =	vst v3;
	v2 =	vadd.s32 v6, v2  }
0xdf: {  	v3 =	vld.idx.msk [tilespmem:v4+s14+$0x0], $0xffff;
	[tilespmem:s19+$0x17358] =	vst v2;
	_ =	sdelay $0x1  }
.Ltmp4:
0xe0: {  	(pc) =	sbr.rel @p1 .LBB2_10-.Ltmp4, $2  }
0xe1: {  	_ =	sdelay $0x2  }
0xe2: {  	s21 =	sshra.s32 s20, $0x2;
	s20 =	sadd.s32 $0x140, s20;
	v2 =	vmax.f32 v3, $1.000000000e+00  }
0xe3: {  	v3 =	vld [tilespmem:s21+$0x14C08];
	(erf) = vrcp.f32 v2  }
0xe4: {  	v2 =	vld [tilespmem:s21+$0x153D8];
	_ =	sdelay $0x3  }
0xe5: {  	v3 =	vshll.u32 v3, $0x3  }
0xe6: {  	v3 =	vadd.s32 v3, v2;
	_ =	sdelay $0x2  }
0xe7: {  	v5 =	vpop (erf)  }
0xe8: {  	v4 =	vld [tilespmem:s21+$0x15BA8];
	[tilespmem:s19+$0x16B88] =	vst v5  }
0xe9: {  	v3 =	vld.idx.msk [tilespmem:v3+s14+$0x0], $0xffff;
	_ =	sdelay $0x1  }
0xea: {  	v2 =	vmul.u32 $0x2710, v2;
	_ =	sdelay $0x1  }
0xeb: {  	v2 =	vadd.s32 v4, v2  }
0xec: {  	[tilespmem:s21+$0x17318] =	vst v2;
	v2 =	vmax.f32 v3, $1.000000000e+00  }
0xed: {  	v3 =	vld [tilespmem:s21+$0x14C18];
	(erf) = vrcp.f32 v2  }
0xee: {  	v2 =	vld [tilespmem:s21+$0x153E8];
	_ =	sdelay $0x3  }
0xef: {  	v3 =	vshll.u32 v3, $0x3  }
0xf0: {  	v3 =	vadd.s32 v3, v2;
	_ =	sdelay $0x2  }
0xf1: {  	v49 =	vpop (erf)  }
0xf2: {  	v48 =	vld [tilespmem:s21+$0x15BB8];
	[tilespmem:s21+$0x16B48] =	vst v49  }
0xf3: {  	v3 =	vld.idx.msk [tilespmem:v3+s14+$0x0], $0xffff;
	_ =	sdelay $0x1  }
0xf4: {  	v2 =	vmul.u32 $0x2710, v2;
	_ =	sdelay $0x1  }
0xf5: {  	v2 =	vadd.s32 v48, v2  }
0xf6: {  	[tilespmem:s21+$0x17328] =	vst v2;
	v2 =	vmax.f32 v3, $1.000000000e+00  }
0xf7: {  	v3 =	vld [tilespmem:s21+$0x14C28];
	(erf) = vrcp.f32 v2  }
0xf8: {  	v2 =	vld [tilespmem:s21+$0x153F8];
	_ =	sdelay $0x3  }
0xf9: {  	v3 =	vshll.u32 v3, $0x3  }
0xfa: {  	v3 =	vadd.s32 v3, v2;
	_ =	sdelay $0x2  }
0xfb: {  	v50 =	vpop (erf)  }
0xfc: {  	[tilespmem:s21+$0x16B58] =	vst v50  }
0xfd: {  	v3 =	vld.idx.msk [tilespmem:v3+s14+$0x0], $0xffff;
	_ =	sdelay $0x4  }
0xfe: {  	v51 =	vld [tilespmem:s21+$0x14C38];
	v3 =	vmax.f32 v3, $1.000000000e+00  }
0xff: {  	v52 =	vld [tilespmem:s21+$0x15BC8];
	(erf) = vrcp.f32 v3  }
0x100: {  	v3 =	vld [tilespmem:s21+$0x15408];
	_ =	sdelay $0x2  }
0x101: {  	v2 =	vmul.u32 $0x2710, v2  }
0x102: {  	v4 =	vshll.u32 v51, $0x3  }
0x103: {  	v2 =	vadd.s32 v52, v2;
	v4 =	vadd.s32 v4, v3;
	_ =	sdelay $0x2  }
0x104: {  	[tilespmem:s21+$0x17338] =	vst v2;
	v2 =	vpop (erf)  }
0x105: {  	[tilespmem:s21+$0x16B68] =	vst v2  }
0x106: {  	v2 =	vld.idx.msk [tilespmem:v4+s14+$0x0], $0xffff;
	_ =	sdelay $0x4  }
0x107: {  	v53 =	vld [tilespmem:s21+$0x14C48];
	v2 =	vmax.f32 v2, $1.000000000e+00  }
0x108: {  	v54 =	vld [tilespmem:s21+$0x15BD8];
	(erf) = vrcp.f32 v2  }
0x109: {  	v2 =	vld [tilespmem:s21+$0x15418];
	_ =	sdelay $0x2  }
0x10a: {  	v3 =	vmul.u32 $0x2710, v3  }
0x10b: {  	v4 =	vshll.u32 v53, $0x3  }
0x10c: {  	v3 =	vadd.s32 v54, v3;
	v4 =	vadd.s32 v4, v2;
	_ =	sdelay $0x2  }
0x10d: {  	[tilespmem:s21+$0x17348] =	vst v3;
	v3 =	vpop (erf)  }
0x10e: {  	[tilespmem:s21+$0x16B78] =	vst v3  }
0x10f: {  	v3 =	vld.idx.msk [tilespmem:v4+s14+$0x0], $0xffff;
	_ =	sdelay $0x4  }
0x110: {  	v3 =	vmax.f32 v3, $1.000000000e+00  }
0x111: {  	(erf) = vrcp.f32 v3  }
0x112: {  	v6 =	vld [tilespmem:s21+$0x15BE8];
	_ =	sdelay $0x2  }
0x113: {  	v2 =	vmul.u32 $0x2710, v2;
	_ =	sdelay $0x1  }
0x114: {  	v2 =	vadd.s32 v6, v2;
	_ =	sdelay $0x2  }
0x115: {  	[tilespmem:s21+$0x17358] =	vst v2;
	v2 =	vpop (erf)  }
0x116: {  	s20 =	rddreg [dreg:$0x8];
	s19 =	simm.s32 $0x0;
	[tilespmem:s21+$0x16B88] =	vst v2  }
0x117: {  	[hbm4b:s20+s19] =	stream.linear.scatter [tilespmem:s16], [sflag:$0x1], $0x7D0, $0x38;
	[tilespmem:$0x18308] =	vst v63  }
0x118: {  	_ =	swait.ge [sflag:s10], $0x7D0  }
0x119: {  	[sflag:s10] =	ssyncset.done $0x0  }
0x11a: {  	s23 =	rddreg [dreg:$0x9];
	[sflag:s10] =	ssyncadd.s32 $0xFFFFF830  }
0x11b: {  	[hbm4b:s23+s19] =	stream.linear.scatter [tilespmem:s17], [sflag:$0x1], $0x7D0, $0x38;
	[tilespmem:$0x18308] =	vst v63  }
0x11c: {  	_ =	swait.ge [sflag:s10], $0x7D0  }
0x11d: {  	[sflag:s10] =	ssyncset.done $0x0  }
0x11e: {  	s21 =	rddreg [dreg:$0xa];
	[sflag:s10] =	ssyncadd.s32 $0xFFFFF830  }
0x11f: {  	[tilespmem:s11], [sflag:$0x1] =	stream.linear.gather [hbm4b:s21+s19], $0x7D0, $0x38;
	[tilespmem:$0x18308] =	vst v63  }
0x120: {  	_ =	swait.ge [sflag:s10], $0x7D0  }
0x121: {  	[sflag:s10] =	ssyncset.done $0x0  }
0x122: {  	s22 =	rddreg [dreg:$0xb];
	[sflag:s10] =	ssyncadd.s32 $0xFFFFF830  }
0x123: {  	[tilespmem:s12], [sflag:$0x1] =	stream.linear.gather [hbm4b:s22+s19], $0x7D0, $0x38;
	[tilespmem:$0x18308] =	vst v63  }
0x124: {  	_ =	swait.ge [sflag:s10], $0x7D0  }
0x125: {  	[sflag:s10] =	ssyncset.done $0x0  }
0x126: {  	s23 =	rddreg [dreg:$0xc];
	[sflag:s10] =	ssyncadd.s32 $0xFFFFF830  }
0x127: {  	[tilespmem:s15], [sflag:$0x1] =	stream.linear.gather [hbm4b:s23+s19], $0x7D0, $0x38;
	[tilespmem:$0x18308] =	vst v63  }
0x128: {  	_ =	swait.ge [sflag:s10], $0x7D0  }
0x129: {  	[sflag:s10] =	ssyncset.done $0x0  }
0x12a: {  	s19 =	simm.s32 $0x0;
	[sflag:s10] =	ssyncadd.s32 $0xFFFFF830  }
0x12b: {  	v2 =	vld [tilespmem:s19+$0x14C08]  }
0x12c: {  	v3 =	vld [tilespmem:s19+$0x153D8];
	_ =	sdelay $0x3  }
0x12d: {  	v2 =	vshll.u32 v2, $0x3  }
0x12e: {  	v2 =	vadd.s32 v2, v3;
	_ =	sdelay $0x3  }
0x12f: {  	v55 =	vld [tilespmem:s19+$0x15BA8]  }
0x130: {  	v2 =	vld.idx.msk [tilespmem:v2+s14+$0x0], $0xffff;
	_ =	sdelay $0x2  }
0x131: {  	v3 =	vmul.u32 $0x2710, v3;
	_ =	sdelay $0x1  }
0x132: {  	v3 =	vadd.s32 v55, v3;
	v2 =	vmax.f32 v2, $1.000000000e+00  }
0x133: {  	[tilespmem:s19+$0x17318] =	vst v3;
	v3 =	vld [tilespmem:s19+$0x14C18];
	(erf) = vrcp.f32 v2  }
0x134: {  	v2 =	vld [tilespmem:s19+$0x153E8];
	_ =	sdelay $0x3  }
0x135: {  	v3 =	vshll.u32 v3, $0x3  }
0x136: {  	v3 =	vadd.s32 v3, v2;
	_ =	sdelay $0x2  }
0x137: {  	v57 =	vpop (erf)  }
0x138: {  	v56 =	vld [tilespmem:s19+$0x15BB8];
	[tilespmem:s19+$0x16B48] =	vst v57  }
0x139: {  	v3 =	vld.idx.msk [tilespmem:v3+s14+$0x0], $0xffff;
	_ =	sdelay $0x1  }
0x13a: {  	v2 =	vmul.u32 $0x2710, v2;
	_ =	sdelay $0x1  }
0x13b: {  	v2 =	vadd.s32 v56, v2  }
0x13c: {  	[tilespmem:s19+$0x17328] =	vst v2;
	v2 =	vmax.f32 v3, $1.000000000e+00  }
0x13d: {  	v3 =	vld [tilespmem:s19+$0x14C28];
	(erf) = vrcp.f32 v2  }
0x13e: {  	v2 =	vld [tilespmem:s19+$0x153F8];
	_ =	sdelay $0x3  }
0x13f: {  	v3 =	vshll.u32 v3, $0x3  }
0x140: {  	v3 =	vadd.s32 v3, v2;
	_ =	sdelay $0x2  }
0x141: {  	v58 =	vpop (erf)  }
0x142: {  	[tilespmem:s19+$0x16B58] =	vst v58  }
0x143: {  	v3 =	vld.idx.msk [tilespmem:v3+s14+$0x0], $0xffff;
	_ =	sdelay $0x4  }
0x144: {  	v59 =	vld [tilespmem:s19+$0x14C38];
	v3 =	vmax.f32 v3, $1.000000000e+00  }
0x145: {  	v60 =	vld [tilespmem:s19+$0x15BC8];
	(erf) = vrcp.f32 v3  }
0x146: {  	v3 =	vld [tilespmem:s19+$0x15408];
	_ =	sdelay $0x2  }
0x147: {  	v2 =	vmul.u32 $0x2710, v2  }
0x148: {  	v4 =	vshll.u32 v59, $0x3  }
0x149: {  	v2 =	vadd.s32 v60, v2;
	v4 =	vadd.s32 v4, v3;
	_ =	sdelay $0x2  }
0x14a: {  	[tilespmem:s19+$0x17338] =	vst v2;
	v2 =	vpop (erf)  }
0x14b: {  	[tilespmem:s19+$0x16B68] =	vst v2  }
0x14c: {  	v2 =	vld.idx.msk [tilespmem:v4+s14+$0x0], $0xffff;
	_ =	sdelay $0x4  }
0x14d: {  	v61 =	vld [tilespmem:s19+$0x14C48];
	v2 =	vmax.f32 v2, $1.000000000e+00  }
0x14e: {  	v62 =	vld [tilespmem:s19+$0x15BD8];
	(erf) = vrcp.f32 v2  }
0x14f: {  	v2 =	vld [tilespmem:s19+$0x15418];
	_ =	sdelay $0x2  }
0x150: {  	v3 =	vmul.u32 $0x2710, v3  }
0x151: {  	v4 =	vshll.u32 v61, $0x3  }
0x152: {  	v3 =	vadd.s32 v62, v3;
	v4 =	vadd.s32 v4, v2;
	_ =	sdelay $0x2  }
0x153: {  	[tilespmem:s19+$0x17348] =	vst v3;
	v3 =	vpop (erf)  }
0x154: {  	v63 =	vld [tilespmem:s19+$0x15BE8];
	[tilespmem:s19+$0x16B78] =	vst v3  }
0x155: {  	v3 =	vld.idx.msk [tilespmem:v4+s14+$0x0], $0xffff;
	_ =	sdelay $0x1  }
0x156: {  	v2 =	vmul.u32 $0x2710, v2;
	_ =	sdelay $0x1  }
0x157: {  	v2 =	vadd.s32 v63, v2  }
0x158: {  	s20 =	simm.s32 $0x280;
	s21 =	simm.s32 $0x50;
	[tilespmem:s19+$0x17358] =	vst v2;
	v2 =	vmax.f32 v3, $1.000000000e+00  }
.LBB2_12:
0x159: {  	p1 =	sne.s32 s20, $0x1E00;
	v3 =	vld [tilespmem:s21+$0x14C08];
	(erf) = vrcp.f32 v2  }
0x15a: {  	v2 =	vld [tilespmem:s21+$0x153D8];
	_ =	sdelay $0x3  }
0x15b: {  	v4 =	vld [tilespmem:s21+$0x15BA8];
	v3 =	vshll.u32 v3, $0x3  }
0x15c: {  	v3 =	vadd.s32 v3, v2;
	_ =	sdelay $0x1  }
0x15d: {  	v2 =	vmul.u32 $0x2710, v2  }
0x15e: {  	v5 =	vpop (erf)  }
0x15f: {  	v2 =	vadd.s32 v4, v2;
	[tilespmem:s19+$0x16B88] =	vst v5;
	s19 =	smov.u32 s21  }
0x160: {  	v3 =	vld.idx.msk [tilespmem:v3+s14+$0x0], $0xffff;
	[tilespmem:s19+$0x17318] =	vst v2;
	_ =	sdelay $0x5  }
0x161: {  	v2 =	vmax.f32 v3, $1.000000000e+00  }
0x162: {  	v3 =	vld [tilespmem:s19+$0x14C18];
	(erf) = vrcp.f32 v2  }
0x163: {  	v2 =	vld [tilespmem:s19+$0x153E8];
	_ =	sdelay $0x3  }
0x164: {  	v4 =	vld [tilespmem:s19+$0x15BB8];
	v3 =	vshll.u32 v3, $0x3  }
0x165: {  	v3 =	vadd.s32 v3, v2;
	_ =	sdelay $0x1  }
0x166: {  	v2 =	vmul.u32 $0x2710, v2  }
0x167: {  	v5 =	vpop (erf)  }
0x168: {  	[tilespmem:s19+$0x16B48] =	vst v5;
	v2 =	vadd.s32 v4, v2  }
0x169: {  	v3 =	vld.idx.msk [tilespmem:v3+s14+$0x0], $0xffff;
	[tilespmem:s19+$0x17328] =	vst v2;
	_ =	sdelay $0x5  }
0x16a: {  	v2 =	vmax.f32 v3, $1.000000000e+00  }
0x16b: {  	v3 =	vld [tilespmem:s19+$0x14C28];
	(erf) = vrcp.f32 v2  }
0x16c: {  	v2 =	vld [tilespmem:s19+$0x153F8];
	_ =	sdelay $0x3  }
0x16d: {  	v3 =	vshll.u32 v3, $0x3  }
0x16e: {  	v3 =	vadd.s32 v3, v2;
	_ =	sdelay $0x2  }
0x16f: {  	v4 =	vpop (erf)  }
0x170: {  	[tilespmem:s19+$0x16B58] =	vst v4  }
0x171: {  	v3 =	vld.idx.msk [tilespmem:v3+s14+$0x0], $0xffff;
	_ =	sdelay $0x5  }
0x172: {  	v3 =	vmax.f32 v3, $1.000000000e+00  }
0x173: {  	v4 =	vld [tilespmem:s19+$0x14C38];
	(erf) = vrcp.f32 v3  }
0x174: {  	v3 =	vld [tilespmem:s19+$0x15408];
	_ =	sdelay $0x1  }
0x175: {  	v5 =	vld [tilespmem:s19+$0x15BC8];
	_ =	sdelay $0x1  }
0x176: {  	v4 =	vshll.u32 v4, $0x3  }
0x177: {  	v6 =	vmul.u32 $0x2710, v2;
	v4 =	vadd.s32 v4, v3;
	_ =	sdelay $0x1  }
0x178: {  	v5 =	vadd.s32 v5, v6  }
0x179: {  	[tilespmem:s19+$0x17338] =	vst v5;
	v2 =	vpop (erf)  }
0x17a: {  	[tilespmem:s19+$0x16B68] =	vst v2  }
0x17b: {  	v2 =	vld.idx.msk [tilespmem:v4+s14+$0x0], $0xffff;
	_ =	sdelay $0x5  }
0x17c: {  	v2 =	vmax.f32 v2, $1.000000000e+00  }
0x17d: {  	v4 =	vld [tilespmem:s19+$0x14C48];
	(erf) = vrcp.f32 v2  }
0x17e: {  	v2 =	vld [tilespmem:s19+$0x15418];
	_ =	sdelay $0x1  }
0x17f: {  	v5 =	vld [tilespmem:s19+$0x15BD8];
	_ =	sdelay $0x1  }
0x180: {  	v6 =	vld [tilespmem:s19+$0x15BE8];
	v4 =	vshll.u32 v4, $0x3  }
0x181: {  	v7 =	vmul.u32 $0x2710, v3;
	v4 =	vadd.s32 v4, v2;
	_ =	sdelay $0x1  }
0x182: {  	v2 =	vmul.u32 $0x2710, v2;
	v5 =	vadd.s32 v5, v7  }
0x183: {  	[tilespmem:s19+$0x17348] =	vst v5;
	v3 =	vpop (erf)  }
0x184: {  	[tilespmem:s19+$0x16B78] =	vst v3;
	v2 =	vadd.s32 v6, v2  }
0x185: {  	v3 =	vld.idx.msk [tilespmem:v4+s14+$0x0], $0xffff;
	[tilespmem:s19+$0x17358] =	vst v2;
	_ =	sdelay $0x1  }
.Ltmp5:
0x186: {  	(pc) =	sbr.rel @p1 .LBB2_12-.Ltmp5, $2  }
0x187: {  	_ =	sdelay $0x2  }
0x188: {  	s21 =	sshra.s32 s20, $0x2;
	s20 =	sadd.s32 $0x140, s20;
	v2 =	vmax.f32 v3, $1.000000000e+00  }
0x189: {  	v3 =	vld [tilespmem:s21+$0x14C08];
	(erf) = vrcp.f32 v2  }
0x18a: {  	v2 =	vld [tilespmem:s21+$0x153D8];
	_ =	sdelay $0x3  }
0x18b: {  	v3 =	vshll.u32 v3, $0x3  }
0x18c: {  	v3 =	vadd.s32 v3, v2;
	_ =	sdelay $0x2  }
0x18d: {  	v5 =	vpop (erf)  }
0x18e: {  	v4 =	vld [tilespmem:s21+$0x15BA8];
	[tilespmem:s19+$0x16B88] =	vst v5  }
0x18f: {  	v3 =	vld.idx.msk [tilespmem:v3+s14+$0x0], $0xffff;
	_ =	sdelay $0x1  }
0x190: {  	v2 =	vmul.u32 $0x2710, v2;
	_ =	sdelay $0x1  }
0x191: {  	v2 =	vadd.s32 v4, v2  }
0x192: {  	[tilespmem:s21+$0x17318] =	vst v2;
	v2 =	vmax.f32 v3, $1.000000000e+00  }
0x193: {  	v3 =	vld [tilespmem:s21+$0x14C18];
	(erf) = vrcp.f32 v2  }
0x194: {  	v2 =	vld [tilespmem:s21+$0x153E8];
	_ =	sdelay $0x3  }
0x195: {  	v3 =	vshll.u32 v3, $0x3  }
0x196: {  	v3 =	vadd.s32 v3, v2;
	_ =	sdelay $0x2  }
0x197: {  	v49 =	vpop (erf)  }
0x198: {  	v48 =	vld [tilespmem:s21+$0x15BB8];
	[tilespmem:s21+$0x16B48] =	vst v49  }
0x199: {  	v3 =	vld.idx.msk [tilespmem:v3+s14+$0x0], $0xffff;
	_ =	sdelay $0x1  }
0x19a: {  	v2 =	vmul.u32 $0x2710, v2;
	_ =	sdelay $0x1  }
0x19b: {  	v2 =	vadd.s32 v48, v2  }
0x19c: {  	[tilespmem:s21+$0x17328] =	vst v2;
	v2 =	vmax.f32 v3, $1.000000000e+00  }
0x19d: {  	v3 =	vld [tilespmem:s21+$0x14C28];
	(erf) = vrcp.f32 v2  }
0x19e: {  	v2 =	vld [tilespmem:s21+$0x153F8];
	_ =	sdelay $0x3  }
0x19f: {  	v3 =	vshll.u32 v3, $0x3  }
0x1a0: {  	v3 =	vadd.s32 v3, v2;
	_ =	sdelay $0x2  }
0x1a1: {  	v50 =	vpop (erf)  }
0x1a2: {  	[tilespmem:s21+$0x16B58] =	vst v50  }
0x1a3: {  	v3 =	vld.idx.msk [tilespmem:v3+s14+$0x0], $0xffff;
	_ =	sdelay $0x4  }
0x1a4: {  	v51 =	vld [tilespmem:s21+$0x14C38];
	v3 =	vmax.f32 v3, $1.000000000e+00  }
0x1a5: {  	v52 =	vld [tilespmem:s21+$0x15BC8];
	(erf) = vrcp.f32 v3  }
0x1a6: {  	v3 =	vld [tilespmem:s21+$0x15408];
	_ =	sdelay $0x2  }
0x1a7: {  	v2 =	vmul.u32 $0x2710, v2  }
0x1a8: {  	v4 =	vshll.u32 v51, $0x3  }
0x1a9: {  	v2 =	vadd.s32 v52, v2;
	v4 =	vadd.s32 v4, v3;
	_ =	sdelay $0x2  }
0x1aa: {  	[tilespmem:s21+$0x17338] =	vst v2;
	v2 =	vpop (erf)  }
0x1ab: {  	[tilespmem:s21+$0x16B68] =	vst v2  }
0x1ac: {  	v2 =	vld.idx.msk [tilespmem:v4+s14+$0x0], $0xffff;
	_ =	sdelay $0x4  }
0x1ad: {  	v53 =	vld [tilespmem:s21+$0x14C48];
	v2 =	vmax.f32 v2, $1.000000000e+00  }
0x1ae: {  	v54 =	vld [tilespmem:s21+$0x15BD8];
	(erf) = vrcp.f32 v2  }
0x1af: {  	v2 =	vld [tilespmem:s21+$0x15418];
	_ =	sdelay $0x2  }
0x1b0: {  	v3 =	vmul.u32 $0x2710, v3  }
0x1b1: {  	v4 =	vshll.u32 v53, $0x3  }
0x1b2: {  	v3 =	vadd.s32 v54, v3;
	v4 =	vadd.s32 v4, v2;
	_ =	sdelay $0x2  }
0x1b3: {  	[tilespmem:s21+$0x17348] =	vst v3;
	v3 =	vpop (erf)  }
0x1b4: {  	[tilespmem:s21+$0x16B78] =	vst v3  }
0x1b5: {  	v3 =	vld.idx.msk [tilespmem:v4+s14+$0x0], $0xffff;
	_ =	sdelay $0x4  }
0x1b6: {  	v3 =	vmax.f32 v3, $1.000000000e+00  }
0x1b7: {  	(erf) = vrcp.f32 v3  }
0x1b8: {  	v6 =	vld [tilespmem:s21+$0x15BE8];
	_ =	sdelay $0x2  }
0x1b9: {  	v2 =	vmul.u32 $0x2710, v2;
	_ =	sdelay $0x1  }
0x1ba: {  	v2 =	vadd.s32 v6, v2;
	_ =	sdelay $0x2  }
0x1bb: {  	[tilespmem:s21+$0x17358] =	vst v2;
	v2 =	vpop (erf)  }
0x1bc: {  	s20 =	rddreg [dreg:$0xd];
	s19 =	simm.s32 $0x0;
	[tilespmem:s21+$0x16B88] =	vst v2  }
0x1bd: {  	[hbm4b:s20+s19] =	stream.linear.scatter [tilespmem:s16], [sflag:$0x1], $0x7D0, $0x38;
	[tilespmem:$0x18308] =	vst v63  }
0x1be: {  	_ =	swait.ge [sflag:s10], $0x7D0  }
0x1bf: {  	[sflag:s10] =	ssyncset.done $0x0  }
0x1c0: {  	s23 =	rddreg [dreg:$0xe];
	[sflag:s10] =	ssyncadd.s32 $0xFFFFF830  }
0x1c1: {  	[hbm4b:s23+s19] =	stream.linear.scatter [tilespmem:s17], [sflag:$0x1], $0x7D0, $0x38;
	[tilespmem:$0x18308] =	vst v63  }
0x1c2: {  	_ =	swait.ge [sflag:s10], $0x7D0  }
0x1c3: {  	[sflag:s10] =	ssyncset.done $0x0  }
0x1c4: {  	s21 =	rddreg [dreg:$0xf];
	[sflag:s10] =	ssyncadd.s32 $0xFFFFF830  }
0x1c5: {  	[tilespmem:s11], [sflag:$0x1] =	stream.linear.gather [hbm4b:s21+s19], $0x7D0, $0x38;
	[tilespmem:$0x18308] =	vst v63  }
0x1c6: {  	_ =	swait.ge [sflag:s10], $0x7D0  }
0x1c7: {  	[sflag:s10] =	ssyncset.done $0x0  }
0x1c8: {  	s22 =	rddreg [dreg:$0x10];
	[sflag:s10] =	ssyncadd.s32 $0xFFFFF830  }
0x1c9: {  	[tilespmem:s12], [sflag:$0x1] =	stream.linear.gather [hbm4b:s22+s19], $0x7D0, $0x38;
	[tilespmem:$0x18308] =	vst v63  }
0x1ca: {  	_ =	swait.ge [sflag:s10], $0x7D0  }
0x1cb: {  	[sflag:s10] =	ssyncset.done $0x0  }
0x1cc: {  	s23 =	rddreg [dreg:$0x11];
	[sflag:s10] =	ssyncadd.s32 $0xFFFFF830  }
0x1cd: {  	[tilespmem:s15], [sflag:$0x1] =	stream.linear.gather [hbm4b:s23+s19], $0x7D0, $0x38;
	[tilespmem:$0x18308] =	vst v63  }
0x1ce: {  	_ =	swait.ge [sflag:s10], $0x7D0  }
0x1cf: {  	[sflag:s10] =	ssyncset.done $0x0  }
0x1d0: {  	s19 =	simm.s32 $0x0;
	[sflag:s10] =	ssyncadd.s32 $0xFFFFF830  }
0x1d1: {  	v2 =	vld [tilespmem:s19+$0x14C08]  }
0x1d2: {  	v3 =	vld [tilespmem:s19+$0x153D8];
	_ =	sdelay $0x3  }
0x1d3: {  	v2 =	vshll.u32 v2, $0x3  }
0x1d4: {  	v2 =	vadd.s32 v2, v3;
	_ =	sdelay $0x3  }
0x1d5: {  	v55 =	vld [tilespmem:s19+$0x15BA8]  }
0x1d6: {  	v2 =	vld.idx.msk [tilespmem:v2+s14+$0x0], $0xffff;
	_ =	sdelay $0x2  }
0x1d7: {  	v3 =	vmul.u32 $0x2710, v3;
	_ =	sdelay $0x1  }
0x1d8: {  	v3 =	vadd.s32 v55, v3;
	v2 =	vmax.f32 v2, $1.000000000e+00  }
0x1d9: {  	[tilespmem:s19+$0x17318] =	vst v3;
	v3 =	vld [tilespmem:s19+$0x14C18];
	(erf) = vrcp.f32 v2  }
0x1da: {  	v2 =	vld [tilespmem:s19+$0x153E8];
	_ =	sdelay $0x3  }
0x1db: {  	v3 =	vshll.u32 v3, $0x3  }
0x1dc: {  	v3 =	vadd.s32 v3, v2;
	_ =	sdelay $0x2  }
0x1dd: {  	v57 =	vpop (erf)  }
0x1de: {  	v56 =	vld [tilespmem:s19+$0x15BB8];
	[tilespmem:s19+$0x16B48] =	vst v57  }
0x1df: {  	v3 =	vld.idx.msk [tilespmem:v3+s14+$0x0], $0xffff;
	_ =	sdelay $0x1  }
0x1e0: {  	v2 =	vmul.u32 $0x2710, v2;
	_ =	sdelay $0x1  }
0x1e1: {  	v2 =	vadd.s32 v56, v2  }
0x1e2: {  	[tilespmem:s19+$0x17328] =	vst v2;
	v2 =	vmax.f32 v3, $1.000000000e+00  }
0x1e3: {  	v3 =	vld [tilespmem:s19+$0x14C28];
	(erf) = vrcp.f32 v2  }
0x1e4: {  	v2 =	vld [tilespmem:s19+$0x153F8];
	_ =	sdelay $0x3  }
0x1e5: {  	v3 =	vshll.u32 v3, $0x3  }
0x1e6: {  	v3 =	vadd.s32 v3, v2;
	_ =	sdelay $0x2  }
0x1e7: {  	v58 =	vpop (erf)  }
0x1e8: {  	[tilespmem:s19+$0x16B58] =	vst v58  }
0x1e9: {  	v3 =	vld.idx.msk [tilespmem:v3+s14+$0x0], $0xffff;
	_ =	sdelay $0x4  }
0x1ea: {  	v59 =	vld [tilespmem:s19+$0x14C38];
	v3 =	vmax.f32 v3, $1.000000000e+00  }
0x1eb: {  	v60 =	vld [tilespmem:s19+$0x15BC8];
	(erf) = vrcp.f32 v3  }
0x1ec: {  	v3 =	vld [tilespmem:s19+$0x15408];
	_ =	sdelay $0x2  }
0x1ed: {  	v2 =	vmul.u32 $0x2710, v2  }
0x1ee: {  	v4 =	vshll.u32 v59, $0x3  }
0x1ef: {  	v2 =	vadd.s32 v60, v2;
	v4 =	vadd.s32 v4, v3;
	_ =	sdelay $0x2  }
0x1f0: {  	[tilespmem:s19+$0x17338] =	vst v2;
	v2 =	vpop (erf)  }
0x1f1: {  	[tilespmem:s19+$0x16B68] =	vst v2  }
0x1f2: {  	v2 =	vld.idx.msk [tilespmem:v4+s14+$0x0], $0xffff;
	_ =	sdelay $0x4  }
0x1f3: {  	v61 =	vld [tilespmem:s19+$0x14C48];
	v2 =	vmax.f32 v2, $1.000000000e+00  }
0x1f4: {  	v62 =	vld [tilespmem:s19+$0x15BD8];
	(erf) = vrcp.f32 v2  }
0x1f5: {  	v2 =	vld [tilespmem:s19+$0x15418];
	_ =	sdelay $0x2  }
0x1f6: {  	v3 =	vmul.u32 $0x2710, v3  }
0x1f7: {  	v4 =	vshll.u32 v61, $0x3  }
0x1f8: {  	v3 =	vadd.s32 v62, v3;
	v4 =	vadd.s32 v4, v2;
	_ =	sdelay $0x2  }
0x1f9: {  	[tilespmem:s19+$0x17348] =	vst v3;
	v3 =	vpop (erf)  }
0x1fa: {  	v63 =	vld [tilespmem:s19+$0x15BE8];
	[tilespmem:s19+$0x16B78] =	vst v3  }
0x1fb: {  	v3 =	vld.idx.msk [tilespmem:v4+s14+$0x0], $0xffff;
	_ =	sdelay $0x1  }
0x1fc: {  	v2 =	vmul.u32 $0x2710, v2;
	_ =	sdelay $0x1  }
0x1fd: {  	v2 =	vadd.s32 v63, v2  }
0x1fe: {  	s20 =	simm.s32 $0x280;
	s21 =	simm.s32 $0x50;
	[tilespmem:s19+$0x17358] =	vst v2;
	v2 =	vmax.f32 v3, $1.000000000e+00  }
.LBB2_14:
0x1ff: {  	p1 =	sne.s32 s20, $0x1E00;
	v3 =	vld [tilespmem:s21+$0x14C08];
	(erf) = vrcp.f32 v2  }
0x200: {  	v2 =	vld [tilespmem:s21+$0x153D8];
	_ =	sdelay $0x3  }
0x201: {  	v4 =	vld [tilespmem:s21+$0x15BA8];
	v3 =	vshll.u32 v3, $0x3  }
0x202: {  	v3 =	vadd.s32 v3, v2;
	_ =	sdelay $0x1  }
0x203: {  	v2 =	vmul.u32 $0x2710, v2  }
0x204: {  	v5 =	vpop (erf)  }
0x205: {  	v2 =	vadd.s32 v4, v2;
	[tilespmem:s19+$0x16B88] =	vst v5;
	s19 =	smov.u32 s21  }
0x206: {  	v3 =	vld.idx.msk [tilespmem:v3+s14+$0x0], $0xffff;
	[tilespmem:s19+$0x17318] =	vst v2;
	_ =	sdelay $0x5  }
0x207: {  	v2 =	vmax.f32 v3, $1.000000000e+00  }
0x208: {  	v3 =	vld [tilespmem:s19+$0x14C18];
	(erf) = vrcp.f32 v2  }
0x209: {  	v2 =	vld [tilespmem:s19+$0x153E8];
	_ =	sdelay $0x3  }
0x20a: {  	v4 =	vld [tilespmem:s19+$0x15BB8];
	v3 =	vshll.u32 v3, $0x3  }
0x20b: {  	v3 =	vadd.s32 v3, v2;
	_ =	sdelay $0x1  }
0x20c: {  	v2 =	vmul.u32 $0x2710, v2  }
0x20d: {  	v5 =	vpop (erf)  }
0x20e: {  	[tilespmem:s19+$0x16B48] =	vst v5;
	v2 =	vadd.s32 v4, v2  }
0x20f: {  	v3 =	vld.idx.msk [tilespmem:v3+s14+$0x0], $0xffff;
	[tilespmem:s19+$0x17328] =	vst v2;
	_ =	sdelay $0x5  }
0x210: {  	v2 =	vmax.f32 v3, $1.000000000e+00  }
0x211: {  	v3 =	vld [tilespmem:s19+$0x14C28];
	(erf) = vrcp.f32 v2  }
0x212: {  	v2 =	vld [tilespmem:s19+$0x153F8];
	_ =	sdelay $0x3  }
0x213: {  	v3 =	vshll.u32 v3, $0x3  }
0x214: {  	v3 =	vadd.s32 v3, v2;
	_ =	sdelay $0x2  }
0x215: {  	v4 =	vpop (erf)  }
0x216: {  	[tilespmem:s19+$0x16B58] =	vst v4  }
0x217: {  	v3 =	vld.idx.msk [tilespmem:v3+s14+$0x0], $0xffff;
	_ =	sdelay $0x5  }
0x218: {  	v3 =	vmax.f32 v3, $1.000000000e+00  }
0x219: {  	v4 =	vld [tilespmem:s19+$0x14C38];
	(erf) = vrcp.f32 v3  }
0x21a: {  	v3 =	vld [tilespmem:s19+$0x15408];
	_ =	sdelay $0x1  }
0x21b: {  	v5 =	vld [tilespmem:s19+$0x15BC8];
	_ =	sdelay $0x1  }
0x21c: {  	v4 =	vshll.u32 v4, $0x3  }
0x21d: {  	v6 =	vmul.u32 $0x2710, v2;
	v4 =	vadd.s32 v4, v3;
	_ =	sdelay $0x1  }
0x21e: {  	v5 =	vadd.s32 v5, v6  }
0x21f: {  	[tilespmem:s19+$0x17338] =	vst v5;
	v2 =	vpop (erf)  }
0x220: {  	[tilespmem:s19+$0x16B68] =	vst v2  }
0x221: {  	v2 =	vld.idx.msk [tilespmem:v4+s14+$0x0], $0xffff;
	_ =	sdelay $0x5  }
0x222: {  	v2 =	vmax.f32 v2, $1.000000000e+00  }
0x223: {  	v4 =	vld [tilespmem:s19+$0x14C48];
	(erf) = vrcp.f32 v2  }
0x224: {  	v2 =	vld [tilespmem:s19+$0x15418];
	_ =	sdelay $0x1  }
0x225: {  	v5 =	vld [tilespmem:s19+$0x15BD8];
	_ =	sdelay $0x1  }
0x226: {  	v6 =	vld [tilespmem:s19+$0x15BE8];
	v4 =	vshll.u32 v4, $0x3  }
0x227: {  	v7 =	vmul.u32 $0x2710, v3;
	v4 =	vadd.s32 v4, v2;
	_ =	sdelay $0x1  }
0x228: {  	v2 =	vmul.u32 $0x2710, v2;
	v5 =	vadd.s32 v5, v7  }
0x229: {  	[tilespmem:s19+$0x17348] =	vst v5;
	v3 =	vpop (erf)  }
0x22a: {  	[tilespmem:s19+$0x16B78] =	vst v3;
	v2 =	vadd.s32 v6, v2  }
0x22b: {  	v3 =	vld.idx.msk [tilespmem:v4+s14+$0x0], $0xffff;
	[tilespmem:s19+$0x17358] =	vst v2;
	_ =	sdelay $0x1  }
.Ltmp6:
0x22c: {  	(pc) =	sbr.rel @p1 .LBB2_14-.Ltmp6, $2  }
0x22d: {  	_ =	sdelay $0x2  }
0x22e: {  	s21 =	sshra.s32 s20, $0x2;
	s20 =	sadd.s32 $0x140, s20;
	v2 =	vmax.f32 v3, $1.000000000e+00  }
0x22f: {  	v3 =	vld [tilespmem:s21+$0x14C08];
	(erf) = vrcp.f32 v2  }
0x230: {  	v2 =	vld [tilespmem:s21+$0x153D8];
	_ =	sdelay $0x3  }
0x231: {  	v3 =	vshll.u32 v3, $0x3  }
0x232: {  	v3 =	vadd.s32 v3, v2;
	_ =	sdelay $0x2  }
0x233: {  	v5 =	vpop (erf)  }
0x234: {  	v4 =	vld [tilespmem:s21+$0x15BA8];
	[tilespmem:s19+$0x16B88] =	vst v5  }
0x235: {  	v3 =	vld.idx.msk [tilespmem:v3+s14+$0x0], $0xffff;
	_ =	sdelay $0x1  }
0x236: {  	v2 =	vmul.u32 $0x2710, v2;
	_ =	sdelay $0x1  }
0x237: {  	v2 =	vadd.s32 v4, v2  }
0x238: {  	[tilespmem:s21+$0x17318] =	vst v2;
	v2 =	vmax.f32 v3, $1.000000000e+00  }
0x239: {  	v3 =	vld [tilespmem:s21+$0x14C18];
	(erf) = vrcp.f32 v2  }
0x23a: {  	v2 =	vld [tilespmem:s21+$0x153E8];
	_ =	sdelay $0x3  }
0x23b: {  	v3 =	vshll.u32 v3, $0x3  }
0x23c: {  	v3 =	vadd.s32 v3, v2;
	_ =	sdelay $0x2  }
0x23d: {  	v49 =	vpop (erf)  }
0x23e: {  	v48 =	vld [tilespmem:s21+$0x15BB8];
	[tilespmem:s21+$0x16B48] =	vst v49  }
0x23f: {  	v3 =	vld.idx.msk [tilespmem:v3+s14+$0x0], $0xffff;
	_ =	sdelay $0x1  }
0x240: {  	v2 =	vmul.u32 $0x2710, v2;
	_ =	sdelay $0x1  }
0x241: {  	v2 =	vadd.s32 v48, v2  }
0x242: {  	[tilespmem:s21+$0x17328] =	vst v2;
	v2 =	vmax.f32 v3, $1.000000000e+00  }
0x243: {  	v3 =	vld [tilespmem:s21+$0x14C28];
	(erf) = vrcp.f32 v2  }
0x244: {  	v2 =	vld [tilespmem:s21+$0x153F8];
	_ =	sdelay $0x3  }
0x245: {  	v3 =	vshll.u32 v3, $0x3  }
0x246: {  	v3 =	vadd.s32 v3, v2;
	_ =	sdelay $0x2  }
0x247: {  	v50 =	vpop (erf)  }
0x248: {  	[tilespmem:s21+$0x16B58] =	vst v50  }
0x249: {  	v3 =	vld.idx.msk [tilespmem:v3+s14+$0x0], $0xffff;
	_ =	sdelay $0x4  }
0x24a: {  	v51 =	vld [tilespmem:s21+$0x14C38];
	v3 =	vmax.f32 v3, $1.000000000e+00  }
0x24b: {  	v52 =	vld [tilespmem:s21+$0x15BC8];
	(erf) = vrcp.f32 v3  }
0x24c: {  	v3 =	vld [tilespmem:s21+$0x15408];
	_ =	sdelay $0x2  }
0x24d: {  	v2 =	vmul.u32 $0x2710, v2  }
0x24e: {  	v4 =	vshll.u32 v51, $0x3  }
0x24f: {  	v2 =	vadd.s32 v52, v2;
	v4 =	vadd.s32 v4, v3;
	_ =	sdelay $0x2  }
0x250: {  	[tilespmem:s21+$0x17338] =	vst v2;
	v2 =	vpop (erf)  }
0x251: {  	[tilespmem:s21+$0x16B68] =	vst v2  }
0x252: {  	v2 =	vld.idx.msk [tilespmem:v4+s14+$0x0], $0xffff;
	_ =	sdelay $0x4  }
0x253: {  	v53 =	vld [tilespmem:s21+$0x14C48];
	v2 =	vmax.f32 v2, $1.000000000e+00  }
0x254: {  	v54 =	vld [tilespmem:s21+$0x15BD8];
	(erf) = vrcp.f32 v2  }
0x255: {  	v2 =	vld [tilespmem:s21+$0x15418];
	_ =	sdelay $0x2  }
0x256: {  	v3 =	vmul.u32 $0x2710, v3  }
0x257: {  	v4 =	vshll.u32 v53, $0x3  }
0x258: {  	v3 =	vadd.s32 v54, v3;
	v4 =	vadd.s32 v4, v2;
	_ =	sdelay $0x2  }
0x259: {  	[tilespmem:s21+$0x17348] =	vst v3;
	v3 =	vpop (erf)  }
0x25a: {  	[tilespmem:s21+$0x16B78] =	vst v3  }
0x25b: {  	v3 =	vld.idx.msk [tilespmem:v4+s14+$0x0], $0xffff;
	_ =	sdelay $0x4  }
0x25c: {  	v3 =	vmax.f32 v3, $1.000000000e+00  }
0x25d: {  	(erf) = vrcp.f32 v3  }
0x25e: {  	v6 =	vld [tilespmem:s21+$0x15BE8];
	_ =	sdelay $0x2  }
0x25f: {  	v2 =	vmul.u32 $0x2710, v2;
	_ =	sdelay $0x1  }
0x260: {  	v2 =	vadd.s32 v6, v2;
	_ =	sdelay $0x2  }
0x261: {  	[tilespmem:s21+$0x17358] =	vst v2;
	v2 =	vpop (erf)  }
0x262: {  	s20 =	rddreg [dreg:$0x12];
	s19 =	simm.s32 $0x0;
	[tilespmem:s21+$0x16B88] =	vst v2  }
0x263: {  	[hbm4b:s20+s19] =	stream.linear.scatter [tilespmem:s16], [sflag:$0x1], $0x7D0, $0x38;
	[tilespmem:$0x18308] =	vst v63  }
0x264: {  	_ =	swait.ge [sflag:s10], $0x7D0  }
0x265: {  	[sflag:s10] =	ssyncset.done $0x0  }
0x266: {  	s21 =	rddreg [dreg:$0x13];
	[sflag:s10] =	ssyncadd.s32 $0xFFFFF830  }
0x267: {  	[hbm4b:s21+s19] =	stream.linear.scatter [tilespmem:s17], [sflag:$0x1], $0x7D0, $0x38;
	[tilespmem:$0x18308] =	vst v63  }
0x268: {  	_ =	swait.ge [sflag:s10], $0x7D0  }
0x269: {  	[sflag:s10] =	ssyncset.done $0x0  }
0x26a: {  	s22 =	rddreg [dreg:$0x14];
	[sflag:s10] =	ssyncadd.s32 $0xFFFFF830  }
0x26b: {  	[tilespmem:s11], [sflag:$0x1] =	stream.linear.gather [hbm4b:s22+s19], $0x7D0, $0x38;
	[tilespmem:$0x18308] =	vst v63  }
0x26c: {  	_ =	swait.ge [sflag:s10], $0x7D0  }
0x26d: {  	[sflag:s10] =	ssyncset.done $0x0  }
0x26e: {  	s23 =	rddreg [dreg:$0x15];
	[sflag:s10] =	ssyncadd.s32 $0xFFFFF830  }
0x26f: {  	[tilespmem:s12], [sflag:$0x1] =	stream.linear.gather [hbm4b:s23+s19], $0x7D0, $0x38;
	[tilespmem:$0x18308] =	vst v63  }
0x270: {  	_ =	swait.ge [sflag:s10], $0x7D0  }
0x271: {  	[sflag:s10] =	ssyncset.done $0x0  }
0x272: {  	[sflag:s10] =	ssyncadd.s32 $0xFFFFF830  }
0x273: {  	[tilespmem:s15], [sflag:$0x1] =	stream.linear.gather [hbm4b:s24+s19], $0x7D0, $0x38;
	[tilespmem:$0x18308] =	vst v63  }
0x274: {  	_ =	swait.ge [sflag:s10], $0x7D0  }
0x275: {  	[sflag:s10] =	ssyncset.done $0x0  }
0x276: {  	s19 =	simm.s32 $0x0;
	[sflag:s10] =	ssyncadd.s32 $0xFFFFF830  }
0x277: {  	v2 =	vld [tilespmem:s19+$0x14C08]  }
0x278: {  	v3 =	vld [tilespmem:s19+$0x153D8];
	_ =	sdelay $0x3  }
0x279: {  	v2 =	vshll.u32 v2, $0x3  }
0x27a: {  	v2 =	vadd.s32 v2, v3;
	_ =	sdelay $0x3  }
0x27b: {  	v55 =	vld [tilespmem:s19+$0x15BA8]  }
0x27c: {  	v2 =	vld.idx.msk [tilespmem:v2+s14+$0x0], $0xffff;
	_ =	sdelay $0x2  }
0x27d: {  	v3 =	vmul.u32 $0x2710, v3;
	_ =	sdelay $0x1  }
0x27e: {  	v3 =	vadd.s32 v55, v3;
	v2 =	vmax.f32 v2, $1.000000000e+00  }
0x27f: {  	[tilespmem:s19+$0x17318] =	vst v3;
	v3 =	vld [tilespmem:s19+$0x14C18];
	(erf) = vrcp.f32 v2  }
0x280: {  	v2 =	vld [tilespmem:s19+$0x153E8];
	_ =	sdelay $0x3  }
0x281: {  	v3 =	vshll.u32 v3, $0x3  }
0x282: {  	v3 =	vadd.s32 v3, v2;
	_ =	sdelay $0x2  }
0x283: {  	v57 =	vpop (erf)  }
0x284: {  	v56 =	vld [tilespmem:s19+$0x15BB8];
	[tilespmem:s19+$0x16B48] =	vst v57  }
0x285: {  	v3 =	vld.idx.msk [tilespmem:v3+s14+$0x0], $0xffff;
	_ =	sdelay $0x1  }
0x286: {  	v2 =	vmul.u32 $0x2710, v2;
	_ =	sdelay $0x1  }
0x287: {  	v2 =	vadd.s32 v56, v2  }
0x288: {  	[tilespmem:s19+$0x17328] =	vst v2;
	v2 =	vmax.f32 v3, $1.000000000e+00  }
0x289: {  	v3 =	vld [tilespmem:s19+$0x14C28];
	(erf) = vrcp.f32 v2  }
0x28a: {  	v2 =	vld [tilespmem:s19+$0x153F8];
	_ =	sdelay $0x3  }
0x28b: {  	v3 =	vshll.u32 v3, $0x3  }
0x28c: {  	v3 =	vadd.s32 v3, v2;
	_ =	sdelay $0x2  }
0x28d: {  	v58 =	vpop (erf)  }
0x28e: {  	[tilespmem:s19+$0x16B58] =	vst v58  }
0x28f: {  	v3 =	vld.idx.msk [tilespmem:v3+s14+$0x0], $0xffff;
	_ =	sdelay $0x4  }
0x290: {  	v59 =	vld [tilespmem:s19+$0x14C38];
	v3 =	vmax.f32 v3, $1.000000000e+00  }
0x291: {  	v60 =	vld [tilespmem:s19+$0x15BC8];
	(erf) = vrcp.f32 v3  }
0x292: {  	v3 =	vld [tilespmem:s19+$0x15408];
	_ =	sdelay $0x2  }
0x293: {  	v2 =	vmul.u32 $0x2710, v2  }
0x294: {  	v4 =	vshll.u32 v59, $0x3  }
0x295: {  	v2 =	vadd.s32 v60, v2;
	v4 =	vadd.s32 v4, v3;
	_ =	sdelay $0x2  }
0x296: {  	[tilespmem:s19+$0x17338] =	vst v2;
	v2 =	vpop (erf)  }
0x297: {  	[tilespmem:s19+$0x16B68] =	vst v2  }
0x298: {  	v2 =	vld.idx.msk [tilespmem:v4+s14+$0x0], $0xffff;
	_ =	sdelay $0x4  }
0x299: {  	v61 =	vld [tilespmem:s19+$0x14C48];
	v2 =	vmax.f32 v2, $1.000000000e+00  }
0x29a: {  	v62 =	vld [tilespmem:s19+$0x15BD8];
	(erf) = vrcp.f32 v2  }
0x29b: {  	v2 =	vld [tilespmem:s19+$0x15418];
	_ =	sdelay $0x2  }
0x29c: {  	v3 =	vmul.u32 $0x2710, v3  }
0x29d: {  	v4 =	vshll.u32 v61, $0x3  }
0x29e: {  	v3 =	vadd.s32 v62, v3;
	v4 =	vadd.s32 v4, v2;
	_ =	sdelay $0x2  }
0x29f: {  	[tilespmem:s19+$0x17348] =	vst v3;
	v3 =	vpop (erf)  }
0x2a0: {  	v63 =	vld [tilespmem:s19+$0x15BE8];
	[tilespmem:s19+$0x16B78] =	vst v3  }
0x2a1: {  	v3 =	vld.idx.msk [tilespmem:v4+s14+$0x0], $0xffff;
	_ =	sdelay $0x1  }
0x2a2: {  	v2 =	vmul.u32 $0x2710, v2;
	_ =	sdelay $0x1  }
0x2a3: {  	v2 =	vadd.s32 v63, v2  }
0x2a4: {  	s20 =	simm.s32 $0x280;
	s21 =	simm.s32 $0x50;
	[tilespmem:s19+$0x17358] =	vst v2;
	v2 =	vmax.f32 v3, $1.000000000e+00  }
.LBB2_16:
0x2a5: {  	p1 =	sne.s32 s20, $0x1E00;
	v3 =	vld [tilespmem:s21+$0x14C08];
	(erf) = vrcp.f32 v2  }
0x2a6: {  	v2 =	vld [tilespmem:s21+$0x153D8];
	_ =	sdelay $0x3  }
0x2a7: {  	v4 =	vld [tilespmem:s21+$0x15BA8];
	v3 =	vshll.u32 v3, $0x3  }
0x2a8: {  	v3 =	vadd.s32 v3, v2;
	_ =	sdelay $0x1  }
0x2a9: {  	v2 =	vmul.u32 $0x2710, v2  }
0x2aa: {  	v5 =	vpop (erf)  }
0x2ab: {  	v2 =	vadd.s32 v4, v2;
	[tilespmem:s19+$0x16B88] =	vst v5;
	s19 =	smov.u32 s21  }
0x2ac: {  	v3 =	vld.idx.msk [tilespmem:v3+s14+$0x0], $0xffff;
	[tilespmem:s19+$0x17318] =	vst v2;
	_ =	sdelay $0x5  }
0x2ad: {  	v2 =	vmax.f32 v3, $1.000000000e+00  }
0x2ae: {  	v3 =	vld [tilespmem:s19+$0x14C18];
	(erf) = vrcp.f32 v2  }
0x2af: {  	v2 =	vld [tilespmem:s19+$0x153E8];
	_ =	sdelay $0x3  }
0x2b0: {  	v4 =	vld [tilespmem:s19+$0x15BB8];
	v3 =	vshll.u32 v3, $0x3  }
0x2b1: {  	v3 =	vadd.s32 v3, v2;
	_ =	sdelay $0x1  }
0x2b2: {  	v2 =	vmul.u32 $0x2710, v2  }
0x2b3: {  	v5 =	vpop (erf)  }
0x2b4: {  	[tilespmem:s19+$0x16B48] =	vst v5;
	v2 =	vadd.s32 v4, v2  }
0x2b5: {  	v3 =	vld.idx.msk [tilespmem:v3+s14+$0x0], $0xffff;
	[tilespmem:s19+$0x17328] =	vst v2;
	_ =	sdelay $0x5  }
0x2b6: {  	v2 =	vmax.f32 v3, $1.000000000e+00  }
0x2b7: {  	v3 =	vld [tilespmem:s19+$0x14C28];
	(erf) = vrcp.f32 v2  }
0x2b8: {  	v2 =	vld [tilespmem:s19+$0x153F8];
	_ =	sdelay $0x3  }
0x2b9: {  	v3 =	vshll.u32 v3, $0x3  }
0x2ba: {  	v3 =	vadd.s32 v3, v2;
	_ =	sdelay $0x2  }
0x2bb: {  	v4 =	vpop (erf)  }
0x2bc: {  	[tilespmem:s19+$0x16B58] =	vst v4  }
0x2bd: {  	v3 =	vld.idx.msk [tilespmem:v3+s14+$0x0], $0xffff;
	_ =	sdelay $0x5  }
0x2be: {  	v3 =	vmax.f32 v3, $1.000000000e+00  }
0x2bf: {  	v4 =	vld [tilespmem:s19+$0x14C38];
	(erf) = vrcp.f32 v3  }
0x2c0: {  	v3 =	vld [tilespmem:s19+$0x15408];
	_ =	sdelay $0x1  }
0x2c1: {  	v5 =	vld [tilespmem:s19+$0x15BC8];
	_ =	sdelay $0x1  }
0x2c2: {  	v4 =	vshll.u32 v4, $0x3  }
0x2c3: {  	v6 =	vmul.u32 $0x2710, v2;
	v4 =	vadd.s32 v4, v3;
	_ =	sdelay $0x1  }
0x2c4: {  	v5 =	vadd.s32 v5, v6  }
0x2c5: {  	[tilespmem:s19+$0x17338] =	vst v5;
	v2 =	vpop (erf)  }
0x2c6: {  	[tilespmem:s19+$0x16B68] =	vst v2  }
0x2c7: {  	v2 =	vld.idx.msk [tilespmem:v4+s14+$0x0], $0xffff;
	_ =	sdelay $0x5  }
0x2c8: {  	v2 =	vmax.f32 v2, $1.000000000e+00  }
0x2c9: {  	v4 =	vld [tilespmem:s19+$0x14C48];
	(erf) = vrcp.f32 v2  }
0x2ca: {  	v2 =	vld [tilespmem:s19+$0x15418];
	_ =	sdelay $0x1  }
0x2cb: {  	v5 =	vld [tilespmem:s19+$0x15BD8];
	_ =	sdelay $0x1  }
0x2cc: {  	v6 =	vld [tilespmem:s19+$0x15BE8];
	v4 =	vshll.u32 v4, $0x3  }
0x2cd: {  	v7 =	vmul.u32 $0x2710, v3;
	v4 =	vadd.s32 v4, v2;
	_ =	sdelay $0x1  }
0x2ce: {  	v2 =	vmul.u32 $0x2710, v2;
	v5 =	vadd.s32 v5, v7  }
0x2cf: {  	[tilespmem:s19+$0x17348] =	vst v5;
	v3 =	vpop (erf)  }
0x2d0: {  	[tilespmem:s19+$0x16B78] =	vst v3;
	v2 =	vadd.s32 v6, v2  }
0x2d1: {  	v3 =	vld.idx.msk [tilespmem:v4+s14+$0x0], $0xffff;
	[tilespmem:s19+$0x17358] =	vst v2;
	_ =	sdelay $0x1  }
.Ltmp7:
0x2d2: {  	(pc) =	sbr.rel @p1 .LBB2_16-.Ltmp7, $2  }
0x2d3: {  	_ =	sdelay $0x2  }
0x2d4: {  	s21 =	sshra.s32 s20, $0x2;
	s20 =	sadd.s32 $0x140, s20;
	v2 =	vmax.f32 v3, $1.000000000e+00  }
0x2d5: {  	v3 =	vld [tilespmem:s21+$0x14C08];
	(erf) = vrcp.f32 v2  }
0x2d6: {  	v2 =	vld [tilespmem:s21+$0x153D8];
	_ =	sdelay $0x3  }
0x2d7: {  	v3 =	vshll.u32 v3, $0x3  }
0x2d8: {  	v3 =	vadd.s32 v3, v2;
	_ =	sdelay $0x2  }
0x2d9: {  	v5 =	vpop (erf)  }
0x2da: {  	v4 =	vld [tilespmem:s21+$0x15BA8];
	[tilespmem:s19+$0x16B88] =	vst v5  }
0x2db: {  	v3 =	vld.idx.msk [tilespmem:v3+s14+$0x0], $0xffff;
	_ =	sdelay $0x1  }
0x2dc: {  	v2 =	vmul.u32 $0x2710, v2;
	_ =	sdelay $0x1  }
0x2dd: {  	v2 =	vadd.s32 v4, v2  }
0x2de: {  	[tilespmem:s21+$0x17318] =	vst v2;
	v2 =	vmax.f32 v3, $1.000000000e+00  }
0x2df: {  	v3 =	vld [tilespmem:s21+$0x14C18];
	(erf) = vrcp.f32 v2  }
0x2e0: {  	v2 =	vld [tilespmem:s21+$0x153E8];
	_ =	sdelay $0x3  }
0x2e1: {  	v3 =	vshll.u32 v3, $0x3  }
0x2e2: {  	v3 =	vadd.s32 v3, v2;
	_ =	sdelay $0x2  }
0x2e3: {  	v49 =	vpop (erf)  }
0x2e4: {  	v48 =	vld [tilespmem:s21+$0x15BB8];
	[tilespmem:s21+$0x16B48] =	vst v49  }
0x2e5: {  	v3 =	vld.idx.msk [tilespmem:v3+s14+$0x0], $0xffff;
	_ =	sdelay $0x1  }
0x2e6: {  	v2 =	vmul.u32 $0x2710, v2;
	_ =	sdelay $0x1  }
0x2e7: {  	v2 =	vadd.s32 v48, v2  }
0x2e8: {  	[tilespmem:s21+$0x17328] =	vst v2;
	v2 =	vmax.f32 v3, $1.000000000e+00  }
0x2e9: {  	v3 =	vld [tilespmem:s21+$0x14C28];
	(erf) = vrcp.f32 v2  }
0x2ea: {  	v2 =	vld [tilespmem:s21+$0x153F8];
	_ =	sdelay $0x3  }
0x2eb: {  	v3 =	vshll.u32 v3, $0x3  }
0x2ec: {  	v3 =	vadd.s32 v3, v2;
	_ =	sdelay $0x2  }
0x2ed: {  	v50 =	vpop (erf)  }
0x2ee: {  	[tilespmem:s21+$0x16B58] =	vst v50  }
0x2ef: {  	v3 =	vld.idx.msk [tilespmem:v3+s14+$0x0], $0xffff;
	_ =	sdelay $0x4  }
0x2f0: {  	v51 =	vld [tilespmem:s21+$0x14C38];
	v3 =	vmax.f32 v3, $1.000000000e+00  }
0x2f1: {  	v52 =	vld [tilespmem:s21+$0x15BC8];
	(erf) = vrcp.f32 v3  }
0x2f2: {  	v3 =	vld [tilespmem:s21+$0x15408];
	_ =	sdelay $0x2  }
0x2f3: {  	v2 =	vmul.u32 $0x2710, v2  }
0x2f4: {  	v4 =	vshll.u32 v51, $0x3  }
0x2f5: {  	v2 =	vadd.s32 v52, v2;
	v4 =	vadd.s32 v4, v3;
	_ =	sdelay $0x2  }
0x2f6: {  	[tilespmem:s21+$0x17338] =	vst v2;
	v2 =	vpop (erf)  }
0x2f7: {  	[tilespmem:s21+$0x16B68] =	vst v2  }
0x2f8: {  	v2 =	vld.idx.msk [tilespmem:v4+s14+$0x0], $0xffff;
	_ =	sdelay $0x4  }
0x2f9: {  	v53 =	vld [tilespmem:s21+$0x14C48];
	v2 =	vmax.f32 v2, $1.000000000e+00  }
0x2fa: {  	v54 =	vld [tilespmem:s21+$0x15BD8];
	(erf) = vrcp.f32 v2  }
0x2fb: {  	v2 =	vld [tilespmem:s21+$0x15418];
	_ =	sdelay $0x2  }
0x2fc: {  	v3 =	vmul.u32 $0x2710, v3  }
0x2fd: {  	v4 =	vshll.u32 v53, $0x3  }
0x2fe: {  	v3 =	vadd.s32 v54, v3;
	v4 =	vadd.s32 v4, v2;
	_ =	sdelay $0x2  }
0x2ff: {  	[tilespmem:s21+$0x17348] =	vst v3;
	v3 =	vpop (erf)  }
0x300: {  	[tilespmem:s21+$0x16B78] =	vst v3  }
0x301: {  	v3 =	vld.idx.msk [tilespmem:v4+s14+$0x0], $0xffff;
	_ =	sdelay $0x4  }
0x302: {  	v3 =	vmax.f32 v3, $1.000000000e+00  }
0x303: {  	(erf) = vrcp.f32 v3  }
0x304: {  	v6 =	vld [tilespmem:s21+$0x15BE8];
	_ =	sdelay $0x2  }
0x305: {  	v2 =	vmul.u32 $0x2710, v2;
	_ =	sdelay $0x1  }
0x306: {  	v2 =	vadd.s32 v6, v2;
	_ =	sdelay $0x2  }
0x307: {  	[tilespmem:s21+$0x17358] =	vst v2;
	v2 =	vpop (erf)  }
0x308: {  	s23 =	simm.s32 $0x0;
	[tilespmem:s21+$0x16B88] =	vst v2  }
0x309: {  	[hbm4b:s25+s23] =	stream.linear.scatter [tilespmem:s16], [sflag:$0x1], $0x7D0, $0x38;
	[tilespmem:$0x18308] =	vst v63  }
0x30a: {  	_ =	swait.ge [sflag:s10], $0x7D0  }
0x30b: {  	[sflag:s10] =	ssyncset.done $0x0  }
0x30c: {  	[sflag:s10] =	ssyncadd.s32 $0xFFFFF830  }
0x30d: {  	[hbm4b:s26+s23] =	stream.linear.scatter [tilespmem:s17], [sflag:$0x1], $0x7D0, $0x38;
	[tilespmem:$0x18308] =	vst v63  }
0x30e: {  	_ =	swait.ge [sflag:s10], $0x7D0  }
0x30f: {  	[sflag:s10] =	ssyncset.done $0x0  }
0x310: {  	[sflag:s10] =	ssyncadd.s32 $0xFFFFF830  }
0x311: {  	[tilespmem:s11], [sflag:$0x1] =	stream.linear.gather [hbm4b:s31+s23], $0x7D0, $0x38;
	[tilespmem:$0x18308] =	vst v63  }
0x312: {  	_ =	swait.ge [sflag:s10], $0x7D0  }
0x313: {  	[sflag:s10] =	ssyncset.done $0x0  }
0x314: {  	[sflag:s10] =	ssyncadd.s32 $0xFFFFF830  }
0x315: {  	[tilespmem:s12], [sflag:$0x1] =	stream.linear.gather [hbm4b:s0+s23], $0x7D0, $0x38;
	[tilespmem:$0x18308] =	vst v63  }
0x316: {  	_ =	swait.ge [sflag:s10], $0x7D0  }
0x317: {  	[sflag:s10] =	ssyncset.done $0x0  }
0x318: {  	[sflag:s10] =	ssyncadd.s32 $0xFFFFF830  }
0x319: {  	[tilespmem:s15], [sflag:$0x1] =	stream.linear.gather [hbm4b:s28+s23], $0x7D0, $0x38;
	[tilespmem:$0x18308] =	vst v63  }
0x31a: {  	_ =	swait.ge [sflag:s10], $0x7D0  }
0x31b: {  	[sflag:s10] =	ssyncset.done $0x0  }
0x31c: {  	s19 =	simm.s32 $0x0;
	[sflag:s10] =	ssyncadd.s32 $0xFFFFF830  }
0x31d: {  	v2 =	vld [tilespmem:s19+$0x14C08]  }
0x31e: {  	v3 =	vld [tilespmem:s19+$0x153D8];
	_ =	sdelay $0x3  }
0x31f: {  	v2 =	vshll.u32 v2, $0x3  }
0x320: {  	v2 =	vadd.s32 v2, v3;
	_ =	sdelay $0x3  }
0x321: {  	v55 =	vld [tilespmem:s19+$0x15BA8]  }
0x322: {  	v2 =	vld.idx.msk [tilespmem:v2+s14+$0x0], $0xffff;
	_ =	sdelay $0x2  }
0x323: {  	v3 =	vmul.u32 $0x2710, v3;
	_ =	sdelay $0x1  }
0x324: {  	v3 =	vadd.s32 v55, v3;
	v2 =	vmax.f32 v2, $1.000000000e+00  }
0x325: {  	[tilespmem:s19+$0x17318] =	vst v3;
	v3 =	vld [tilespmem:s19+$0x14C18];
	(erf) = vrcp.f32 v2  }
0x326: {  	v2 =	vld [tilespmem:s19+$0x153E8];
	_ =	sdelay $0x3  }
0x327: {  	v3 =	vshll.u32 v3, $0x3  }
0x328: {  	v3 =	vadd.s32 v3, v2;
	_ =	sdelay $0x2  }
0x329: {  	v57 =	vpop (erf)  }
0x32a: {  	v56 =	vld [tilespmem:s19+$0x15BB8];
	[tilespmem:s19+$0x16B48] =	vst v57  }
0x32b: {  	v3 =	vld.idx.msk [tilespmem:v3+s14+$0x0], $0xffff;
	_ =	sdelay $0x1  }
0x32c: {  	v2 =	vmul.u32 $0x2710, v2;
	_ =	sdelay $0x1  }
0x32d: {  	v2 =	vadd.s32 v56, v2  }
0x32e: {  	[tilespmem:s19+$0x17328] =	vst v2;
	v2 =	vmax.f32 v3, $1.000000000e+00  }
0x32f: {  	v3 =	vld [tilespmem:s19+$0x14C28];
	(erf) = vrcp.f32 v2  }
0x330: {  	v2 =	vld [tilespmem:s19+$0x153F8];
	_ =	sdelay $0x3  }
0x331: {  	v3 =	vshll.u32 v3, $0x3  }
0x332: {  	v3 =	vadd.s32 v3, v2;
	_ =	sdelay $0x2  }
0x333: {  	v58 =	vpop (erf)  }
0x334: {  	[tilespmem:s19+$0x16B58] =	vst v58  }
0x335: {  	v3 =	vld.idx.msk [tilespmem:v3+s14+$0x0], $0xffff;
	_ =	sdelay $0x4  }
0x336: {  	v59 =	vld [tilespmem:s19+$0x14C38];
	v3 =	vmax.f32 v3, $1.000000000e+00  }
0x337: {  	v60 =	vld [tilespmem:s19+$0x15BC8];
	(erf) = vrcp.f32 v3  }
0x338: {  	v3 =	vld [tilespmem:s19+$0x15408];
	_ =	sdelay $0x2  }
0x339: {  	v2 =	vmul.u32 $0x2710, v2  }
0x33a: {  	v4 =	vshll.u32 v59, $0x3  }
0x33b: {  	v2 =	vadd.s32 v60, v2;
	v4 =	vadd.s32 v4, v3;
	_ =	sdelay $0x2  }
0x33c: {  	[tilespmem:s19+$0x17338] =	vst v2;
	v2 =	vpop (erf)  }
0x33d: {  	[tilespmem:s19+$0x16B68] =	vst v2  }
0x33e: {  	v2 =	vld.idx.msk [tilespmem:v4+s14+$0x0], $0xffff;
	_ =	sdelay $0x4  }
0x33f: {  	v61 =	vld [tilespmem:s19+$0x14C48];
	v2 =	vmax.f32 v2, $1.000000000e+00  }
0x340: {  	v62 =	vld [tilespmem:s19+$0x15BD8];
	(erf) = vrcp.f32 v2  }
0x341: {  	v2 =	vld [tilespmem:s19+$0x15418];
	_ =	sdelay $0x2  }
0x342: {  	v3 =	vmul.u32 $0x2710, v3  }
0x343: {  	v4 =	vshll.u32 v61, $0x3  }
0x344: {  	v3 =	vadd.s32 v62, v3;
	v4 =	vadd.s32 v4, v2;
	_ =	sdelay $0x2  }
0x345: {  	[tilespmem:s19+$0x17348] =	vst v3;
	v3 =	vpop (erf)  }
0x346: {  	v63 =	vld [tilespmem:s19+$0x15BE8];
	[tilespmem:s19+$0x16B78] =	vst v3  }
0x347: {  	v3 =	vld.idx.msk [tilespmem:v4+s14+$0x0], $0xffff;
	_ =	sdelay $0x1  }
0x348: {  	v2 =	vmul.u32 $0x2710, v2;
	_ =	sdelay $0x1  }
0x349: {  	v2 =	vadd.s32 v63, v2  }
0x34a: {  	s20 =	simm.s32 $0x280;
	s21 =	simm.s32 $0x50;
	[tilespmem:s19+$0x17358] =	vst v2;
	v2 =	vmax.f32 v3, $1.000000000e+00  }
.LBB2_18:
0x34b: {  	p1 =	sne.s32 s20, $0x1E00;
	v3 =	vld [tilespmem:s21+$0x14C08];
	(erf) = vrcp.f32 v2  }
0x34c: {  	v2 =	vld [tilespmem:s21+$0x153D8];
	_ =	sdelay $0x3  }
0x34d: {  	v4 =	vld [tilespmem:s21+$0x15BA8];
	v3 =	vshll.u32 v3, $0x3  }
0x34e: {  	v3 =	vadd.s32 v3, v2;
	_ =	sdelay $0x1  }
0x34f: {  	v2 =	vmul.u32 $0x2710, v2  }
0x350: {  	v5 =	vpop (erf)  }
0x351: {  	v2 =	vadd.s32 v4, v2;
	[tilespmem:s19+$0x16B88] =	vst v5;
	s19 =	smov.u32 s21  }
0x352: {  	v3 =	vld.idx.msk [tilespmem:v3+s14+$0x0], $0xffff;
	[tilespmem:s19+$0x17318] =	vst v2;
	_ =	sdelay $0x5  }
0x353: {  	v2 =	vmax.f32 v3, $1.000000000e+00  }
0x354: {  	v3 =	vld [tilespmem:s19+$0x14C18];
	(erf) = vrcp.f32 v2  }
0x355: {  	v2 =	vld [tilespmem:s19+$0x153E8];
	_ =	sdelay $0x3  }
0x356: {  	v4 =	vld [tilespmem:s19+$0x15BB8];
	v3 =	vshll.u32 v3, $0x3  }
0x357: {  	v3 =	vadd.s32 v3, v2;
	_ =	sdelay $0x1  }
0x358: {  	v2 =	vmul.u32 $0x2710, v2  }
0x359: {  	v5 =	vpop (erf)  }
0x35a: {  	[tilespmem:s19+$0x16B48] =	vst v5;
	v2 =	vadd.s32 v4, v2  }
0x35b: {  	v3 =	vld.idx.msk [tilespmem:v3+s14+$0x0], $0xffff;
	[tilespmem:s19+$0x17328] =	vst v2;
	_ =	sdelay $0x5  }
0x35c: {  	v2 =	vmax.f32 v3, $1.000000000e+00  }
0x35d: {  	v3 =	vld [tilespmem:s19+$0x14C28];
	(erf) = vrcp.f32 v2  }
0x35e: {  	v2 =	vld [tilespmem:s19+$0x153F8];
	_ =	sdelay $0x3  }
0x35f: {  	v3 =	vshll.u32 v3, $0x3  }
0x360: {  	v3 =	vadd.s32 v3, v2;
	_ =	sdelay $0x2  }
0x361: {  	v4 =	vpop (erf)  }
0x362: {  	[tilespmem:s19+$0x16B58] =	vst v4  }
0x363: {  	v3 =	vld.idx.msk [tilespmem:v3+s14+$0x0], $0xffff;
	_ =	sdelay $0x5  }
0x364: {  	v3 =	vmax.f32 v3, $1.000000000e+00  }
0x365: {  	v4 =	vld [tilespmem:s19+$0x14C38];
	(erf) = vrcp.f32 v3  }
0x366: {  	v3 =	vld [tilespmem:s19+$0x15408];
	_ =	sdelay $0x1  }
0x367: {  	v5 =	vld [tilespmem:s19+$0x15BC8];
	_ =	sdelay $0x1  }
0x368: {  	v4 =	vshll.u32 v4, $0x3  }
0x369: {  	v6 =	vmul.u32 $0x2710, v2;
	v4 =	vadd.s32 v4, v3;
	_ =	sdelay $0x1  }
0x36a: {  	v5 =	vadd.s32 v5, v6  }
0x36b: {  	[tilespmem:s19+$0x17338] =	vst v5;
	v2 =	vpop (erf)  }
0x36c: {  	[tilespmem:s19+$0x16B68] =	vst v2  }
0x36d: {  	v2 =	vld.idx.msk [tilespmem:v4+s14+$0x0], $0xffff;
	_ =	sdelay $0x5  }
0x36e: {  	v2 =	vmax.f32 v2, $1.000000000e+00  }
0x36f: {  	v4 =	vld [tilespmem:s19+$0x14C48];
	(erf) = vrcp.f32 v2  }
0x370: {  	v2 =	vld [tilespmem:s19+$0x15418];
	_ =	sdelay $0x1  }
0x371: {  	v5 =	vld [tilespmem:s19+$0x15BD8];
	_ =	sdelay $0x1  }
0x372: {  	v6 =	vld [tilespmem:s19+$0x15BE8];
	v4 =	vshll.u32 v4, $0x3  }
0x373: {  	v7 =	vmul.u32 $0x2710, v3;
	v4 =	vadd.s32 v4, v2;
	_ =	sdelay $0x1  }
0x374: {  	v2 =	vmul.u32 $0x2710, v2;
	v5 =	vadd.s32 v5, v7  }
0x375: {  	[tilespmem:s19+$0x17348] =	vst v5;
	v3 =	vpop (erf)  }
0x376: {  	[tilespmem:s19+$0x16B78] =	vst v3;
	v2 =	vadd.s32 v6, v2  }
0x377: {  	v3 =	vld.idx.msk [tilespmem:v4+s14+$0x0], $0xffff;
	[tilespmem:s19+$0x17358] =	vst v2;
	_ =	sdelay $0x1  }
.Ltmp8:
0x378: {  	(pc) =	sbr.rel @p1 .LBB2_18-.Ltmp8, $2  }
0x379: {  	_ =	sdelay $0x2  }
0x37a: {  	s21 =	sshra.s32 s20, $0x2;
	s20 =	sadd.s32 $0x140, s20;
	v2 =	vmax.f32 v3, $1.000000000e+00  }
0x37b: {  	v3 =	vld [tilespmem:s21+$0x14C08];
	(erf) = vrcp.f32 v2  }
0x37c: {  	v2 =	vld [tilespmem:s21+$0x153D8];
	_ =	sdelay $0x3  }
0x37d: {  	v3 =	vshll.u32 v3, $0x3  }
0x37e: {  	v3 =	vadd.s32 v3, v2;
	_ =	sdelay $0x2  }
0x37f: {  	v5 =	vpop (erf)  }
0x380: {  	v4 =	vld [tilespmem:s21+$0x15BA8];
	[tilespmem:s19+$0x16B88] =	vst v5  }
0x381: {  	v3 =	vld.idx.msk [tilespmem:v3+s14+$0x0], $0xffff;
	_ =	sdelay $0x1  }
0x382: {  	v2 =	vmul.u32 $0x2710, v2;
	_ =	sdelay $0x1  }
0x383: {  	v2 =	vadd.s32 v4, v2  }
0x384: {  	[tilespmem:s21+$0x17318] =	vst v2;
	v2 =	vmax.f32 v3, $1.000000000e+00  }
0x385: {  	v3 =	vld [tilespmem:s21+$0x14C18];
	(erf) = vrcp.f32 v2  }
0x386: {  	v2 =	vld [tilespmem:s21+$0x153E8];
	_ =	sdelay $0x3  }
0x387: {  	v3 =	vshll.u32 v3, $0x3  }
0x388: {  	v3 =	vadd.s32 v3, v2;
	_ =	sdelay $0x2  }
0x389: {  	v58 =	vpop (erf)  }
0x38a: {  	v57 =	vld [tilespmem:s21+$0x15BB8];
	[tilespmem:s21+$0x16B48] =	vst v58  }
0x38b: {  	v3 =	vld.idx.msk [tilespmem:v3+s14+$0x0], $0xffff;
	_ =	sdelay $0x1  }
0x38c: {  	v2 =	vmul.u32 $0x2710, v2;
	_ =	sdelay $0x1  }
0x38d: {  	v2 =	vadd.s32 v57, v2  }
0x38e: {  	[tilespmem:s21+$0x17328] =	vst v2;
	v2 =	vmax.f32 v3, $1.000000000e+00  }
0x38f: {  	v3 =	vld [tilespmem:s21+$0x14C28];
	(erf) = vrcp.f32 v2  }
0x390: {  	v2 =	vld [tilespmem:s21+$0x153F8];
	_ =	sdelay $0x3  }
0x391: {  	v3 =	vshll.u32 v3, $0x3  }
0x392: {  	v3 =	vadd.s32 v3, v2;
	_ =	sdelay $0x2  }
0x393: {  	v59 =	vpop (erf)  }
0x394: {  	[tilespmem:s21+$0x16B58] =	vst v59  }
0x395: {  	v3 =	vld.idx.msk [tilespmem:v3+s14+$0x0], $0xffff;
	_ =	sdelay $0x4  }
0x396: {  	v60 =	vld [tilespmem:s21+$0x14C38];
	v3 =	vmax.f32 v3, $1.000000000e+00  }
0x397: {  	v61 =	vld [tilespmem:s21+$0x15BC8];
	(erf) = vrcp.f32 v3  }
0x398: {  	v3 =	vld [tilespmem:s21+$0x15408];
	_ =	sdelay $0x2  }
0x399: {  	v2 =	vmul.u32 $0x2710, v2  }
0x39a: {  	v4 =	vshll.u32 v60, $0x3  }
0x39b: {  	v2 =	vadd.s32 v61, v2;
	v4 =	vadd.s32 v4, v3;
	_ =	sdelay $0x2  }
0x39c: {  	[tilespmem:s21+$0x17338] =	vst v2;
	v2 =	vpop (erf)  }
0x39d: {  	[tilespmem:s21+$0x16B68] =	vst v2  }
0x39e: {  	v2 =	vld.idx.msk [tilespmem:v4+s14+$0x0], $0xffff;
	_ =	sdelay $0x4  }
0x39f: {  	v62 =	vld [tilespmem:s21+$0x14C48];
	v2 =	vmax.f32 v2, $1.000000000e+00  }
0x3a0: {  	v63 =	vld [tilespmem:s21+$0x15BD8];
	(erf) = vrcp.f32 v2  }
0x3a1: {  	v2 =	vld [tilespmem:s21+$0x15418];
	_ =	sdelay $0x2  }
0x3a2: {  	v3 =	vmul.u32 $0x2710, v3  }
0x3a3: {  	v4 =	vshll.u32 v62, $0x3  }
0x3a4: {  	v3 =	vadd.s32 v63, v3;
	v4 =	vadd.s32 v4, v2;
	_ =	sdelay $0x2  }
0x3a5: {  	[tilespmem:s21+$0x17348] =	vst v3;
	v3 =	vpop (erf)  }
0x3a6: {  	[tilespmem:s21+$0x16B78] =	vst v3  }
0x3a7: {  	v3 =	vld.idx.msk [tilespmem:v4+s14+$0x0], $0xffff;
	_ =	sdelay $0x4  }
0x3a8: {  	v3 =	vmax.f32 v3, $1.000000000e+00  }
0x3a9: {  	(erf) = vrcp.f32 v3  }
0x3aa: {  	v6 =	vld [tilespmem:s21+$0x15BE8];
	_ =	sdelay $0x2  }
0x3ab: {  	v2 =	vmul.u32 $0x2710, v2;
	_ =	sdelay $0x1  }
0x3ac: {  	v2 =	vadd.s32 v6, v2;
	_ =	sdelay $0x2  }
0x3ad: {  	[tilespmem:s21+$0x17358] =	vst v2;
	v2 =	vpop (erf)  }
0x3ae: {  	s23 =	simm.s32 $0x0;
	[tilespmem:s21+$0x16B88] =	vst v2  }
0x3af: {  	[hbm4b:s29+s23] =	stream.linear.scatter [tilespmem:s16], [sflag:$0x1], $0x7D0, $0x38;
	[tilespmem:$0x18308] =	vst v63  }
0x3b0: {  	s18 =	sadd.s32 $0x1, s18;
	_ =	swait.ge [sflag:s10], $0x7D0  }
0x3b1: {  	p1 =	sne.s32 s18, s5;
	[sflag:s10] =	ssyncset.done $0x0  }
.Ltmp9:
0x3b2: {  	[sflag:s10] =	ssyncadd.s32 $0xFFFFF830;
	(pc) =	sbr.rel @p1 .LBB2_1-.Ltmp9, $4  }
0x3b3: {  	[hbm4b:s30+s23] =	stream.linear.scatter [tilespmem:s17], [sflag:$0x1], $0x7D0, $0x38;
	[tilespmem:$0x18308] =	vst v63  }
0x3b4: {  	_ =	swait.ge [sflag:s10], $0x7D0  }
0x3b5: {  	[sflag:s10] =	ssyncset.done $0x0  }
0x3b6: {  	[sflag:s10] =	ssyncadd.s32 $0xFFFFF830  }
0x3b7: {  	_ =	sfence.sel $0x180000  }
0x3b8: {  	[bflag:$0x0] =	sbarrier.arrive $0xFFFF  }
0x3b9: {  	_ =	strace $0x90000047  }
0x3ba: {  	s0 =	stileid.u32;
	[bflag:$0x2] =	sbarrier.arrive $0xFFFF  }
0x3bb: {  	p0 =	sne.s32 s0, $0x0;
	s0 =	rddreg [dreg:$0x4]  }
0x3bc: {  	s0 =	sadd.s32 @!p0 $0x100000, s0  }
0x3bd: {  	[sflag:s0] =	ssyncadd.tile.s32 @!p0 $0x1;
	_ =	shalt  }
.Lfunc_end2:
_tile_overlayer_lowered:
.L_overlay_start_2:
0x3be: {  	(tag) =	ssettag $0x2  }
0x3bf: {  	s0 =	rddreg [dreg:$0x0];
	s2 =	stileid.u32  }
0x3c0: {  	s1 =	rddreg [dreg:$0x1];
	p0 =	sne.s32 s2, $0x0  }
0x3c1: {  	s3 =	rddreg [dreg:$0x2];
	[bflag:$0x3] =	sbarrier.arrive $0xFFFF;
	s2 =	simm.s32 @!p0 $0x1C01  }
0x3c2: {  	[timem:s3], [sflag:s2] =	dma.local @!p0 [hbm:s0], s1  }
0x3c3: {  	s0 =	simm.s32 @!p0 $0x1  }
0x3c4: {  	_ =	swait.ge @!p0 [sflag:s0], s1  }
0x3c5: {  	s1 =	ssub.s32 @!p0 $0x0, s1;
	[sflag:s0] =	ssyncset.done @!p0 $0x0  }
0x3c6: {  	[sflag:s0] =	ssyncadd.s32 @!p0 s1  }
0x3c7: {  	[bflag:$0x3] =	sbarrier.arrive $0xFFFF  }
0x3c8: {  	_ =	shalt  }

// kernel: kernel.14.cloned.1.call-start
scs
__scs_entry_jumppad:
0x0: {  	(pc) =	sbr.rel $0x88, $3  }
0x1: {  	(tag) =	ssettag $0x0;
	lr =	simm.s32 $0x1  }
0x2: {  	[smem:$0x3F94] =	sst lr;
	_ =	strace $0xD0000000  }
0x3: {  	_ = 	snop  }
0x4: {  	_ = 	snop  }
0x5: {  	_ = 	snop  }
0x6: {  	_ = 	snop  }
0x7: {  	_ = 	snop  }
__scs_overlays_trampoline_lowered:
0x8: {  	[smem:$0x3FA3] =	sst s0  }
0x9: {  	[smem:$0x3FA4] =	sst s1  }
0xa: {  	[smem:$0x3FA5] =	sst s2  }
0xb: {  	[smem:$0x3FA6] =	sst s3  }
0xc: {  	[smem:$0x3FA7] =	sst s4  }
0xd: {  	[smem:$0x3FA8] =	sst s5  }
0xe: {  	[smem:$0x3FA9] =	sst s6  }
0xf: {  	[smem:$0x3FAA] =	sst s7  }
0x10: {  	[smem:$0x3FAB] =	sst s8  }
0x11: {  	[smem:$0x3FAC] =	sst s9;
	s0 =	simm.s32 @!p0 $0x0  }
0x12: {  	s1 =	sld [smem:$0x3F92];
	s0 =	simm.s32 @p0 $0x1  }
0x13: {  	[smem:$0x3FAD] =	sst s0;
	s0 =	simm.s32 @!p1 $0x0  }
0x14: {  	s2 =	sld [smem:$0x3F91];
	s0 =	simm.s32 @p1 $0x1  }
0x15: {  	[smem:$0x3FAE] =	sst s0;
	s0 =	simm.s32 @!p2 $0x0  }
0x16: {  	s3 =	sld [smem:$0x3FDB];
	s0 =	simm.s32 @p2 $0x1  }
0x17: {  	s4 =	simm.s32 $0x1BF5;
	[smem:$0x3FB0] =	sst s0  }
0x18: {  	s0 =	sld [smem:$0x3F93];
	_ =	swait.ge [sflag:s4], $0x0  }
0x19: {  	s7 =	sld [smem:$0x3F94]  }
0x1a: {  	s8 =	sadd.s32 $0xFFFFE003, lr  }
0x1b: {  	s9 =	sadd.s32 $0xFFFFFEF7, lr;
	s5 =	simm.s32 $0xFFFFFFFF;
	p2 =	slt.u32 s8, $0xFFFFF086  }
0x1c: {  	p1 =	slt.u32 s9, $0xF7A;
	s5 =	simm.s32 @!p2 $0x0  }
0x1d: {  	s5 =	simm.s32 @p1 $0x1;
	p0 =	seq.s32 s7, s2  }
0x1e: {  	s7 =	smul.u32 @!p0 $0xF7A, s2;
	p2 =	seq.s32 @!p0 s5, $0x0  }
0x1f: {  	s9 =	smul.u32 $0xF7A, s1;
	s8 =	simm.s32 @!p0 $0x1BF5;
	p2 =	por !p2, p0  }
0x20: {  	[sflag:s8] =	ssyncset.s32 @!p0 $0xFFFFF086;
	s6 =	sadd.s32 @!p0 s3, s7;
	s7 =	simm.s32 @!p0 $0x108  }
0x21: {  	s3 =	sadd.s32 s3, s9;
	s6 =	sadd.s32 @!p0 $0x88, s6;
	s7 =	simm.s32 @p2 $0x1082  }
0x22: {  	[simem:s7], [sflag:s8] =	dma.local @!p0 [hbm:s6], $0xF7A  }
0x23: {  	s9 =	sor.u32 $0xD0000000, s2;
	s6 =	simm.s32 $0x108;
	_ =	swait.ge @!p0 [sflag:s8], $0x0  }
0x24: {  	s3 =	sadd.s32 $0x88, s3;
	s6 =	simm.s32 @!p1 $0x1082;
	[sflag:s4] =	ssyncset.s32 $0xFFFFF086  }
0x25: {  	[simem:s6], [sflag:s4] =	dma.local [hbm:s3], $0xF7A  }
0x26: {  	[smem:$0x3F94] =	sst s1;
	(tag) =	ssettag s2;
	_ =	strace s9  }
0x27: {  	s1 =	sld [smem:$0x3FA4]  }
0x28: {  	s2 =	sld [smem:$0x3FA5]  }
0x29: {  	s4 =	sld [smem:$0x3FA7]  }
0x2a: {  	p0 =	seq.s32 s5, $0x0;
	s5 =	sld [smem:$0x3FA8]  }
0x2b: {  	s6 =	sld [smem:$0x3FA9]  }
0x2c: {  	s7 =	sld [smem:$0x3FAA]  }
0x2d: {  	s3 =	simm.s32 $0x108;
	s8 =	sld [smem:$0x3FAB]  }
0x2e: {  	s3 =	simm.s32 @!p0 $0x1082;
	s9 =	sld [smem:$0x3FAC]  }
0x2f: {  	lr =	sadd.s32 s0, s3;
	s0 =	sld [smem:$0x3FA3]  }
0x30: {  	s3 =	sld [smem:$0x3FA6]  }
0x31: {  	[smem:$0x3FAF] =	sst s10  }
0x32: {  	s10 =	sld [smem:$0x3FAD];
	_ =	sdelay $0x3  }
0x33: {  	p0 =	seq.s32 s10, $0x1;
	s10 =	sld [smem:$0x3FAF];
	_ =	sdelay $0x3  }
0x34: {  	[smem:$0x3FAF] =	sst s10  }
0x35: {  	s10 =	sld [smem:$0x3FAE];
	_ =	sdelay $0x3  }
0x36: {  	p1 =	seq.s32 s10, $0x1;
	s10 =	sld [smem:$0x3FAF];
	_ =	sdelay $0x3  }
0x37: {  	[smem:$0x3FAF] =	sst s10  }
0x38: {  	s10 =	sld [smem:$0x3FB0]  }
0x39: {  	_ = 	snop;
	(pc) =	sbr.ind lr, $3  }
0x3a: {  	_ = 	snop  }
0x3b: {  	_ = 	snop  }
0x3c: {  	p2 =	seq.s32 s10, $0x1;
	s10 =	sld [smem:$0x3FAF]  }
0x3d: {  	_ =	shalt  }
0x3e: {  	_ =	shalt  }
0x3f: {  	_ =	shalt  }
0x40: {  	_ =	shalt  }
0x41: {  	_ =	shalt  }
0x42: {  	_ =	shalt  }
0x43: {  	_ =	shalt  }
0x44: {  	_ =	shalt  }
0x45: {  	_ =	shalt  }
0x46: {  	_ =	shalt  }
0x47: {  	_ =	shalt  }
0x48: {  	_ =	shalt  }
0x49: {  	_ =	shalt  }
0x4a: {  	_ =	shalt  }
0x4b: {  	_ =	shalt  }
0x4c: {  	_ =	shalt  }
0x4d: {  	_ =	shalt  }
0x4e: {  	_ =	shalt  }
0x4f: {  	_ =	shalt  }
0x50: {  	_ =	shalt  }
0x51: {  	_ =	shalt  }
0x52: {  	_ =	shalt  }
0x53: {  	_ =	shalt  }
0x54: {  	_ =	shalt  }
0x55: {  	_ =	shalt  }
0x56: {  	_ =	shalt  }
0x57: {  	_ =	shalt  }
0x58: {  	_ =	shalt  }
0x59: {  	_ =	shalt  }
0x5a: {  	_ =	shalt  }
0x5b: {  	_ =	shalt  }
0x5c: {  	_ =	shalt  }
0x5d: {  	_ =	shalt  }
0x5e: {  	_ =	shalt  }
0x5f: {  	_ =	shalt  }
0x60: {  	_ =	shalt  }
0x61: {  	_ =	shalt  }
0x62: {  	_ =	shalt  }
0x63: {  	_ =	shalt  }
0x64: {  	_ =	shalt  }
0x65: {  	_ =	shalt  }
0x66: {  	_ =	shalt  }
0x67: {  	_ =	shalt  }
0x68: {  	_ =	shalt  }
0x69: {  	_ =	shalt  }
0x6a: {  	_ =	shalt  }
0x6b: {  	_ =	shalt  }
0x6c: {  	_ =	shalt  }
0x6d: {  	_ =	shalt  }
0x6e: {  	_ =	shalt  }
0x6f: {  	_ =	shalt  }
0x70: {  	_ =	shalt  }
0x71: {  	_ =	shalt  }
0x72: {  	_ =	shalt  }
0x73: {  	_ =	shalt  }
0x74: {  	_ =	shalt  }
0x75: {  	_ =	shalt  }
0x76: {  	_ =	shalt  }
0x77: {  	_ =	shalt  }
0x78: {  	_ =	shalt  }
0x79: {  	_ =	shalt  }
0x7a: {  	_ =	shalt  }
0x7b: {  	_ =	shalt  }
0x7c: {  	_ =	shalt  }
0x7d: {  	_ =	shalt  }
0x7e: {  	_ =	shalt  }
0x7f: {  	_ =	shalt  }
0x80: {  	_ =	shalt  }
0x81: {  	_ =	shalt  }
0x82: {  	_ =	shalt  }
0x83: {  	_ =	shalt  }
0x84: {  	_ =	shalt  }
0x85: {  	_ =	shalt  }
0x86: {  	_ =	shalt  }
0x87: {  	_ =	shalt  }
.Lfunc_end0:
.L_simem_size_0:
called_computation.1_lowered:
.L_overlay_start_0:
0x88: {  	s2 =	sld [smem:$0x3FD9]  }
0x89: {  	s3 =	sld [smem:$0x3FFE];
	_ =	sdelay $0x1  }
0x8a: {  	s1 =	srdreg.scid  }
0x8b: {  	s0 =	sand.u32 $0x1, s1  }
0x8c: {  	s17 =	sshll.u32 s0, $0xA;
	s2 =	sadd.s32 s3, s2  }
0x8d: {  	s2 =	sadd.s32 s2, s17  }
0x8e: {  	[smem:$0x3FBB] =	sst s2  }
0x8f: {  	_ = 	snop  }
0x90: {  	s2 =	sld [smem:$0x3FD0];
	(tm) =	ssettm $0x1  }
0x91: {  	s18 =	sld [smem:$0x3FFB];
	_ =	sdelay $0x3  }
0x92: {  	_ =	strace s18  }
0x93: {  	s3 =	sld [smem:$0x3FFC];
	_ =	sdelay $0x3  }
0x94: {  	_ =	strace s3  }
0x95: {  	s3 =	sld [smem:$0x3FFD];
	_ =	sdelay $0x3  }
0x96: {  	_ =	strace s3  }
0x97: {  	_ =	strace $0x8FFFFFFF  }
0x98: {  	s19 =	sld [smem:$0x3FDB];
	_ =	sdelay $0x1  }
0x99: {  	s4 =	simm.s32 $_scs_section_size  }
0x9a: {  	s5 =	simm.s32 $_size__tile_overlayer_lowered;
	s6 =	simm.s32 $_tile_overlayer_lowered  }
0x9b: {  	s22 =	simm.s32 $0x1BFF;
	s21 =	sshll.u32 s6, $0x1;
	s3 =	sadd.s32 s4, s19  }
0x9c: {  	s7 =	simm.s32 $0x0;
	s20 =	sshll.u32 s5, $0x1;
	s5 =	sadd.s32 s21, s3  }
0x9d: {  	[timem:s7], [sflag:s22] =	dma.local [hbm:s5], s20  }
0x9e: {  	_ =	swait.ge [sflag:s22], s20  }
0x9f: {  	s4 =	ssub.s32 $0x0, s20;
	[sflag:s22] =	ssyncset.done $0x0  }
0xa0: {  	[sflag:s22] =	ssyncadd.s32 s4;
	_ =	sdelay $0x1  }
0xa1: {  	s23 =	simm.s32 $0x1B8B  }
0xa2: {  	_ =	swait.ge [sflag:s23], $0x1  }
0xa3: {  	[sflag:s23] =	ssyncset.done $0x0  }
0xa4: {  	s25 =	simm.s32 $0x1B8E;
	s24 =	sld [smem:$0x3FFE];
	[sflag:s23] =	ssyncadd.s32 $0xFFFFFFFF  }
0xa5: {  	s26 =	simm.s32 $execute0_lowered;
	[smem:$0x3FD2] =	sst s25  }
0xa6: {  	s5 =	sshll.u32 s26, $0x1;
	_ =	strace $0x80000049;
	[dreg:$0x1] =	wrdreg $0xFFFFFFFF  }
0xa7: {  	s28 =	simm.s32 $_size_execute0_lowered;
	s3 =	sadd.s32 s3, s5;
	[dreg:$0x0] =	wrdreg $0x0  }
0xa8: {  	s5 =	sshll.u32 s28, $0x1;
	[dreg:$0x2] =	wrdreg s3  }
0xa9: {  	[dreg:$0x3] =	wrdreg s5  }
0xaa: {  	[dreg:$0x4] =	wrdreg $0xC0  }
0xab: {  	_ =	task [dreg:s7], $0x5FFFF  }
0xac: {  	[dreg:$0x1] =	wrdreg $0xFFFFFFFF  }
0xad: {  	[dreg:$0x0] =	wrdreg $0x60  }
0xae: {  	[dreg:$0x2] =	wrdreg s24  }
0xaf: {  	[dreg:$0x3] =	wrdreg s2  }
0xb0: {  	[dreg:$0x4] =	wrdreg $0x0  }
0xb1: {  	[dreg:$0x5] =	wrdreg $0x9  }
0xb2: {  	_ =	task.clear_ibuf [dreg:s7], $0x6FFFF;
	_ =	strace $0x90000049  }
0xb3: {  	s29 =	simm.s32 $0x9;
	_ =	strace $0x8000004B  }
0xb4: {  	_ =	swait.ge [sflag:s29], $0x1  }
0xb5: {  	[sflag:s29] =	ssyncadd.s32 $0xFFFFFFFF  }
0xb6: {  	_ =	strace $0x9000004B  }
0xb7: {  	_ =	sfence  }
0xb8: {  	s30 =	sld [smem:$0x0];
	_ =	sdelay $0x2  }
0xb9: {  	s31 =	sshll.u32 s1, $0xD;
	s1 =	sshrl.u32 s1, $0x2  }
0xba: {  	s3 =	sand.u32 $0x4000, s31;
	s1 =	sadd.s32 s1, s30  }
0xbb: {  	s0 =	sor.u32 s3, s0;
	s1 =	sshll.u32 s1, $0x11  }
0xbc: {  	s0 =	sor.u32 s1, s0  }
0xbd: {  	s0 =	sadd.s32 $0x8F2B, s0  }
0xbe: {  	[sflag:s0] =	ssyncadd.remote.s32 $0x1  }
0xbf: {  	_ =	sfence.sel $0xFFFF  }
0xc0: {  	[dreg:$0x0] =	wrdreg $0xFFFFFFFF;
	(pc) =	sbr.abs _section_cstart, $3  }
0xc1: {  	[dreg:$0x1] =	wrdreg $0xFFFFFFFF  }
0xc2: {  	_ =	task.clear_ibuf [dreg:s7], $0x2FFFF;
	_ =	strace $0x9FFFFFFF  }
0xc3: {  	(tm) =	ssettm $0x7FFFFFFF  }
tec
execute0_lowered:
.L_overlay_start_1:
0x0: {  	(tag) =	ssettag $0x1  }
0x1: {  	s0 =	srdreg.scid;
	s4 =	stileid.u32  }
0x2: {  	s0 =	sand.u32 $0x1, s0;
	s5 =	smul.u32 $0x2710, s4  }
0x3: {  	s1 =	rddreg [dreg:$0x0];
	s8 =	smul.u32 $0x4E200, s4;
	s2 =	sshll.u32 s0, $0x4  }
0x4: {  	s6 =	rddreg [dreg:$0x1];
	s9 =	smul.u32 $0x27100, s0;
	s3 =	sor.u32 s4, s2  }
0x5: {  	s2 =	rddreg [dreg:$0x2];
	s8 =	sshrl.u32 s8, $0x2;
	s7 =	smul.u32 $0x4E2, s3  }
0x6: {  	s3 =	simm.s32 $0x0;
	s9 =	sadd.s32 s5, s9;
	s5 =	sadd.s32 s8, s2  }
0x7: {  	[smem:$0x7FF] =	sst s3;
	s8 =	sadd.s32 $0xC80, s5  }
0x8: {  	s13 =	sadd.s32 $0x1900, s5;
	_ =	strace $0x8000004A;
	[dreg:$0x4] =	wrdreg s8  }
0x9: {  	s14 =	sadd.s32 $0x2580, s5;
	[dreg:$0x5] =	wrdreg s13  }
0xa: {  	s12 =	simm.s32 $0x1ADB0;
	s15 =	sadd.s32 $0x3200, s5;
	[dreg:$0x6] =	wrdreg s14  }
0xb: {  	s0 =	ssub.s32 $0x2, s0;
	s16 =	sadd.s32 $0x3E80, s5;
	[dreg:$0x7] =	wrdreg s15  }
0xc: {  	s4 =	sadd.s32 $0x20400, s1;
	s17 =	sadd.s32 $0x4B00, s5;
	[dreg:$0x8] =	wrdreg s16  }
0xd: {  	s11 =	sshrl.u32 s0, $0x1;
	s18 =	sadd.s32 $0x5780, s5;
	[dreg:$0x9] =	wrdreg s17  }
0xe: {  	s0 =	ssub.s32 s0, s11;
	s19 =	sadd.s32 $0x6400, s5;
	[dreg:$0xa] =	wrdreg s18  }
0xf: {  	s11 =	simm.s32 $0x50;
	s20 =	sadd.s32 $0x7080, s5;
	[dreg:$0xb] =	wrdreg s19  }
0x10: {  	s21 =	sadd.s32 $0x7D00, s5;
	s22 =	sadd.s32 $0x8980, s5;
	[dreg:$0xc] =	wrdreg s20  }
0x11: {  	s23 =	sadd.s32 $0x9600, s5;
	s24 =	sadd.s32 $0xA280, s5;
	[dreg:$0xd] =	wrdreg s21  }
0x12: {  	s25 =	sadd.s32 $0xAF00, s5;
	s26 =	sadd.s32 $0xBB80, s5;
	[dreg:$0xe] =	wrdreg s22  }
0x13: {  	s28 =	sadd.s32 $0xD480, s5;
	s29 =	sadd.s32 $0xE100, s5;
	[dreg:$0xf] =	wrdreg s23  }
0x14: {  	s30 =	sadd.s32 $0xED80, s5;
	s31 =	sadd.s32 $0xFA00, s5;
	[dreg:$0x10] =	wrdreg s24  }
0x15: {  	s10 =	sadd.s32 s7, s1;
	s1 =	sadd.s32 s9, s1;
	[dreg:$0x11] =	wrdreg s25  }
0x16: {  	[dreg:$0x12] =	wrdreg s26;
	s21 =	sadd.s32 s6, s7;
	s25 =	smax.u32 s0, $0x1  }
0x17: {  	s26 =	sadd.s32 $0xC800, s5;
	s0 =	sadd.s32 $0x11300, s5;
	s6 =	sadd.s32 $0x11F80, s5  }
0x18: {  	s7 =	sadd.s32 $0x12C00, s5;
	s8 =	simm.s32 $0x1D5B0;
	s9 =	simm.s32 $0x2  }
0x19: {  	s13 =	simm.s32 $0x1;
	s22 =	sadd.s32 $0x16600, s10;
	s23 =	sadd.s32 $0xC800, s10  }
0x1a: {  	v0 =	vimm.f32 $0.0e+00;
	s24 =	sadd.s32 $0x158C00, s1;
	s1 =	sadd.s32 $0x10680, s5;
	s10 =	simm.s32 $0x15F90  }
.LBB2_1:
0x1b: {  	s14 =	simm.s32 $0x0;
	s15 =	simm.s32 $0x200  }
.LBB2_2:
0x1c: {  	p0 =	sne.s32 s15, $0x3000;
	[tilespmem:s14+$0x1D620] =	vst v0  }
0x1d: {  	[tilespmem:s14+$0x1D5B0] =	vst v0  }
0x1e: {  	[tilespmem:s14+$0x1D5C0] =	vst v0  }
.Ltmp0:
0x1f: {  	[tilespmem:s14+$0x1D5D0] =	vst v0;
	(pc) =	sbr.rel @p0 .LBB2_2-.Ltmp0, $4  }
0x20: {  	[tilespmem:s14+$0x1D5E0] =	vst v0  }
0x21: {  	[tilespmem:s14+$0x1D5F0] =	vst v0  }
0x22: {  	[tilespmem:s14+$0x1D600] =	vst v0  }
0x23: {  	[tilespmem:s14+$0x1D610] =	vst v0;
	s14 =	sshra.s32 s15, $0x2;
	s15 =	sadd.s32 $0x200, s15  }
0x24: {  	[tilespmem:s14+$0x1D620] =	vst v0  }
0x25: {  	[tilespmem:s14+$0x1D5B0] =	vst v0  }
0x26: {  	[tilespmem:s14+$0x1D5C0] =	vst v0  }
0x27: {  	[tilespmem:s14+$0x1D5D0] =	vst v0  }
0x28: {  	[tilespmem:s14+$0x1D5E0] =	vst v0  }
0x29: {  	[tilespmem:s14+$0x1D5F0] =	vst v0  }
0x2a: {  	[tilespmem:s14+$0x1D600] =	vst v0  }
0x2b: {  	[tilespmem:s14+$0x1D610] =	vst v0  }
0x2c: {  	[spmem:s5] =	stream.linear.scatter [tilespmem:s8], [sflag:$0x2], $0xC80, $0x38;
	[tilespmem:$0x1E230] =	vst v63  }
0x2d: {  	_ =	swait.ge [sflag:s9], $0xC80  }
0x2e: {  	[sflag:s9] =	ssyncset.done $0x0  }
0x2f: {  	s17 =	rddreg [dreg:$0x4];
	[sflag:s9] =	ssyncadd.s32 $0xFFFFF380  }
0x30: {  	[spmem:s17] =	stream.linear.scatter [tilespmem:s8], [sflag:$0x2], $0xC80, $0x38;
	[tilespmem:$0x1E230] =	vst v63  }
0x31: {  	_ =	swait.ge [sflag:s9], $0xC80  }
0x32: {  	[sflag:s9] =	ssyncset.done $0x0  }
0x33: {  	s18 =	rddreg [dreg:$0x5];
	[sflag:s9] =	ssyncadd.s32 $0xFFFFF380  }
0x34: {  	[spmem:s18] =	stream.linear.scatter [tilespmem:s8], [sflag:$0x2], $0xC80, $0x38;
	[tilespmem:$0x1E230] =	vst v63  }
0x35: {  	_ =	swait.ge [sflag:s9], $0xC80  }
0x36: {  	[sflag:s9] =	ssyncset.done $0x0  }
0x37: {  	s19 =	rddreg [dreg:$0x6];
	[sflag:s9] =	ssyncadd.s32 $0xFFFFF380  }
0x38: {  	[spmem:s19] =	stream.linear.scatter [tilespmem:s8], [sflag:$0x2], $0xC80, $0x38;
	[tilespmem:$0x1E230] =	vst v63  }
0x39: {  	_ =	swait.ge [sflag:s9], $0xC80  }
0x3a: {  	[sflag:s9] =	ssyncset.done $0x0  }
0x3b: {  	s20 =	rddreg [dreg:$0x7];
	[sflag:s9] =	ssyncadd.s32 $0xFFFFF380  }
0x3c: {  	[spmem:s20] =	stream.linear.scatter [tilespmem:s8], [sflag:$0x2], $0xC80, $0x38;
	[tilespmem:$0x1E230] =	vst v63  }
0x3d: {  	_ =	swait.ge [sflag:s9], $0xC80  }
0x3e: {  	[sflag:s9] =	ssyncset.done $0x0  }
0x3f: {  	s15 =	rddreg [dreg:$0x8];
	[sflag:s9] =	ssyncadd.s32 $0xFFFFF380  }
0x40: {  	[spmem:s15] =	stream.linear.scatter [tilespmem:s8], [sflag:$0x2], $0xC80, $0x38;
	[tilespmem:$0x1E230] =	vst v63  }
0x41: {  	_ =	swait.ge [sflag:s9], $0xC80  }
0x42: {  	[sflag:s9] =	ssyncset.done $0x0  }
0x43: {  	s16 =	rddreg [dreg:$0x9];
	[sflag:s9] =	ssyncadd.s32 $0xFFFFF380  }
0x44: {  	[spmem:s16] =	stream.linear.scatter [tilespmem:s8], [sflag:$0x2], $0xC80, $0x38;
	[tilespmem:$0x1E230] =	vst v63  }
0x45: {  	_ =	swait.ge [sflag:s9], $0xC80  }
0x46: {  	[sflag:s9] =	ssyncset.done $0x0  }
0x47: {  	s17 =	rddreg [dreg:$0xa];
	[sflag:s9] =	ssyncadd.s32 $0xFFFFF380  }
0x48: {  	[spmem:s17] =	stream.linear.scatter [tilespmem:s8], [sflag:$0x2], $0xC80, $0x38;
	[tilespmem:$0x1E230] =	vst v63  }
0x49: {  	_ =	swait.ge [sflag:s9], $0xC80  }
0x4a: {  	[sflag:s9] =	ssyncset.done $0x0  }
0x4b: {  	s18 =	rddreg [dreg:$0xb];
	[sflag:s9] =	ssyncadd.s32 $0xFFFFF380  }
0x4c: {  	[spmem:s18] =	stream.linear.scatter [tilespmem:s8], [sflag:$0x2], $0xC80, $0x38;
	[tilespmem:$0x1E230] =	vst v63  }
0x4d: {  	_ =	swait.ge [sflag:s9], $0xC80  }
0x4e: {  	[sflag:s9] =	ssyncset.done $0x0  }
0x4f: {  	s19 =	rddreg [dreg:$0xc];
	[sflag:s9] =	ssyncadd.s32 $0xFFFFF380  }
0x50: {  	[spmem:s19] =	stream.linear.scatter [tilespmem:s8], [sflag:$0x2], $0xC80, $0x38;
	[tilespmem:$0x1E230] =	vst v63  }
0x51: {  	_ =	swait.ge [sflag:s9], $0xC80  }
0x52: {  	[sflag:s9] =	ssyncset.done $0x0  }
0x53: {  	s20 =	rddreg [dreg:$0xd];
	[sflag:s9] =	ssyncadd.s32 $0xFFFFF380  }
0x54: {  	[spmem:s20] =	stream.linear.scatter [tilespmem:s8], [sflag:$0x2], $0xC80, $0x38;
	[tilespmem:$0x1E230] =	vst v63  }
0x55: {  	_ =	swait.ge [sflag:s9], $0xC80  }
0x56: {  	[sflag:s9] =	ssyncset.done $0x0  }
0x57: {  	s15 =	rddreg [dreg:$0xe];
	[sflag:s9] =	ssyncadd.s32 $0xFFFFF380  }
0x58: {  	[spmem:s15] =	stream.linear.scatter [tilespmem:s8], [sflag:$0x2], $0xC80, $0x38;
	[tilespmem:$0x1E230] =	vst v63  }
0x59: {  	_ =	swait.ge [sflag:s9], $0xC80  }
0x5a: {  	[sflag:s9] =	ssyncset.done $0x0  }
0x5b: {  	s16 =	rddreg [dreg:$0xf];
	[sflag:s9] =	ssyncadd.s32 $0xFFFFF380  }
0x5c: {  	[spmem:s16] =	stream.linear.scatter [tilespmem:s8], [sflag:$0x2], $0xC80, $0x38;
	[tilespmem:$0x1E230] =	vst v63  }
0x5d: {  	_ =	swait.ge [sflag:s9], $0xC80  }
0x5e: {  	[sflag:s9] =	ssyncset.done $0x0  }
0x5f: {  	s17 =	rddreg [dreg:$0x10];
	[sflag:s9] =	ssyncadd.s32 $0xFFFFF380  }
0x60: {  	[spmem:s17] =	stream.linear.scatter [tilespmem:s8], [sflag:$0x2], $0xC80, $0x38;
	[tilespmem:$0x1E230] =	vst v63  }
0x61: {  	_ =	swait.ge [sflag:s9], $0xC80  }
0x62: {  	[sflag:s9] =	ssyncset.done $0x0  }
0x63: {  	s18 =	rddreg [dreg:$0x11];
	[sflag:s9] =	ssyncadd.s32 $0xFFFFF380  }
0x64: {  	[spmem:s18] =	stream.linear.scatter [tilespmem:s8], [sflag:$0x2], $0xC80, $0x38;
	[tilespmem:$0x1E230] =	vst v63  }
0x65: {  	_ =	swait.ge [sflag:s9], $0xC80  }
0x66: {  	[sflag:s9] =	ssyncset.done $0x0  }
0x67: {  	s19 =	rddreg [dreg:$0x12];
	[sflag:s9] =	ssyncadd.s32 $0xFFFFF380  }
0x68: {  	[spmem:s19] =	stream.linear.scatter [tilespmem:s8], [sflag:$0x2], $0xC80, $0x38;
	[tilespmem:$0x1E230] =	vst v63  }
0x69: {  	_ =	swait.ge [sflag:s9], $0xC80  }
0x6a: {  	[sflag:s9] =	ssyncset.done $0x0  }
0x6b: {  	[sflag:s9] =	ssyncadd.s32 $0xFFFFF380  }
0x6c: {  	[spmem:s26] =	stream.linear.scatter [tilespmem:s8], [sflag:$0x2], $0xC80, $0x38;
	[tilespmem:$0x1E230] =	vst v63  }
0x6d: {  	_ =	swait.ge [sflag:s9], $0xC80  }
0x6e: {  	[sflag:s9] =	ssyncset.done $0x0  }
0x6f: {  	[sflag:s9] =	ssyncadd.s32 $0xFFFFF380  }
0x70: {  	[spmem:s28] =	stream.linear.scatter [tilespmem:s8], [sflag:$0x2], $0xC80, $0x38;
	[tilespmem:$0x1E230] =	vst v63  }
0x71: {  	_ =	swait.ge [sflag:s9], $0xC80  }
0x72: {  	[sflag:s9] =	ssyncset.done $0x0  }
0x73: {  	[sflag:s9] =	ssyncadd.s32 $0xFFFFF380  }
0x74: {  	[spmem:s29] =	stream.linear.scatter [tilespmem:s8], [sflag:$0x2], $0xC80, $0x38;
	[tilespmem:$0x1E230] =	vst v63  }
0x75: {  	_ =	swait.ge [sflag:s9], $0xC80  }
0x76: {  	[sflag:s9] =	ssyncset.done $0x0  }
0x77: {  	[sflag:s9] =	ssyncadd.s32 $0xFFFFF380  }
0x78: {  	[spmem:s30] =	stream.linear.scatter [tilespmem:s8], [sflag:$0x2], $0xC80, $0x38;
	[tilespmem:$0x1E230] =	vst v63  }
0x79: {  	_ =	swait.ge [sflag:s9], $0xC80  }
0x7a: {  	[sflag:s9] =	ssyncset.done $0x0  }
0x7b: {  	[sflag:s9] =	ssyncadd.s32 $0xFFFFF380  }
0x7c: {  	[spmem:s31] =	stream.linear.scatter [tilespmem:s8], [sflag:$0x2], $0xC80, $0x38;
	[tilespmem:$0x1E230] =	vst v63  }
0x7d: {  	_ =	swait.ge [sflag:s9], $0xC80  }
0x7e: {  	[sflag:s9] =	ssyncset.done $0x0  }
0x7f: {  	[sflag:s9] =	ssyncadd.s32 $0xFFFFF380  }
0x80: {  	[spmem:s1] =	stream.linear.scatter [tilespmem:s8], [sflag:$0x2], $0xC80, $0x38;
	[tilespmem:$0x1E230] =	vst v63  }
0x81: {  	_ =	swait.ge [sflag:s9], $0xC80  }
0x82: {  	[sflag:s9] =	ssyncset.done $0x0  }
0x83: {  	[sflag:s9] =	ssyncadd.s32 $0xFFFFF380  }
0x84: {  	[spmem:s0] =	stream.linear.scatter [tilespmem:s8], [sflag:$0x2], $0xC80, $0x38;
	[tilespmem:$0x1E230] =	vst v63  }
0x85: {  	_ =	swait.ge [sflag:s9], $0xC80  }
0x86: {  	[sflag:s9] =	ssyncset.done $0x0  }
0x87: {  	[sflag:s9] =	ssyncadd.s32 $0xFFFFF380  }
0x88: {  	[spmem:s6] =	stream.linear.scatter [tilespmem:s8], [sflag:$0x2], $0xC80, $0x38;
	[tilespmem:$0x1E230] =	vst v63  }
0x89: {  	_ =	swait.ge [sflag:s9], $0xC80  }
0x8a: {  	[sflag:s9] =	ssyncset.done $0x0  }
0x8b: {  	[sflag:s9] =	ssyncadd.s32 $0xFFFFF380  }
0x8c: {  	[spmem:s7] =	stream.linear.scatter [tilespmem:s8], [sflag:$0x2], $0xC80, $0x38;
	[tilespmem:$0x1E230] =	vst v63  }
0x8d: {  	_ =	swait.ge [sflag:s9], $0xC80  }
0x8e: {  	[sflag:s9] =	ssyncset.done $0x0  }
0x8f: {  	[sflag:s9] =	ssyncadd.s32 $0xFFFFF380  }
0x90: {  	s14 =	simm.s32 $0x0;
	s15 =	simm.s32 $0x13880;
	[bflag:$0x0] =	sbarrier.arrive $0xFFFF  }
0x91: {  	[tilespmem:s15], [sflag:$0x2] =	stream.linear.gather [hbm4b:s22+s14], $0x2710, $0x38;
	[tilespmem:$0x1E230] =	vst v63  }
0x92: {  	_ =	swait.ge [sflag:s9], $0x2710  }
0x93: {  	[sflag:s9] =	ssyncset.done $0x0  }
0x94: {  	[sflag:s9] =	ssyncadd.s32 $0xFFFFD8F0  }
0x95: {  	[tilespmem:s10], [sflag:$0x2] =	stream.linear.gather [hbm4b:s23+s14], $0x2710, $0x38;
	[tilespmem:$0x1E230] =	vst v63  }
0x96: {  	_ =	swait.ge [sflag:s9], $0x2710  }
0x97: {  	[sflag:s9] =	ssyncset.done $0x0  }
0x98: {  	s20 =	simm.s32 $0x186A0;
	[sflag:s9] =	ssyncadd.s32 $0xFFFFD8F0  }
0x99: {  	[tilespmem:s20], [sflag:$0x2] =	stream.linear.gather [hbm4b:s21+s14], $0x2710, $0x38;
	[tilespmem:$0x1E230] =	vst v63  }
0x9a: {  	_ =	swait.ge [sflag:s9], $0x2710  }
0x9b: {  	[sflag:s9] =	ssyncset.done $0x0  }
0x9c: {  	s15 =	simm.s32 $0x0;
	[sflag:s9] =	ssyncadd.s32 $0xFFFFD8F0  }
.LBB2_4:
0x9d: {  	v1 =	vmov s15  }
0x9e: {  	s16 =	smul.u32 $0x50, s15;
	v1 =	vmul.u32 $0x50, v1;
	_ =	sdelay $0x1  }
0x9f: {  	v2 =	vmov s14;
	s17 =	sadd.s32 $0x13880, s16;
	v1 =	vbroadcast v1, $0x0  }
0xa0: {  	v3 =	vand.u32 $0x78, v2;
	[tilespmem:s12], [sflag:$0x1] =	stream.indirect.gather [hbm4b:s4+s11], $0x80, s17, s11, $0xb8;
	[tilespmem:$0x1E230] =	vst v63  }
0xa1: {  	v2 =	vand.u32 $0x7, v2;
	_ =	swait.ge [sflag:s13], $0x2800;
	v3 =	vadd.s32 v1, v3  }
0xa2: {  	[sflag:s13] =	ssyncset.done $0x0;
	v2 =	vor.u32 v2, v3  }
0xa3: {  	s17 =	simm.s32 $0x1ADF0;
	[sflag:s13] =	ssyncadd.s32 $0xFFFFD800  }
0xa4: {  	v6 =	vld [tilespmem:s17+$0x30]  }
0xa5: {  	v9 =	vld [tilespmem:s17+$0x10]  }
0xa6: {  	v7 =	vld [tilespmem:s17+$0xFFFFFFC0]  }
0xa7: {  	v2 =	vld.idx.msk [tilespmem:v2+s10+$0x0], $0xffff  }
0xa8: {  	v11 =	vld [tilespmem:s17+$0xFFFFFFE0]  }
0xa9: {  	v3 =	vld [tilespmem:s17+$0xFFFFFFF0]  }
0xaa: {  	v4 =	vld [tilespmem:s17+$0x20]  }
0xab: {  	v5 =	vld [tilespmem:s17+$0xFFFFFFD0]  }
0xac: {  	v10 =	vmul.f32 v6, v2;
	v6 =	vld [tilespmem:s17+$0x0]  }
0xad: {  	v8 =	vmul.f32 v7, v2  }
0xae: {  	s20 =	simm.s32 $0x1;
	s19 =	simm.s32 $0x2;
	s18 =	simm.s32 $0x1ADF0;
	v7 =	vmul.f32 v11, v2;
	v9 =	vmul.f32 v9, v2  }
.LBB2_5:
0xaf: {  	p0 =	sne.s32 s19, $0x4F  }
0xb0: {  	v11 =	vmov s20;
	v5 =	vmul.f32 v5, v2;
	v4 =	vmul.f32 v4, v2;
	[tilespmem:s17+$0x30] =	vst v10;
	s18 =	sadd.s32 $0x80, s18;
	s20 =	smov.u32 s19;
	s19 =	sadd.s32 $0x1, s19  }
0xb1: {  	v10 =	vand.u32 $0x78, v11;
	[tilespmem:s17+$0xFFFFFFC0] =	vst v8;
	v8 =	vmul.f32 v3, v2;
	v2 =	vmul.f32 v6, v2  }
0xb2: {  	v3 =	vand.u32 $0x7, v11;
	v6 =	vadd.s32 v1, v10;
	[tilespmem:s17+$0x10] =	vst v9  }
0xb3: {  	v6 =	vor.u32 v3, v6;
	[tilespmem:s17+$0xFFFFFFE0] =	vst v7  }
0xb4: {  	v3 =	vld [tilespmem:s18+$0xFFFFFFF0];
	[tilespmem:s17+$0xFFFFFFF0] =	vst v8  }
0xb5: {  	v7 =	vld [tilespmem:s18+$0x30];
	[tilespmem:s17+$0x0] =	vst v2  }
0xb6: {  	v9 =	vld [tilespmem:s18+$0x10];
	[tilespmem:s17+$0x20] =	vst v4  }
0xb7: {  	v8 =	vld [tilespmem:s18+$0xFFFFFFC0];
	[tilespmem:s17+$0xFFFFFFD0] =	vst v5;
	s17 =	smov.u32 s18  }
0xb8: {  	v2 =	vld.idx.msk [tilespmem:v6+s10+$0x0], $0xffff  }
0xb9: {  	v11 =	vld [tilespmem:s18+$0xFFFFFFE0]  }
0xba: {  	v4 =	vld [tilespmem:s18+$0x20]  }
.Ltmp1:
0xbb: {  	v5 =	vld [tilespmem:s18+$0xFFFFFFD0];
	(pc) =	sbr.rel @p0 .LBB2_5-.Ltmp1, $3  }
0xbc: {  	v6 =	vld [tilespmem:s18+$0x0];
	_ =	sdelay $0x1  }
0xbd: {  	v8 =	vmul.f32 v8, v2;
	v10 =	vmul.f32 v7, v2  }
0xbe: {  	v9 =	vmul.f32 v9, v2;
	v7 =	vmul.f32 v11, v2  }
0xbf: {  	[tilespmem:s17+$0x30] =	vst v10;
	v55 =	vmov s20  }
0xc0: {  	[tilespmem:s17+$0xFFFFFFC0] =	vst v8;
	v56 =	vand.u32 $0x78, v55  }
0xc1: {  	v3 =	vmul.f32 v3, v2;
	[tilespmem:s17+$0x10] =	vst v9;
	v57 =	vand.u32 $0x7, v55;
	v1 =	vadd.s32 v1, v56  }
0xc2: {  	s18 =	sadd.s32 $0x80, s18;
	[tilespmem:s17+$0xFFFFFFE0] =	vst v7;
	v6 =	vmul.f32 v6, v2;
	v1 =	vor.u32 v57, v1  }
0xc3: {  	v4 =	vmul.f32 v4, v2;
	v2 =	vmul.f32 v5, v2;
	v58 =	vld [tilespmem:s18+$0xFFFFFFF0];
	[tilespmem:s17+$0xFFFFFFF0] =	vst v3  }
0xc4: {  	v3 =	vld [tilespmem:s18+$0x30];
	[tilespmem:s17+$0x0] =	vst v6  }
0xc5: {  	v60 =	vld [tilespmem:s18+$0xFFFFFFC0];
	[tilespmem:s17+$0xFFFFFFD0] =	vst v2  }
0xc6: {  	v59 =	vld [tilespmem:s18+$0x10];
	[tilespmem:s17+$0x20] =	vst v4  }
0xc7: {  	v1 =	vld.idx.msk [tilespmem:v1+s10+$0x0], $0xffff;
	_ =	sdelay $0x2  }
0xc8: {  	v2 =	vld [tilespmem:s18+$0xFFFFFFE0]  }
0xc9: {  	v6 =	vld [tilespmem:s18+$0x0]  }
0xca: {  	v3 =	vmul.f32 v3, v1  }
0xcb: {  	v61 =	vld [tilespmem:s18+$0x20];
	v4 =	vmul.f32 v60, v1  }
0xcc: {  	v62 =	vld [tilespmem:s18+$0xFFFFFFD0];
	v5 =	vmul.f32 v59, v1;
	[tilespmem:s18+$0x30] =	vst v3  }
0xcd: {  	v2 =	vmul.f32 v2, v1;
	[tilespmem:s18+$0xFFFFFFC0] =	vst v4  }
0xce: {  	v63 =	vmul.f32 v6, v1;
	[tilespmem:s18+$0x10] =	vst v5  }
0xcf: {  	v3 =	vmul.f32 v58, v1;
	[tilespmem:s18+$0xFFFFFFE0] =	vst v2  }
0xd0: {  	v2 =	vmul.f32 v61, v1;
	[tilespmem:s18+$0x0] =	vst v63  }
0xd1: {  	s15 =	sadd.s32 $0x1, s15;
	v1 =	vmul.f32 v62, v1;
	[tilespmem:s18+$0xFFFFFFF0] =	vst v3  }
0xd2: {  	p0 =	sne.s32 s15, $0x7D;
	[tilespmem:s18+$0x20] =	vst v2  }
.Ltmp2:
0xd3: {  	s16 =	sadd.s32 $0x186A0, s16;
	[tilespmem:s18+$0xFFFFFFD0] =	vst v1;
	(pc) =	sbr.rel @p0 .LBB2_4-.Ltmp2, $4  }
0xd4: {  	[spmem:s2] =	stream.indirect.scatter.add.f32 [tilespmem:s12], [sflag:$0x2], $0x80, s16, s11, $0xb8;
	[tilespmem:$0x1E230] =	vst v63  }
0xd5: {  	_ =	swait.ge [sflag:s9], $0x2800  }
0xd6: {  	[sflag:s9] =	ssyncset.done $0x0  }
0xd7: {  	[sflag:s9] =	ssyncadd.s32 $0xFFFFD800  }
0xd8: {  	s14 =	stileid.u32;
	s3 =	sadd.s32 $0x1, s3  }
0xd9: {  	[bflag:$0x0] =	sbarrier.arrive $0xFFFF;
	s14 =	sshll.u32 s14, $0x6;
	p0 =	sne.s32 s3, s25  }
.Ltmp3:
0xda: {  	s15 =	sshrl.u32 s5, $0x3;
	s14 =	sor.u32 $0x1C02, s14;
	(pc) =	sbr.rel @p0 .LBB2_1-.Ltmp3, $4  }
0xdb: {  	[hbm:s24], [sflag:s14] =	dma.local [spmem:s15], $0x2710  }
0xdc: {  	_ =	swait.ge [sflag:s9], $0x2710  }
0xdd: {  	[sflag:s9] =	ssyncset.done $0x0  }
0xde: {  	[sflag:s9] =	ssyncadd.s32 $0xFFFFD8F0  }
0xdf: {  	_ =	sfence.sel $0x180000  }
0xe0: {  	[bflag:$0x0] =	sbarrier.arrive $0xFFFF  }
0xe1: {  	_ =	strace $0x9000004A  }
0xe2: {  	s0 =	stileid.u32;
	[bflag:$0x2] =	sbarrier.arrive $0xFFFF  }
0xe3: {  	p0 =	sne.s32 s0, $0x0;
	s0 =	rddreg [dreg:$0x3]  }
0xe4: {  	s0 =	sadd.s32 @!p0 $0x100000, s0  }
0xe5: {  	[sflag:s0] =	ssyncadd.tile.s32 @!p0 $0x1;
	_ =	shalt  }
.Lfunc_end2:
_tile_overlayer_lowered:
.L_overlay_start_2:
0xe6: {  	(tag) =	ssettag $0x2  }
0xe7: {  	s0 =	rddreg [dreg:$0x0];
	s2 =	stileid.u32  }
0xe8: {  	s1 =	rddreg [dreg:$0x1];
	p0 =	sne.s32 s2, $0x0  }
0xe9: {  	s3 =	rddreg [dreg:$0x2];
	[bflag:$0x3] =	sbarrier.arrive $0xFFFF;
	s2 =	simm.s32 @!p0 $0x1C02  }
0xea: {  	[timem:s3], [sflag:s2] =	dma.local @!p0 [hbm:s0], s1  }
0xeb: {  	s0 =	simm.s32 @!p0 $0x2  }
0xec: {  	_ =	swait.ge @!p0 [sflag:s0], s1  }
0xed: {  	s1 =	ssub.s32 @!p0 $0x0, s1;
	[sflag:s0] =	ssyncset.done @!p0 $0x0  }
0xee: {  	[sflag:s0] =	ssyncadd.s32 @!p0 s1  }
0xef: {  	[bflag:$0x3] =	sbarrier.arrive $0xFFFF  }
0xf0: {  	_ =	shalt  }

// kernel: kernel.17.cloned.1.call-start
scs
__scs_entry_jumppad:
0x0: {  	(pc) =	sbr.rel $0x88, $3  }
0x1: {  	(tag) =	ssettag $0x0;
	lr =	simm.s32 $0x1  }
0x2: {  	[smem:$0x3F94] =	sst lr;
	_ =	strace $0xD0000000  }
0x3: {  	_ = 	snop  }
0x4: {  	_ = 	snop  }
0x5: {  	_ = 	snop  }
0x6: {  	_ = 	snop  }
0x7: {  	_ = 	snop  }
__scs_overlays_trampoline_lowered:
0x8: {  	[smem:$0x3FA3] =	sst s0  }
0x9: {  	[smem:$0x3FA4] =	sst s1  }
0xa: {  	[smem:$0x3FA5] =	sst s2  }
0xb: {  	[smem:$0x3FA6] =	sst s3  }
0xc: {  	[smem:$0x3FA7] =	sst s4  }
0xd: {  	[smem:$0x3FA8] =	sst s5  }
0xe: {  	[smem:$0x3FA9] =	sst s6  }
0xf: {  	[smem:$0x3FAA] =	sst s7  }
0x10: {  	[smem:$0x3FAB] =	sst s8  }
0x11: {  	[smem:$0x3FAC] =	sst s9;
	s0 =	simm.s32 @!p0 $0x0  }
0x12: {  	s1 =	sld [smem:$0x3F92];
	s0 =	simm.s32 @p0 $0x1  }
0x13: {  	[smem:$0x3FAD] =	sst s0;
	s0 =	simm.s32 @!p1 $0x0  }
0x14: {  	s2 =	sld [smem:$0x3F91];
	s0 =	simm.s32 @p1 $0x1  }
0x15: {  	[smem:$0x3FAE] =	sst s0;
	s0 =	simm.s32 @!p2 $0x0  }
0x16: {  	s3 =	sld [smem:$0x3FDB];
	s0 =	simm.s32 @p2 $0x1  }
0x17: {  	s4 =	simm.s32 $0x1BF5;
	[smem:$0x3FB0] =	sst s0  }
0x18: {  	s0 =	sld [smem:$0x3F93];
	_ =	swait.ge [sflag:s4], $0x0  }
0x19: {  	s7 =	sld [smem:$0x3F94]  }
0x1a: {  	s8 =	sadd.s32 $0xFFFFE003, lr  }
0x1b: {  	s9 =	sadd.s32 $0xFFFFFEF7, lr;
	s5 =	simm.s32 $0xFFFFFFFF;
	p2 =	slt.u32 s8, $0xFFFFF086  }
0x1c: {  	p1 =	slt.u32 s9, $0xF7A;
	s5 =	simm.s32 @!p2 $0x0  }
0x1d: {  	s5 =	simm.s32 @p1 $0x1;
	p0 =	seq.s32 s7, s2  }
0x1e: {  	s7 =	smul.u32 @!p0 $0xF7A, s2;
	p2 =	seq.s32 @!p0 s5, $0x0  }
0x1f: {  	s9 =	smul.u32 $0xF7A, s1;
	s8 =	simm.s32 @!p0 $0x1BF5;
	p2 =	por !p2, p0  }
0x20: {  	[sflag:s8] =	ssyncset.s32 @!p0 $0xFFFFF086;
	s6 =	sadd.s32 @!p0 s3, s7;
	s7 =	simm.s32 @!p0 $0x108  }
0x21: {  	s3 =	sadd.s32 s3, s9;
	s6 =	sadd.s32 @!p0 $0x88, s6;
	s7 =	simm.s32 @p2 $0x1082  }
0x22: {  	[simem:s7], [sflag:s8] =	dma.local @!p0 [hbm:s6], $0xF7A  }
0x23: {  	s9 =	sor.u32 $0xD0000000, s2;
	s6 =	simm.s32 $0x108;
	_ =	swait.ge @!p0 [sflag:s8], $0x0  }
0x24: {  	s3 =	sadd.s32 $0x88, s3;
	s6 =	simm.s32 @!p1 $0x1082;
	[sflag:s4] =	ssyncset.s32 $0xFFFFF086  }
0x25: {  	[simem:s6], [sflag:s4] =	dma.local [hbm:s3], $0xF7A  }
0x26: {  	[smem:$0x3F94] =	sst s1;
	(tag) =	ssettag s2;
	_ =	strace s9  }
0x27: {  	s1 =	sld [smem:$0x3FA4]  }
0x28: {  	s2 =	sld [smem:$0x3FA5]  }
0x29: {  	s4 =	sld [smem:$0x3FA7]  }
0x2a: {  	p0 =	seq.s32 s5, $0x0;
	s5 =	sld [smem:$0x3FA8]  }
0x2b: {  	s6 =	sld [smem:$0x3FA9]  }
0x2c: {  	s7 =	sld [smem:$0x3FAA]  }
0x2d: {  	s3 =	simm.s32 $0x108;
	s8 =	sld [smem:$0x3FAB]  }
0x2e: {  	s3 =	simm.s32 @!p0 $0x1082;
	s9 =	sld [smem:$0x3FAC]  }
0x2f: {  	lr =	sadd.s32 s0, s3;
	s0 =	sld [smem:$0x3FA3]  }
0x30: {  	s3 =	sld [smem:$0x3FA6]  }
0x31: {  	[smem:$0x3FAF] =	sst s10  }
0x32: {  	s10 =	sld [smem:$0x3FAD];
	_ =	sdelay $0x3  }
0x33: {  	p0 =	seq.s32 s10, $0x1;
	s10 =	sld [smem:$0x3FAF];
	_ =	sdelay $0x3  }
0x34: {  	[smem:$0x3FAF] =	sst s10  }
0x35: {  	s10 =	sld [smem:$0x3FAE];
	_ =	sdelay $0x3  }
0x36: {  	p1 =	seq.s32 s10, $0x1;
	s10 =	sld [smem:$0x3FAF];
	_ =	sdelay $0x3  }
0x37: {  	[smem:$0x3FAF] =	sst s10  }
0x38: {  	s10 =	sld [smem:$0x3FB0]  }
0x39: {  	_ = 	snop;
	(pc) =	sbr.ind lr, $3  }
0x3a: {  	_ = 	snop  }
0x3b: {  	_ = 	snop  }
0x3c: {  	p2 =	seq.s32 s10, $0x1;
	s10 =	sld [smem:$0x3FAF]  }
0x3d: {  	_ =	shalt  }
0x3e: {  	_ =	shalt  }
0x3f: {  	_ =	shalt  }
0x40: {  	_ =	shalt  }
0x41: {  	_ =	shalt  }
0x42: {  	_ =	shalt  }
0x43: {  	_ =	shalt  }
0x44: {  	_ =	shalt  }
0x45: {  	_ =	shalt  }
0x46: {  	_ =	shalt  }
0x47: {  	_ =	shalt  }
0x48: {  	_ =	shalt  }
0x49: {  	_ =	shalt  }
0x4a: {  	_ =	shalt  }
0x4b: {  	_ =	shalt  }
0x4c: {  	_ =	shalt  }
0x4d: {  	_ =	shalt  }
0x4e: {  	_ =	shalt  }
0x4f: {  	_ =	shalt  }
0x50: {  	_ =	shalt  }
0x51: {  	_ =	shalt  }
0x52: {  	_ =	shalt  }
0x53: {  	_ =	shalt  }
0x54: {  	_ =	shalt  }
0x55: {  	_ =	shalt  }
0x56: {  	_ =	shalt  }
0x57: {  	_ =	shalt  }
0x58: {  	_ =	shalt  }
0x59: {  	_ =	shalt  }
0x5a: {  	_ =	shalt  }
0x5b: {  	_ =	shalt  }
0x5c: {  	_ =	shalt  }
0x5d: {  	_ =	shalt  }
0x5e: {  	_ =	shalt  }
0x5f: {  	_ =	shalt  }
0x60: {  	_ =	shalt  }
0x61: {  	_ =	shalt  }
0x62: {  	_ =	shalt  }
0x63: {  	_ =	shalt  }
0x64: {  	_ =	shalt  }
0x65: {  	_ =	shalt  }
0x66: {  	_ =	shalt  }
0x67: {  	_ =	shalt  }
0x68: {  	_ =	shalt  }
0x69: {  	_ =	shalt  }
0x6a: {  	_ =	shalt  }
0x6b: {  	_ =	shalt  }
0x6c: {  	_ =	shalt  }
0x6d: {  	_ =	shalt  }
0x6e: {  	_ =	shalt  }
0x6f: {  	_ =	shalt  }
0x70: {  	_ =	shalt  }
0x71: {  	_ =	shalt  }
0x72: {  	_ =	shalt  }
0x73: {  	_ =	shalt  }
0x74: {  	_ =	shalt  }
0x75: {  	_ =	shalt  }
0x76: {  	_ =	shalt  }
0x77: {  	_ =	shalt  }
0x78: {  	_ =	shalt  }
0x79: {  	_ =	shalt  }
0x7a: {  	_ =	shalt  }
0x7b: {  	_ =	shalt  }
0x7c: {  	_ =	shalt  }
0x7d: {  	_ =	shalt  }
0x7e: {  	_ =	shalt  }
0x7f: {  	_ =	shalt  }
0x80: {  	_ =	shalt  }
0x81: {  	_ =	shalt  }
0x82: {  	_ =	shalt  }
0x83: {  	_ =	shalt  }
0x84: {  	_ =	shalt  }
0x85: {  	_ =	shalt  }
0x86: {  	_ =	shalt  }
0x87: {  	_ =	shalt  }
.Lfunc_end0:
.L_simem_size_0:
called_computation.2_lowered:
.L_overlay_start_0:
0x88: {  	s2 =	sld [smem:$0x3FD9]  }
0x89: {  	s3 =	sld [smem:$0x3FFE];
	_ =	sdelay $0x1  }
0x8a: {  	s1 =	srdreg.scid  }
0x8b: {  	s0 =	sand.u32 $0x1, s1  }
0x8c: {  	s17 =	sshll.u32 s0, $0xA;
	s2 =	sadd.s32 s3, s2  }
0x8d: {  	s2 =	sadd.s32 s2, s17  }
0x8e: {  	[smem:$0x3FBB] =	sst s2  }
0x8f: {  	_ = 	snop  }
0x90: {  	s2 =	sld [smem:$0x3FD0];
	(tm) =	ssettm $0x1  }
0x91: {  	s18 =	sld [smem:$0x3FFB];
	_ =	sdelay $0x3  }
0x92: {  	_ =	strace s18  }
0x93: {  	s3 =	sld [smem:$0x3FFC];
	_ =	sdelay $0x3  }
0x94: {  	_ =	strace s3  }
0x95: {  	s3 =	sld [smem:$0x3FFD];
	_ =	sdelay $0x3  }
0x96: {  	_ =	strace s3  }
0x97: {  	_ =	strace $0x8FFFFFFF  }
0x98: {  	s19 =	sld [smem:$0x3FDB];
	_ =	sdelay $0x1  }
0x99: {  	s4 =	simm.s32 $_scs_section_size  }
0x9a: {  	s5 =	simm.s32 $_size__tile_overlayer_lowered;
	s6 =	simm.s32 $_tile_overlayer_lowered  }
0x9b: {  	s22 =	simm.s32 $0x1BFF;
	s21 =	sshll.u32 s6, $0x1;
	s3 =	sadd.s32 s4, s19  }
0x9c: {  	s7 =	simm.s32 $0x0;
	s20 =	sshll.u32 s5, $0x1;
	s5 =	sadd.s32 s21, s3  }
0x9d: {  	[timem:s7], [sflag:s22] =	dma.local [hbm:s5], s20  }
0x9e: {  	_ =	swait.ge [sflag:s22], s20  }
0x9f: {  	s4 =	ssub.s32 $0x0, s20;
	[sflag:s22] =	ssyncset.done $0x0  }
0xa0: {  	[sflag:s22] =	ssyncadd.s32 s4;
	_ =	sdelay $0x1  }
0xa1: {  	s23 =	simm.s32 $0x1B8B  }
0xa2: {  	_ =	swait.ge [sflag:s23], $0x1  }
0xa3: {  	[sflag:s23] =	ssyncset.done $0x0  }
0xa4: {  	s25 =	simm.s32 $0x1B8E;
	s24 =	sld [smem:$0x3FFE];
	[sflag:s23] =	ssyncadd.s32 $0xFFFFFFFF  }
0xa5: {  	s26 =	simm.s32 $execute0_lowered;
	[smem:$0x3FD2] =	sst s25  }
0xa6: {  	s5 =	sshll.u32 s26, $0x1;
	_ =	strace $0x8000004C;
	[dreg:$0x1] =	wrdreg $0xFFFFFFFF  }
0xa7: {  	s28 =	simm.s32 $_size_execute0_lowered;
	s3 =	sadd.s32 s3, s5;
	[dreg:$0x0] =	wrdreg $0x0  }
0xa8: {  	s5 =	sshll.u32 s28, $0x1;
	[dreg:$0x2] =	wrdreg s3  }
0xa9: {  	[dreg:$0x3] =	wrdreg s5  }
0xaa: {  	[dreg:$0x4] =	wrdreg $0xC0  }
0xab: {  	_ =	task [dreg:s7], $0x5FFFF  }
0xac: {  	[dreg:$0x1] =	wrdreg $0xFFFFFFFF  }
0xad: {  	[dreg:$0x0] =	wrdreg $0x60  }
0xae: {  	[dreg:$0x2] =	wrdreg s24  }
0xaf: {  	[dreg:$0x3] =	wrdreg s2  }
0xb0: {  	[dreg:$0x4] =	wrdreg $0x0  }
0xb1: {  	[dreg:$0x5] =	wrdreg $0x9  }
0xb2: {  	_ =	task.clear_ibuf [dreg:s7], $0x6FFFF;
	_ =	strace $0x9000004C  }
0xb3: {  	s29 =	simm.s32 $0x9;
	_ =	strace $0x8000004E  }
0xb4: {  	_ =	swait.ge [sflag:s29], $0x1  }
0xb5: {  	[sflag:s29] =	ssyncadd.s32 $0xFFFFFFFF  }
0xb6: {  	_ =	strace $0x9000004E  }
0xb7: {  	_ =	sfence  }
0xb8: {  	s30 =	sld [smem:$0x0];
	_ =	sdelay $0x2  }
0xb9: {  	s31 =	sshll.u32 s1, $0xD;
	s1 =	sshrl.u32 s1, $0x2  }
0xba: {  	s3 =	sand.u32 $0x4000, s31;
	s1 =	sadd.s32 s1, s30  }
0xbb: {  	s0 =	sor.u32 s3, s0;
	s1 =	sshll.u32 s1, $0x11  }
0xbc: {  	s0 =	sor.u32 s1, s0  }
0xbd: {  	s0 =	sadd.s32 $0x8F2B, s0  }
0xbe: {  	[sflag:s0] =	ssyncadd.remote.s32 $0x1  }
0xbf: {  	_ =	sfence.sel $0xFFFF  }
0xc0: {  	[dreg:$0x0] =	wrdreg $0xFFFFFFFF;
	(pc) =	sbr.abs _section_cstart, $3  }
0xc1: {  	[dreg:$0x1] =	wrdreg $0xFFFFFFFF  }
0xc2: {  	_ =	task.clear_ibuf [dreg:s7], $0x2FFFF;
	_ =	strace $0x9FFFFFFF  }
0xc3: {  	(tm) =	ssettm $0x7FFFFFFF  }
tec
execute0_lowered:
.L_overlay_start_1:
0x0: {  	(tag) =	ssettag $0x1  }
0x1: {  	s0 =	srdreg.scid;
	s4 =	stileid.u32  }
0x2: {  	s0 =	sand.u32 $0x1, s0;
	s5 =	smul.u32 $0x2710, s4  }
0x3: {  	s1 =	rddreg [dreg:$0x0];
	s8 =	smul.u32 $0x4E200, s4;
	s2 =	sshll.u32 s0, $0x4  }
0x4: {  	s6 =	rddreg [dreg:$0x1];
	s9 =	smul.u32 $0x27100, s0;
	s3 =	sor.u32 s4, s2  }
0x5: {  	s2 =	rddreg [dreg:$0x2];
	s8 =	sshrl.u32 s8, $0x2;
	s7 =	smul.u32 $0x4E2, s3  }
0x6: {  	s3 =	simm.s32 $0x0;
	s9 =	sadd.s32 s5, s9;
	s5 =	sadd.s32 s8, s2  }
0x7: {  	[smem:$0x7FF] =	sst s3;
	s8 =	sadd.s32 $0xC80, s5  }
0x8: {  	s13 =	sadd.s32 $0x1900, s5;
	_ =	strace $0x8000004D;
	[dreg:$0x4] =	wrdreg s8  }
0x9: {  	s14 =	sadd.s32 $0x2580, s5;
	[dreg:$0x5] =	wrdreg s13  }
0xa: {  	s12 =	simm.s32 $0x1ADB0;
	s15 =	sadd.s32 $0x3200, s5;
	[dreg:$0x6] =	wrdreg s14  }
0xb: {  	s0 =	ssub.s32 $0x2, s0;
	s16 =	sadd.s32 $0x3E80, s5;
	[dreg:$0x7] =	wrdreg s15  }
0xc: {  	s4 =	sadd.s32 $0x20400, s1;
	s17 =	sadd.s32 $0x4B00, s5;
	[dreg:$0x8] =	wrdreg s16  }
0xd: {  	s11 =	sshrl.u32 s0, $0x1;
	s18 =	sadd.s32 $0x5780, s5;
	[dreg:$0x9] =	wrdreg s17  }
0xe: {  	s0 =	ssub.s32 s0, s11;
	s19 =	sadd.s32 $0x6400, s5;
	[dreg:$0xa] =	wrdreg s18  }
0xf: {  	s11 =	simm.s32 $0x50;
	s20 =	sadd.s32 $0x7080, s5;
	[dreg:$0xb] =	wrdreg s19  }
0x10: {  	s21 =	sadd.s32 $0x7D00, s5;
	s22 =	sadd.s32 $0x8980, s5;
	[dreg:$0xc] =	wrdreg s20  }
0x11: {  	s23 =	sadd.s32 $0x9600, s5;
	s24 =	sadd.s32 $0xA280, s5;
	[dreg:$0xd] =	wrdreg s21  }
0x12: {  	s25 =	sadd.s32 $0xAF00, s5;
	s26 =	sadd.s32 $0xBB80, s5;
	[dreg:$0xe] =	wrdreg s22  }
0x13: {  	s28 =	sadd.s32 $0xD480, s5;
	s29 =	sadd.s32 $0xE100, s5;
	[dreg:$0xf] =	wrdreg s23  }
0x14: {  	s30 =	sadd.s32 $0xED80, s5;
	s31 =	sadd.s32 $0xFA00, s5;
	[dreg:$0x10] =	wrdreg s24  }
0x15: {  	s10 =	sadd.s32 s7, s1;
	s1 =	sadd.s32 s9, s1;
	[dreg:$0x11] =	wrdreg s25  }
0x16: {  	[dreg:$0x12] =	wrdreg s26;
	s21 =	sadd.s32 s6, s7;
	s25 =	smax.u32 s0, $0x1  }
0x17: {  	s26 =	sadd.s32 $0xC800, s5;
	s0 =	sadd.s32 $0x11300, s5;
	s6 =	sadd.s32 $0x11F80, s5  }
0x18: {  	s7 =	sadd.s32 $0x12C00, s5;
	s8 =	simm.s32 $0x1D5B0;
	s9 =	simm.s32 $0x2  }
0x19: {  	s13 =	simm.s32 $0x1;
	s22 =	sadd.s32 $0x16600, s10;
	s23 =	sadd.s32 $0xC800, s10  }
0x1a: {  	v0 =	vimm.f32 $0.0e+00;
	s24 =	sadd.s32 $0x158C00, s1;
	s1 =	sadd.s32 $0x10680, s5;
	s10 =	simm.s32 $0x15F90  }
.LBB2_1:
0x1b: {  	s14 =	simm.s32 $0x0;
	s15 =	simm.s32 $0x200  }
.LBB2_2:
0x1c: {  	p0 =	sne.s32 s15, $0x3000;
	[tilespmem:s14+$0x1D620] =	vst v0  }
0x1d: {  	[tilespmem:s14+$0x1D5B0] =	vst v0  }
0x1e: {  	[tilespmem:s14+$0x1D5C0] =	vst v0  }
.Ltmp0:
0x1f: {  	[tilespmem:s14+$0x1D5D0] =	vst v0;
	(pc) =	sbr.rel @p0 .LBB2_2-.Ltmp0, $4  }
0x20: {  	[tilespmem:s14+$0x1D5E0] =	vst v0  }
0x21: {  	[tilespmem:s14+$0x1D5F0] =	vst v0  }
0x22: {  	[tilespmem:s14+$0x1D600] =	vst v0  }
0x23: {  	[tilespmem:s14+$0x1D610] =	vst v0;
	s14 =	sshra.s32 s15, $0x2;
	s15 =	sadd.s32 $0x200, s15  }
0x24: {  	[tilespmem:s14+$0x1D620] =	vst v0  }
0x25: {  	[tilespmem:s14+$0x1D5B0] =	vst v0  }
0x26: {  	[tilespmem:s14+$0x1D5C0] =	vst v0  }
0x27: {  	[tilespmem:s14+$0x1D5D0] =	vst v0  }
0x28: {  	[tilespmem:s14+$0x1D5E0] =	vst v0  }
0x29: {  	[tilespmem:s14+$0x1D5F0] =	vst v0  }
0x2a: {  	[tilespmem:s14+$0x1D600] =	vst v0  }
0x2b: {  	[tilespmem:s14+$0x1D610] =	vst v0  }
0x2c: {  	[spmem:s5] =	stream.linear.scatter [tilespmem:s8], [sflag:$0x2], $0xC80, $0x38;
	[tilespmem:$0x1E230] =	vst v63  }
0x2d: {  	_ =	swait.ge [sflag:s9], $0xC80  }
0x2e: {  	[sflag:s9] =	ssyncset.done $0x0  }
0x2f: {  	s17 =	rddreg [dreg:$0x4];
	[sflag:s9] =	ssyncadd.s32 $0xFFFFF380  }
0x30: {  	[spmem:s17] =	stream.linear.scatter [tilespmem:s8], [sflag:$0x2], $0xC80, $0x38;
	[tilespmem:$0x1E230] =	vst v63  }
0x31: {  	_ =	swait.ge [sflag:s9], $0xC80  }
0x32: {  	[sflag:s9] =	ssyncset.done $0x0  }
0x33: {  	s18 =	rddreg [dreg:$0x5];
	[sflag:s9] =	ssyncadd.s32 $0xFFFFF380  }
0x34: {  	[spmem:s18] =	stream.linear.scatter [tilespmem:s8], [sflag:$0x2], $0xC80, $0x38;
	[tilespmem:$0x1E230] =	vst v63  }
0x35: {  	_ =	swait.ge [sflag:s9], $0xC80  }
0x36: {  	[sflag:s9] =	ssyncset.done $0x0  }
0x37: {  	s19 =	rddreg [dreg:$0x6];
	[sflag:s9] =	ssyncadd.s32 $0xFFFFF380  }
0x38: {  	[spmem:s19] =	stream.linear.scatter [tilespmem:s8], [sflag:$0x2], $0xC80, $0x38;
	[tilespmem:$0x1E230] =	vst v63  }
0x39: {  	_ =	swait.ge [sflag:s9], $0xC80  }
0x3a: {  	[sflag:s9] =	ssyncset.done $0x0  }
0x3b: {  	s20 =	rddreg [dreg:$0x7];
	[sflag:s9] =	ssyncadd.s32 $0xFFFFF380  }
0x3c: {  	[spmem:s20] =	stream.linear.scatter [tilespmem:s8], [sflag:$0x2], $0xC80, $0x38;
	[tilespmem:$0x1E230] =	vst v63  }
0x3d: {  	_ =	swait.ge [sflag:s9], $0xC80  }
0x3e: {  	[sflag:s9] =	ssyncset.done $0x0  }
0x3f: {  	s15 =	rddreg [dreg:$0x8];
	[sflag:s9] =	ssyncadd.s32 $0xFFFFF380  }
0x40: {  	[spmem:s15] =	stream.linear.scatter [tilespmem:s8], [sflag:$0x2], $0xC80, $0x38;
	[tilespmem:$0x1E230] =	vst v63  }
0x41: {  	_ =	swait.ge [sflag:s9], $0xC80  }
0x42: {  	[sflag:s9] =	ssyncset.done $0x0  }
0x43: {  	s16 =	rddreg [dreg:$0x9];
	[sflag:s9] =	ssyncadd.s32 $0xFFFFF380  }
0x44: {  	[spmem:s16] =	stream.linear.scatter [tilespmem:s8], [sflag:$0x2], $0xC80, $0x38;
	[tilespmem:$0x1E230] =	vst v63  }
0x45: {  	_ =	swait.ge [sflag:s9], $0xC80  }
0x46: {  	[sflag:s9] =	ssyncset.done $0x0  }
0x47: {  	s17 =	rddreg [dreg:$0xa];
	[sflag:s9] =	ssyncadd.s32 $0xFFFFF380  }
0x48: {  	[spmem:s17] =	stream.linear.scatter [tilespmem:s8], [sflag:$0x2], $0xC80, $0x38;
	[tilespmem:$0x1E230] =	vst v63  }
0x49: {  	_ =	swait.ge [sflag:s9], $0xC80  }
0x4a: {  	[sflag:s9] =	ssyncset.done $0x0  }
0x4b: {  	s18 =	rddreg [dreg:$0xb];
	[sflag:s9] =	ssyncadd.s32 $0xFFFFF380  }
0x4c: {  	[spmem:s18] =	stream.linear.scatter [tilespmem:s8], [sflag:$0x2], $0xC80, $0x38;
	[tilespmem:$0x1E230] =	vst v63  }
0x4d: {  	_ =	swait.ge [sflag:s9], $0xC80  }
0x4e: {  	[sflag:s9] =	ssyncset.done $0x0  }
0x4f: {  	s19 =	rddreg [dreg:$0xc];
	[sflag:s9] =	ssyncadd.s32 $0xFFFFF380  }
0x50: {  	[spmem:s19] =	stream.linear.scatter [tilespmem:s8], [sflag:$0x2], $0xC80, $0x38;
	[tilespmem:$0x1E230] =	vst v63  }
0x51: {  	_ =	swait.ge [sflag:s9], $0xC80  }
0x52: {  	[sflag:s9] =	ssyncset.done $0x0  }
0x53: {  	s20 =	rddreg [dreg:$0xd];
	[sflag:s9] =	ssyncadd.s32 $0xFFFFF380  }
0x54: {  	[spmem:s20] =	stream.linear.scatter [tilespmem:s8], [sflag:$0x2], $0xC80, $0x38;
	[tilespmem:$0x1E230] =	vst v63  }
0x55: {  	_ =	swait.ge [sflag:s9], $0xC80  }
0x56: {  	[sflag:s9] =	ssyncset.done $0x0  }
0x57: {  	s15 =	rddreg [dreg:$0xe];
	[sflag:s9] =	ssyncadd.s32 $0xFFFFF380  }
0x58: {  	[spmem:s15] =	stream.linear.scatter [tilespmem:s8], [sflag:$0x2], $0xC80, $0x38;
	[tilespmem:$0x1E230] =	vst v63  }
0x59: {  	_ =	swait.ge [sflag:s9], $0xC80  }
0x5a: {  	[sflag:s9] =	ssyncset.done $0x0  }
0x5b: {  	s16 =	rddreg [dreg:$0xf];
	[sflag:s9] =	ssyncadd.s32 $0xFFFFF380  }
0x5c: {  	[spmem:s16] =	stream.linear.scatter [tilespmem:s8], [sflag:$0x2], $0xC80, $0x38;
	[tilespmem:$0x1E230] =	vst v63  }
0x5d: {  	_ =	swait.ge [sflag:s9], $0xC80  }
0x5e: {  	[sflag:s9] =	ssyncset.done $0x0  }
0x5f: {  	s17 =	rddreg [dreg:$0x10];
	[sflag:s9] =	ssyncadd.s32 $0xFFFFF380  }
0x60: {  	[spmem:s17] =	stream.linear.scatter [tilespmem:s8], [sflag:$0x2], $0xC80, $0x38;
	[tilespmem:$0x1E230] =	vst v63  }
0x61: {  	_ =	swait.ge [sflag:s9], $0xC80  }
0x62: {  	[sflag:s9] =	ssyncset.done $0x0  }
0x63: {  	s18 =	rddreg [dreg:$0x11];
	[sflag:s9] =	ssyncadd.s32 $0xFFFFF380  }
0x64: {  	[spmem:s18] =	stream.linear.scatter [tilespmem:s8], [sflag:$0x2], $0xC80, $0x38;
	[tilespmem:$0x1E230] =	vst v63  }
0x65: {  	_ =	swait.ge [sflag:s9], $0xC80  }
0x66: {  	[sflag:s9] =	ssyncset.done $0x0  }
0x67: {  	s19 =	rddreg [dreg:$0x12];
	[sflag:s9] =	ssyncadd.s32 $0xFFFFF380  }
0x68: {  	[spmem:s19] =	stream.linear.scatter [tilespmem:s8], [sflag:$0x2], $0xC80, $0x38;
	[tilespmem:$0x1E230] =	vst v63  }
0x69: {  	_ =	swait.ge [sflag:s9], $0xC80  }
0x6a: {  	[sflag:s9] =	ssyncset.done $0x0  }
0x6b: {  	[sflag:s9] =	ssyncadd.s32 $0xFFFFF380  }
0x6c: {  	[spmem:s26] =	stream.linear.scatter [tilespmem:s8], [sflag:$0x2], $0xC80, $0x38;
	[tilespmem:$0x1E230] =	vst v63  }
0x6d: {  	_ =	swait.ge [sflag:s9], $0xC80  }
0x6e: {  	[sflag:s9] =	ssyncset.done $0x0  }
0x6f: {  	[sflag:s9] =	ssyncadd.s32 $0xFFFFF380  }
0x70: {  	[spmem:s28] =	stream.linear.scatter [tilespmem:s8], [sflag:$0x2], $0xC80, $0x38;
	[tilespmem:$0x1E230] =	vst v63  }
0x71: {  	_ =	swait.ge [sflag:s9], $0xC80  }
0x72: {  	[sflag:s9] =	ssyncset.done $0x0  }
0x73: {  	[sflag:s9] =	ssyncadd.s32 $0xFFFFF380  }
0x74: {  	[spmem:s29] =	stream.linear.scatter [tilespmem:s8], [sflag:$0x2], $0xC80, $0x38;
	[tilespmem:$0x1E230] =	vst v63  }
0x75: {  	_ =	swait.ge [sflag:s9], $0xC80  }
0x76: {  	[sflag:s9] =	ssyncset.done $0x0  }
0x77: {  	[sflag:s9] =	ssyncadd.s32 $0xFFFFF380  }
0x78: {  	[spmem:s30] =	stream.linear.scatter [tilespmem:s8], [sflag:$0x2], $0xC80, $0x38;
	[tilespmem:$0x1E230] =	vst v63  }
0x79: {  	_ =	swait.ge [sflag:s9], $0xC80  }
0x7a: {  	[sflag:s9] =	ssyncset.done $0x0  }
0x7b: {  	[sflag:s9] =	ssyncadd.s32 $0xFFFFF380  }
0x7c: {  	[spmem:s31] =	stream.linear.scatter [tilespmem:s8], [sflag:$0x2], $0xC80, $0x38;
	[tilespmem:$0x1E230] =	vst v63  }
0x7d: {  	_ =	swait.ge [sflag:s9], $0xC80  }
0x7e: {  	[sflag:s9] =	ssyncset.done $0x0  }
0x7f: {  	[sflag:s9] =	ssyncadd.s32 $0xFFFFF380  }
0x80: {  	[spmem:s1] =	stream.linear.scatter [tilespmem:s8], [sflag:$0x2], $0xC80, $0x38;
	[tilespmem:$0x1E230] =	vst v63  }
0x81: {  	_ =	swait.ge [sflag:s9], $0xC80  }
0x82: {  	[sflag:s9] =	ssyncset.done $0x0  }
0x83: {  	[sflag:s9] =	ssyncadd.s32 $0xFFFFF380  }
0x84: {  	[spmem:s0] =	stream.linear.scatter [tilespmem:s8], [sflag:$0x2], $0xC80, $0x38;
	[tilespmem:$0x1E230] =	vst v63  }
0x85: {  	_ =	swait.ge [sflag:s9], $0xC80  }
0x86: {  	[sflag:s9] =	ssyncset.done $0x0  }
0x87: {  	[sflag:s9] =	ssyncadd.s32 $0xFFFFF380  }
0x88: {  	[spmem:s6] =	stream.linear.scatter [tilespmem:s8], [sflag:$0x2], $0xC80, $0x38;
	[tilespmem:$0x1E230] =	vst v63  }
0x89: {  	_ =	swait.ge [sflag:s9], $0xC80  }
0x8a: {  	[sflag:s9] =	ssyncset.done $0x0  }
0x8b: {  	[sflag:s9] =	ssyncadd.s32 $0xFFFFF380  }
0x8c: {  	[spmem:s7] =	stream.linear.scatter [tilespmem:s8], [sflag:$0x2], $0xC80, $0x38;
	[tilespmem:$0x1E230] =	vst v63  }
0x8d: {  	_ =	swait.ge [sflag:s9], $0xC80  }
0x8e: {  	[sflag:s9] =	ssyncset.done $0x0  }
0x8f: {  	[sflag:s9] =	ssyncadd.s32 $0xFFFFF380  }
0x90: {  	s14 =	simm.s32 $0x0;
	s15 =	simm.s32 $0x13880;
	[bflag:$0x0] =	sbarrier.arrive $0xFFFF  }
0x91: {  	[tilespmem:s15], [sflag:$0x2] =	stream.linear.gather [hbm4b:s22+s14], $0x2710, $0x38;
	[tilespmem:$0x1E230] =	vst v63  }
0x92: {  	_ =	swait.ge [sflag:s9], $0x2710  }
0x93: {  	[sflag:s9] =	ssyncset.done $0x0  }
0x94: {  	[sflag:s9] =	ssyncadd.s32 $0xFFFFD8F0  }
0x95: {  	[tilespmem:s10], [sflag:$0x2] =	stream.linear.gather [hbm4b:s23+s14], $0x2710, $0x38;
	[tilespmem:$0x1E230] =	vst v63  }
0x96: {  	_ =	swait.ge [sflag:s9], $0x2710  }
0x97: {  	[sflag:s9] =	ssyncset.done $0x0  }
0x98: {  	s20 =	simm.s32 $0x186A0;
	[sflag:s9] =	ssyncadd.s32 $0xFFFFD8F0  }
0x99: {  	[tilespmem:s20], [sflag:$0x2] =	stream.linear.gather [hbm4b:s21+s14], $0x2710, $0x38;
	[tilespmem:$0x1E230] =	vst v63  }
0x9a: {  	_ =	swait.ge [sflag:s9], $0x2710  }
0x9b: {  	[sflag:s9] =	ssyncset.done $0x0  }
0x9c: {  	s15 =	simm.s32 $0x0;
	[sflag:s9] =	ssyncadd.s32 $0xFFFFD8F0  }
.LBB2_4:
0x9d: {  	v1 =	vmov s15  }
0x9e: {  	s16 =	smul.u32 $0x50, s15;
	v1 =	vmul.u32 $0x50, v1;
	_ =	sdelay $0x1  }
0x9f: {  	v2 =	vmov s14;
	s17 =	sadd.s32 $0x13880, s16;
	v1 =	vbroadcast v1, $0x0  }
0xa0: {  	v3 =	vand.u32 $0x78, v2;
	[tilespmem:s12], [sflag:$0x1] =	stream.indirect.gather [hbm4b:s4+s11], $0x80, s17, s11, $0xb8;
	[tilespmem:$0x1E230] =	vst v63  }
0xa1: {  	v2 =	vand.u32 $0x7, v2;
	_ =	swait.ge [sflag:s13], $0x2800;
	v3 =	vadd.s32 v1, v3  }
0xa2: {  	[sflag:s13] =	ssyncset.done $0x0;
	v2 =	vor.u32 v2, v3  }
0xa3: {  	s17 =	simm.s32 $0x1ADF0;
	[sflag:s13] =	ssyncadd.s32 $0xFFFFD800  }
0xa4: {  	v6 =	vld [tilespmem:s17+$0x30]  }
0xa5: {  	v9 =	vld [tilespmem:s17+$0x10]  }
0xa6: {  	v7 =	vld [tilespmem:s17+$0xFFFFFFC0]  }
0xa7: {  	v2 =	vld.idx.msk [tilespmem:v2+s10+$0x0], $0xffff  }
0xa8: {  	v11 =	vld [tilespmem:s17+$0xFFFFFFE0]  }
0xa9: {  	v3 =	vld [tilespmem:s17+$0xFFFFFFF0]  }
0xaa: {  	v4 =	vld [tilespmem:s17+$0x20]  }
0xab: {  	v5 =	vld [tilespmem:s17+$0xFFFFFFD0]  }
0xac: {  	v10 =	vmul.f32 v6, v2;
	v6 =	vld [tilespmem:s17+$0x0]  }
0xad: {  	v8 =	vmul.f32 v7, v2  }
0xae: {  	s20 =	simm.s32 $0x1;
	s19 =	simm.s32 $0x2;
	s18 =	simm.s32 $0x1ADF0;
	v7 =	vmul.f32 v11, v2;
	v9 =	vmul.f32 v9, v2  }
.LBB2_5:
0xaf: {  	p0 =	sne.s32 s19, $0x4F  }
0xb0: {  	v11 =	vmov s20;
	v5 =	vmul.f32 v5, v2;
	v4 =	vmul.f32 v4, v2;
	[tilespmem:s17+$0x30] =	vst v10;
	s18 =	sadd.s32 $0x80, s18;
	s20 =	smov.u32 s19;
	s19 =	sadd.s32 $0x1, s19  }
0xb1: {  	v10 =	vand.u32 $0x78, v11;
	[tilespmem:s17+$0xFFFFFFC0] =	vst v8;
	v8 =	vmul.f32 v3, v2;
	v2 =	vmul.f32 v6, v2  }
0xb2: {  	v3 =	vand.u32 $0x7, v11;
	v6 =	vadd.s32 v1, v10;
	[tilespmem:s17+$0x10] =	vst v9  }
0xb3: {  	v6 =	vor.u32 v3, v6;
	[tilespmem:s17+$0xFFFFFFE0] =	vst v7  }
0xb4: {  	v3 =	vld [tilespmem:s18+$0xFFFFFFF0];
	[tilespmem:s17+$0xFFFFFFF0] =	vst v8  }
0xb5: {  	v7 =	vld [tilespmem:s18+$0x30];
	[tilespmem:s17+$0x0] =	vst v2  }
0xb6: {  	v9 =	vld [tilespmem:s18+$0x10];
	[tilespmem:s17+$0x20] =	vst v4  }
0xb7: {  	v8 =	vld [tilespmem:s18+$0xFFFFFFC0];
	[tilespmem:s17+$0xFFFFFFD0] =	vst v5;
	s17 =	smov.u32 s18  }
0xb8: {  	v2 =	vld.idx.msk [tilespmem:v6+s10+$0x0], $0xffff  }
0xb9: {  	v11 =	vld [tilespmem:s18+$0xFFFFFFE0]  }
0xba: {  	v4 =	vld [tilespmem:s18+$0x20]  }
.Ltmp1:
0xbb: {  	v5 =	vld [tilespmem:s18+$0xFFFFFFD0];
	(pc) =	sbr.rel @p0 .LBB2_5-.Ltmp1, $3  }
0xbc: {  	v6 =	vld [tilespmem:s18+$0x0];
	_ =	sdelay $0x1  }
0xbd: {  	v8 =	vmul.f32 v8, v2;
	v10 =	vmul.f32 v7, v2  }
0xbe: {  	v9 =	vmul.f32 v9, v2;
	v7 =	vmul.f32 v11, v2  }
0xbf: {  	[tilespmem:s17+$0x30] =	vst v10;
	v55 =	vmov s20  }
0xc0: {  	[tilespmem:s17+$0xFFFFFFC0] =	vst v8;
	v56 =	vand.u32 $0x78, v55  }
0xc1: {  	v3 =	vmul.f32 v3, v2;
	[tilespmem:s17+$0x10] =	vst v9;
	v57 =	vand.u32 $0x7, v55;
	v1 =	vadd.s32 v1, v56  }
0xc2: {  	s18 =	sadd.s32 $0x80, s18;
	[tilespmem:s17+$0xFFFFFFE0] =	vst v7;
	v6 =	vmul.f32 v6, v2;
	v1 =	vor.u32 v57, v1  }
0xc3: {  	v4 =	vmul.f32 v4, v2;
	v2 =	vmul.f32 v5, v2;
	v58 =	vld [tilespmem:s18+$0xFFFFFFF0];
	[tilespmem:s17+$0xFFFFFFF0] =	vst v3  }
0xc4: {  	v3 =	vld [tilespmem:s18+$0x30];
	[tilespmem:s17+$0x0] =	vst v6  }
0xc5: {  	v60 =	vld [tilespmem:s18+$0xFFFFFFC0];
	[tilespmem:s17+$0xFFFFFFD0] =	vst v2  }
0xc6: {  	v59 =	vld [tilespmem:s18+$0x10];
	[tilespmem:s17+$0x20] =	vst v4  }
0xc7: {  	v1 =	vld.idx.msk [tilespmem:v1+s10+$0x0], $0xffff;
	_ =	sdelay $0x2  }
0xc8: {  	v2 =	vld [tilespmem:s18+$0xFFFFFFE0]  }
0xc9: {  	v6 =	vld [tilespmem:s18+$0x0]  }
0xca: {  	v3 =	vmul.f32 v3, v1  }
0xcb: {  	v61 =	vld [tilespmem:s18+$0x20];
	v4 =	vmul.f32 v60, v1  }
0xcc: {  	v62 =	vld [tilespmem:s18+$0xFFFFFFD0];
	v5 =	vmul.f32 v59, v1;
	[tilespmem:s18+$0x30] =	vst v3  }
0xcd: {  	v2 =	vmul.f32 v2, v1;
	[tilespmem:s18+$0xFFFFFFC0] =	vst v4  }
0xce: {  	v63 =	vmul.f32 v6, v1;
	[tilespmem:s18+$0x10] =	vst v5  }
0xcf: {  	v3 =	vmul.f32 v58, v1;
	[tilespmem:s18+$0xFFFFFFE0] =	vst v2  }
0xd0: {  	v2 =	vmul.f32 v61, v1;
	[tilespmem:s18+$0x0] =	vst v63  }
0xd1: {  	s15 =	sadd.s32 $0x1, s15;
	v1 =	vmul.f32 v62, v1;
	[tilespmem:s18+$0xFFFFFFF0] =	vst v3  }
0xd2: {  	p0 =	sne.s32 s15, $0x7D;
	[tilespmem:s18+$0x20] =	vst v2  }
.Ltmp2:
0xd3: {  	s16 =	sadd.s32 $0x186A0, s16;
	[tilespmem:s18+$0xFFFFFFD0] =	vst v1;
	(pc) =	sbr.rel @p0 .LBB2_4-.Ltmp2, $4  }
0xd4: {  	[spmem:s2] =	stream.indirect.scatter.add.f32 [tilespmem:s12], [sflag:$0x2], $0x80, s16, s11, $0xb8;
	[tilespmem:$0x1E230] =	vst v63  }
0xd5: {  	_ =	swait.ge [sflag:s9], $0x2800  }
0xd6: {  	[sflag:s9] =	ssyncset.done $0x0  }
0xd7: {  	[sflag:s9] =	ssyncadd.s32 $0xFFFFD800  }
0xd8: {  	s14 =	stileid.u32;
	s3 =	sadd.s32 $0x1, s3  }
0xd9: {  	[bflag:$0x0] =	sbarrier.arrive $0xFFFF;
	s14 =	sshll.u32 s14, $0x6;
	p0 =	sne.s32 s3, s25  }
.Ltmp3:
0xda: {  	s15 =	sshrl.u32 s5, $0x3;
	s14 =	sor.u32 $0x1C02, s14;
	(pc) =	sbr.rel @p0 .LBB2_1-.Ltmp3, $4  }
0xdb: {  	[hbm:s24], [sflag:s14] =	dma.local [spmem:s15], $0x2710  }
0xdc: {  	_ =	swait.ge [sflag:s9], $0x2710  }
0xdd: {  	[sflag:s9] =	ssyncset.done $0x0  }
0xde: {  	[sflag:s9] =	ssyncadd.s32 $0xFFFFD8F0  }
0xdf: {  	_ =	sfence.sel $0x180000  }
0xe0: {  	[bflag:$0x0] =	sbarrier.arrive $0xFFFF  }
0xe1: {  	_ =	strace $0x9000004D  }
0xe2: {  	s0 =	stileid.u32;
	[bflag:$0x2] =	sbarrier.arrive $0xFFFF  }
0xe3: {  	p0 =	sne.s32 s0, $0x0;
	s0 =	rddreg [dreg:$0x3]  }
0xe4: {  	s0 =	sadd.s32 @!p0 $0x100000, s0  }
0xe5: {  	[sflag:s0] =	ssyncadd.tile.s32 @!p0 $0x1;
	_ =	shalt  }
.Lfunc_end2:
_tile_overlayer_lowered:
.L_overlay_start_2:
0xe6: {  	(tag) =	ssettag $0x2  }
0xe7: {  	s0 =	rddreg [dreg:$0x0];
	s2 =	stileid.u32  }
0xe8: {  	s1 =	rddreg [dreg:$0x1];
	p0 =	sne.s32 s2, $0x0  }
0xe9: {  	s3 =	rddreg [dreg:$0x2];
	[bflag:$0x3] =	sbarrier.arrive $0xFFFF;
	s2 =	simm.s32 @!p0 $0x1C02  }
0xea: {  	[timem:s3], [sflag:s2] =	dma.local @!p0 [hbm:s0], s1  }
0xeb: {  	s0 =	simm.s32 @!p0 $0x2  }
0xec: {  	_ =	swait.ge @!p0 [sflag:s0], s1  }
0xed: {  	s1 =	ssub.s32 @!p0 $0x0, s1;
	[sflag:s0] =	ssyncset.done @!p0 $0x0  }
0xee: {  	[sflag:s0] =	ssyncadd.s32 @!p0 s1  }
0xef: {  	[bflag:$0x3] =	sbarrier.arrive $0xFFFF  }
0xf0: {  	_ =	shalt  }

</sc_bundles>
